<compile_context>
chip_gen: v7x
topology: tpu7x:2x2x1
jax: 0.10.2.dev20260603
libtpu: 0.0.44.dev20260713+nightly
codegen_flags: <defaults>
</compile_context>

<pallas_src>
import functools

import jax
import jax.numpy as jnp
from jax import lax
from jax.experimental import pallas as pl
from jax.experimental.pallas import tpu as pltpu
from jax.experimental.pallas import tpu_sc as plsc

B = 16384
L = 20
EMB = 32
B_TOT = B * L
OUT_R = B_TOT // 4

_info = plsc.get_sparse_core_info()
_NC = _info.num_cores
_NS = _info.num_subcores
NW = _NC * _NS
B_PER_W = B_TOT // NW
XROWS_W = B_PER_W // L
CH = 320
XR = CH // L
QD = CH // 4
N_CH = B_PER_W // CH
N_BUF = 2

_mesh = plsc.VectorSubcoreMesh(core_axis_name="c", subcore_axis_name="s")


@functools.partial(
    pl.kernel,
    mesh=_mesh,
    out_type=jax.ShapeDtypeStruct((OUT_R, 128), jnp.float32),
    scratch_types=[
        pltpu.VMEM((N_BUF, XR, L), jnp.int32),
        pltpu.VMEM((N_BUF, CH, EMB), jnp.float32),
        pltpu.VMEM((N_BUF, QD, 128), jnp.float32),
        pltpu.SemaphoreType.DMA((N_BUF,)),
        pltpu.SemaphoreType.DMA((N_BUF,)),
    ],
    compiler_params=pltpu.CompilerParams(use_tc_tiling_on_sc=True),
)
def _gather_kernel(x_hbm, table_hbm, out_hbm, xv, rowbuf, outbuf, gsem, osem):
    wid = lax.axis_index("s") * _NC + lax.axis_index("c")
    xrow0 = pl.multiple_of(wid * XROWS_W, XR)
    qrow0 = pl.multiple_of(wid * (B_PER_W // 4), QD)

    def out_slice(g):
        return out_hbm.at[pl.ds(qrow0 + g * QD, QD)]

    def issue_rows(g, b):
        pltpu.sync_copy(x_hbm.at[pl.ds(xrow0 + g * XR, XR)], xv.at[b])

        def row_body(xr, carry):
            va = xv[b, xr, pl.ds(0, 16)]
            vb = xv[b, xr, pl.ds(L - 16, 16)]
            for c in range(L):
                idx_s = va[c] if c < 16 else vb[c - (L - 16)]
                pltpu.async_copy(
                    table_hbm.at[pl.ds(idx_s, 1)],
                    rowbuf.at[b, pl.ds(xr * L + c, 1)],
                    gsem.at[b])
            return carry

        lax.fori_loop(0, XR, row_body, 0)

    def drain_rows(b):
        pltpu.make_async_copy(
            table_hbm.at[pl.ds(0, CH)], rowbuf.at[b], gsem.at[b]).wait()

    def repack(b):
        def quad_body(q, carry):
            for k in range(4):
                r = q * 4 + k
                lo = rowbuf[b, r, pl.ds(0, 16)]
                hi = rowbuf[b, r, pl.ds(16, 16)]
                outbuf.at[b][q, pl.ds(k * EMB, 16)] = lo
                outbuf.at[b][q, pl.ds(k * EMB + 16, 16)] = hi
            return carry

        lax.fori_loop(0, QD, quad_body, 0)

    for b in range(N_BUF):
        issue_rows(b, b)

    def pair_step(gp, carry):
        for b in range(N_BUF):
            g = gp * N_BUF + b
            drain_rows(b)

            @pl.when(g >= N_BUF)
            def _wait_prev_store():
                pltpu.make_async_copy(
                    outbuf.at[b], out_slice(g - N_BUF), osem.at[b]).wait()

            repack(b)
            pltpu.async_copy(outbuf.at[b], out_slice(g), osem.at[b])

            @pl.when(g + N_BUF < N_CH)
            def _issue_next():
                issue_rows(g + N_BUF, b)
        return carry

    lax.fori_loop(0, N_CH // N_BUF, pair_step, 0)

    for b in range(N_BUF):
        pltpu.make_async_copy(
            outbuf.at[b], out_slice(N_CH - N_BUF + b), osem.at[b]).wait()


def kernel(x, table):
    out = _gather_kernel(x, table)
    return out.reshape(B, L, EMB)

# --- scband reference (transcript-rebuilt; emitter-appended) ---
"""Pipeline reference for scband-word-embedder-24300924961089 (READ-ONLY COPY).

The authoritative reference and input builder live on the scoring server;
editing this copy changes nothing except your own understanding.
"""

import jax, jax.numpy as jnp
import numpy as np

VOCAB = 1000000
EMB = 32
B = 16384
L = 20


def setup_inputs(seed: int = 0) -> dict:
    key = jax.random.key(seed)
    k1, k2 = jax.random.split(key)
    x = jax.random.randint(k1, (B, L), 0, VOCAB)
    table = jax.random.normal(k2, (VOCAB, EMB), dtype=jnp.float32)
    # padding_idx=0: row 0 is initialized to zeros in nn.Embedding
    table = table.at[0].set(0.0)
    return {"x": x, "table": table}


def reference(x, table):
    # nn.Embedding with padding_idx=0: row 0 contributes zeros
    t = table.at[0].set(0.0)
    return jnp.take(t, x, axis=0)

if __name__ == "__main__":
    import jax
    _d = setup_inputs()
    print(jax.jit(kernel)(*tuple(_d.values())))

</pallas_src>

<mosaic_0001>
#map = affine_map<(d0, d1) -> (0, 0)>
module attributes {stable_mosaic.version = 14 : i64} {
  func.func @_gather_kernel(%arg0: i32, %arg1: i32, %arg2: memref<16384x20xi32, #tpu.memory_space<hbm>>, %arg3: memref<1000000x32xf32, #tpu.memory_space<hbm>>, %arg4: memref<81920x128xf32, #tpu.memory_space<hbm>>, %arg5: memref<2x16x20xi32, #tpu.memory_space<vmem>>, %arg6: memref<2x320x32xf32, #tpu.memory_space<vmem>>, %arg7: memref<2x80x128xf32, #tpu.memory_space<vmem>>, %arg8: memref<2x!tpu.dma_semaphore, #tpu.memory_space<semaphore_mem>>, %arg9: memref<2x!tpu.dma_semaphore, #tpu.memory_space<semaphore_mem>>) attributes {dimension_semantics = [#tpu.dimension_semantics<core_parallel>, #tpu.dimension_semantics<subcore_parallel>], iteration_bounds = array<i64: 2, 16>, scalar_prefetch = 0 : i64, scratch_operands = 5 : i64, tpu.core_type = #tpu.core_type<sc_vector_subcore>, window_params = [{transform_indices = #map}, {transform_indices = #map}, {transform_indices = #map}]} {
    %mul3A = arith.constant 2 : i32
    %mul3A_0 = arith.muli %arg1, %mul3A : i32
    %add3A = arith.addi %mul3A_0, %arg0 : i32
    %mul3A_1 = arith.constant 512 : i32
    %mul3A_2 = arith.muli %add3A, %mul3A_1 : i32
    %multiple_of3A = tpu.assume_multiple %mul3A_2, 16 : i32
    %mul3A_3 = arith.constant 2560 : i32
    %mul3A_4 = arith.muli %add3A, %mul3A_3 : i32
    %multiple_of3A_5 = tpu.assume_multiple %mul3A_4, 80 : i32
    %add3A_6 = arith.constant 0 : i32
    %add3A_7 = arith.addi %multiple_of3A, %add3A_6 : i32
    %run_scoped3A = arith.constant 0 : i32
    "tpu.region"() ({
      %run_scoped3A_63 = tpu.sem_alloc : memref<!tpu.dma_semaphore, #tpu.memory_space<semaphore_mem>>
      %dma_start3A = arith.constant 0 : i32
      %dma_start3A_64 = arith.constant 0 : i32
      %dma_start3A_65 = tpu.memref_slice %arg5[%run_scoped3A, %dma_start3A, %dma_start3A_64] : memref<2x16x20xi32, #tpu.memory_space<vmem>> -> memref<1x16x20xi32, #tpu.memory_space<vmem>>
      %dma_start3A_66 = tpu.memref_squeeze %dma_start3A_65 : memref<1x16x20xi32, #tpu.memory_space<vmem>> -> memref<16x20xi32, #tpu.memory_space<vmem>>
      %dma_start3A_67 = arith.constant 0 : i32
      %dma_start3A_68 = tpu.memref_slice %arg2[%add3A_7, %dma_start3A_67] : memref<16384x20xi32, #tpu.memory_space<hbm>> -> memref<16x20xi32, #tpu.memory_space<hbm>>
      %dma_start3A_69 = arith.constant 0 : i32
      %dma_start3A_70 = arith.constant 0 : i32
      %dma_start3A_71 = tpu.memref_slice %arg5[%run_scoped3A, %dma_start3A_69, %dma_start3A_70] : memref<2x16x20xi32, #tpu.memory_space<vmem>> -> memref<1x16x20xi32, #tpu.memory_space<vmem>>
      %dma_start3A_72 = tpu.memref_squeeze %dma_start3A_71 : memref<1x16x20xi32, #tpu.memory_space<vmem>> -> memref<16x20xi32, #tpu.memory_space<vmem>>
      %dma_start3A_73 = arith.constant 0 : i32
      %dma_start3A_74 = tpu.memref_slice %arg2[%add3A_7, %dma_start3A_73] : memref<16384x20xi32, #tpu.memory_space<hbm>> -> memref<16x20xi32, #tpu.memory_space<hbm>>
      tpu.enqueue_dma source(%dma_start3A_74 : memref<16x20xi32, #tpu.memory_space<hbm>>) target(%dma_start3A_72 : memref<16x20xi32, #tpu.memory_space<vmem>>) target_semaphore(%run_scoped3A_63 : memref<!tpu.dma_semaphore, #tpu.memory_space<semaphore_mem>>)
      %dma_wait3A_75 = arith.constant 0 : i32
      %dma_wait3A_76 = arith.constant 0 : i32
      %dma_wait3A_77 = tpu.memref_slice %arg5[%run_scoped3A, %dma_wait3A_75, %dma_wait3A_76] : memref<2x16x20xi32, #tpu.memory_space<vmem>> -> memref<1x16x20xi32, #tpu.memory_space<vmem>>
      %dma_wait3A_78 = tpu.memref_squeeze %dma_wait3A_77 : memref<1x16x20xi32, #tpu.memory_space<vmem>> -> memref<16x20xi32, #tpu.memory_space<vmem>>
      %dma_wait3A_79 = arith.constant 0 : i32
      %dma_wait3A_80 = tpu.memref_slice %arg2[%add3A_7, %dma_wait3A_79] : memref<16384x20xi32, #tpu.memory_space<hbm>> -> memref<16x20xi32, #tpu.memory_space<hbm>>
      %dma_wait3A_81 = arith.constant 0 : i32
      %dma_wait3A_82 = arith.constant 0 : i32
      %dma_wait3A_83 = tpu.memref_slice %arg5[%run_scoped3A, %dma_wait3A_81, %dma_wait3A_82] : memref<2x16x20xi32, #tpu.memory_space<vmem>> -> memref<1x16x20xi32, #tpu.memory_space<vmem>>
      %dma_wait3A_84 = tpu.memref_squeeze %dma_wait3A_83 : memref<1x16x20xi32, #tpu.memory_space<vmem>> -> memref<16x20xi32, #tpu.memory_space<vmem>>
      %dma_wait3A_85 = arith.constant 0 : i32
      %dma_wait3A_86 = tpu.memref_slice %arg2[%add3A_7, %dma_wait3A_85] : memref<16384x20xi32, #tpu.memory_space<hbm>> -> memref<16x20xi32, #tpu.memory_space<hbm>>
      tpu.wait_dma2 semaphore(%run_scoped3A_63 : memref<!tpu.dma_semaphore, #tpu.memory_space<semaphore_mem>>) src(%dma_wait3A_86 : memref<16x20xi32, #tpu.memory_space<hbm>>) dst(%dma_wait3A_84 : memref<16x20xi32, #tpu.memory_space<vmem>>)
      tpu.yield
    }) : () -> ()
    %scan3A = arith.constant 0 : i32
    %scan3A_8 = arith.constant 0 : i32
    %scan3A_9 = arith.constant 16 : i32
    %scan3A_10 = arith.addi %scan3A_8, %scan3A_9 : i32
    %scan3A_11 = arith.constant 1 : i32
    scf.for %scan3A_63 = %scan3A_8 to %scan3A_10 step %scan3A_11  : i32 {
      %get3A = arith.constant 0 : i32
      %get3A_64 = arith.index_cast %get3A : i32 to index
      %get3A_65 = arith.index_cast %scan3A_63 : i32 to index
      %get3A_66 = arith.constant 0 : index
      %get3A_67 = tpu.vector_load %arg5[%get3A_64, %get3A_65, %get3A_66] {strides = array<i32>} : memref<2x16x20xi32, #tpu.memory_space<vmem>>, vector<1x1x16xi32>,
      %get3A_68 = vector.shape_cast %get3A_67 : vector<1x1x16xi32> to vector<16xi32>
      %get3A_69 = arith.constant 0 : i32
      %get3A_70 = arith.index_cast %get3A_69 : i32 to index
      %get3A_71 = arith.index_cast %scan3A_63 : i32 to index
      %get3A_72 = arith.constant 4 : index
      %get3A_73 = tpu.vector_load %arg5[%get3A_70, %get3A_71, %get3A_72] {strides = array<i32>} : memref<2x16x20xi32, #tpu.memory_space<vmem>>, vector<1x1x16xi32>,
      %get3A_74 = vector.shape_cast %get3A_73 : vector<1x1x16xi32> to vector<16xi32>
      %slice3A = vector.extract_strided_slice %get3A_68 {offsets = [0], sizes = [1], strides = [1]} : vector<16xi32> to vector<1xi32>
      %squeeze3A = vector.extract %slice3A[0] : i32 from vector<1xi32>
      %mul3A_75 = arith.constant 20 : i32
      %mul3A_76 = arith.muli %scan3A_63, %mul3A_75 : i32
      %add3A_77 = arith.constant 0 : i32
      %add3A_78 = arith.addi %mul3A_76, %add3A_77 : i32
      %dma_start3A = arith.constant 0 : i32
      %dma_start3A_79 = arith.constant 0 : i32
      %dma_start3A_80 = arith.constant 0 : i32
      %dma_start3A_81 = tpu.memref_slice %arg6[%dma_start3A, %add3A_78, %dma_start3A_80] : memref<2x320x32xf32, #tpu.memory_space<vmem>> -> memref<1x1x32xf32, #tpu.memory_space<vmem>>
      %dma_start3A_82 = tpu.memref_squeeze %dma_start3A_81 : memref<1x1x32xf32, #tpu.memory_space<vmem>> -> memref<1x32xf32, #tpu.memory_space<vmem>>
      %dma_start3A_83 = arith.constant 0 : i32
      %dma_start3A_84 = tpu.memref_slice %arg3[%squeeze3A, %dma_start3A_83] : memref<1000000x32xf32, #tpu.memory_space<hbm>> -> memref<1x32xf32, #tpu.memory_space<hbm>>
      %dma_start3A_85 = tpu.memref_slice %arg8[%dma_start3A_79] : memref<2x!tpu.dma_semaphore, #tpu.memory_space<semaphore_mem>> -> memref<1x!tpu.dma_semaphore, #tpu.memory_space<semaphore_mem>>
      %dma_start3A_86 = tpu.memref_squeeze %dma_start3A_85 : memref<1x!tpu.dma_semaphore, #tpu.memory_space<semaphore_mem>> -> memref<!tpu.dma_semaphore, #tpu.memory_space<semaphore_mem>>
      %dma_start3A_87 = arith.constant 0 : i32
      %dma_start3A_88 = tpu.memref_slice %arg6[%dma_start3A, %add3A_78, %dma_start3A_87] : memref<2x320x32xf32, #tpu.memory_space<vmem>> -> memref<1x1x32xf32, #tpu.memory_space<vmem>>
      %dma_start3A_89 = tpu.memref_squeeze %dma_start3A_88 : memref<1x1x32xf32, #tpu.memory_space<vmem>> -> memref<1x32xf32, #tpu.memory_space<vmem>>
      %dma_start3A_90 = arith.constant 0 : i32
      %dma_start3A_91 = tpu.memref_slice %arg3[%squeeze3A, %dma_start3A_90] : memref<1000000x32xf32, #tpu.memory_space<hbm>> -> memref<1x32xf32, #tpu.memory_space<hbm>>
      tpu.enqueue_dma source(%dma_start3A_91 : memref<1x32xf32, #tpu.memory_space<hbm>>) target(%dma_start3A_89 : memref<1x32xf32, #tpu.memory_space<vmem>>) target_semaphore(%dma_start3A_86 : memref<!tpu.dma_semaphore, #tpu.memory_space<semaphore_mem>>)
      %slice3A_92 = vector.extract_strided_slice %get3A_68 {offsets = [1], sizes = [1], strides = [1]} : vector<16xi32> to vector<1xi32>
      %squeeze3A_93 = vector.extract %slice3A_92[0] : i32 from vector<1xi32>
      %mul3A_94 = arith.constant 20 : i32
      %mul3A_95 = arith.muli %scan3A_63, %mul3A_94 : i32
      %add3A_96 = arith.constant 1 : i32
      %add3A_97 = arith.addi %mul3A_95, %add3A_96 : i32
      %dma_start3A_98 = arith.constant 0 : i32
      %dma_start3A_99 = arith.constant 0 : i32
      %dma_start3A_100 = arith.constant 0 : i32
      %dma_start3A_101 = tpu.memref_slice %arg6[%dma_start3A_98, %add3A_97, %dma_start3A_100] : memref<2x320x32xf32, #tpu.memory_space<vmem>> -> memref<1x1x32xf32, #tpu.memory_space<vmem>>
      %dma_start3A_102 = tpu.memref_squeeze %dma_start3A_101 : memref<1x1x32xf32, #tpu.memory_space<vmem>> -> memref<1x32xf32, #tpu.memory_space<vmem>>
      %dma_start3A_103 = arith.constant 0 : i32
      %dma_start3A_104 = tpu.memref_slice %arg3[%squeeze3A_93, %dma_start3A_103] : memref<1000000x32xf32, #tpu.memory_space<hbm>> -> memref<1x32xf32, #tpu.memory_space<hbm>>
      %dma_start3A_105 = tpu.memref_slice %arg8[%dma_start3A_99] : memref<2x!tpu.dma_semaphore, #tpu.memory_space<semaphore_mem>> -> memref<1x!tpu.dma_semaphore, #tpu.memory_space<semaphore_mem>>
      %dma_start3A_106 = tpu.memref_squeeze %dma_start3A_105 : memref<1x!tpu.dma_semaphore, #tpu.memory_space<semaphore_mem>> -> memref<!tpu.dma_semaphore, #tpu.memory_space<semaphore_mem>>
      %dma_start3A_107 = arith.constant 0 : i32
      %dma_start3A_108 = tpu.memref_slice %arg6[%dma_start3A_98, %add3A_97, %dma_start3A_107] : memref<2x320x32xf32, #tpu.memory_space<vmem>> -> memref<1x1x32xf32, #tpu.memory_space<vmem>>
      %dma_start3A_109 = tpu.memref_squeeze %dma_start3A_108 : memref<1x1x32xf32, #tpu.memory_space<vmem>> -> memref<1x32xf32, #tpu.memory_space<vmem>>
      %dma_start3A_110 = arith.constant 0 : i32
      %dma_start3A_111 = tpu.memref_slice %arg3[%squeeze3A_93, %dma_start3A_110] : memref<1000000x32xf32, #tpu.memory_space<hbm>> -> memref<1x32xf32, #tpu.memory_space<hbm>>
      tpu.enqueue_dma source(%dma_start3A_111 : memref<1x32xf32, #tpu.memory_space<hbm>>) target(%dma_start3A_109 : memref<1x32xf32, #tpu.memory_space<vmem>>) target_semaphore(%dma_start3A_106 : memref<!tpu.dma_semaphore, #tpu.memory_space<semaphore_mem>>)
      %slice3A_112 = vector.extract_strided_slice %get3A_68 {offsets = [2], sizes = [1], strides = [1]} : vector<16xi32> to vector<1xi32>
      %squeeze3A_113 = vector.extract %slice3A_112[0] : i32 from vector<1xi32>
      %mul3A_114 = arith.constant 20 : i32
      %mul3A_115 = arith.muli %scan3A_63, %mul3A_114 : i32
      %add3A_116 = arith.constant 2 : i32
      %add3A_117 = arith.addi %mul3A_115, %add3A_116 : i32
      %dma_start3A_118 = arith.constant 0 : i32
      %dma_start3A_119 = arith.constant 0 : i32
      %dma_start3A_120 = arith.constant 0 : i32
      %dma_start3A_121 = tpu.memref_slice %arg6[%dma_start3A_118, %add3A_117, %dma_start3A_120] : memref<2x320x32xf32, #tpu.memory_space<vmem>> -> memref<1x1x32xf32, #tpu.memory_space<vmem>>
      %dma_start3A_122 = tpu.memref_squeeze %dma_start3A_121 : memref<1x1x32xf32, #tpu.memory_space<vmem>> -> memref<1x32xf32, #tpu.memory_space<vmem>>
      %dma_start3A_123 = arith.constant 0 : i32
      %dma_start3A_124 = tpu.memref_slice %arg3[%squeeze3A_113, %dma_start3A_123] : memref<1000000x32xf32, #tpu.memory_space<hbm>> -> memref<1x32xf32, #tpu.memory_space<hbm>>
      %dma_start3A_125 = tpu.memref_slice %arg8[%dma_start3A_119] : memref<2x!tpu.dma_semaphore, #tpu.memory_space<semaphore_mem>> -> memref<1x!tpu.dma_semaphore, #tpu.memory_space<semaphore_mem>>
      %dma_start3A_126 = tpu.memref_squeeze %dma_start3A_125 : memref<1x!tpu.dma_semaphore, #tpu.memory_space<semaphore_mem>> -> memref<!tpu.dma_semaphore, #tpu.memory_space<semaphore_mem>>
      %dma_start3A_127 = arith.constant 0 : i32
      %dma_start3A_128 = tpu.memref_slice %arg6[%dma_start3A_118, %add3A_117, %dma_start3A_127] : memref<2x320x32xf32, #tpu.memory_space<vmem>> -> memref<1x1x32xf32, #tpu.memory_space<vmem>>
      %dma_start3A_129 = tpu.memref_squeeze %dma_start3A_128 : memref<1x1x32xf32, #tpu.memory_space<vmem>> -> memref<1x32xf32, #tpu.memory_space<vmem>>
      %dma_start3A_130 = arith.constant 0 : i32
      %dma_start3A_131 = tpu.memref_slice %arg3[%squeeze3A_113, %dma_start3A_130] : memref<1000000x32xf32, #tpu.memory_space<hbm>> -> memref<1x32xf32, #tpu.memory_space<hbm>>
      tpu.enqueue_dma source(%dma_start3A_131 : memref<1x32xf32, #tpu.memory_space<hbm>>) target(%dma_start3A_129 : memref<1x32xf32, #tpu.memory_space<vmem>>) target_semaphore(%dma_start3A_126 : memref<!tpu.dma_semaphore, #tpu.memory_space<semaphore_mem>>)
      %slice3A_132 = vector.extract_strided_slice %get3A_68 {offsets = [3], sizes = [1], strides = [1]} : vector<16xi32> to vector<1xi32>
      %squeeze3A_133 = vector.extract %slice3A_132[0] : i32 from vector<1xi32>
      %mul3A_134 = arith.constant 20 : i32
      %mul3A_135 = arith.muli %scan3A_63, %mul3A_134 : i32
      %add3A_136 = arith.constant 3 : i32
      %add3A_137 = arith.addi %mul3A_135, %add3A_136 : i32
      %dma_start3A_138 = arith.constant 0 : i32
      %dma_start3A_139 = arith.constant 0 : i32
      %dma_start3A_140 = arith.constant 0 : i32
      %dma_start3A_141 = tpu.memref_slice %arg6[%dma_start3A_138, %add3A_137, %dma_start3A_140] : memref<2x320x32xf32, #tpu.memory_space<vmem>> -> memref<1x1x32xf32, #tpu.memory_space<vmem>>
      %dma_start3A_142 = tpu.memref_squeeze %dma_start3A_141 : memref<1x1x32xf32, #tpu.memory_space<vmem>> -> memref<1x32xf32, #tpu.memory_space<vmem>>
      %dma_start3A_143 = arith.constant 0 : i32
      %dma_start3A_144 = tpu.memref_slice %arg3[%squeeze3A_133, %dma_start3A_143] : memref<1000000x32xf32, #tpu.memory_space<hbm>> -> memref<1x32xf32, #tpu.memory_space<hbm>>
      %dma_start3A_145 = tpu.memref_slice %arg8[%dma_start3A_139] : memref<2x!tpu.dma_semaphore, #tpu.memory_space<semaphore_mem>> -> memref<1x!tpu.dma_semaphore, #tpu.memory_space<semaphore_mem>>
      %dma_start3A_146 = tpu.memref_squeeze %dma_start3A_145 : memref<1x!tpu.dma_semaphore, #tpu.memory_space<semaphore_mem>> -> memref<!tpu.dma_semaphore, #tpu.memory_space<semaphore_mem>>
      %dma_start3A_147 = arith.constant 0 : i32
      %dma_start3A_148 = tpu.memref_slice %arg6[%dma_start3A_138, %add3A_137, %dma_start3A_147] : memref<2x320x32xf32, #tpu.memory_space<vmem>> -> memref<1x1x32xf32, #tpu.memory_space<vmem>>
      %dma_start3A_149 = tpu.memref_squeeze %dma_start3A_148 : memref<1x1x32xf32, #tpu.memory_space<vmem>> -> memref<1x32xf32, #tpu.memory_space<vmem>>
      %dma_start3A_150 = arith.constant 0 : i32
      %dma_start3A_151 = tpu.memref_slice %arg3[%squeeze3A_133, %dma_start3A_150] : memref<1000000x32xf32, #tpu.memory_space<hbm>> -> memref<1x32xf32, #tpu.memory_space<hbm>>
      tpu.enqueue_dma source(%dma_start3A_151 : memref<1x32xf32, #tpu.memory_space<hbm>>) target(%dma_start3A_149 : memref<1x32xf32, #tpu.memory_space<vmem>>) target_semaphore(%dma_start3A_146 : memref<!tpu.dma_semaphore, #tpu.memory_space<semaphore_mem>>)
      %slice3A_152 = vector.extract_strided_slice %get3A_68 {offsets = [4], sizes = [1], strides = [1]} : vector<16xi32> to vector<1xi32>
      %squeeze3A_153 = vector.extract %slice3A_152[0] : i32 from vector<1xi32>
      %mul3A_154 = arith.constant 20 : i32
      %mul3A_155 = arith.muli %scan3A_63, %mul3A_154 : i32
      %add3A_156 = arith.constant 4 : i32
      %add3A_157 = arith.addi %mul3A_155, %add3A_156 : i32
      %dma_start3A_158 = arith.constant 0 : i32
      %dma_start3A_159 = arith.constant 0 : i32
      %dma_start3A_160 = arith.constant 0 : i32
      %dma_start3A_161 = tpu.memref_slice %arg6[%dma_start3A_158, %add3A_157, %dma_start3A_160] : memref<2x320x32xf32, #tpu.memory_space<vmem>> -> memref<1x1x32xf32, #tpu.memory_space<vmem>>
      %dma_start3A_162 = tpu.memref_squeeze %dma_start3A_161 : memref<1x1x32xf32, #tpu.memory_space<vmem>> -> memref<1x32xf32, #tpu.memory_space<vmem>>
      %dma_start3A_163 = arith.constant 0 : i32
      %dma_start3A_164 = tpu.memref_slice %arg3[%squeeze3A_153, %dma_start3A_163] : memref<1000000x32xf32, #tpu.memory_space<hbm>> -> memref<1x32xf32, #tpu.memory_space<hbm>>
      %dma_start3A_165 = tpu.memref_slice %arg8[%dma_start3A_159] : memref<2x!tpu.dma_semaphore, #tpu.memory_space<semaphore_mem>> -> memref<1x!tpu.dma_semaphore, #tpu.memory_space<semaphore_mem>>
      %dma_start3A_166 = tpu.memref_squeeze %dma_start3A_165 : memref<1x!tpu.dma_semaphore, #tpu.memory_space<semaphore_mem>> -> memref<!tpu.dma_semaphore, #tpu.memory_space<semaphore_mem>>
      %dma_start3A_167 = arith.constant 0 : i32
      %dma_start3A_168 = tpu.memref_slice %arg6[%dma_start3A_158, %add3A_157, %dma_start3A_167] : memref<2x320x32xf32, #tpu.memory_space<vmem>> -> memref<1x1x32xf32, #tpu.memory_space<vmem>>
      %dma_start3A_169 = tpu.memref_squeeze %dma_start3A_168 : memref<1x1x32xf32, #tpu.memory_space<vmem>> -> memref<1x32xf32, #tpu.memory_space<vmem>>
      %dma_start3A_170 = arith.constant 0 : i32
      %dma_start3A_171 = tpu.memref_slice %arg3[%squeeze3A_153, %dma_start3A_170] : memref<1000000x32xf32, #tpu.memory_space<hbm>> -> memref<1x32xf32, #tpu.memory_space<hbm>>
      tpu.enqueue_dma source(%dma_start3A_171 : memref<1x32xf32, #tpu.memory_space<hbm>>) target(%dma_start3A_169 : memref<1x32xf32, #tpu.memory_space<vmem>>) target_semaphore(%dma_start3A_166 : memref<!tpu.dma_semaphore, #tpu.memory_space<semaphore_mem>>)
      %slice3A_172 = vector.extract_strided_slice %get3A_68 {offsets = [5], sizes = [1], strides = [1]} : vector<16xi32> to vector<1xi32>
      %squeeze3A_173 = vector.extract %slice3A_172[0] : i32 from vector<1xi32>
      %mul3A_174 = arith.constant 20 : i32
      %mul3A_175 = arith.muli %scan3A_63, %mul3A_174 : i32
      %add3A_176 = arith.constant 5 : i32
      %add3A_177 = arith.addi %mul3A_175, %add3A_176 : i32
      %dma_start3A_178 = arith.constant 0 : i32
      %dma_start3A_179 = arith.constant 0 : i32
      %dma_start3A_180 = arith.constant 0 : i32
      %dma_start3A_181 = tpu.memref_slice %arg6[%dma_start3A_178, %add3A_177, %dma_start3A_180] : memref<2x320x32xf32, #tpu.memory_space<vmem>> -> memref<1x1x32xf32, #tpu.memory_space<vmem>>
      %dma_start3A_182 = tpu.memref_squeeze %dma_start3A_181 : memref<1x1x32xf32, #tpu.memory_space<vmem>> -> memref<1x32xf32, #tpu.memory_space<vmem>>
      %dma_start3A_183 = arith.constant 0 : i32
      %dma_start3A_184 = tpu.memref_slice %arg3[%squeeze3A_173, %dma_start3A_183] : memref<1000000x32xf32, #tpu.memory_space<hbm>> -> memref<1x32xf32, #tpu.memory_space<hbm>>
      %dma_start3A_185 = tpu.memref_slice %arg8[%dma_start3A_179] : memref<2x!tpu.dma_semaphore, #tpu.memory_space<semaphore_mem>> -> memref<1x!tpu.dma_semaphore, #tpu.memory_space<semaphore_mem>>
      %dma_start3A_186 = tpu.memref_squeeze %dma_start3A_185 : memref<1x!tpu.dma_semaphore, #tpu.memory_space<semaphore_mem>> -> memref<!tpu.dma_semaphore, #tpu.memory_space<semaphore_mem>>
      %dma_start3A_187 = arith.constant 0 : i32
      %dma_start3A_188 = tpu.memref_slice %arg6[%dma_start3A_178, %add3A_177, %dma_start3A_187] : memref<2x320x32xf32, #tpu.memory_space<vmem>> -> memref<1x1x32xf32, #tpu.memory_space<vmem>>
      %dma_start3A_189 = tpu.memref_squeeze %dma_start3A_188 : memref<1x1x32xf32, #tpu.memory_space<vmem>> -> memref<1x32xf32, #tpu.memory_space<vmem>>
      %dma_start3A_190 = arith.constant 0 : i32
      %dma_start3A_191 = tpu.memref_slice %arg3[%squeeze3A_173, %dma_start3A_190] : memref<1000000x32xf32, #tpu.memory_space<hbm>> -> memref<1x32xf32, #tpu.memory_space<hbm>>
      tpu.enqueue_dma source(%dma_start3A_191 : memref<1x32xf32, #tpu.memory_space<hbm>>) target(%dma_start3A_189 : memref<1x32xf32, #tpu.memory_space<vmem>>) target_semaphore(%dma_start3A_186 : memref<!tpu.dma_semaphore, #tpu.memory_space<semaphore_mem>>)
      %slice3A_192 = vector.extract_strided_slice %get3A_68 {offsets = [6], sizes = [1], strides = [1]} : vector<16xi32> to vector<1xi32>
      %squeeze3A_193 = vector.extract %slice3A_192[0] : i32 from vector<1xi32>
      %mul3A_194 = arith.constant 20 : i32
      %mul3A_195 = arith.muli %scan3A_63, %mul3A_194 : i32
      %add3A_196 = arith.constant 6 : i32
      %add3A_197 = arith.addi %mul3A_195, %add3A_196 : i32
      %dma_start3A_198 = arith.constant 0 : i32
      %dma_start3A_199 = arith.constant 0 : i32
      %dma_start3A_200 = arith.constant 0 : i32
      %dma_start3A_201 = tpu.memref_slice %arg6[%dma_start3A_198, %add3A_197, %dma_start3A_200] : memref<2x320x32xf32, #tpu.memory_space<vmem>> -> memref<1x1x32xf32, #tpu.memory_space<vmem>>
      %dma_start3A_202 = tpu.memref_squeeze %dma_start3A_201 : memref<1x1x32xf32, #tpu.memory_space<vmem>> -> memref<1x32xf32, #tpu.memory_space<vmem>>
      %dma_start3A_203 = arith.constant 0 : i32
      %dma_start3A_204 = tpu.memref_slice %arg3[%squeeze3A_193, %dma_start3A_203] : memref<1000000x32xf32, #tpu.memory_space<hbm>> -> memref<1x32xf32, #tpu.memory_space<hbm>>
      %dma_start3A_205 = tpu.memref_slice %arg8[%dma_start3A_199] : memref<2x!tpu.dma_semaphore, #tpu.memory_space<semaphore_mem>> -> memref<1x!tpu.dma_semaphore, #tpu.memory_space<semaphore_mem>>
      %dma_start3A_206 = tpu.memref_squeeze %dma_start3A_205 : memref<1x!tpu.dma_semaphore, #tpu.memory_space<semaphore_mem>> -> memref<!tpu.dma_semaphore, #tpu.memory_space<semaphore_mem>>
      %dma_start3A_207 = arith.constant 0 : i32
      %dma_start3A_208 = tpu.memref_slice %arg6[%dma_start3A_198, %add3A_197, %dma_start3A_207] : memref<2x320x32xf32, #tpu.memory_space<vmem>> -> memref<1x1x32xf32, #tpu.memory_space<vmem>>
      %dma_start3A_209 = tpu.memref_squeeze %dma_start3A_208 : memref<1x1x32xf32, #tpu.memory_space<vmem>> -> memref<1x32xf32, #tpu.memory_space<vmem>>
      %dma_start3A_210 = arith.constant 0 : i32
      %dma_start3A_211 = tpu.memref_slice %arg3[%squeeze3A_193, %dma_start3A_210] : memref<1000000x32xf32, #tpu.memory_space<hbm>> -> memref<1x32xf32, #tpu.memory_space<hbm>>
      tpu.enqueue_dma source(%dma_start3A_211 : memref<1x32xf32, #tpu.memory_space<hbm>>) target(%dma_start3A_209 : memref<1x32xf32, #tpu.memory_space<vmem>>) target_semaphore(%dma_start3A_206 : memref<!tpu.dma_semaphore, #tpu.memory_space<semaphore_mem>>)
      %slice3A_212 = vector.extract_strided_slice %get3A_68 {offsets = [7], sizes = [1], strides = [1]} : vector<16xi32> to vector<1xi32>
      %squeeze3A_213 = vector.extract %slice3A_212[0] : i32 from vector<1xi32>
      %mul3A_214 = arith.constant 20 : i32
      %mul3A_215 = arith.muli %scan3A_63, %mul3A_214 : i32
      %add3A_216 = arith.constant 7 : i32
      %add3A_217 = arith.addi %mul3A_215, %add3A_216 : i32
      %dma_start3A_218 = arith.constant 0 : i32
      %dma_start3A_219 = arith.constant 0 : i32
      %dma_start3A_220 = arith.constant 0 : i32
      %dma_start3A_221 = tpu.memref_slice %arg6[%dma_start3A_218, %add3A_217, %dma_start3A_220] : memref<2x320x32xf32, #tpu.memory_space<vmem>> -> memref<1x1x32xf32, #tpu.memory_space<vmem>>
      %dma_start3A_222 = tpu.memref_squeeze %dma_start3A_221 : memref<1x1x32xf32, #tpu.memory_space<vmem>> -> memref<1x32xf32, #tpu.memory_space<vmem>>
      %dma_start3A_223 = arith.constant 0 : i32
      %dma_start3A_224 = tpu.memref_slice %arg3[%squeeze3A_213, %dma_start3A_223] : memref<1000000x32xf32, #tpu.memory_space<hbm>> -> memref<1x32xf32, #tpu.memory_space<hbm>>
      %dma_start3A_225 = tpu.memref_slice %arg8[%dma_start3A_219] : memref<2x!tpu.dma_semaphore, #tpu.memory_space<semaphore_mem>> -> memref<1x!tpu.dma_semaphore, #tpu.memory_space<semaphore_mem>>
      %dma_start3A_226 = tpu.memref_squeeze %dma_start3A_225 : memref<1x!tpu.dma_semaphore, #tpu.memory_space<semaphore_mem>> -> memref<!tpu.dma_semaphore, #tpu.memory_space<semaphore_mem>>
      %dma_start3A_227 = arith.constant 0 : i32
      %dma_start3A_228 = tpu.memref_slice %arg6[%dma_start3A_218, %add3A_217, %dma_start3A_227] : memref<2x320x32xf32, #tpu.memory_space<vmem>> -> memref<1x1x32xf32, #tpu.memory_space<vmem>>
      %dma_start3A_229 = tpu.memref_squeeze %dma_start3A_228 : memref<1x1x32xf32, #tpu.memory_space<vmem>> -> memref<1x32xf32, #tpu.memory_space<vmem>>
      %dma_start3A_230 = arith.constant 0 : i32
      %dma_start3A_231 = tpu.memref_slice %arg3[%squeeze3A_213, %dma_start3A_230] : memref<1000000x32xf32, #tpu.memory_space<hbm>> -> memref<1x32xf32, #tpu.memory_space<hbm>>
      tpu.enqueue_dma source(%dma_start3A_231 : memref<1x32xf32, #tpu.memory_space<hbm>>) target(%dma_start3A_229 : memref<1x32xf32, #tpu.memory_space<vmem>>) target_semaphore(%dma_start3A_226 : memref<!tpu.dma_semaphore, #tpu.memory_space<semaphore_mem>>)
      %slice3A_232 = vector.extract_strided_slice %get3A_68 {offsets = [8], sizes = [1], strides = [1]} : vector<16xi32> to vector<1xi32>
      %squeeze3A_233 = vector.extract %slice3A_232[0] : i32 from vector<1xi32>
      %mul3A_234 = arith.constant 20 : i32
      %mul3A_235 = arith.muli %scan3A_63, %mul3A_234 : i32
      %add3A_236 = arith.constant 8 : i32
      %add3A_237 = arith.addi %mul3A_235, %add3A_236 : i32
      %dma_start3A_238 = arith.constant 0 : i32
      %dma_start3A_239 = arith.constant 0 : i32
      %dma_start3A_240 = arith.constant 0 : i32
      %dma_start3A_241 = tpu.memref_slice %arg6[%dma_start3A_238, %add3A_237, %dma_start3A_240] : memref<2x320x32xf32, #tpu.memory_space<vmem>> -> memref<1x1x32xf32, #tpu.memory_space<vmem>>
      %dma_start3A_242 = tpu.memref_squeeze %dma_start3A_241 : memref<1x1x32xf32, #tpu.memory_space<vmem>> -> memref<1x32xf32, #tpu.memory_space<vmem>>
      %dma_start3A_243 = arith.constant 0 : i32
      %dma_start3A_244 = tpu.memref_slice %arg3[%squeeze3A_233, %dma_start3A_243] : memref<1000000x32xf32, #tpu.memory_space<hbm>> -> memref<1x32xf32, #tpu.memory_space<hbm>>
      %dma_start3A_245 = tpu.memref_slice %arg8[%dma_start3A_239] : memref<2x!tpu.dma_semaphore, #tpu.memory_space<semaphore_mem>> -> memref<1x!tpu.dma_semaphore, #tpu.memory_space<semaphore_mem>>
      %dma_start3A_246 = tpu.memref_squeeze %dma_start3A_245 : memref<1x!tpu.dma_semaphore, #tpu.memory_space<semaphore_mem>> -> memref<!tpu.dma_semaphore, #tpu.memory_space<semaphore_mem>>
      %dma_start3A_247 = arith.constant 0 : i32
      %dma_start3A_248 = tpu.memref_slice %arg6[%dma_start3A_238, %add3A_237, %dma_start3A_247] : memref<2x320x32xf32, #tpu.memory_space<vmem>> -> memref<1x1x32xf32, #tpu.memory_space<vmem>>
      %dma_start3A_249 = tpu.memref_squeeze %dma_start3A_248 : memref<1x1x32xf32, #tpu.memory_space<vmem>> -> memref<1x32xf32, #tpu.memory_space<vmem>>
      %dma_start3A_250 = arith.constant 0 : i32
      %dma_start3A_251 = tpu.memref_slice %arg3[%squeeze3A_233, %dma_start3A_250] : memref<1000000x32xf32, #tpu.memory_space<hbm>> -> memref<1x32xf32, #tpu.memory_space<hbm>>
      tpu.enqueue_dma source(%dma_start3A_251 : memref<1x32xf32, #tpu.memory_space<hbm>>) target(%dma_start3A_249 : memref<1x32xf32, #tpu.memory_space<vmem>>) target_semaphore(%dma_start3A_246 : memref<!tpu.dma_semaphore, #tpu.memory_space<semaphore_mem>>)
      %slice3A_252 = vector.extract_strided_slice %get3A_68 {offsets = [9], sizes = [1], strides = [1]} : vector<16xi32> to vector<1xi32>
      %squeeze3A_253 = vector.extract %slice3A_252[0] : i32 from vector<1xi32>
      %mul3A_254 = arith.constant 20 : i32
      %mul3A_255 = arith.muli %scan3A_63, %mul3A_254 : i32
      %add3A_256 = arith.constant 9 : i32
      %add3A_257 = arith.addi %mul3A_255, %add3A_256 : i32
      %dma_start3A_258 = arith.constant 0 : i32
      %dma_start3A_259 = arith.constant 0 : i32
      %dma_start3A_260 = arith.constant 0 : i32
      %dma_start3A_261 = tpu.memref_slice %arg6[%dma_start3A_258, %add3A_257, %dma_start3A_260] : memref<2x320x32xf32, #tpu.memory_space<vmem>> -> memref<1x1x32xf32, #tpu.memory_space<vmem>>
      %dma_start3A_262 = tpu.memref_squeeze %dma_start3A_261 : memref<1x1x32xf32, #tpu.memory_space<vmem>> -> memref<1x32xf32, #tpu.memory_space<vmem>>
      %dma_start3A_263 = arith.constant 0 : i32
      %dma_start3A_264 = tpu.memref_slice %arg3[%squeeze3A_253, %dma_start3A_263] : memref<1000000x32xf32, #tpu.memory_space<hbm>> -> memref<1x32xf32, #tpu.memory_space<hbm>>
      %dma_start3A_265 = tpu.memref_slice %arg8[%dma_start3A_259] : memref<2x!tpu.dma_semaphore, #tpu.memory_space<semaphore_mem>> -> memref<1x!tpu.dma_semaphore, #tpu.memory_space<semaphore_mem>>
      %dma_start3A_266 = tpu.memref_squeeze %dma_start3A_265 : memref<1x!tpu.dma_semaphore, #tpu.memory_space<semaphore_mem>> -> memref<!tpu.dma_semaphore, #tpu.memory_space<semaphore_mem>>
      %dma_start3A_267 = arith.constant 0 : i32
      %dma_start3A_268 = tpu.memref_slice %arg6[%dma_start3A_258, %add3A_257, %dma_start3A_267] : memref<2x320x32xf32, #tpu.memory_space<vmem>> -> memref<1x1x32xf32, #tpu.memory_space<vmem>>
      %dma_start3A_269 = tpu.memref_squeeze %dma_start3A_268 : memref<1x1x32xf32, #tpu.memory_space<vmem>> -> memref<1x32xf32, #tpu.memory_space<vmem>>
      %dma_start3A_270 = arith.constant 0 : i32
      %dma_start3A_271 = tpu.memref_slice %arg3[%squeeze3A_253, %dma_start3A_270] : memref<1000000x32xf32, #tpu.memory_space<hbm>> -> memref<1x32xf32, #tpu.memory_space<hbm>>
      tpu.enqueue_dma source(%dma_start3A_271 : memref<1x32xf32, #tpu.memory_space<hbm>>) target(%dma_start3A_269 : memref<1x32xf32, #tpu.memory_space<vmem>>) target_semaphore(%dma_start3A_266 : memref<!tpu.dma_semaphore, #tpu.memory_space<semaphore_mem>>)
      %slice3A_272 = vector.extract_strided_slice %get3A_68 {offsets = [10], sizes = [1], strides = [1]} : vector<16xi32> to vector<1xi32>
      %squeeze3A_273 = vector.extract %slice3A_272[0] : i32 from vector<1xi32>
      %mul3A_274 = arith.constant 20 : i32
      %mul3A_275 = arith.muli %scan3A_63, %mul3A_274 : i32
      %add3A_276 = arith.constant 10 : i32
      %add3A_277 = arith.addi %mul3A_275, %add3A_276 : i32
      %dma_start3A_278 = arith.constant 0 : i32
      %dma_start3A_279 = arith.constant 0 : i32
      %dma_start3A_280 = arith.constant 0 : i32
      %dma_start3A_281 = tpu.memref_slice %arg6[%dma_start3A_278, %add3A_277, %dma_start3A_280] : memref<2x320x32xf32, #tpu.memory_space<vmem>> -> memref<1x1x32xf32, #tpu.memory_space<vmem>>
      %dma_start3A_282 = tpu.memref_squeeze %dma_start3A_281 : memref<1x1x32xf32, #tpu.memory_space<vmem>> -> memref<1x32xf32, #tpu.memory_space<vmem>>
      %dma_start3A_283 = arith.constant 0 : i32
      %dma_start3A_284 = tpu.memref_slice %arg3[%squeeze3A_273, %dma_start3A_283] : memref<1000000x32xf32, #tpu.memory_space<hbm>> -> memref<1x32xf32, #tpu.memory_space<hbm>>
      %dma_start3A_285 = tpu.memref_slice %arg8[%dma_start3A_279] : memref<2x!tpu.dma_semaphore, #tpu.memory_space<semaphore_mem>> -> memref<1x!tpu.dma_semaphore, #tpu.memory_space<semaphore_mem>>
      %dma_start3A_286 = tpu.memref_squeeze %dma_start3A_285 : memref<1x!tpu.dma_semaphore, #tpu.memory_space<semaphore_mem>> -> memref<!tpu.dma_semaphore, #tpu.memory_space<semaphore_mem>>
      %dma_start3A_287 = arith.constant 0 : i32
      %dma_start3A_288 = tpu.memref_slice %arg6[%dma_start3A_278, %add3A_277, %dma_start3A_287] : memref<2x320x32xf32, #tpu.memory_space<vmem>> -> memref<1x1x32xf32, #tpu.memory_space<vmem>>
      %dma_start3A_289 = tpu.memref_squeeze %dma_start3A_288 : memref<1x1x32xf32, #tpu.memory_space<vmem>> -> memref<1x32xf32, #tpu.memory_space<vmem>>
      %dma_start3A_290 = arith.constant 0 : i32
      %dma_start3A_291 = tpu.memref_slice %arg3[%squeeze3A_273, %dma_start3A_290] : memref<1000000x32xf32, #tpu.memory_space<hbm>> -> memref<1x32xf32, #tpu.memory_space<hbm>>
      tpu.enqueue_dma source(%dma_start3A_291 : memref<1x32xf32, #tpu.memory_space<hbm>>) target(%dma_start3A_289 : memref<1x32xf32, #tpu.memory_space<vmem>>) target_semaphore(%dma_start3A_286 : memref<!tpu.dma_semaphore, #tpu.memory_space<semaphore_mem>>)
      %slice3A_292 = vector.extract_strided_slice %get3A_68 {offsets = [11], sizes = [1], strides = [1]} : vector<16xi32> to vector<1xi32>
      %squeeze3A_293 = vector.extract %slice3A_292[0] : i32 from vector<1xi32>
      %mul3A_294 = arith.constant 20 : i32
      %mul3A_295 = arith.muli %scan3A_63, %mul3A_294 : i32
      %add3A_296 = arith.constant 11 : i32
      %add3A_297 = arith.addi %mul3A_295, %add3A_296 : i32
      %dma_start3A_298 = arith.constant 0 : i32
      %dma_start3A_299 = arith.constant 0 : i32
      %dma_start3A_300 = arith.constant 0 : i32
      %dma_start3A_301 = tpu.memref_slice %arg6[%dma_start3A_298, %add3A_297, %dma_start3A_300] : memref<2x320x32xf32, #tpu.memory_space<vmem>> -> memref<1x1x32xf32, #tpu.memory_space<vmem>>
      %dma_start3A_302 = tpu.memref_squeeze %dma_start3A_301 : memref<1x1x32xf32, #tpu.memory_space<vmem>> -> memref<1x32xf32, #tpu.memory_space<vmem>>
      %dma_start3A_303 = arith.constant 0 : i32
      %dma_start3A_304 = tpu.memref_slice %arg3[%squeeze3A_293, %dma_start3A_303] : memref<1000000x32xf32, #tpu.memory_space<hbm>> -> memref<1x32xf32, #tpu.memory_space<hbm>>
      %dma_start3A_305 = tpu.memref_slice %arg8[%dma_start3A_299] : memref<2x!tpu.dma_semaphore, #tpu.memory_space<semaphore_mem>> -> memref<1x!tpu.dma_semaphore, #tpu.memory_space<semaphore_mem>>
      %dma_start3A_306 = tpu.memref_squeeze %dma_start3A_305 : memref<1x!tpu.dma_semaphore, #tpu.memory_space<semaphore_mem>> -> memref<!tpu.dma_semaphore, #tpu.memory_space<semaphore_mem>>
      %dma_start3A_307 = arith.constant 0 : i32
      %dma_start3A_308 = tpu.memref_slice %arg6[%dma_start3A_298, %add3A_297, %dma_start3A_307] : memref<2x320x32xf32, #tpu.memory_space<vmem>> -> memref<1x1x32xf32, #tpu.memory_space<vmem>>
      %dma_start3A_309 = tpu.memref_squeeze %dma_start3A_308 : memref<1x1x32xf32, #tpu.memory_space<vmem>> -> memref<1x32xf32, #tpu.memory_space<vmem>>
      %dma_start3A_310 = arith.constant 0 : i32
      %dma_start3A_311 = tpu.memref_slice %arg3[%squeeze3A_293, %dma_start3A_310] : memref<1000000x32xf32, #tpu.memory_space<hbm>> -> memref<1x32xf32, #tpu.memory_space<hbm>>
      tpu.enqueue_dma source(%dma_start3A_311 : memref<1x32xf32, #tpu.memory_space<hbm>>) target(%dma_start3A_309 : memref<1x32xf32, #tpu.memory_space<vmem>>) target_semaphore(%dma_start3A_306 : memref<!tpu.dma_semaphore, #tpu.memory_space<semaphore_mem>>)
      %slice3A_312 = vector.extract_strided_slice %get3A_68 {offsets = [12], sizes = [1], strides = [1]} : vector<16xi32> to vector<1xi32>
      %squeeze3A_313 = vector.extract %slice3A_312[0] : i32 from vector<1xi32>
      %mul3A_314 = arith.constant 20 : i32
      %mul3A_315 = arith.muli %scan3A_63, %mul3A_314 : i32
      %add3A_316 = arith.constant 12 : i32
      %add3A_317 = arith.addi %mul3A_315, %add3A_316 : i32
      %dma_start3A_318 = arith.constant 0 : i32
      %dma_start3A_319 = arith.constant 0 : i32
      %dma_start3A_320 = arith.constant 0 : i32
      %dma_start3A_321 = tpu.memref_slice %arg6[%dma_start3A_318, %add3A_317, %dma_start3A_320] : memref<2x320x32xf32, #tpu.memory_space<vmem>> -> memref<1x1x32xf32, #tpu.memory_space<vmem>>
      %dma_start3A_322 = tpu.memref_squeeze %dma_start3A_321 : memref<1x1x32xf32, #tpu.memory_space<vmem>> -> memref<1x32xf32, #tpu.memory_space<vmem>>
      %dma_start3A_323 = arith.constant 0 : i32
      %dma_start3A_324 = tpu.memref_slice %arg3[%squeeze3A_313, %dma_start3A_323] : memref<1000000x32xf32, #tpu.memory_space<hbm>> -> memref<1x32xf32, #tpu.memory_space<hbm>>
      %dma_start3A_325 = tpu.memref_slice %arg8[%dma_start3A_319] : memref<2x!tpu.dma_semaphore, #tpu.memory_space<semaphore_mem>> -> memref<1x!tpu.dma_semaphore, #tpu.memory_space<semaphore_mem>>
      %dma_start3A_326 = tpu.memref_squeeze %dma_start3A_325 : memref<1x!tpu.dma_semaphore, #tpu.memory_space<semaphore_mem>> -> memref<!tpu.dma_semaphore, #tpu.memory_space<semaphore_mem>>
      %dma_start3A_327 = arith.constant 0 : i32
      %dma_start3A_328 = tpu.memref_slice %arg6[%dma_start3A_318, %add3A_317, %dma_start3A_327] : memref<2x320x32xf32, #tpu.memory_space<vmem>> -> memref<1x1x32xf32, #tpu.memory_space<vmem>>
      %dma_start3A_329 = tpu.memref_squeeze %dma_start3A_328 : memref<1x1x32xf32, #tpu.memory_space<vmem>> -> memref<1x32xf32, #tpu.memory_space<vmem>>
      %dma_start3A_330 = arith.constant 0 : i32
      %dma_start3A_331 = tpu.memref_slice %arg3[%squeeze3A_313, %dma_start3A_330] : memref<1000000x32xf32, #tpu.memory_space<hbm>> -> memref<1x32xf32, #tpu.memory_space<hbm>>
      tpu.enqueue_dma source(%dma_start3A_331 : memref<1x32xf32, #tpu.memory_space<hbm>>) target(%dma_start3A_329 : memref<1x32xf32, #tpu.memory_space<vmem>>) target_semaphore(%dma_start3A_326 : memref<!tpu.dma_semaphore, #tpu.memory_space<semaphore_mem>>)
      %slice3A_332 = vector.extract_strided_slice %get3A_68 {offsets = [13], sizes = [1], strides = [1]} : vector<16xi32> to vector<1xi32>
      %squeeze3A_333 = vector.extract %slice3A_332[0] : i32 from vector<1xi32>
      %mul3A_334 = arith.constant 20 : i32
      %mul3A_335 = arith.muli %scan3A_63, %mul3A_334 : i32
      %add3A_336 = arith.constant 13 : i32
      %add3A_337 = arith.addi %mul3A_335, %add3A_336 : i32
      %dma_start3A_338 = arith.constant 0 : i32
      %dma_start3A_339 = arith.constant 0 : i32
      %dma_start3A_340 = arith.constant 0 : i32
      %dma_start3A_341 = tpu.memref_slice %arg6[%dma_start3A_338, %add3A_337, %dma_start3A_340] : memref<2x320x32xf32, #tpu.memory_space<vmem>> -> memref<1x1x32xf32, #tpu.memory_space<vmem>>
      %dma_start3A_342 = tpu.memref_squeeze %dma_start3A_341 : memref<1x1x32xf32, #tpu.memory_space<vmem>> -> memref<1x32xf32, #tpu.memory_space<vmem>>
      %dma_start3A_343 = arith.constant 0 : i32
      %dma_start3A_344 = tpu.memref_slice %arg3[%squeeze3A_333, %dma_start3A_343] : memref<1000000x32xf32, #tpu.memory_space<hbm>> -> memref<1x32xf32, #tpu.memory_space<hbm>>
      %dma_start3A_345 = tpu.memref_slice %arg8[%dma_start3A_339] : memref<2x!tpu.dma_semaphore, #tpu.memory_space<semaphore_mem>> -> memref<1x!tpu.dma_semaphore, #tpu.memory_space<semaphore_mem>>
      %dma_start3A_346 = tpu.memref_squeeze %dma_start3A_345 : memref<1x!tpu.dma_semaphore, #tpu.memory_space<semaphore_mem>> -> memref<!tpu.dma_semaphore, #tpu.memory_space<semaphore_mem>>
      %dma_start3A_347 = arith.constant 0 : i32
      %dma_start3A_348 = tpu.memref_slice %arg6[%dma_start3A_338, %add3A_337, %dma_start3A_347] : memref<2x320x32xf32, #tpu.memory_space<vmem>> -> memref<1x1x32xf32, #tpu.memory_space<vmem>>
      %dma_start3A_349 = tpu.memref_squeeze %dma_start3A_348 : memref<1x1x32xf32, #tpu.memory_space<vmem>> -> memref<1x32xf32, #tpu.memory_space<vmem>>
      %dma_start3A_350 = arith.constant 0 : i32
      %dma_start3A_351 = tpu.memref_slice %arg3[%squeeze3A_333, %dma_start3A_350] : memref<1000000x32xf32, #tpu.memory_space<hbm>> -> memref<1x32xf32, #tpu.memory_space<hbm>>
      tpu.enqueue_dma source(%dma_start3A_351 : memref<1x32xf32, #tpu.memory_space<hbm>>) target(%dma_start3A_349 : memref<1x32xf32, #tpu.memory_space<vmem>>) target_semaphore(%dma_start3A_346 : memref<!tpu.dma_semaphore, #tpu.memory_space<semaphore_mem>>)
      %slice3A_352 = vector.extract_strided_slice %get3A_68 {offsets = [14], sizes = [1], strides = [1]} : vector<16xi32> to vector<1xi32>
      %squeeze3A_353 = vector.extract %slice3A_352[0] : i32 from vector<1xi32>
      %mul3A_354 = arith.constant 20 : i32
      %mul3A_355 = arith.muli %scan3A_63, %mul3A_354 : i32
      %add3A_356 = arith.constant 14 : i32
      %add3A_357 = arith.addi %mul3A_355, %add3A_356 : i32
      %dma_start3A_358 = arith.constant 0 : i32
      %dma_start3A_359 = arith.constant 0 : i32
      %dma_start3A_360 = arith.constant 0 : i32
      %dma_start3A_361 = tpu.memref_slice %arg6[%dma_start3A_358, %add3A_357, %dma_start3A_360] : memref<2x320x32xf32, #tpu.memory_space<vmem>> -> memref<1x1x32xf32, #tpu.memory_space<vmem>>
      %dma_start3A_362 = tpu.memref_squeeze %dma_start3A_361 : memref<1x1x32xf32, #tpu.memory_space<vmem>> -> memref<1x32xf32, #tpu.memory_space<vmem>>
      %dma_start3A_363 = arith.constant 0 : i32
      %dma_start3A_364 = tpu.memref_slice %arg3[%squeeze3A_353, %dma_start3A_363] : memref<1000000x32xf32, #tpu.memory_space<hbm>> -> memref<1x32xf32, #tpu.memory_space<hbm>>
      %dma_start3A_365 = tpu.memref_slice %arg8[%dma_start3A_359] : memref<2x!tpu.dma_semaphore, #tpu.memory_space<semaphore_mem>> -> memref<1x!tpu.dma_semaphore, #tpu.memory_space<semaphore_mem>>
      %dma_start3A_366 = tpu.memref_squeeze %dma_start3A_365 : memref<1x!tpu.dma_semaphore, #tpu.memory_space<semaphore_mem>> -> memref<!tpu.dma_semaphore, #tpu.memory_space<semaphore_mem>>
      %dma_start3A_367 = arith.constant 0 : i32
      %dma_start3A_368 = tpu.memref_slice %arg6[%dma_start3A_358, %add3A_357, %dma_start3A_367] : memref<2x320x32xf32, #tpu.memory_space<vmem>> -> memref<1x1x32xf32, #tpu.memory_space<vmem>>
      %dma_start3A_369 = tpu.memref_squeeze %dma_start3A_368 : memref<1x1x32xf32, #tpu.memory_space<vmem>> -> memref<1x32xf32, #tpu.memory_space<vmem>>
      %dma_start3A_370 = arith.constant 0 : i32
      %dma_start3A_371 = tpu.memref_slice %arg3[%squeeze3A_353, %dma_start3A_370] : memref<1000000x32xf32, #tpu.memory_space<hbm>> -> memref<1x32xf32, #tpu.memory_space<hbm>>
      tpu.enqueue_dma source(%dma_start3A_371 : memref<1x32xf32, #tpu.memory_space<hbm>>) target(%dma_start3A_369 : memref<1x32xf32, #tpu.memory_space<vmem>>) target_semaphore(%dma_start3A_366 : memref<!tpu.dma_semaphore, #tpu.memory_space<semaphore_mem>>)
      %slice3A_372 = vector.extract_strided_slice %get3A_68 {offsets = [15], sizes = [1], strides = [1]} : vector<16xi32> to vector<1xi32>
      %squeeze3A_373 = vector.extract %slice3A_372[0] : i32 from vector<1xi32>
      %mul3A_374 = arith.constant 20 : i32
      %mul3A_375 = arith.muli %scan3A_63, %mul3A_374 : i32
      %add3A_376 = arith.constant 15 : i32
      %add3A_377 = arith.addi %mul3A_375, %add3A_376 : i32
      %dma_start3A_378 = arith.constant 0 : i32
      %dma_start3A_379 = arith.constant 0 : i32
      %dma_start3A_380 = arith.constant 0 : i32
      %dma_start3A_381 = tpu.memref_slice %arg6[%dma_start3A_378, %add3A_377, %dma_start3A_380] : memref<2x320x32xf32, #tpu.memory_space<vmem>> -> memref<1x1x32xf32, #tpu.memory_space<vmem>>
      %dma_start3A_382 = tpu.memref_squeeze %dma_start3A_381 : memref<1x1x32xf32, #tpu.memory_space<vmem>> -> memref<1x32xf32, #tpu.memory_space<vmem>>
      %dma_start3A_383 = arith.constant 0 : i32
      %dma_start3A_384 = tpu.memref_slice %arg3[%squeeze3A_373, %dma_start3A_383] : memref<1000000x32xf32, #tpu.memory_space<hbm>> -> memref<1x32xf32, #tpu.memory_space<hbm>>
      %dma_start3A_385 = tpu.memref_slice %arg8[%dma_start3A_379] : memref<2x!tpu.dma_semaphore, #tpu.memory_space<semaphore_mem>> -> memref<1x!tpu.dma_semaphore, #tpu.memory_space<semaphore_mem>>
      %dma_start3A_386 = tpu.memref_squeeze %dma_start3A_385 : memref<1x!tpu.dma_semaphore, #tpu.memory_space<semaphore_mem>> -> memref<!tpu.dma_semaphore, #tpu.memory_space<semaphore_mem>>
      %dma_start3A_387 = arith.constant 0 : i32
      %dma_start3A_388 = tpu.memref_slice %arg6[%dma_start3A_378, %add3A_377, %dma_start3A_387] : memref<2x320x32xf32, #tpu.memory_space<vmem>> -> memref<1x1x32xf32, #tpu.memory_space<vmem>>
      %dma_start3A_389 = tpu.memref_squeeze %dma_start3A_388 : memref<1x1x32xf32, #tpu.memory_space<vmem>> -> memref<1x32xf32, #tpu.memory_space<vmem>>
      %dma_start3A_390 = arith.constant 0 : i32
      %dma_start3A_391 = tpu.memref_slice %arg3[%squeeze3A_373, %dma_start3A_390] : memref<1000000x32xf32, #tpu.memory_space<hbm>> -> memref<1x32xf32, #tpu.memory_space<hbm>>
      tpu.enqueue_dma source(%dma_start3A_391 : memref<1x32xf32, #tpu.memory_space<hbm>>) target(%dma_start3A_389 : memref<1x32xf32, #tpu.memory_space<vmem>>) target_semaphore(%dma_start3A_386 : memref<!tpu.dma_semaphore, #tpu.memory_space<semaphore_mem>>)
      %slice3A_392 = vector.extract_strided_slice %get3A_74 {offsets = [12], sizes = [1], strides = [1]} : vector<16xi32> to vector<1xi32>
      %squeeze3A_393 = vector.extract %slice3A_392[0] : i32 from vector<1xi32>
      %mul3A_394 = arith.constant 20 : i32
      %mul3A_395 = arith.muli %scan3A_63, %mul3A_394 : i32
      %add3A_396 = arith.constant 16 : i32
      %add3A_397 = arith.addi %mul3A_395, %add3A_396 : i32
      %dma_start3A_398 = arith.constant 0 : i32
      %dma_start3A_399 = arith.constant 0 : i32
      %dma_start3A_400 = arith.constant 0 : i32
      %dma_start3A_401 = tpu.memref_slice %arg6[%dma_start3A_398, %add3A_397, %dma_start3A_400] : memref<2x320x32xf32, #tpu.memory_space<vmem>> -> memref<1x1x32xf32, #tpu.memory_space<vmem>>
      %dma_start3A_402 = tpu.memref_squeeze %dma_start3A_401 : memref<1x1x32xf32, #tpu.memory_space<vmem>> -> memref<1x32xf32, #tpu.memory_space<vmem>>
      %dma_start3A_403 = arith.constant 0 : i32
      %dma_start3A_404 = tpu.memref_slice %arg3[%squeeze3A_393, %dma_start3A_403] : memref<1000000x32xf32, #tpu.memory_space<hbm>> -> memref<1x32xf32, #tpu.memory_space<hbm>>
      %dma_start3A_405 = tpu.memref_slice %arg8[%dma_start3A_399] : memref<2x!tpu.dma_semaphore, #tpu.memory_space<semaphore_mem>> -> memref<1x!tpu.dma_semaphore, #tpu.memory_space<semaphore_mem>>
      %dma_start3A_406 = tpu.memref_squeeze %dma_start3A_405 : memref<1x!tpu.dma_semaphore, #tpu.memory_space<semaphore_mem>> -> memref<!tpu.dma_semaphore, #tpu.memory_space<semaphore_mem>>
      %dma_start3A_407 = arith.constant 0 : i32
      %dma_start3A_408 = tpu.memref_slice %arg6[%dma_start3A_398, %add3A_397, %dma_start3A_407] : memref<2x320x32xf32, #tpu.memory_space<vmem>> -> memref<1x1x32xf32, #tpu.memory_space<vmem>>
      %dma_start3A_409 = tpu.memref_squeeze %dma_start3A_408 : memref<1x1x32xf32, #tpu.memory_space<vmem>> -> memref<1x32xf32, #tpu.memory_space<vmem>>
      %dma_start3A_410 = arith.constant 0 : i32
      %dma_start3A_411 = tpu.memref_slice %arg3[%squeeze3A_393, %dma_start3A_410] : memref<1000000x32xf32, #tpu.memory_space<hbm>> -> memref<1x32xf32, #tpu.memory_space<hbm>>
      tpu.enqueue_dma source(%dma_start3A_411 : memref<1x32xf32, #tpu.memory_space<hbm>>) target(%dma_start3A_409 : memref<1x32xf32, #tpu.memory_space<vmem>>) target_semaphore(%dma_start3A_406 : memref<!tpu.dma_semaphore, #tpu.memory_space<semaphore_mem>>)
      %slice3A_412 = vector.extract_strided_slice %get3A_74 {offsets = [13], sizes = [1], strides = [1]} : vector<16xi32> to vector<1xi32>
      %squeeze3A_413 = vector.extract %slice3A_412[0] : i32 from vector<1xi32>
      %mul3A_414 = arith.constant 20 : i32
      %mul3A_415 = arith.muli %scan3A_63, %mul3A_414 : i32
      %add3A_416 = arith.constant 17 : i32
      %add3A_417 = arith.addi %mul3A_415, %add3A_416 : i32
      %dma_start3A_418 = arith.constant 0 : i32
      %dma_start3A_419 = arith.constant 0 : i32
      %dma_start3A_420 = arith.constant 0 : i32
      %dma_start3A_421 = tpu.memref_slice %arg6[%dma_start3A_418, %add3A_417, %dma_start3A_420] : memref<2x320x32xf32, #tpu.memory_space<vmem>> -> memref<1x1x32xf32, #tpu.memory_space<vmem>>
      %dma_start3A_422 = tpu.memref_squeeze %dma_start3A_421 : memref<1x1x32xf32, #tpu.memory_space<vmem>> -> memref<1x32xf32, #tpu.memory_space<vmem>>
      %dma_start3A_423 = arith.constant 0 : i32
      %dma_start3A_424 = tpu.memref_slice %arg3[%squeeze3A_413, %dma_start3A_423] : memref<1000000x32xf32, #tpu.memory_space<hbm>> -> memref<1x32xf32, #tpu.memory_space<hbm>>
      %dma_start3A_425 = tpu.memref_slice %arg8[%dma_start3A_419] : memref<2x!tpu.dma_semaphore, #tpu.memory_space<semaphore_mem>> -> memref<1x!tpu.dma_semaphore, #tpu.memory_space<semaphore_mem>>
      %dma_start3A_426 = tpu.memref_squeeze %dma_start3A_425 : memref<1x!tpu.dma_semaphore, #tpu.memory_space<semaphore_mem>> -> memref<!tpu.dma_semaphore, #tpu.memory_space<semaphore_mem>>
      %dma_start3A_427 = arith.constant 0 : i32
      %dma_start3A_428 = tpu.memref_slice %arg6[%dma_start3A_418, %add3A_417, %dma_start3A_427] : memref<2x320x32xf32, #tpu.memory_space<vmem>> -> memref<1x1x32xf32, #tpu.memory_space<vmem>>
      %dma_start3A_429 = tpu.memref_squeeze %dma_start3A_428 : memref<1x1x32xf32, #tpu.memory_space<vmem>> -> memref<1x32xf32, #tpu.memory_space<vmem>>
      %dma_start3A_430 = arith.constant 0 : i32
      %dma_start3A_431 = tpu.memref_slice %arg3[%squeeze3A_413, %dma_start3A_430] : memref<1000000x32xf32, #tpu.memory_space<hbm>> -> memref<1x32xf32, #tpu.memory_space<hbm>>
      tpu.enqueue_dma source(%dma_start3A_431 : memref<1x32xf32, #tpu.memory_space<hbm>>) target(%dma_start3A_429 : memref<1x32xf32, #tpu.memory_space<vmem>>) target_semaphore(%dma_start3A_426 : memref<!tpu.dma_semaphore, #tpu.memory_space<semaphore_mem>>)
      %slice3A_432 = vector.extract_strided_slice %get3A_74 {offsets = [14], sizes = [1], strides = [1]} : vector<16xi32> to vector<1xi32>
      %squeeze3A_433 = vector.extract %slice3A_432[0] : i32 from vector<1xi32>
      %mul3A_434 = arith.constant 20 : i32
      %mul3A_435 = arith.muli %scan3A_63, %mul3A_434 : i32
      %add3A_436 = arith.constant 18 : i32
      %add3A_437 = arith.addi %mul3A_435, %add3A_436 : i32
      %dma_start3A_438 = arith.constant 0 : i32
      %dma_start3A_439 = arith.constant 0 : i32
      %dma_start3A_440 = arith.constant 0 : i32
      %dma_start3A_441 = tpu.memref_slice %arg6[%dma_start3A_438, %add3A_437, %dma_start3A_440] : memref<2x320x32xf32, #tpu.memory_space<vmem>> -> memref<1x1x32xf32, #tpu.memory_space<vmem>>
      %dma_start3A_442 = tpu.memref_squeeze %dma_start3A_441 : memref<1x1x32xf32, #tpu.memory_space<vmem>> -> memref<1x32xf32, #tpu.memory_space<vmem>>
      %dma_start3A_443 = arith.constant 0 : i32
      %dma_start3A_444 = tpu.memref_slice %arg3[%squeeze3A_433, %dma_start3A_443] : memref<1000000x32xf32, #tpu.memory_space<hbm>> -> memref<1x32xf32, #tpu.memory_space<hbm>>
      %dma_start3A_445 = tpu.memref_slice %arg8[%dma_start3A_439] : memref<2x!tpu.dma_semaphore, #tpu.memory_space<semaphore_mem>> -> memref<1x!tpu.dma_semaphore, #tpu.memory_space<semaphore_mem>>
      %dma_start3A_446 = tpu.memref_squeeze %dma_start3A_445 : memref<1x!tpu.dma_semaphore, #tpu.memory_space<semaphore_mem>> -> memref<!tpu.dma_semaphore, #tpu.memory_space<semaphore_mem>>
      %dma_start3A_447 = arith.constant 0 : i32
      %dma_start3A_448 = tpu.memref_slice %arg6[%dma_start3A_438, %add3A_437, %dma_start3A_447] : memref<2x320x32xf32, #tpu.memory_space<vmem>> -> memref<1x1x32xf32, #tpu.memory_space<vmem>>
      %dma_start3A_449 = tpu.memref_squeeze %dma_start3A_448 : memref<1x1x32xf32, #tpu.memory_space<vmem>> -> memref<1x32xf32, #tpu.memory_space<vmem>>
      %dma_start3A_450 = arith.constant 0 : i32
      %dma_start3A_451 = tpu.memref_slice %arg3[%squeeze3A_433, %dma_start3A_450] : memref<1000000x32xf32, #tpu.memory_space<hbm>> -> memref<1x32xf32, #tpu.memory_space<hbm>>
      tpu.enqueue_dma source(%dma_start3A_451 : memref<1x32xf32, #tpu.memory_space<hbm>>) target(%dma_start3A_449 : memref<1x32xf32, #tpu.memory_space<vmem>>) target_semaphore(%dma_start3A_446 : memref<!tpu.dma_semaphore, #tpu.memory_space<semaphore_mem>>)
      %slice3A_452 = vector.extract_strided_slice %get3A_74 {offsets = [15], sizes = [1], strides = [1]} : vector<16xi32> to vector<1xi32>
      %squeeze3A_453 = vector.extract %slice3A_452[0] : i32 from vector<1xi32>
      %mul3A_454 = arith.constant 20 : i32
      %mul3A_455 = arith.muli %scan3A_63, %mul3A_454 : i32
      %add3A_456 = arith.constant 19 : i32
      %add3A_457 = arith.addi %mul3A_455, %add3A_456 : i32
      %dma_start3A_458 = arith.constant 0 : i32
      %dma_start3A_459 = arith.constant 0 : i32
      %dma_start3A_460 = arith.constant 0 : i32
      %dma_start3A_461 = tpu.memref_slice %arg6[%dma_start3A_458, %add3A_457, %dma_start3A_460] : memref<2x320x32xf32, #tpu.memory_space<vmem>> -> memref<1x1x32xf32, #tpu.memory_space<vmem>>
      %dma_start3A_462 = tpu.memref_squeeze %dma_start3A_461 : memref<1x1x32xf32, #tpu.memory_space<vmem>> -> memref<1x32xf32, #tpu.memory_space<vmem>>
      %dma_start3A_463 = arith.constant 0 : i32
      %dma_start3A_464 = tpu.memref_slice %arg3[%squeeze3A_453, %dma_start3A_463] : memref<1000000x32xf32, #tpu.memory_space<hbm>> -> memref<1x32xf32, #tpu.memory_space<hbm>>
      %dma_start3A_465 = tpu.memref_slice %arg8[%dma_start3A_459] : memref<2x!tpu.dma_semaphore, #tpu.memory_space<semaphore_mem>> -> memref<1x!tpu.dma_semaphore, #tpu.memory_space<semaphore_mem>>
      %dma_start3A_466 = tpu.memref_squeeze %dma_start3A_465 : memref<1x!tpu.dma_semaphore, #tpu.memory_space<semaphore_mem>> -> memref<!tpu.dma_semaphore, #tpu.memory_space<semaphore_mem>>
      %dma_start3A_467 = arith.constant 0 : i32
      %dma_start3A_468 = tpu.memref_slice %arg6[%dma_start3A_458, %add3A_457, %dma_start3A_467] : memref<2x320x32xf32, #tpu.memory_space<vmem>> -> memref<1x1x32xf32, #tpu.memory_space<vmem>>
      %dma_start3A_469 = tpu.memref_squeeze %dma_start3A_468 : memref<1x1x32xf32, #tpu.memory_space<vmem>> -> memref<1x32xf32, #tpu.memory_space<vmem>>
      %dma_start3A_470 = arith.constant 0 : i32
      %dma_start3A_471 = tpu.memref_slice %arg3[%squeeze3A_453, %dma_start3A_470] : memref<1000000x32xf32, #tpu.memory_space<hbm>> -> memref<1x32xf32, #tpu.memory_space<hbm>>
      tpu.enqueue_dma source(%dma_start3A_471 : memref<1x32xf32, #tpu.memory_space<hbm>>) target(%dma_start3A_469 : memref<1x32xf32, #tpu.memory_space<vmem>>) target_semaphore(%dma_start3A_466 : memref<!tpu.dma_semaphore, #tpu.memory_space<semaphore_mem>>)
    }
    %scan3A_12 = arith.constant 16 : i32
    %add3A_13 = arith.constant 16 : i32
    %add3A_14 = arith.addi %multiple_of3A, %add3A_13 : i32
    %run_scoped3A_15 = arith.constant 1 : i32
    "tpu.region"() ({
      %run_scoped3A_63 = tpu.sem_alloc : memref<!tpu.dma_semaphore, #tpu.memory_space<semaphore_mem>>
      %dma_start3A = arith.constant 0 : i32
      %dma_start3A_64 = arith.constant 0 : i32
      %dma_start3A_65 = tpu.memref_slice %arg5[%run_scoped3A_15, %dma_start3A, %dma_start3A_64] : memref<2x16x20xi32, #tpu.memory_space<vmem>> -> memref<1x16x20xi32, #tpu.memory_space<vmem>>
      %dma_start3A_66 = tpu.memref_squeeze %dma_start3A_65 : memref<1x16x20xi32, #tpu.memory_space<vmem>> -> memref<16x20xi32, #tpu.memory_space<vmem>>
      %dma_start3A_67 = arith.constant 0 : i32
      %dma_start3A_68 = tpu.memref_slice %arg2[%add3A_14, %dma_start3A_67] : memref<16384x20xi32, #tpu.memory_space<hbm>> -> memref<16x20xi32, #tpu.memory_space<hbm>>
      %dma_start3A_69 = arith.constant 0 : i32
      %dma_start3A_70 = arith.constant 0 : i32
      %dma_start3A_71 = tpu.memref_slice %arg5[%run_scoped3A_15, %dma_start3A_69, %dma_start3A_70] : memref<2x16x20xi32, #tpu.memory_space<vmem>> -> memref<1x16x20xi32, #tpu.memory_space<vmem>>
      %dma_start3A_72 = tpu.memref_squeeze %dma_start3A_71 : memref<1x16x20xi32, #tpu.memory_space<vmem>> -> memref<16x20xi32, #tpu.memory_space<vmem>>
      %dma_start3A_73 = arith.constant 0 : i32
      %dma_start3A_74 = tpu.memref_slice %arg2[%add3A_14, %dma_start3A_73] : memref<16384x20xi32, #tpu.memory_space<hbm>> -> memref<16x20xi32, #tpu.memory_space<hbm>>
      tpu.enqueue_dma source(%dma_start3A_74 : memref<16x20xi32, #tpu.memory_space<hbm>>) target(%dma_start3A_72 : memref<16x20xi32, #tpu.memory_space<vmem>>) target_semaphore(%run_scoped3A_63 : memref<!tpu.dma_semaphore, #tpu.memory_space<semaphore_mem>>)
      %dma_wait3A_75 = arith.constant 0 : i32
      %dma_wait3A_76 = arith.constant 0 : i32
      %dma_wait3A_77 = tpu.memref_slice %arg5[%run_scoped3A_15, %dma_wait3A_75, %dma_wait3A_76] : memref<2x16x20xi32, #tpu.memory_space<vmem>> -> memref<1x16x20xi32, #tpu.memory_space<vmem>>
      %dma_wait3A_78 = tpu.memref_squeeze %dma_wait3A_77 : memref<1x16x20xi32, #tpu.memory_space<vmem>> -> memref<16x20xi32, #tpu.memory_space<vmem>>
      %dma_wait3A_79 = arith.constant 0 : i32
      %dma_wait3A_80 = tpu.memref_slice %arg2[%add3A_14, %dma_wait3A_79] : memref<16384x20xi32, #tpu.memory_space<hbm>> -> memref<16x20xi32, #tpu.memory_space<hbm>>
      %dma_wait3A_81 = arith.constant 0 : i32
      %dma_wait3A_82 = arith.constant 0 : i32
      %dma_wait3A_83 = tpu.memref_slice %arg5[%run_scoped3A_15, %dma_wait3A_81, %dma_wait3A_82] : memref<2x16x20xi32, #tpu.memory_space<vmem>> -> memref<1x16x20xi32, #tpu.memory_space<vmem>>
      %dma_wait3A_84 = tpu.memref_squeeze %dma_wait3A_83 : memref<1x16x20xi32, #tpu.memory_space<vmem>> -> memref<16x20xi32, #tpu.memory_space<vmem>>
      %dma_wait3A_85 = arith.constant 0 : i32
      %dma_wait3A_86 = tpu.memref_slice %arg2[%add3A_14, %dma_wait3A_85] : memref<16384x20xi32, #tpu.memory_space<hbm>> -> memref<16x20xi32, #tpu.memory_space<hbm>>
      tpu.wait_dma2 semaphore(%run_scoped3A_63 : memref<!tpu.dma_semaphore, #tpu.memory_space<semaphore_mem>>) src(%dma_wait3A_86 : memref<16x20xi32, #tpu.memory_space<hbm>>) dst(%dma_wait3A_84 : memref<16x20xi32, #tpu.memory_space<vmem>>)
      tpu.yield
    }) : () -> ()
    %scan3A_16 = arith.constant 0 : i32
    %scan3A_17 = arith.constant 0 : i32
    %scan3A_18 = arith.constant 16 : i32
    %scan3A_19 = arith.addi %scan3A_17, %scan3A_18 : i32
    %scan3A_20 = arith.constant 1 : i32
    scf.for %scan3A_63 = %scan3A_17 to %scan3A_19 step %scan3A_20  : i32 {
      %get3A = arith.constant 1 : i32
      %get3A_64 = arith.index_cast %get3A : i32 to index
      %get3A_65 = arith.index_cast %scan3A_63 : i32 to index
      %get3A_66 = arith.constant 0 : index
      %get3A_67 = tpu.vector_load %arg5[%get3A_64, %get3A_65, %get3A_66] {strides = array<i32>} : memref<2x16x20xi32, #tpu.memory_space<vmem>>, vector<1x1x16xi32>,
      %get3A_68 = vector.shape_cast %get3A_67 : vector<1x1x16xi32> to vector<16xi32>
      %get3A_69 = arith.constant 1 : i32
      %get3A_70 = arith.index_cast %get3A_69 : i32 to index
      %get3A_71 = arith.index_cast %scan3A_63 : i32 to index
      %get3A_72 = arith.constant 4 : index
      %get3A_73 = tpu.vector_load %arg5[%get3A_70, %get3A_71, %get3A_72] {strides = array<i32>} : memref<2x16x20xi32, #tpu.memory_space<vmem>>, vector<1x1x16xi32>,
      %get3A_74 = vector.shape_cast %get3A_73 : vector<1x1x16xi32> to vector<16xi32>
      %slice3A = vector.extract_strided_slice %get3A_68 {offsets = [0], sizes = [1], strides = [1]} : vector<16xi32> to vector<1xi32>
      %squeeze3A = vector.extract %slice3A[0] : i32 from vector<1xi32>
      %mul3A_75 = arith.constant 20 : i32
      %mul3A_76 = arith.muli %scan3A_63, %mul3A_75 : i32
      %add3A_77 = arith.constant 0 : i32
      %add3A_78 = arith.addi %mul3A_76, %add3A_77 : i32
      %dma_start3A = arith.constant 1 : i32
      %dma_start3A_79 = arith.constant 1 : i32
      %dma_start3A_80 = arith.constant 0 : i32
      %dma_start3A_81 = tpu.memref_slice %arg6[%dma_start3A, %add3A_78, %dma_start3A_80] : memref<2x320x32xf32, #tpu.memory_space<vmem>> -> memref<1x1x32xf32, #tpu.memory_space<vmem>>
      %dma_start3A_82 = tpu.memref_squeeze %dma_start3A_81 : memref<1x1x32xf32, #tpu.memory_space<vmem>> -> memref<1x32xf32, #tpu.memory_space<vmem>>
      %dma_start3A_83 = arith.constant 0 : i32
      %dma_start3A_84 = tpu.memref_slice %arg3[%squeeze3A, %dma_start3A_83] : memref<1000000x32xf32, #tpu.memory_space<hbm>> -> memref<1x32xf32, #tpu.memory_space<hbm>>
      %dma_start3A_85 = tpu.memref_slice %arg8[%dma_start3A_79] : memref<2x!tpu.dma_semaphore, #tpu.memory_space<semaphore_mem>> -> memref<1x!tpu.dma_semaphore, #tpu.memory_space<semaphore_mem>>
      %dma_start3A_86 = tpu.memref_squeeze %dma_start3A_85 : memref<1x!tpu.dma_semaphore, #tpu.memory_space<semaphore_mem>> -> memref<!tpu.dma_semaphore, #tpu.memory_space<semaphore_mem>>
      %dma_start3A_87 = arith.constant 0 : i32
      %dma_start3A_88 = tpu.memref_slice %arg6[%dma_start3A, %add3A_78, %dma_start3A_87] : memref<2x320x32xf32, #tpu.memory_space<vmem>> -> memref<1x1x32xf32, #tpu.memory_space<vmem>>
      %dma_start3A_89 = tpu.memref_squeeze %dma_start3A_88 : memref<1x1x32xf32, #tpu.memory_space<vmem>> -> memref<1x32xf32, #tpu.memory_space<vmem>>
      %dma_start3A_90 = arith.constant 0 : i32
      %dma_start3A_91 = tpu.memref_slice %arg3[%squeeze3A, %dma_start3A_90] : memref<1000000x32xf32, #tpu.memory_space<hbm>> -> memref<1x32xf32, #tpu.memory_space<hbm>>
      tpu.enqueue_dma source(%dma_start3A_91 : memref<1x32xf32, #tpu.memory_space<hbm>>) target(%dma_start3A_89 : memref<1x32xf32, #tpu.memory_space<vmem>>) target_semaphore(%dma_start3A_86 : memref<!tpu.dma_semaphore, #tpu.memory_space<semaphore_mem>>)
      %slice3A_92 = vector.extract_strided_slice %get3A_68 {offsets = [1], sizes = [1], strides = [1]} : vector<16xi32> to vector<1xi32>
      %squeeze3A_93 = vector.extract %slice3A_92[0] : i32 from vector<1xi32>
      %mul3A_94 = arith.constant 20 : i32
      %mul3A_95 = arith.muli %scan3A_63, %mul3A_94 : i32
      %add3A_96 = arith.constant 1 : i32
      %add3A_97 = arith.addi %mul3A_95, %add3A_96 : i32
      %dma_start3A_98 = arith.constant 1 : i32
      %dma_start3A_99 = arith.constant 1 : i32
      %dma_start3A_100 = arith.constant 0 : i32
      %dma_start3A_101 = tpu.memref_slice %arg6[%dma_start3A_98, %add3A_97, %dma_start3A_100] : memref<2x320x32xf32, #tpu.memory_space<vmem>> -> memref<1x1x32xf32, #tpu.memory_space<vmem>>
      %dma_start3A_102 = tpu.memref_squeeze %dma_start3A_101 : memref<1x1x32xf32, #tpu.memory_space<vmem>> -> memref<1x32xf32, #tpu.memory_space<vmem>>
      %dma_start3A_103 = arith.constant 0 : i32
      %dma_start3A_104 = tpu.memref_slice %arg3[%squeeze3A_93, %dma_start3A_103] : memref<1000000x32xf32, #tpu.memory_space<hbm>> -> memref<1x32xf32, #tpu.memory_space<hbm>>
      %dma_start3A_105 = tpu.memref_slice %arg8[%dma_start3A_99] : memref<2x!tpu.dma_semaphore, #tpu.memory_space<semaphore_mem>> -> memref<1x!tpu.dma_semaphore, #tpu.memory_space<semaphore_mem>>
      %dma_start3A_106 = tpu.memref_squeeze %dma_start3A_105 : memref<1x!tpu.dma_semaphore, #tpu.memory_space<semaphore_mem>> -> memref<!tpu.dma_semaphore, #tpu.memory_space<semaphore_mem>>
      %dma_start3A_107 = arith.constant 0 : i32
      %dma_start3A_108 = tpu.memref_slice %arg6[%dma_start3A_98, %add3A_97, %dma_start3A_107] : memref<2x320x32xf32, #tpu.memory_space<vmem>> -> memref<1x1x32xf32, #tpu.memory_space<vmem>>
      %dma_start3A_109 = tpu.memref_squeeze %dma_start3A_108 : memref<1x1x32xf32, #tpu.memory_space<vmem>> -> memref<1x32xf32, #tpu.memory_space<vmem>>
      %dma_start3A_110 = arith.constant 0 : i32
      %dma_start3A_111 = tpu.memref_slice %arg3[%squeeze3A_93, %dma_start3A_110] : memref<1000000x32xf32, #tpu.memory_space<hbm>> -> memref<1x32xf32, #tpu.memory_space<hbm>>
      tpu.enqueue_dma source(%dma_start3A_111 : memref<1x32xf32, #tpu.memory_space<hbm>>) target(%dma_start3A_109 : memref<1x32xf32, #tpu.memory_space<vmem>>) target_semaphore(%dma_start3A_106 : memref<!tpu.dma_semaphore, #tpu.memory_space<semaphore_mem>>)
      %slice3A_112 = vector.extract_strided_slice %get3A_68 {offsets = [2], sizes = [1], strides = [1]} : vector<16xi32> to vector<1xi32>
      %squeeze3A_113 = vector.extract %slice3A_112[0] : i32 from vector<1xi32>
      %mul3A_114 = arith.constant 20 : i32
      %mul3A_115 = arith.muli %scan3A_63, %mul3A_114 : i32
      %add3A_116 = arith.constant 2 : i32
      %add3A_117 = arith.addi %mul3A_115, %add3A_116 : i32
      %dma_start3A_118 = arith.constant 1 : i32
      %dma_start3A_119 = arith.constant 1 : i32
      %dma_start3A_120 = arith.constant 0 : i32
      %dma_start3A_121 = tpu.memref_slice %arg6[%dma_start3A_118, %add3A_117, %dma_start3A_120] : memref<2x320x32xf32, #tpu.memory_space<vmem>> -> memref<1x1x32xf32, #tpu.memory_space<vmem>>
      %dma_start3A_122 = tpu.memref_squeeze %dma_start3A_121 : memref<1x1x32xf32, #tpu.memory_space<vmem>> -> memref<1x32xf32, #tpu.memory_space<vmem>>
      %dma_start3A_123 = arith.constant 0 : i32
      %dma_start3A_124 = tpu.memref_slice %arg3[%squeeze3A_113, %dma_start3A_123] : memref<1000000x32xf32, #tpu.memory_space<hbm>> -> memref<1x32xf32, #tpu.memory_space<hbm>>
      %dma_start3A_125 = tpu.memref_slice %arg8[%dma_start3A_119] : memref<2x!tpu.dma_semaphore, #tpu.memory_space<semaphore_mem>> -> memref<1x!tpu.dma_semaphore, #tpu.memory_space<semaphore_mem>>
      %dma_start3A_126 = tpu.memref_squeeze %dma_start3A_125 : memref<1x!tpu.dma_semaphore, #tpu.memory_space<semaphore_mem>> -> memref<!tpu.dma_semaphore, #tpu.memory_space<semaphore_mem>>
      %dma_start3A_127 = arith.constant 0 : i32
      %dma_start3A_128 = tpu.memref_slice %arg6[%dma_start3A_118, %add3A_117, %dma_start3A_127] : memref<2x320x32xf32, #tpu.memory_space<vmem>> -> memref<1x1x32xf32, #tpu.memory_space<vmem>>
      %dma_start3A_129 = tpu.memref_squeeze %dma_start3A_128 : memref<1x1x32xf32, #tpu.memory_space<vmem>> -> memref<1x32xf32, #tpu.memory_space<vmem>>
      %dma_start3A_130 = arith.constant 0 : i32
      %dma_start3A_131 = tpu.memref_slice %arg3[%squeeze3A_113, %dma_start3A_130] : memref<1000000x32xf32, #tpu.memory_space<hbm>> -> memref<1x32xf32, #tpu.memory_space<hbm>>
      tpu.enqueue_dma source(%dma_start3A_131 : memref<1x32xf32, #tpu.memory_space<hbm>>) target(%dma_start3A_129 : memref<1x32xf32, #tpu.memory_space<vmem>>) target_semaphore(%dma_start3A_126 : memref<!tpu.dma_semaphore, #tpu.memory_space<semaphore_mem>>)
      %slice3A_132 = vector.extract_strided_slice %get3A_68 {offsets = [3], sizes = [1], strides = [1]} : vector<16xi32> to vector<1xi32>
      %squeeze3A_133 = vector.extract %slice3A_132[0] : i32 from vector<1xi32>
      %mul3A_134 = arith.constant 20 : i32
      %mul3A_135 = arith.muli %scan3A_63, %mul3A_134 : i32
      %add3A_136 = arith.constant 3 : i32
      %add3A_137 = arith.addi %mul3A_135, %add3A_136 : i32
      %dma_start3A_138 = arith.constant 1 : i32
      %dma_start3A_139 = arith.constant 1 : i32
      %dma_start3A_140 = arith.constant 0 : i32
      %dma_start3A_141 = tpu.memref_slice %arg6[%dma_start3A_138, %add3A_137, %dma_start3A_140] : memref<2x320x32xf32, #tpu.memory_space<vmem>> -> memref<1x1x32xf32, #tpu.memory_space<vmem>>
      %dma_start3A_142 = tpu.memref_squeeze %dma_start3A_141 : memref<1x1x32xf32, #tpu.memory_space<vmem>> -> memref<1x32xf32, #tpu.memory_space<vmem>>
      %dma_start3A_143 = arith.constant 0 : i32
      %dma_start3A_144 = tpu.memref_slice %arg3[%squeeze3A_133, %dma_start3A_143] : memref<1000000x32xf32, #tpu.memory_space<hbm>> -> memref<1x32xf32, #tpu.memory_space<hbm>>
      %dma_start3A_145 = tpu.memref_slice %arg8[%dma_start3A_139] : memref<2x!tpu.dma_semaphore, #tpu.memory_space<semaphore_mem>> -> memref<1x!tpu.dma_semaphore, #tpu.memory_space<semaphore_mem>>
      %dma_start3A_146 = tpu.memref_squeeze %dma_start3A_145 : memref<1x!tpu.dma_semaphore, #tpu.memory_space<semaphore_mem>> -> memref<!tpu.dma_semaphore, #tpu.memory_space<semaphore_mem>>
      %dma_start3A_147 = arith.constant 0 : i32
      %dma_start3A_148 = tpu.memref_slice %arg6[%dma_start3A_138, %add3A_137, %dma_start3A_147] : memref<2x320x32xf32, #tpu.memory_space<vmem>> -> memref<1x1x32xf32, #tpu.memory_space<vmem>>
      %dma_start3A_149 = tpu.memref_squeeze %dma_start3A_148 : memref<1x1x32xf32, #tpu.memory_space<vmem>> -> memref<1x32xf32, #tpu.memory_space<vmem>>
      %dma_start3A_150 = arith.constant 0 : i32
      %dma_start3A_151 = tpu.memref_slice %arg3[%squeeze3A_133, %dma_start3A_150] : memref<1000000x32xf32, #tpu.memory_space<hbm>> -> memref<1x32xf32, #tpu.memory_space<hbm>>
      tpu.enqueue_dma source(%dma_start3A_151 : memref<1x32xf32, #tpu.memory_space<hbm>>) target(%dma_start3A_149 : memref<1x32xf32, #tpu.memory_space<vmem>>) target_semaphore(%dma_start3A_146 : memref<!tpu.dma_semaphore, #tpu.memory_space<semaphore_mem>>)
      %slice3A_152 = vector.extract_strided_slice %get3A_68 {offsets = [4], sizes = [1], strides = [1]} : vector<16xi32> to vector<1xi32>
      %squeeze3A_153 = vector.extract %slice3A_152[0] : i32 from vector<1xi32>
      %mul3A_154 = arith.constant 20 : i32
      %mul3A_155 = arith.muli %scan3A_63, %mul3A_154 : i32
      %add3A_156 = arith.constant 4 : i32
      %add3A_157 = arith.addi %mul3A_155, %add3A_156 : i32
      %dma_start3A_158 = arith.constant 1 : i32
      %dma_start3A_159 = arith.constant 1 : i32
      %dma_start3A_160 = arith.constant 0 : i32
      %dma_start3A_161 = tpu.memref_slice %arg6[%dma_start3A_158, %add3A_157, %dma_start3A_160] : memref<2x320x32xf32, #tpu.memory_space<vmem>> -> memref<1x1x32xf32, #tpu.memory_space<vmem>>
      %dma_start3A_162 = tpu.memref_squeeze %dma_start3A_161 : memref<1x1x32xf32, #tpu.memory_space<vmem>> -> memref<1x32xf32, #tpu.memory_space<vmem>>
      %dma_start3A_163 = arith.constant 0 : i32
      %dma_start3A_164 = tpu.memref_slice %arg3[%squeeze3A_153, %dma_start3A_163] : memref<1000000x32xf32, #tpu.memory_space<hbm>> -> memref<1x32xf32, #tpu.memory_space<hbm>>
      %dma_start3A_165 = tpu.memref_slice %arg8[%dma_start3A_159] : memref<2x!tpu.dma_semaphore, #tpu.memory_space<semaphore_mem>> -> memref<1x!tpu.dma_semaphore, #tpu.memory_space<semaphore_mem>>
      %dma_start3A_166 = tpu.memref_squeeze %dma_start3A_165 : memref<1x!tpu.dma_semaphore, #tpu.memory_space<semaphore_mem>> -> memref<!tpu.dma_semaphore, #tpu.memory_space<semaphore_mem>>
      %dma_start3A_167 = arith.constant 0 : i32
      %dma_start3A_168 = tpu.memref_slice %arg6[%dma_start3A_158, %add3A_157, %dma_start3A_167] : memref<2x320x32xf32, #tpu.memory_space<vmem>> -> memref<1x1x32xf32, #tpu.memory_space<vmem>>
      %dma_start3A_169 = tpu.memref_squeeze %dma_start3A_168 : memref<1x1x32xf32, #tpu.memory_space<vmem>> -> memref<1x32xf32, #tpu.memory_space<vmem>>
      %dma_start3A_170 = arith.constant 0 : i32
      %dma_start3A_171 = tpu.memref_slice %arg3[%squeeze3A_153, %dma_start3A_170] : memref<1000000x32xf32, #tpu.memory_space<hbm>> -> memref<1x32xf32, #tpu.memory_space<hbm>>
      tpu.enqueue_dma source(%dma_start3A_171 : memref<1x32xf32, #tpu.memory_space<hbm>>) target(%dma_start3A_169 : memref<1x32xf32, #tpu.memory_space<vmem>>) target_semaphore(%dma_start3A_166 : memref<!tpu.dma_semaphore, #tpu.memory_space<semaphore_mem>>)
      %slice3A_172 = vector.extract_strided_slice %get3A_68 {offsets = [5], sizes = [1], strides = [1]} : vector<16xi32> to vector<1xi32>
      %squeeze3A_173 = vector.extract %slice3A_172[0] : i32 from vector<1xi32>
      %mul3A_174 = arith.constant 20 : i32
      %mul3A_175 = arith.muli %scan3A_63, %mul3A_174 : i32
      %add3A_176 = arith.constant 5 : i32
      %add3A_177 = arith.addi %mul3A_175, %add3A_176 : i32
      %dma_start3A_178 = arith.constant 1 : i32
      %dma_start3A_179 = arith.constant 1 : i32
      %dma_start3A_180 = arith.constant 0 : i32
      %dma_start3A_181 = tpu.memref_slice %arg6[%dma_start3A_178, %add3A_177, %dma_start3A_180] : memref<2x320x32xf32, #tpu.memory_space<vmem>> -> memref<1x1x32xf32, #tpu.memory_space<vmem>>
      %dma_start3A_182 = tpu.memref_squeeze %dma_start3A_181 : memref<1x1x32xf32, #tpu.memory_space<vmem>> -> memref<1x32xf32, #tpu.memory_space<vmem>>
      %dma_start3A_183 = arith.constant 0 : i32
      %dma_start3A_184 = tpu.memref_slice %arg3[%squeeze3A_173, %dma_start3A_183] : memref<1000000x32xf32, #tpu.memory_space<hbm>> -> memref<1x32xf32, #tpu.memory_space<hbm>>
      %dma_start3A_185 = tpu.memref_slice %arg8[%dma_start3A_179] : memref<2x!tpu.dma_semaphore, #tpu.memory_space<semaphore_mem>> -> memref<1x!tpu.dma_semaphore, #tpu.memory_space<semaphore_mem>>
      %dma_start3A_186 = tpu.memref_squeeze %dma_start3A_185 : memref<1x!tpu.dma_semaphore, #tpu.memory_space<semaphore_mem>> -> memref<!tpu.dma_semaphore, #tpu.memory_space<semaphore_mem>>
      %dma_start3A_187 = arith.constant 0 : i32
      %dma_start3A_188 = tpu.memref_slice %arg6[%dma_start3A_178, %add3A_177, %dma_start3A_187] : memref<2x320x32xf32, #tpu.memory_space<vmem>> -> memref<1x1x32xf32, #tpu.memory_space<vmem>>
      %dma_start3A_189 = tpu.memref_squeeze %dma_start3A_188 : memref<1x1x32xf32, #tpu.memory_space<vmem>> -> memref<1x32xf32, #tpu.memory_space<vmem>>
      %dma_start3A_190 = arith.constant 0 : i32
      %dma_start3A_191 = tpu.memref_slice %arg3[%squeeze3A_173, %dma_start3A_190] : memref<1000000x32xf32, #tpu.memory_space<hbm>> -> memref<1x32xf32, #tpu.memory_space<hbm>>
      tpu.enqueue_dma source(%dma_start3A_191 : memref<1x32xf32, #tpu.memory_space<hbm>>) target(%dma_start3A_189 : memref<1x32xf32, #tpu.memory_space<vmem>>) target_semaphore(%dma_start3A_186 : memref<!tpu.dma_semaphore, #tpu.memory_space<semaphore_mem>>)
      %slice3A_192 = vector.extract_strided_slice %get3A_68 {offsets = [6], sizes = [1], strides = [1]} : vector<16xi32> to vector<1xi32>
      %squeeze3A_193 = vector.extract %slice3A_192[0] : i32 from vector<1xi32>
      %mul3A_194 = arith.constant 20 : i32
      %mul3A_195 = arith.muli %scan3A_63, %mul3A_194 : i32
      %add3A_196 = arith.constant 6 : i32
      %add3A_197 = arith.addi %mul3A_195, %add3A_196 : i32
      %dma_start3A_198 = arith.constant 1 : i32
      %dma_start3A_199 = arith.constant 1 : i32
      %dma_start3A_200 = arith.constant 0 : i32
      %dma_start3A_201 = tpu.memref_slice %arg6[%dma_start3A_198, %add3A_197, %dma_start3A_200] : memref<2x320x32xf32, #tpu.memory_space<vmem>> -> memref<1x1x32xf32, #tpu.memory_space<vmem>>
      %dma_start3A_202 = tpu.memref_squeeze %dma_start3A_201 : memref<1x1x32xf32, #tpu.memory_space<vmem>> -> memref<1x32xf32, #tpu.memory_space<vmem>>
      %dma_start3A_203 = arith.constant 0 : i32
      %dma_start3A_204 = tpu.memref_slice %arg3[%squeeze3A_193, %dma_start3A_203] : memref<1000000x32xf32, #tpu.memory_space<hbm>> -> memref<1x32xf32, #tpu.memory_space<hbm>>
      %dma_start3A_205 = tpu.memref_slice %arg8[%dma_start3A_199] : memref<2x!tpu.dma_semaphore, #tpu.memory_space<semaphore_mem>> -> memref<1x!tpu.dma_semaphore, #tpu.memory_space<semaphore_mem>>
      %dma_start3A_206 = tpu.memref_squeeze %dma_start3A_205 : memref<1x!tpu.dma_semaphore, #tpu.memory_space<semaphore_mem>> -> memref<!tpu.dma_semaphore, #tpu.memory_space<semaphore_mem>>
      %dma_start3A_207 = arith.constant 0 : i32
      %dma_start3A_208 = tpu.memref_slice %arg6[%dma_start3A_198, %add3A_197, %dma_start3A_207] : memref<2x320x32xf32, #tpu.memory_space<vmem>> -> memref<1x1x32xf32, #tpu.memory_space<vmem>>
      %dma_start3A_209 = tpu.memref_squeeze %dma_start3A_208 : memref<1x1x32xf32, #tpu.memory_space<vmem>> -> memref<1x32xf32, #tpu.memory_space<vmem>>
      %dma_start3A_210 = arith.constant 0 : i32
      %dma_start3A_211 = tpu.memref_slice %arg3[%squeeze3A_193, %dma_start3A_210] : memref<1000000x32xf32, #tpu.memory_space<hbm>> -> memref<1x32xf32, #tpu.memory_space<hbm>>
      tpu.enqueue_dma source(%dma_start3A_211 : memref<1x32xf32, #tpu.memory_space<hbm>>) target(%dma_start3A_209 : memref<1x32xf32, #tpu.memory_space<vmem>>) target_semaphore(%dma_start3A_206 : memref<!tpu.dma_semaphore, #tpu.memory_space<semaphore_mem>>)
      %slice3A_212 = vector.extract_strided_slice %get3A_68 {offsets = [7], sizes = [1], strides = [1]} : vector<16xi32> to vector<1xi32>
      %squeeze3A_213 = vector.extract %slice3A_212[0] : i32 from vector<1xi32>
      %mul3A_214 = arith.constant 20 : i32
      %mul3A_215 = arith.muli %scan3A_63, %mul3A_214 : i32
      %add3A_216 = arith.constant 7 : i32
      %add3A_217 = arith.addi %mul3A_215, %add3A_216 : i32
      %dma_start3A_218 = arith.constant 1 : i32
      %dma_start3A_219 = arith.constant 1 : i32
      %dma_start3A_220 = arith.constant 0 : i32
      %dma_start3A_221 = tpu.memref_slice %arg6[%dma_start3A_218, %add3A_217, %dma_start3A_220] : memref<2x320x32xf32, #tpu.memory_space<vmem>> -> memref<1x1x32xf32, #tpu.memory_space<vmem>>
      %dma_start3A_222 = tpu.memref_squeeze %dma_start3A_221 : memref<1x1x32xf32, #tpu.memory_space<vmem>> -> memref<1x32xf32, #tpu.memory_space<vmem>>
      %dma_start3A_223 = arith.constant 0 : i32
      %dma_start3A_224 = tpu.memref_slice %arg3[%squeeze3A_213, %dma_start3A_223] : memref<1000000x32xf32, #tpu.memory_space<hbm>> -> memref<1x32xf32, #tpu.memory_space<hbm>>
      %dma_start3A_225 = tpu.memref_slice %arg8[%dma_start3A_219] : memref<2x!tpu.dma_semaphore, #tpu.memory_space<semaphore_mem>> -> memref<1x!tpu.dma_semaphore, #tpu.memory_space<semaphore_mem>>
      %dma_start3A_226 = tpu.memref_squeeze %dma_start3A_225 : memref<1x!tpu.dma_semaphore, #tpu.memory_space<semaphore_mem>> -> memref<!tpu.dma_semaphore, #tpu.memory_space<semaphore_mem>>
      %dma_start3A_227 = arith.constant 0 : i32
      %dma_start3A_228 = tpu.memref_slice %arg6[%dma_start3A_218, %add3A_217, %dma_start3A_227] : memref<2x320x32xf32, #tpu.memory_space<vmem>> -> memref<1x1x32xf32, #tpu.memory_space<vmem>>
      %dma_start3A_229 = tpu.memref_squeeze %dma_start3A_228 : memref<1x1x32xf32, #tpu.memory_space<vmem>> -> memref<1x32xf32, #tpu.memory_space<vmem>>
      %dma_start3A_230 = arith.constant 0 : i32
      %dma_start3A_231 = tpu.memref_slice %arg3[%squeeze3A_213, %dma_start3A_230] : memref<1000000x32xf32, #tpu.memory_space<hbm>> -> memref<1x32xf32, #tpu.memory_space<hbm>>
      tpu.enqueue_dma source(%dma_start3A_231 : memref<1x32xf32, #tpu.memory_space<hbm>>) target(%dma_start3A_229 : memref<1x32xf32, #tpu.memory_space<vmem>>) target_semaphore(%dma_start3A_226 : memref<!tpu.dma_semaphore, #tpu.memory_space<semaphore_mem>>)
      %slice3A_232 = vector.extract_strided_slice %get3A_68 {offsets = [8], sizes = [1], strides = [1]} : vector<16xi32> to vector<1xi32>
      %squeeze3A_233 = vector.extract %slice3A_232[0] : i32 from vector<1xi32>
      %mul3A_234 = arith.constant 20 : i32
      %mul3A_235 = arith.muli %scan3A_63, %mul3A_234 : i32
      %add3A_236 = arith.constant 8 : i32
      %add3A_237 = arith.addi %mul3A_235, %add3A_236 : i32
      %dma_start3A_238 = arith.constant 1 : i32
      %dma_start3A_239 = arith.constant 1 : i32
      %dma_start3A_240 = arith.constant 0 : i32
      %dma_start3A_241 = tpu.memref_slice %arg6[%dma_start3A_238, %add3A_237, %dma_start3A_240] : memref<2x320x32xf32, #tpu.memory_space<vmem>> -> memref<1x1x32xf32, #tpu.memory_space<vmem>>
      %dma_start3A_242 = tpu.memref_squeeze %dma_start3A_241 : memref<1x1x32xf32, #tpu.memory_space<vmem>> -> memref<1x32xf32, #tpu.memory_space<vmem>>
      %dma_start3A_243 = arith.constant 0 : i32
      %dma_start3A_244 = tpu.memref_slice %arg3[%squeeze3A_233, %dma_start3A_243] : memref<1000000x32xf32, #tpu.memory_space<hbm>> -> memref<1x32xf32, #tpu.memory_space<hbm>>
      %dma_start3A_245 = tpu.memref_slice %arg8[%dma_start3A_239] : memref<2x!tpu.dma_semaphore, #tpu.memory_space<semaphore_mem>> -> memref<1x!tpu.dma_semaphore, #tpu.memory_space<semaphore_mem>>
      %dma_start3A_246 = tpu.memref_squeeze %dma_start3A_245 : memref<1x!tpu.dma_semaphore, #tpu.memory_space<semaphore_mem>> -> memref<!tpu.dma_semaphore, #tpu.memory_space<semaphore_mem>>
      %dma_start3A_247 = arith.constant 0 : i32
      %dma_start3A_248 = tpu.memref_slice %arg6[%dma_start3A_238, %add3A_237, %dma_start3A_247] : memref<2x320x32xf32, #tpu.memory_space<vmem>> -> memref<1x1x32xf32, #tpu.memory_space<vmem>>
      %dma_start3A_249 = tpu.memref_squeeze %dma_start3A_248 : memref<1x1x32xf32, #tpu.memory_space<vmem>> -> memref<1x32xf32, #tpu.memory_space<vmem>>
      %dma_start3A_250 = arith.constant 0 : i32
      %dma_start3A_251 = tpu.memref_slice %arg3[%squeeze3A_233, %dma_start3A_250] : memref<1000000x32xf32, #tpu.memory_space<hbm>> -> memref<1x32xf32, #tpu.memory_space<hbm>>
      tpu.enqueue_dma source(%dma_start3A_251 : memref<1x32xf32, #tpu.memory_space<hbm>>) target(%dma_start3A_249 : memref<1x32xf32, #tpu.memory_space<vmem>>) target_semaphore(%dma_start3A_246 : memref<!tpu.dma_semaphore, #tpu.memory_space<semaphore_mem>>)
      %slice3A_252 = vector.extract_strided_slice %get3A_68 {offsets = [9], sizes = [1], strides = [1]} : vector<16xi32> to vector<1xi32>
      %squeeze3A_253 = vector.extract %slice3A_252[0] : i32 from vector<1xi32>
      %mul3A_254 = arith.constant 20 : i32
      %mul3A_255 = arith.muli %scan3A_63, %mul3A_254 : i32
      %add3A_256 = arith.constant 9 : i32
      %add3A_257 = arith.addi %mul3A_255, %add3A_256 : i32
      %dma_start3A_258 = arith.constant 1 : i32
      %dma_start3A_259 = arith.constant 1 : i32
      %dma_start3A_260 = arith.constant 0 : i32
      %dma_start3A_261 = tpu.memref_slice %arg6[%dma_start3A_258, %add3A_257, %dma_start3A_260] : memref<2x320x32xf32, #tpu.memory_space<vmem>> -> memref<1x1x32xf32, #tpu.memory_space<vmem>>
      %dma_start3A_262 = tpu.memref_squeeze %dma_start3A_261 : memref<1x1x32xf32, #tpu.memory_space<vmem>> -> memref<1x32xf32, #tpu.memory_space<vmem>>
      %dma_start3A_263 = arith.constant 0 : i32
      %dma_start3A_264 = tpu.memref_slice %arg3[%squeeze3A_253, %dma_start3A_263] : memref<1000000x32xf32, #tpu.memory_space<hbm>> -> memref<1x32xf32, #tpu.memory_space<hbm>>
      %dma_start3A_265 = tpu.memref_slice %arg8[%dma_start3A_259] : memref<2x!tpu.dma_semaphore, #tpu.memory_space<semaphore_mem>> -> memref<1x!tpu.dma_semaphore, #tpu.memory_space<semaphore_mem>>
      %dma_start3A_266 = tpu.memref_squeeze %dma_start3A_265 : memref<1x!tpu.dma_semaphore, #tpu.memory_space<semaphore_mem>> -> memref<!tpu.dma_semaphore, #tpu.memory_space<semaphore_mem>>
      %dma_start3A_267 = arith.constant 0 : i32
      %dma_start3A_268 = tpu.memref_slice %arg6[%dma_start3A_258, %add3A_257, %dma_start3A_267] : memref<2x320x32xf32, #tpu.memory_space<vmem>> -> memref<1x1x32xf32, #tpu.memory_space<vmem>>
      %dma_start3A_269 = tpu.memref_squeeze %dma_start3A_268 : memref<1x1x32xf32, #tpu.memory_space<vmem>> -> memref<1x32xf32, #tpu.memory_space<vmem>>
      %dma_start3A_270 = arith.constant 0 : i32
      %dma_start3A_271 = tpu.memref_slice %arg3[%squeeze3A_253, %dma_start3A_270] : memref<1000000x32xf32, #tpu.memory_space<hbm>> -> memref<1x32xf32, #tpu.memory_space<hbm>>
      tpu.enqueue_dma source(%dma_start3A_271 : memref<1x32xf32, #tpu.memory_space<hbm>>) target(%dma_start3A_269 : memref<1x32xf32, #tpu.memory_space<vmem>>) target_semaphore(%dma_start3A_266 : memref<!tpu.dma_semaphore, #tpu.memory_space<semaphore_mem>>)
      %slice3A_272 = vector.extract_strided_slice %get3A_68 {offsets = [10], sizes = [1], strides = [1]} : vector<16xi32> to vector<1xi32>
      %squeeze3A_273 = vector.extract %slice3A_272[0] : i32 from vector<1xi32>
      %mul3A_274 = arith.constant 20 : i32
      %mul3A_275 = arith.muli %scan3A_63, %mul3A_274 : i32
      %add3A_276 = arith.constant 10 : i32
      %add3A_277 = arith.addi %mul3A_275, %add3A_276 : i32
      %dma_start3A_278 = arith.constant 1 : i32
      %dma_start3A_279 = arith.constant 1 : i32
      %dma_start3A_280 = arith.constant 0 : i32
      %dma_start3A_281 = tpu.memref_slice %arg6[%dma_start3A_278, %add3A_277, %dma_start3A_280] : memref<2x320x32xf32, #tpu.memory_space<vmem>> -> memref<1x1x32xf32, #tpu.memory_space<vmem>>
      %dma_start3A_282 = tpu.memref_squeeze %dma_start3A_281 : memref<1x1x32xf32, #tpu.memory_space<vmem>> -> memref<1x32xf32, #tpu.memory_space<vmem>>
      %dma_start3A_283 = arith.constant 0 : i32
      %dma_start3A_284 = tpu.memref_slice %arg3[%squeeze3A_273, %dma_start3A_283] : memref<1000000x32xf32, #tpu.memory_space<hbm>> -> memref<1x32xf32, #tpu.memory_space<hbm>>
      %dma_start3A_285 = tpu.memref_slice %arg8[%dma_start3A_279] : memref<2x!tpu.dma_semaphore, #tpu.memory_space<semaphore_mem>> -> memref<1x!tpu.dma_semaphore, #tpu.memory_space<semaphore_mem>>
      %dma_start3A_286 = tpu.memref_squeeze %dma_start3A_285 : memref<1x!tpu.dma_semaphore, #tpu.memory_space<semaphore_mem>> -> memref<!tpu.dma_semaphore, #tpu.memory_space<semaphore_mem>>
      %dma_start3A_287 = arith.constant 0 : i32
      %dma_start3A_288 = tpu.memref_slice %arg6[%dma_start3A_278, %add3A_277, %dma_start3A_287] : memref<2x320x32xf32, #tpu.memory_space<vmem>> -> memref<1x1x32xf32, #tpu.memory_space<vmem>>
      %dma_start3A_289 = tpu.memref_squeeze %dma_start3A_288 : memref<1x1x32xf32, #tpu.memory_space<vmem>> -> memref<1x32xf32, #tpu.memory_space<vmem>>
      %dma_start3A_290 = arith.constant 0 : i32
      %dma_start3A_291 = tpu.memref_slice %arg3[%squeeze3A_273, %dma_start3A_290] : memref<1000000x32xf32, #tpu.memory_space<hbm>> -> memref<1x32xf32, #tpu.memory_space<hbm>>
      tpu.enqueue_dma source(%dma_start3A_291 : memref<1x32xf32, #tpu.memory_space<hbm>>) target(%dma_start3A_289 : memref<1x32xf32, #tpu.memory_space<vmem>>) target_semaphore(%dma_start3A_286 : memref<!tpu.dma_semaphore, #tpu.memory_space<semaphore_mem>>)
      %slice3A_292 = vector.extract_strided_slice %get3A_68 {offsets = [11], sizes = [1], strides = [1]} : vector<16xi32> to vector<1xi32>
      %squeeze3A_293 = vector.extract %slice3A_292[0] : i32 from vector<1xi32>
      %mul3A_294 = arith.constant 20 : i32
      %mul3A_295 = arith.muli %scan3A_63, %mul3A_294 : i32
      %add3A_296 = arith.constant 11 : i32
      %add3A_297 = arith.addi %mul3A_295, %add3A_296 : i32
      %dma_start3A_298 = arith.constant 1 : i32
      %dma_start3A_299 = arith.constant 1 : i32
      %dma_start3A_300 = arith.constant 0 : i32
      %dma_start3A_301 = tpu.memref_slice %arg6[%dma_start3A_298, %add3A_297, %dma_start3A_300] : memref<2x320x32xf32, #tpu.memory_space<vmem>> -> memref<1x1x32xf32, #tpu.memory_space<vmem>>
      %dma_start3A_302 = tpu.memref_squeeze %dma_start3A_301 : memref<1x1x32xf32, #tpu.memory_space<vmem>> -> memref<1x32xf32, #tpu.memory_space<vmem>>
      %dma_start3A_303 = arith.constant 0 : i32
      %dma_start3A_304 = tpu.memref_slice %arg3[%squeeze3A_293, %dma_start3A_303] : memref<1000000x32xf32, #tpu.memory_space<hbm>> -> memref<1x32xf32, #tpu.memory_space<hbm>>
      %dma_start3A_305 = tpu.memref_slice %arg8[%dma_start3A_299] : memref<2x!tpu.dma_semaphore, #tpu.memory_space<semaphore_mem>> -> memref<1x!tpu.dma_semaphore, #tpu.memory_space<semaphore_mem>>
      %dma_start3A_306 = tpu.memref_squeeze %dma_start3A_305 : memref<1x!tpu.dma_semaphore, #tpu.memory_space<semaphore_mem>> -> memref<!tpu.dma_semaphore, #tpu.memory_space<semaphore_mem>>
      %dma_start3A_307 = arith.constant 0 : i32
      %dma_start3A_308 = tpu.memref_slice %arg6[%dma_start3A_298, %add3A_297, %dma_start3A_307] : memref<2x320x32xf32, #tpu.memory_space<vmem>> -> memref<1x1x32xf32, #tpu.memory_space<vmem>>
      %dma_start3A_309 = tpu.memref_squeeze %dma_start3A_308 : memref<1x1x32xf32, #tpu.memory_space<vmem>> -> memref<1x32xf32, #tpu.memory_space<vmem>>
      %dma_start3A_310 = arith.constant 0 : i32
      %dma_start3A_311 = tpu.memref_slice %arg3[%squeeze3A_293, %dma_start3A_310] : memref<1000000x32xf32, #tpu.memory_space<hbm>> -> memref<1x32xf32, #tpu.memory_space<hbm>>
      tpu.enqueue_dma source(%dma_start3A_311 : memref<1x32xf32, #tpu.memory_space<hbm>>) target(%dma_start3A_309 : memref<1x32xf32, #tpu.memory_space<vmem>>) target_semaphore(%dma_start3A_306 : memref<!tpu.dma_semaphore, #tpu.memory_space<semaphore_mem>>)
      %slice3A_312 = vector.extract_strided_slice %get3A_68 {offsets = [12], sizes = [1], strides = [1]} : vector<16xi32> to vector<1xi32>
      %squeeze3A_313 = vector.extract %slice3A_312[0] : i32 from vector<1xi32>
      %mul3A_314 = arith.constant 20 : i32
      %mul3A_315 = arith.muli %scan3A_63, %mul3A_314 : i32
      %add3A_316 = arith.constant 12 : i32
      %add3A_317 = arith.addi %mul3A_315, %add3A_316 : i32
      %dma_start3A_318 = arith.constant 1 : i32
      %dma_start3A_319 = arith.constant 1 : i32
      %dma_start3A_320 = arith.constant 0 : i32
      %dma_start3A_321 = tpu.memref_slice %arg6[%dma_start3A_318, %add3A_317, %dma_start3A_320] : memref<2x320x32xf32, #tpu.memory_space<vmem>> -> memref<1x1x32xf32, #tpu.memory_space<vmem>>
      %dma_start3A_322 = tpu.memref_squeeze %dma_start3A_321 : memref<1x1x32xf32, #tpu.memory_space<vmem>> -> memref<1x32xf32, #tpu.memory_space<vmem>>
      %dma_start3A_323 = arith.constant 0 : i32
      %dma_start3A_324 = tpu.memref_slice %arg3[%squeeze3A_313, %dma_start3A_323] : memref<1000000x32xf32, #tpu.memory_space<hbm>> -> memref<1x32xf32, #tpu.memory_space<hbm>>
      %dma_start3A_325 = tpu.memref_slice %arg8[%dma_start3A_319] : memref<2x!tpu.dma_semaphore, #tpu.memory_space<semaphore_mem>> -> memref<1x!tpu.dma_semaphore, #tpu.memory_space<semaphore_mem>>
      %dma_start3A_326 = tpu.memref_squeeze %dma_start3A_325 : memref<1x!tpu.dma_semaphore, #tpu.memory_space<semaphore_mem>> -> memref<!tpu.dma_semaphore, #tpu.memory_space<semaphore_mem>>
      %dma_start3A_327 = arith.constant 0 : i32
      %dma_start3A_328 = tpu.memref_slice %arg6[%dma_start3A_318, %add3A_317, %dma_start3A_327] : memref<2x320x32xf32, #tpu.memory_space<vmem>> -> memref<1x1x32xf32, #tpu.memory_space<vmem>>
      %dma_start3A_329 = tpu.memref_squeeze %dma_start3A_328 : memref<1x1x32xf32, #tpu.memory_space<vmem>> -> memref<1x32xf32, #tpu.memory_space<vmem>>
      %dma_start3A_330 = arith.constant 0 : i32
      %dma_start3A_331 = tpu.memref_slice %arg3[%squeeze3A_313, %dma_start3A_330] : memref<1000000x32xf32, #tpu.memory_space<hbm>> -> memref<1x32xf32, #tpu.memory_space<hbm>>
      tpu.enqueue_dma source(%dma_start3A_331 : memref<1x32xf32, #tpu.memory_space<hbm>>) target(%dma_start3A_329 : memref<1x32xf32, #tpu.memory_space<vmem>>) target_semaphore(%dma_start3A_326 : memref<!tpu.dma_semaphore, #tpu.memory_space<semaphore_mem>>)
      %slice3A_332 = vector.extract_strided_slice %get3A_68 {offsets = [13], sizes = [1], strides = [1]} : vector<16xi32> to vector<1xi32>
      %squeeze3A_333 = vector.extract %slice3A_332[0] : i32 from vector<1xi32>
      %mul3A_334 = arith.constant 20 : i32
      %mul3A_335 = arith.muli %scan3A_63, %mul3A_334 : i32
      %add3A_336 = arith.constant 13 : i32
      %add3A_337 = arith.addi %mul3A_335, %add3A_336 : i32
      %dma_start3A_338 = arith.constant 1 : i32
      %dma_start3A_339 = arith.constant 1 : i32
      %dma_start3A_340 = arith.constant 0 : i32
      %dma_start3A_341 = tpu.memref_slice %arg6[%dma_start3A_338, %add3A_337, %dma_start3A_340] : memref<2x320x32xf32, #tpu.memory_space<vmem>> -> memref<1x1x32xf32, #tpu.memory_space<vmem>>
      %dma_start3A_342 = tpu.memref_squeeze %dma_start3A_341 : memref<1x1x32xf32, #tpu.memory_space<vmem>> -> memref<1x32xf32, #tpu.memory_space<vmem>>
      %dma_start3A_343 = arith.constant 0 : i32
      %dma_start3A_344 = tpu.memref_slice %arg3[%squeeze3A_333, %dma_start3A_343] : memref<1000000x32xf32, #tpu.memory_space<hbm>> -> memref<1x32xf32, #tpu.memory_space<hbm>>
      %dma_start3A_345 = tpu.memref_slice %arg8[%dma_start3A_339] : memref<2x!tpu.dma_semaphore, #tpu.memory_space<semaphore_mem>> -> memref<1x!tpu.dma_semaphore, #tpu.memory_space<semaphore_mem>>
      %dma_start3A_346 = tpu.memref_squeeze %dma_start3A_345 : memref<1x!tpu.dma_semaphore, #tpu.memory_space<semaphore_mem>> -> memref<!tpu.dma_semaphore, #tpu.memory_space<semaphore_mem>>
      %dma_start3A_347 = arith.constant 0 : i32
      %dma_start3A_348 = tpu.memref_slice %arg6[%dma_start3A_338, %add3A_337, %dma_start3A_347] : memref<2x320x32xf32, #tpu.memory_space<vmem>> -> memref<1x1x32xf32, #tpu.memory_space<vmem>>
      %dma_start3A_349 = tpu.memref_squeeze %dma_start3A_348 : memref<1x1x32xf32, #tpu.memory_space<vmem>> -> memref<1x32xf32, #tpu.memory_space<vmem>>
      %dma_start3A_350 = arith.constant 0 : i32
      %dma_start3A_351 = tpu.memref_slice %arg3[%squeeze3A_333, %dma_start3A_350] : memref<1000000x32xf32, #tpu.memory_space<hbm>> -> memref<1x32xf32, #tpu.memory_space<hbm>>
      tpu.enqueue_dma source(%dma_start3A_351 : memref<1x32xf32, #tpu.memory_space<hbm>>) target(%dma_start3A_349 : memref<1x32xf32, #tpu.memory_space<vmem>>) target_semaphore(%dma_start3A_346 : memref<!tpu.dma_semaphore, #tpu.memory_space<semaphore_mem>>)
      %slice3A_352 = vector.extract_strided_slice %get3A_68 {offsets = [14], sizes = [1], strides = [1]} : vector<16xi32> to vector<1xi32>
      %squeeze3A_353 = vector.extract %slice3A_352[0] : i32 from vector<1xi32>
      %mul3A_354 = arith.constant 20 : i32
      %mul3A_355 = arith.muli %scan3A_63, %mul3A_354 : i32
      %add3A_356 = arith.constant 14 : i32
      %add3A_357 = arith.addi %mul3A_355, %add3A_356 : i32
      %dma_start3A_358 = arith.constant 1 : i32
      %dma_start3A_359 = arith.constant 1 : i32
      %dma_start3A_360 = arith.constant 0 : i32
      %dma_start3A_361 = tpu.memref_slice %arg6[%dma_start3A_358, %add3A_357, %dma_start3A_360] : memref<2x320x32xf32, #tpu.memory_space<vmem>> -> memref<1x1x32xf32, #tpu.memory_space<vmem>>
      %dma_start3A_362 = tpu.memref_squeeze %dma_start3A_361 : memref<1x1x32xf32, #tpu.memory_space<vmem>> -> memref<1x32xf32, #tpu.memory_space<vmem>>
      %dma_start3A_363 = arith.constant 0 : i32
      %dma_start3A_364 = tpu.memref_slice %arg3[%squeeze3A_353, %dma_start3A_363] : memref<1000000x32xf32, #tpu.memory_space<hbm>> -> memref<1x32xf32, #tpu.memory_space<hbm>>
      %dma_start3A_365 = tpu.memref_slice %arg8[%dma_start3A_359] : memref<2x!tpu.dma_semaphore, #tpu.memory_space<semaphore_mem>> -> memref<1x!tpu.dma_semaphore, #tpu.memory_space<semaphore_mem>>
      %dma_start3A_366 = tpu.memref_squeeze %dma_start3A_365 : memref<1x!tpu.dma_semaphore, #tpu.memory_space<semaphore_mem>> -> memref<!tpu.dma_semaphore, #tpu.memory_space<semaphore_mem>>
      %dma_start3A_367 = arith.constant 0 : i32
      %dma_start3A_368 = tpu.memref_slice %arg6[%dma_start3A_358, %add3A_357, %dma_start3A_367] : memref<2x320x32xf32, #tpu.memory_space<vmem>> -> memref<1x1x32xf32, #tpu.memory_space<vmem>>
      %dma_start3A_369 = tpu.memref_squeeze %dma_start3A_368 : memref<1x1x32xf32, #tpu.memory_space<vmem>> -> memref<1x32xf32, #tpu.memory_space<vmem>>
      %dma_start3A_370 = arith.constant 0 : i32
      %dma_start3A_371 = tpu.memref_slice %arg3[%squeeze3A_353, %dma_start3A_370] : memref<1000000x32xf32, #tpu.memory_space<hbm>> -> memref<1x32xf32, #tpu.memory_space<hbm>>
      tpu.enqueue_dma source(%dma_start3A_371 : memref<1x32xf32, #tpu.memory_space<hbm>>) target(%dma_start3A_369 : memref<1x32xf32, #tpu.memory_space<vmem>>) target_semaphore(%dma_start3A_366 : memref<!tpu.dma_semaphore, #tpu.memory_space<semaphore_mem>>)
      %slice3A_372 = vector.extract_strided_slice %get3A_68 {offsets = [15], sizes = [1], strides = [1]} : vector<16xi32> to vector<1xi32>
      %squeeze3A_373 = vector.extract %slice3A_372[0] : i32 from vector<1xi32>
      %mul3A_374 = arith.constant 20 : i32
      %mul3A_375 = arith.muli %scan3A_63, %mul3A_374 : i32
      %add3A_376 = arith.constant 15 : i32
      %add3A_377 = arith.addi %mul3A_375, %add3A_376 : i32
      %dma_start3A_378 = arith.constant 1 : i32
      %dma_start3A_379 = arith.constant 1 : i32
      %dma_start3A_380 = arith.constant 0 : i32
      %dma_start3A_381 = tpu.memref_slice %arg6[%dma_start3A_378, %add3A_377, %dma_start3A_380] : memref<2x320x32xf32, #tpu.memory_space<vmem>> -> memref<1x1x32xf32, #tpu.memory_space<vmem>>
      %dma_start3A_382 = tpu.memref_squeeze %dma_start3A_381 : memref<1x1x32xf32, #tpu.memory_space<vmem>> -> memref<1x32xf32, #tpu.memory_space<vmem>>
      %dma_start3A_383 = arith.constant 0 : i32
      %dma_start3A_384 = tpu.memref_slice %arg3[%squeeze3A_373, %dma_start3A_383] : memref<1000000x32xf32, #tpu.memory_space<hbm>> -> memref<1x32xf32, #tpu.memory_space<hbm>>
      %dma_start3A_385 = tpu.memref_slice %arg8[%dma_start3A_379] : memref<2x!tpu.dma_semaphore, #tpu.memory_space<semaphore_mem>> -> memref<1x!tpu.dma_semaphore, #tpu.memory_space<semaphore_mem>>
      %dma_start3A_386 = tpu.memref_squeeze %dma_start3A_385 : memref<1x!tpu.dma_semaphore, #tpu.memory_space<semaphore_mem>> -> memref<!tpu.dma_semaphore, #tpu.memory_space<semaphore_mem>>
      %dma_start3A_387 = arith.constant 0 : i32
      %dma_start3A_388 = tpu.memref_slice %arg6[%dma_start3A_378, %add3A_377, %dma_start3A_387] : memref<2x320x32xf32, #tpu.memory_space<vmem>> -> memref<1x1x32xf32, #tpu.memory_space<vmem>>
      %dma_start3A_389 = tpu.memref_squeeze %dma_start3A_388 : memref<1x1x32xf32, #tpu.memory_space<vmem>> -> memref<1x32xf32, #tpu.memory_space<vmem>>
      %dma_start3A_390 = arith.constant 0 : i32
      %dma_start3A_391 = tpu.memref_slice %arg3[%squeeze3A_373, %dma_start3A_390] : memref<1000000x32xf32, #tpu.memory_space<hbm>> -> memref<1x32xf32, #tpu.memory_space<hbm>>
      tpu.enqueue_dma source(%dma_start3A_391 : memref<1x32xf32, #tpu.memory_space<hbm>>) target(%dma_start3A_389 : memref<1x32xf32, #tpu.memory_space<vmem>>) target_semaphore(%dma_start3A_386 : memref<!tpu.dma_semaphore, #tpu.memory_space<semaphore_mem>>)
      %slice3A_392 = vector.extract_strided_slice %get3A_74 {offsets = [12], sizes = [1], strides = [1]} : vector<16xi32> to vector<1xi32>
      %squeeze3A_393 = vector.extract %slice3A_392[0] : i32 from vector<1xi32>
      %mul3A_394 = arith.constant 20 : i32
      %mul3A_395 = arith.muli %scan3A_63, %mul3A_394 : i32
      %add3A_396 = arith.constant 16 : i32
      %add3A_397 = arith.addi %mul3A_395, %add3A_396 : i32
      %dma_start3A_398 = arith.constant 1 : i32
      %dma_start3A_399 = arith.constant 1 : i32
      %dma_start3A_400 = arith.constant 0 : i32
      %dma_start3A_401 = tpu.memref_slice %arg6[%dma_start3A_398, %add3A_397, %dma_start3A_400] : memref<2x320x32xf32, #tpu.memory_space<vmem>> -> memref<1x1x32xf32, #tpu.memory_space<vmem>>
      %dma_start3A_402 = tpu.memref_squeeze %dma_start3A_401 : memref<1x1x32xf32, #tpu.memory_space<vmem>> -> memref<1x32xf32, #tpu.memory_space<vmem>>
      %dma_start3A_403 = arith.constant 0 : i32
      %dma_start3A_404 = tpu.memref_slice %arg3[%squeeze3A_393, %dma_start3A_403] : memref<1000000x32xf32, #tpu.memory_space<hbm>> -> memref<1x32xf32, #tpu.memory_space<hbm>>
      %dma_start3A_405 = tpu.memref_slice %arg8[%dma_start3A_399] : memref<2x!tpu.dma_semaphore, #tpu.memory_space<semaphore_mem>> -> memref<1x!tpu.dma_semaphore, #tpu.memory_space<semaphore_mem>>
      %dma_start3A_406 = tpu.memref_squeeze %dma_start3A_405 : memref<1x!tpu.dma_semaphore, #tpu.memory_space<semaphore_mem>> -> memref<!tpu.dma_semaphore, #tpu.memory_space<semaphore_mem>>
      %dma_start3A_407 = arith.constant 0 : i32
      %dma_start3A_408 = tpu.memref_slice %arg6[%dma_start3A_398, %add3A_397, %dma_start3A_407] : memref<2x320x32xf32, #tpu.memory_space<vmem>> -> memref<1x1x32xf32, #tpu.memory_space<vmem>>
      %dma_start3A_409 = tpu.memref_squeeze %dma_start3A_408 : memref<1x1x32xf32, #tpu.memory_space<vmem>> -> memref<1x32xf32, #tpu.memory_space<vmem>>
      %dma_start3A_410 = arith.constant 0 : i32
      %dma_start3A_411 = tpu.memref_slice %arg3[%squeeze3A_393, %dma_start3A_410] : memref<1000000x32xf32, #tpu.memory_space<hbm>> -> memref<1x32xf32, #tpu.memory_space<hbm>>
      tpu.enqueue_dma source(%dma_start3A_411 : memref<1x32xf32, #tpu.memory_space<hbm>>) target(%dma_start3A_409 : memref<1x32xf32, #tpu.memory_space<vmem>>) target_semaphore(%dma_start3A_406 : memref<!tpu.dma_semaphore, #tpu.memory_space<semaphore_mem>>)
      %slice3A_412 = vector.extract_strided_slice %get3A_74 {offsets = [13], sizes = [1], strides = [1]} : vector<16xi32> to vector<1xi32>
      %squeeze3A_413 = vector.extract %slice3A_412[0] : i32 from vector<1xi32>
      %mul3A_414 = arith.constant 20 : i32
      %mul3A_415 = arith.muli %scan3A_63, %mul3A_414 : i32
      %add3A_416 = arith.constant 17 : i32
      %add3A_417 = arith.addi %mul3A_415, %add3A_416 : i32
      %dma_start3A_418 = arith.constant 1 : i32
      %dma_start3A_419 = arith.constant 1 : i32
      %dma_start3A_420 = arith.constant 0 : i32
      %dma_start3A_421 = tpu.memref_slice %arg6[%dma_start3A_418, %add3A_417, %dma_start3A_420] : memref<2x320x32xf32, #tpu.memory_space<vmem>> -> memref<1x1x32xf32, #tpu.memory_space<vmem>>
      %dma_start3A_422 = tpu.memref_squeeze %dma_start3A_421 : memref<1x1x32xf32, #tpu.memory_space<vmem>> -> memref<1x32xf32, #tpu.memory_space<vmem>>
      %dma_start3A_423 = arith.constant 0 : i32
      %dma_start3A_424 = tpu.memref_slice %arg3[%squeeze3A_413, %dma_start3A_423] : memref<1000000x32xf32, #tpu.memory_space<hbm>> -> memref<1x32xf32, #tpu.memory_space<hbm>>
      %dma_start3A_425 = tpu.memref_slice %arg8[%dma_start3A_419] : memref<2x!tpu.dma_semaphore, #tpu.memory_space<semaphore_mem>> -> memref<1x!tpu.dma_semaphore, #tpu.memory_space<semaphore_mem>>
      %dma_start3A_426 = tpu.memref_squeeze %dma_start3A_425 : memref<1x!tpu.dma_semaphore, #tpu.memory_space<semaphore_mem>> -> memref<!tpu.dma_semaphore, #tpu.memory_space<semaphore_mem>>
      %dma_start3A_427 = arith.constant 0 : i32
      %dma_start3A_428 = tpu.memref_slice %arg6[%dma_start3A_418, %add3A_417, %dma_start3A_427] : memref<2x320x32xf32, #tpu.memory_space<vmem>> -> memref<1x1x32xf32, #tpu.memory_space<vmem>>
      %dma_start3A_429 = tpu.memref_squeeze %dma_start3A_428 : memref<1x1x32xf32, #tpu.memory_space<vmem>> -> memref<1x32xf32, #tpu.memory_space<vmem>>
      %dma_start3A_430 = arith.constant 0 : i32
      %dma_start3A_431 = tpu.memref_slice %arg3[%squeeze3A_413, %dma_start3A_430] : memref<1000000x32xf32, #tpu.memory_space<hbm>> -> memref<1x32xf32, #tpu.memory_space<hbm>>
      tpu.enqueue_dma source(%dma_start3A_431 : memref<1x32xf32, #tpu.memory_space<hbm>>) target(%dma_start3A_429 : memref<1x32xf32, #tpu.memory_space<vmem>>) target_semaphore(%dma_start3A_426 : memref<!tpu.dma_semaphore, #tpu.memory_space<semaphore_mem>>)
      %slice3A_432 = vector.extract_strided_slice %get3A_74 {offsets = [14], sizes = [1], strides = [1]} : vector<16xi32> to vector<1xi32>
      %squeeze3A_433 = vector.extract %slice3A_432[0] : i32 from vector<1xi32>
      %mul3A_434 = arith.constant 20 : i32
      %mul3A_435 = arith.muli %scan3A_63, %mul3A_434 : i32
      %add3A_436 = arith.constant 18 : i32
      %add3A_437 = arith.addi %mul3A_435, %add3A_436 : i32
      %dma_start3A_438 = arith.constant 1 : i32
      %dma_start3A_439 = arith.constant 1 : i32
      %dma_start3A_440 = arith.constant 0 : i32
      %dma_start3A_441 = tpu.memref_slice %arg6[%dma_start3A_438, %add3A_437, %dma_start3A_440] : memref<2x320x32xf32, #tpu.memory_space<vmem>> -> memref<1x1x32xf32, #tpu.memory_space<vmem>>
      %dma_start3A_442 = tpu.memref_squeeze %dma_start3A_441 : memref<1x1x32xf32, #tpu.memory_space<vmem>> -> memref<1x32xf32, #tpu.memory_space<vmem>>
      %dma_start3A_443 = arith.constant 0 : i32
      %dma_start3A_444 = tpu.memref_slice %arg3[%squeeze3A_433, %dma_start3A_443] : memref<1000000x32xf32, #tpu.memory_space<hbm>> -> memref<1x32xf32, #tpu.memory_space<hbm>>
      %dma_start3A_445 = tpu.memref_slice %arg8[%dma_start3A_439] : memref<2x!tpu.dma_semaphore, #tpu.memory_space<semaphore_mem>> -> memref<1x!tpu.dma_semaphore, #tpu.memory_space<semaphore_mem>>
      %dma_start3A_446 = tpu.memref_squeeze %dma_start3A_445 : memref<1x!tpu.dma_semaphore, #tpu.memory_space<semaphore_mem>> -> memref<!tpu.dma_semaphore, #tpu.memory_space<semaphore_mem>>
      %dma_start3A_447 = arith.constant 0 : i32
      %dma_start3A_448 = tpu.memref_slice %arg6[%dma_start3A_438, %add3A_437, %dma_start3A_447] : memref<2x320x32xf32, #tpu.memory_space<vmem>> -> memref<1x1x32xf32, #tpu.memory_space<vmem>>
      %dma_start3A_449 = tpu.memref_squeeze %dma_start3A_448 : memref<1x1x32xf32, #tpu.memory_space<vmem>> -> memref<1x32xf32, #tpu.memory_space<vmem>>
      %dma_start3A_450 = arith.constant 0 : i32
      %dma_start3A_451 = tpu.memref_slice %arg3[%squeeze3A_433, %dma_start3A_450] : memref<1000000x32xf32, #tpu.memory_space<hbm>> -> memref<1x32xf32, #tpu.memory_space<hbm>>
      tpu.enqueue_dma source(%dma_start3A_451 : memref<1x32xf32, #tpu.memory_space<hbm>>) target(%dma_start3A_449 : memref<1x32xf32, #tpu.memory_space<vmem>>) target_semaphore(%dma_start3A_446 : memref<!tpu.dma_semaphore, #tpu.memory_space<semaphore_mem>>)
      %slice3A_452 = vector.extract_strided_slice %get3A_74 {offsets = [15], sizes = [1], strides = [1]} : vector<16xi32> to vector<1xi32>
      %squeeze3A_453 = vector.extract %slice3A_452[0] : i32 from vector<1xi32>
      %mul3A_454 = arith.constant 20 : i32
      %mul3A_455 = arith.muli %scan3A_63, %mul3A_454 : i32
      %add3A_456 = arith.constant 19 : i32
      %add3A_457 = arith.addi %mul3A_455, %add3A_456 : i32
      %dma_start3A_458 = arith.constant 1 : i32
      %dma_start3A_459 = arith.constant 1 : i32
      %dma_start3A_460 = arith.constant 0 : i32
      %dma_start3A_461 = tpu.memref_slice %arg6[%dma_start3A_458, %add3A_457, %dma_start3A_460] : memref<2x320x32xf32, #tpu.memory_space<vmem>> -> memref<1x1x32xf32, #tpu.memory_space<vmem>>
      %dma_start3A_462 = tpu.memref_squeeze %dma_start3A_461 : memref<1x1x32xf32, #tpu.memory_space<vmem>> -> memref<1x32xf32, #tpu.memory_space<vmem>>
      %dma_start3A_463 = arith.constant 0 : i32
      %dma_start3A_464 = tpu.memref_slice %arg3[%squeeze3A_453, %dma_start3A_463] : memref<1000000x32xf32, #tpu.memory_space<hbm>> -> memref<1x32xf32, #tpu.memory_space<hbm>>
      %dma_start3A_465 = tpu.memref_slice %arg8[%dma_start3A_459] : memref<2x!tpu.dma_semaphore, #tpu.memory_space<semaphore_mem>> -> memref<1x!tpu.dma_semaphore, #tpu.memory_space<semaphore_mem>>
      %dma_start3A_466 = tpu.memref_squeeze %dma_start3A_465 : memref<1x!tpu.dma_semaphore, #tpu.memory_space<semaphore_mem>> -> memref<!tpu.dma_semaphore, #tpu.memory_space<semaphore_mem>>
      %dma_start3A_467 = arith.constant 0 : i32
      %dma_start3A_468 = tpu.memref_slice %arg6[%dma_start3A_458, %add3A_457, %dma_start3A_467] : memref<2x320x32xf32, #tpu.memory_space<vmem>> -> memref<1x1x32xf32, #tpu.memory_space<vmem>>
      %dma_start3A_469 = tpu.memref_squeeze %dma_start3A_468 : memref<1x1x32xf32, #tpu.memory_space<vmem>> -> memref<1x32xf32, #tpu.memory_space<vmem>>
      %dma_start3A_470 = arith.constant 0 : i32
      %dma_start3A_471 = tpu.memref_slice %arg3[%squeeze3A_453, %dma_start3A_470] : memref<1000000x32xf32, #tpu.memory_space<hbm>> -> memref<1x32xf32, #tpu.memory_space<hbm>>
      tpu.enqueue_dma source(%dma_start3A_471 : memref<1x32xf32, #tpu.memory_space<hbm>>) target(%dma_start3A_469 : memref<1x32xf32, #tpu.memory_space<vmem>>) target_semaphore(%dma_start3A_466 : memref<!tpu.dma_semaphore, #tpu.memory_space<semaphore_mem>>)
    }
    %scan3A_21 = arith.constant 16 : i32
    %scan3A_22 = arith.constant 0 : i32
    %scan3A_23 = arith.constant 0 : i32
    %scan3A_24 = arith.constant 16 : i32
    %scan3A_25 = arith.addi %scan3A_23, %scan3A_24 : i32
    %scan3A_26 = arith.constant 1 : i32
    scf.for %scan3A_63 = %scan3A_23 to %scan3A_25 step %scan3A_26  : i32 {
      %mul3A_64 = arith.constant 2 : i32
      %mul3A_65 = arith.muli %scan3A_63, %mul3A_64 : i32
      %add3A_66 = arith.constant 0 : i32
      %add3A_67 = arith.addi %mul3A_65, %add3A_66 : i32
      %dma_wait3A_68 = arith.constant 0 : i32
      %dma_wait3A_69 = arith.constant 0 : i32
      %dma_wait3A_70 = arith.constant 0 : i32
      %dma_wait3A_71 = arith.constant 0 : i32
      %dma_wait3A_72 = tpu.memref_slice %arg6[%dma_wait3A_68, %dma_wait3A_70, %dma_wait3A_71] : memref<2x320x32xf32, #tpu.memory_space<vmem>> -> memref<1x320x32xf32, #tpu.memory_space<vmem>>
      %dma_wait3A_73 = tpu.memref_squeeze %dma_wait3A_72 : memref<1x320x32xf32, #tpu.memory_space<vmem>> -> memref<320x32xf32, #tpu.memory_space<vmem>>
      %dma_wait3A_74 = arith.constant 0 : i32
      %dma_wait3A_75 = arith.constant 0 : i32
      %dma_wait3A_76 = tpu.memref_slice %arg3[%dma_wait3A_74, %dma_wait3A_75] : memref<1000000x32xf32, #tpu.memory_space<hbm>> -> memref<320x32xf32, #tpu.memory_space<hbm>>
      %dma_wait3A_77 = tpu.memref_slice %arg8[%dma_wait3A_69] : memref<2x!tpu.dma_semaphore, #tpu.memory_space<semaphore_mem>> -> memref<1x!tpu.dma_semaphore, #tpu.memory_space<semaphore_mem>>
      %dma_wait3A_78 = tpu.memref_squeeze %dma_wait3A_77 : memref<1x!tpu.dma_semaphore, #tpu.memory_space<semaphore_mem>> -> memref<!tpu.dma_semaphore, #tpu.memory_space<semaphore_mem>>
      %dma_wait3A_79 = arith.constant 0 : i32
      %dma_wait3A_80 = arith.constant 0 : i32
      %dma_wait3A_81 = tpu.memref_slice %arg6[%dma_wait3A_68, %dma_wait3A_79, %dma_wait3A_80] : memref<2x320x32xf32, #tpu.memory_space<vmem>> -> memref<1x320x32xf32, #tpu.memory_space<vmem>>
      %dma_wait3A_82 = tpu.memref_squeeze %dma_wait3A_81 : memref<1x320x32xf32, #tpu.memory_space<vmem>> -> memref<320x32xf32, #tpu.memory_space<vmem>>
      %dma_wait3A_83 = arith.constant 0 : i32
      %dma_wait3A_84 = arith.constant 0 : i32
      %dma_wait3A_85 = tpu.memref_slice %arg3[%dma_wait3A_83, %dma_wait3A_84] : memref<1000000x32xf32, #tpu.memory_space<hbm>> -> memref<320x32xf32, #tpu.memory_space<hbm>>
      tpu.wait_dma2 semaphore(%dma_wait3A_78 : memref<!tpu.dma_semaphore, #tpu.memory_space<semaphore_mem>>) src(%dma_wait3A_85 : memref<320x32xf32, #tpu.memory_space<hbm>>) dst(%dma_wait3A_82 : memref<320x32xf32, #tpu.memory_space<vmem>>)
      %ge3A = arith.constant 2 : i32
      %ge3A_86 = arith.cmpi sge, %add3A_67, %ge3A : i32
      %convert_element_type3A = arith.extui %ge3A_86 : i1 to i32
      %cond3A = arith.constant 0 : i32
      %cond3A_87 = arith.cmpi ne, %convert_element_type3A, %cond3A : i32
      scf.if %cond3A_87 {
        %sub3A = arith.constant 2 : i32
        %sub3A_177 = arith.subi %add3A_67, %sub3A : i32
        %mul3A_178 = arith.constant 80 : i32
        %mul3A_179 = arith.muli %sub3A_177, %mul3A_178 : i32
        %add3A_180 = arith.addi %multiple_of3A_5, %mul3A_179 : i32
        %dma_wait3A_181 = arith.constant 0 : i32
        %dma_wait3A_182 = arith.constant 0 : i32
        %dma_wait3A_183 = arith.constant 0 : i32
        %dma_wait3A_184 = arith.constant 0 : i32
        %dma_wait3A_185 = tpu.memref_slice %arg7[%dma_wait3A_181, %dma_wait3A_183, %dma_wait3A_184] : memref<2x80x128xf32, #tpu.memory_space<vmem>> -> memref<1x80x128xf32, #tpu.memory_space<vmem>>
        %dma_wait3A_186 = tpu.memref_squeeze %dma_wait3A_185 : memref<1x80x128xf32, #tpu.memory_space<vmem>> -> memref<80x128xf32, #tpu.memory_space<vmem>>
        %dma_wait3A_187 = arith.constant 0 : i32
        %dma_wait3A_188 = tpu.memref_slice %arg4[%add3A_180, %dma_wait3A_187] : memref<81920x128xf32, #tpu.memory_space<hbm>> -> memref<80x128xf32, #tpu.memory_space<hbm>>
        %dma_wait3A_189 = tpu.memref_slice %arg9[%dma_wait3A_182] : memref<2x!tpu.dma_semaphore, #tpu.memory_space<semaphore_mem>> -> memref<1x!tpu.dma_semaphore, #tpu.memory_space<semaphore_mem>>
        %dma_wait3A_190 = tpu.memref_squeeze %dma_wait3A_189 : memref<1x!tpu.dma_semaphore, #tpu.memory_space<semaphore_mem>> -> memref<!tpu.dma_semaphore, #tpu.memory_space<semaphore_mem>>
        %dma_wait3A_191 = arith.constant 0 : i32
        %dma_wait3A_192 = tpu.memref_slice %arg4[%add3A_180, %dma_wait3A_191] : memref<81920x128xf32, #tpu.memory_space<hbm>> -> memref<80x128xf32, #tpu.memory_space<hbm>>
        %dma_wait3A_193 = arith.constant 0 : i32
        %dma_wait3A_194 = arith.constant 0 : i32
        %dma_wait3A_195 = tpu.memref_slice %arg7[%dma_wait3A_181, %dma_wait3A_193, %dma_wait3A_194] : memref<2x80x128xf32, #tpu.memory_space<vmem>> -> memref<1x80x128xf32, #tpu.memory_space<vmem>>
        %dma_wait3A_196 = tpu.memref_squeeze %dma_wait3A_195 : memref<1x80x128xf32, #tpu.memory_space<vmem>> -> memref<80x128xf32, #tpu.memory_space<vmem>>
        tpu.wait_dma2 semaphore(%dma_wait3A_190 : memref<!tpu.dma_semaphore, #tpu.memory_space<semaphore_mem>>) src(%dma_wait3A_196 : memref<80x128xf32, #tpu.memory_space<vmem>>) dst(%dma_wait3A_192 : memref<80x128xf32, #tpu.memory_space<hbm>>)
      } else {
      }
      %scan3A_88 = arith.constant 0 : i32
      %scan3A_89 = arith.constant 0 : i32
      %scan3A_90 = arith.constant 80 : i32
      %scan3A_91 = arith.addi %scan3A_89, %scan3A_90 : i32
      %scan3A_92 = arith.constant 1 : i32
      scf.for %scan3A_177 = %scan3A_89 to %scan3A_91 step %scan3A_92  : i32 {
        %mul3A_178 = arith.constant 4 : i32
        %mul3A_179 = arith.muli %scan3A_177, %mul3A_178 : i32
        %add3A_180 = arith.constant 0 : i32
        %add3A_181 = arith.addi %mul3A_179, %add3A_180 : i32
        %get3A = arith.constant 0 : i32
        %get3A_182 = arith.index_cast %get3A : i32 to index
        %get3A_183 = arith.index_cast %add3A_181 : i32 to index
        %get3A_184 = arith.constant 0 : index
        %get3A_185 = tpu.vector_load %arg6[%get3A_182, %get3A_183, %get3A_184] {strides = array<i32>} : memref<2x320x32xf32, #tpu.memory_space<vmem>>, vector<1x1x16xf32>,
        %get3A_186 = vector.shape_cast %get3A_185 : vector<1x1x16xf32> to vector<16xf32>
        %get3A_187 = arith.constant 0 : i32
        %get3A_188 = arith.index_cast %get3A_187 : i32 to index
        %get3A_189 = arith.index_cast %add3A_181 : i32 to index
        %get3A_190 = arith.constant 16 : index
        %get3A_191 = tpu.vector_load %arg6[%get3A_188, %get3A_189, %get3A_190] {strides = array<i32>} : memref<2x320x32xf32, #tpu.memory_space<vmem>>, vector<1x1x16xf32>,
        %get3A_192 = vector.shape_cast %get3A_191 : vector<1x1x16xf32> to vector<16xf32>
        %swap3A = arith.constant 0 : i32
        %swap3A_193 = arith.constant 0 : i32
        %swap3A_194 = arith.constant 0 : i32
        %swap3A_195 = tpu.memref_slice %arg7[%swap3A, %swap3A_193, %swap3A_194] : memref<2x80x128xf32, #tpu.memory_space<vmem>> -> memref<1x80x128xf32, #tpu.memory_space<vmem>>
        %swap3A_196 = tpu.memref_squeeze %swap3A_195 : memref<1x80x128xf32, #tpu.memory_space<vmem>> -> memref<80x128xf32, #tpu.memory_space<vmem>>
        %swap3A_197 = arith.index_cast %scan3A_177 : i32 to index
        %swap3A_198 = arith.constant 0 : index
        %swap3A_199 = tpu.vector_load %swap3A_196[%swap3A_197, %swap3A_198] {strides = array<i32>} : memref<80x128xf32, #tpu.memory_space<vmem>>, vector<1x16xf32>,
        %swap3A_200 = vector.shape_cast %swap3A_199 : vector<1x16xf32> to vector<16xf32>
        %swap3A_201 = vector.shape_cast %get3A_186 : vector<16xf32> to vector<1x16xf32>
        tpu.vector_store %swap3A_196[%swap3A_197, %swap3A_198], %swap3A_201 {strides = array<i32>} : memref<80x128xf32, #tpu.memory_space<vmem>>, vector<1x16xf32>,
        %swap3A_202 = arith.constant 0 : i32
        %swap3A_203 = arith.constant 0 : i32
        %swap3A_204 = arith.constant 0 : i32
        %swap3A_205 = tpu.memref_slice %arg7[%swap3A_202, %swap3A_203, %swap3A_204] : memref<2x80x128xf32, #tpu.memory_space<vmem>> -> memref<1x80x128xf32, #tpu.memory_space<vmem>>
        %swap3A_206 = tpu.memref_squeeze %swap3A_205 : memref<1x80x128xf32, #tpu.memory_space<vmem>> -> memref<80x128xf32, #tpu.memory_space<vmem>>
        %swap3A_207 = arith.index_cast %scan3A_177 : i32 to index
        %swap3A_208 = arith.constant 16 : index
        %swap3A_209 = tpu.vector_load %swap3A_206[%swap3A_207, %swap3A_208] {strides = array<i32>} : memref<80x128xf32, #tpu.memory_space<vmem>>, vector<1x16xf32>,
        %swap3A_210 = vector.shape_cast %swap3A_209 : vector<1x16xf32> to vector<16xf32>
        %swap3A_211 = vector.shape_cast %get3A_192 : vector<16xf32> to vector<1x16xf32>
        tpu.vector_store %swap3A_206[%swap3A_207, %swap3A_208], %swap3A_211 {strides = array<i32>} : memref<80x128xf32, #tpu.memory_space<vmem>>, vector<1x16xf32>,
        %mul3A_212 = arith.constant 4 : i32
        %mul3A_213 = arith.muli %scan3A_177, %mul3A_212 : i32
        %add3A_214 = arith.constant 1 : i32
        %add3A_215 = arith.addi %mul3A_213, %add3A_214 : i32
        %get3A_216 = arith.constant 0 : i32
        %get3A_217 = arith.index_cast %get3A_216 : i32 to index
        %get3A_218 = arith.index_cast %add3A_215 : i32 to index
        %get3A_219 = arith.constant 0 : index
        %get3A_220 = tpu.vector_load %arg6[%get3A_217, %get3A_218, %get3A_219] {strides = array<i32>} : memref<2x320x32xf32, #tpu.memory_space<vmem>>, vector<1x1x16xf32>,
        %get3A_221 = vector.shape_cast %get3A_220 : vector<1x1x16xf32> to vector<16xf32>
        %get3A_222 = arith.constant 0 : i32
        %get3A_223 = arith.index_cast %get3A_222 : i32 to index
        %get3A_224 = arith.index_cast %add3A_215 : i32 to index
        %get3A_225 = arith.constant 16 : index
        %get3A_226 = tpu.vector_load %arg6[%get3A_223, %get3A_224, %get3A_225] {strides = array<i32>} : memref<2x320x32xf32, #tpu.memory_space<vmem>>, vector<1x1x16xf32>,
        %get3A_227 = vector.shape_cast %get3A_226 : vector<1x1x16xf32> to vector<16xf32>
        %swap3A_228 = arith.constant 0 : i32
        %swap3A_229 = arith.constant 0 : i32
        %swap3A_230 = arith.constant 0 : i32
        %swap3A_231 = tpu.memref_slice %arg7[%swap3A_228, %swap3A_229, %swap3A_230] : memref<2x80x128xf32, #tpu.memory_space<vmem>> -> memref<1x80x128xf32, #tpu.memory_space<vmem>>
        %swap3A_232 = tpu.memref_squeeze %swap3A_231 : memref<1x80x128xf32, #tpu.memory_space<vmem>> -> memref<80x128xf32, #tpu.memory_space<vmem>>
        %swap3A_233 = arith.index_cast %scan3A_177 : i32 to index
        %swap3A_234 = arith.constant 32 : index
        %swap3A_235 = tpu.vector_load %swap3A_232[%swap3A_233, %swap3A_234] {strides = array<i32>} : memref<80x128xf32, #tpu.memory_space<vmem>>, vector<1x16xf32>,
        %swap3A_236 = vector.shape_cast %swap3A_235 : vector<1x16xf32> to vector<16xf32>
        %swap3A_237 = vector.shape_cast %get3A_221 : vector<16xf32> to vector<1x16xf32>
        tpu.vector_store %swap3A_232[%swap3A_233, %swap3A_234], %swap3A_237 {strides = array<i32>} : memref<80x128xf32, #tpu.memory_space<vmem>>, vector<1x16xf32>,
        %swap3A_238 = arith.constant 0 : i32
        %swap3A_239 = arith.constant 0 : i32
        %swap3A_240 = arith.constant 0 : i32
        %swap3A_241 = tpu.memref_slice %arg7[%swap3A_238, %swap3A_239, %swap3A_240] : memref<2x80x128xf32, #tpu.memory_space<vmem>> -> memref<1x80x128xf32, #tpu.memory_space<vmem>>
        %swap3A_242 = tpu.memref_squeeze %swap3A_241 : memref<1x80x128xf32, #tpu.memory_space<vmem>> -> memref<80x128xf32, #tpu.memory_space<vmem>>
        %swap3A_243 = arith.index_cast %scan3A_177 : i32 to index
        %swap3A_244 = arith.constant 48 : index
        %swap3A_245 = tpu.vector_load %swap3A_242[%swap3A_243, %swap3A_244] {strides = array<i32>} : memref<80x128xf32, #tpu.memory_space<vmem>>, vector<1x16xf32>,
        %swap3A_246 = vector.shape_cast %swap3A_245 : vector<1x16xf32> to vector<16xf32>
        %swap3A_247 = vector.shape_cast %get3A_227 : vector<16xf32> to vector<1x16xf32>
        tpu.vector_store %swap3A_242[%swap3A_243, %swap3A_244], %swap3A_247 {strides = array<i32>} : memref<80x128xf32, #tpu.memory_space<vmem>>, vector<1x16xf32>,
        %mul3A_248 = arith.constant 4 : i32
        %mul3A_249 = arith.muli %scan3A_177, %mul3A_248 : i32
        %add3A_250 = arith.constant 2 : i32
        %add3A_251 = arith.addi %mul3A_249, %add3A_250 : i32
        %get3A_252 = arith.constant 0 : i32
        %get3A_253 = arith.index_cast %get3A_252 : i32 to index
        %get3A_254 = arith.index_cast %add3A_251 : i32 to index
        %get3A_255 = arith.constant 0 : index
        %get3A_256 = tpu.vector_load %arg6[%get3A_253, %get3A_254, %get3A_255] {strides = array<i32>} : memref<2x320x32xf32, #tpu.memory_space<vmem>>, vector<1x1x16xf32>,
        %get3A_257 = vector.shape_cast %get3A_256 : vector<1x1x16xf32> to vector<16xf32>
        %get3A_258 = arith.constant 0 : i32
        %get3A_259 = arith.index_cast %get3A_258 : i32 to index
        %get3A_260 = arith.index_cast %add3A_251 : i32 to index
        %get3A_261 = arith.constant 16 : index
        %get3A_262 = tpu.vector_load %arg6[%get3A_259, %get3A_260, %get3A_261] {strides = array<i32>} : memref<2x320x32xf32, #tpu.memory_space<vmem>>, vector<1x1x16xf32>,
        %get3A_263 = vector.shape_cast %get3A_262 : vector<1x1x16xf32> to vector<16xf32>
        %swap3A_264 = arith.constant 0 : i32
        %swap3A_265 = arith.constant 0 : i32
        %swap3A_266 = arith.constant 0 : i32
        %swap3A_267 = tpu.memref_slice %arg7[%swap3A_264, %swap3A_265, %swap3A_266] : memref<2x80x128xf32, #tpu.memory_space<vmem>> -> memref<1x80x128xf32, #tpu.memory_space<vmem>>
        %swap3A_268 = tpu.memref_squeeze %swap3A_267 : memref<1x80x128xf32, #tpu.memory_space<vmem>> -> memref<80x128xf32, #tpu.memory_space<vmem>>
        %swap3A_269 = arith.index_cast %scan3A_177 : i32 to index
        %swap3A_270 = arith.constant 64 : index
        %swap3A_271 = tpu.vector_load %swap3A_268[%swap3A_269, %swap3A_270] {strides = array<i32>} : memref<80x128xf32, #tpu.memory_space<vmem>>, vector<1x16xf32>,
        %swap3A_272 = vector.shape_cast %swap3A_271 : vector<1x16xf32> to vector<16xf32>
        %swap3A_273 = vector.shape_cast %get3A_257 : vector<16xf32> to vector<1x16xf32>
        tpu.vector_store %swap3A_268[%swap3A_269, %swap3A_270], %swap3A_273 {strides = array<i32>} : memref<80x128xf32, #tpu.memory_space<vmem>>, vector<1x16xf32>,
        %swap3A_274 = arith.constant 0 : i32
        %swap3A_275 = arith.constant 0 : i32
        %swap3A_276 = arith.constant 0 : i32
        %swap3A_277 = tpu.memref_slice %arg7[%swap3A_274, %swap3A_275, %swap3A_276] : memref<2x80x128xf32, #tpu.memory_space<vmem>> -> memref<1x80x128xf32, #tpu.memory_space<vmem>>
        %swap3A_278 = tpu.memref_squeeze %swap3A_277 : memref<1x80x128xf32, #tpu.memory_space<vmem>> -> memref<80x128xf32, #tpu.memory_space<vmem>>
        %swap3A_279 = arith.index_cast %scan3A_177 : i32 to index
        %swap3A_280 = arith.constant 80 : index
        %swap3A_281 = tpu.vector_load %swap3A_278[%swap3A_279, %swap3A_280] {strides = array<i32>} : memref<80x128xf32, #tpu.memory_space<vmem>>, vector<1x16xf32>,
        %swap3A_282 = vector.shape_cast %swap3A_281 : vector<1x16xf32> to vector<16xf32>
        %swap3A_283 = vector.shape_cast %get3A_263 : vector<16xf32> to vector<1x16xf32>
        tpu.vector_store %swap3A_278[%swap3A_279, %swap3A_280], %swap3A_283 {strides = array<i32>} : memref<80x128xf32, #tpu.memory_space<vmem>>, vector<1x16xf32>,
        %mul3A_284 = arith.constant 4 : i32
        %mul3A_285 = arith.muli %scan3A_177, %mul3A_284 : i32
        %add3A_286 = arith.constant 3 : i32
        %add3A_287 = arith.addi %mul3A_285, %add3A_286 : i32
        %get3A_288 = arith.constant 0 : i32
        %get3A_289 = arith.index_cast %get3A_288 : i32 to index
        %get3A_290 = arith.index_cast %add3A_287 : i32 to index
        %get3A_291 = arith.constant 0 : index
        %get3A_292 = tpu.vector_load %arg6[%get3A_289, %get3A_290, %get3A_291] {strides = array<i32>} : memref<2x320x32xf32, #tpu.memory_space<vmem>>, vector<1x1x16xf32>,
        %get3A_293 = vector.shape_cast %get3A_292 : vector<1x1x16xf32> to vector<16xf32>
        %get3A_294 = arith.constant 0 : i32
        %get3A_295 = arith.index_cast %get3A_294 : i32 to index
        %get3A_296 = arith.index_cast %add3A_287 : i32 to index
        %get3A_297 = arith.constant 16 : index
        %get3A_298 = tpu.vector_load %arg6[%get3A_295, %get3A_296, %get3A_297] {strides = array<i32>} : memref<2x320x32xf32, #tpu.memory_space<vmem>>, vector<1x1x16xf32>,
        %get3A_299 = vector.shape_cast %get3A_298 : vector<1x1x16xf32> to vector<16xf32>
        %swap3A_300 = arith.constant 0 : i32
        %swap3A_301 = arith.constant 0 : i32
        %swap3A_302 = arith.constant 0 : i32
        %swap3A_303 = tpu.memref_slice %arg7[%swap3A_300, %swap3A_301, %swap3A_302] : memref<2x80x128xf32, #tpu.memory_space<vmem>> -> memref<1x80x128xf32, #tpu.memory_space<vmem>>
        %swap3A_304 = tpu.memref_squeeze %swap3A_303 : memref<1x80x128xf32, #tpu.memory_space<vmem>> -> memref<80x128xf32, #tpu.memory_space<vmem>>
        %swap3A_305 = arith.index_cast %scan3A_177 : i32 to index
        %swap3A_306 = arith.constant 96 : index
        %swap3A_307 = tpu.vector_load %swap3A_304[%swap3A_305, %swap3A_306] {strides = array<i32>} : memref<80x128xf32, #tpu.memory_space<vmem>>, vector<1x16xf32>,
        %swap3A_308 = vector.shape_cast %swap3A_307 : vector<1x16xf32> to vector<16xf32>
        %swap3A_309 = vector.shape_cast %get3A_293 : vector<16xf32> to vector<1x16xf32>
        tpu.vector_store %swap3A_304[%swap3A_305, %swap3A_306], %swap3A_309 {strides = array<i32>} : memref<80x128xf32, #tpu.memory_space<vmem>>, vector<1x16xf32>,
        %swap3A_310 = arith.constant 0 : i32
        %swap3A_311 = arith.constant 0 : i32
        %swap3A_312 = arith.constant 0 : i32
        %swap3A_313 = tpu.memref_slice %arg7[%swap3A_310, %swap3A_311, %swap3A_312] : memref<2x80x128xf32, #tpu.memory_space<vmem>> -> memref<1x80x128xf32, #tpu.memory_space<vmem>>
        %swap3A_314 = tpu.memref_squeeze %swap3A_313 : memref<1x80x128xf32, #tpu.memory_space<vmem>> -> memref<80x128xf32, #tpu.memory_space<vmem>>
        %swap3A_315 = arith.index_cast %scan3A_177 : i32 to index
        %swap3A_316 = arith.constant 112 : index
        %swap3A_317 = tpu.vector_load %swap3A_314[%swap3A_315, %swap3A_316] {strides = array<i32>} : memref<80x128xf32, #tpu.memory_space<vmem>>, vector<1x16xf32>,
        %swap3A_318 = vector.shape_cast %swap3A_317 : vector<1x16xf32> to vector<16xf32>
        %swap3A_319 = vector.shape_cast %get3A_299 : vector<16xf32> to vector<1x16xf32>
        tpu.vector_store %swap3A_314[%swap3A_315, %swap3A_316], %swap3A_319 {strides = array<i32>} : memref<80x128xf32, #tpu.memory_space<vmem>>, vector<1x16xf32>,
      }
      %scan3A_93 = arith.constant 80 : i32
      %mul3A_94 = arith.constant 80 : i32
      %mul3A_95 = arith.muli %add3A_67, %mul3A_94 : i32
      %add3A_96 = arith.addi %multiple_of3A_5, %mul3A_95 : i32
      %dma_start3A = arith.constant 0 : i32
      %dma_start3A_97 = arith.constant 0 : i32
      %dma_start3A_98 = arith.constant 0 : i32
      %dma_start3A_99 = arith.constant 0 : i32
      %dma_start3A_100 = tpu.memref_slice %arg7[%dma_start3A, %dma_start3A_98, %dma_start3A_99] : memref<2x80x128xf32, #tpu.memory_space<vmem>> -> memref<1x80x128xf32, #tpu.memory_space<vmem>>
      %dma_start3A_101 = tpu.memref_squeeze %dma_start3A_100 : memref<1x80x128xf32, #tpu.memory_space<vmem>> -> memref<80x128xf32, #tpu.memory_space<vmem>>
      %dma_start3A_102 = arith.constant 0 : i32
      %dma_start3A_103 = tpu.memref_slice %arg4[%add3A_96, %dma_start3A_102] : memref<81920x128xf32, #tpu.memory_space<hbm>> -> memref<80x128xf32, #tpu.memory_space<hbm>>
      %dma_start3A_104 = tpu.memref_slice %arg9[%dma_start3A_97] : memref<2x!tpu.dma_semaphore, #tpu.memory_space<semaphore_mem>> -> memref<1x!tpu.dma_semaphore, #tpu.memory_space<semaphore_mem>>
      %dma_start3A_105 = tpu.memref_squeeze %dma_start3A_104 : memref<1x!tpu.dma_semaphore, #tpu.memory_space<semaphore_mem>> -> memref<!tpu.dma_semaphore, #tpu.memory_space<semaphore_mem>>
      %dma_start3A_106 = arith.constant 0 : i32
      %dma_start3A_107 = tpu.memref_slice %arg4[%add3A_96, %dma_start3A_106] : memref<81920x128xf32, #tpu.memory_space<hbm>> -> memref<80x128xf32, #tpu.memory_space<hbm>>
      %dma_start3A_108 = arith.constant 0 : i32
      %dma_start3A_109 = arith.constant 0 : i32
      %dma_start3A_110 = tpu.memref_slice %arg7[%dma_start3A, %dma_start3A_108, %dma_start3A_109] : memref<2x80x128xf32, #tpu.memory_space<vmem>> -> memref<1x80x128xf32, #tpu.memory_space<vmem>>
      %dma_start3A_111 = tpu.memref_squeeze %dma_start3A_110 : memref<1x80x128xf32, #tpu.memory_space<vmem>> -> memref<80x128xf32, #tpu.memory_space<vmem>>
      tpu.enqueue_dma source(%dma_start3A_111 : memref<80x128xf32, #tpu.memory_space<vmem>>) target(%dma_start3A_107 : memref<80x128xf32, #tpu.memory_space<hbm>>) target_semaphore(%dma_start3A_105 : memref<!tpu.dma_semaphore, #tpu.memory_space<semaphore_mem>>)
      %add3A_112 = arith.constant 2 : i32
      %add3A_113 = arith.addi %add3A_67, %add3A_112 : i32
      %lt3A = arith.constant 32 : i32
      %lt3A_114 = arith.cmpi slt, %add3A_113, %lt3A : i32
      %convert_element_type3A_115 = arith.extui %lt3A_114 : i1 to i32
      %cond3A_116 = arith.constant 0 : i32
      %cond3A_117 = arith.cmpi ne, %convert_element_type3A_115, %cond3A_116 : i32
      scf.if %cond3A_117 {
        %add3A_177 = arith.constant 2 : i32
        %add3A_178 = arith.addi %add3A_67, %add3A_177 : i32
        %mul3A_179 = arith.constant 16 : i32
        %mul3A_180 = arith.muli %add3A_178, %mul3A_179 : i32
        %add3A_181 = arith.addi %multiple_of3A, %mul3A_180 : i32
        %run_scoped3A_182 = arith.constant 0 : i32
        "tpu.region"() ({
          %run_scoped3A_189 = tpu.sem_alloc : memref<!tpu.dma_semaphore, #tpu.memory_space<semaphore_mem>>
          %dma_start3A_190 = arith.constant 0 : i32
          %dma_start3A_191 = arith.constant 0 : i32
          %dma_start3A_192 = tpu.memref_slice %arg5[%run_scoped3A_182, %dma_start3A_190, %dma_start3A_191] : memref<2x16x20xi32, #tpu.memory_space<vmem>> -> memref<1x16x20xi32, #tpu.memory_space<vmem>>
          %dma_start3A_193 = tpu.memref_squeeze %dma_start3A_192 : memref<1x16x20xi32, #tpu.memory_space<vmem>> -> memref<16x20xi32, #tpu.memory_space<vmem>>
          %dma_start3A_194 = arith.constant 0 : i32
          %dma_start3A_195 = tpu.memref_slice %arg2[%add3A_181, %dma_start3A_194] : memref<16384x20xi32, #tpu.memory_space<hbm>> -> memref<16x20xi32, #tpu.memory_space<hbm>>
          %dma_start3A_196 = arith.constant 0 : i32
          %dma_start3A_197 = arith.constant 0 : i32
          %dma_start3A_198 = tpu.memref_slice %arg5[%run_scoped3A_182, %dma_start3A_196, %dma_start3A_197] : memref<2x16x20xi32, #tpu.memory_space<vmem>> -> memref<1x16x20xi32, #tpu.memory_space<vmem>>
          %dma_start3A_199 = tpu.memref_squeeze %dma_start3A_198 : memref<1x16x20xi32, #tpu.memory_space<vmem>> -> memref<16x20xi32, #tpu.memory_space<vmem>>
          %dma_start3A_200 = arith.constant 0 : i32
          %dma_start3A_201 = tpu.memref_slice %arg2[%add3A_181, %dma_start3A_200] : memref<16384x20xi32, #tpu.memory_space<hbm>> -> memref<16x20xi32, #tpu.memory_space<hbm>>
          tpu.enqueue_dma source(%dma_start3A_201 : memref<16x20xi32, #tpu.memory_space<hbm>>) target(%dma_start3A_199 : memref<16x20xi32, #tpu.memory_space<vmem>>) target_semaphore(%run_scoped3A_189 : memref<!tpu.dma_semaphore, #tpu.memory_space<semaphore_mem>>)
          %dma_wait3A_202 = arith.constant 0 : i32
          %dma_wait3A_203 = arith.constant 0 : i32
          %dma_wait3A_204 = tpu.memref_slice %arg5[%run_scoped3A_182, %dma_wait3A_202, %dma_wait3A_203] : memref<2x16x20xi32, #tpu.memory_space<vmem>> -> memref<1x16x20xi32, #tpu.memory_space<vmem>>
          %dma_wait3A_205 = tpu.memref_squeeze %dma_wait3A_204 : memref<1x16x20xi32, #tpu.memory_space<vmem>> -> memref<16x20xi32, #tpu.memory_space<vmem>>
          %dma_wait3A_206 = arith.constant 0 : i32
          %dma_wait3A_207 = tpu.memref_slice %arg2[%add3A_181, %dma_wait3A_206] : memref<16384x20xi32, #tpu.memory_space<hbm>> -> memref<16x20xi32, #tpu.memory_space<hbm>>
          %dma_wait3A_208 = arith.constant 0 : i32
          %dma_wait3A_209 = arith.constant 0 : i32
          %dma_wait3A_210 = tpu.memref_slice %arg5[%run_scoped3A_182, %dma_wait3A_208, %dma_wait3A_209] : memref<2x16x20xi32, #tpu.memory_space<vmem>> -> memref<1x16x20xi32, #tpu.memory_space<vmem>>
          %dma_wait3A_211 = tpu.memref_squeeze %dma_wait3A_210 : memref<1x16x20xi32, #tpu.memory_space<vmem>> -> memref<16x20xi32, #tpu.memory_space<vmem>>
          %dma_wait3A_212 = arith.constant 0 : i32
          %dma_wait3A_213 = tpu.memref_slice %arg2[%add3A_181, %dma_wait3A_212] : memref<16384x20xi32, #tpu.memory_space<hbm>> -> memref<16x20xi32, #tpu.memory_space<hbm>>
          tpu.wait_dma2 semaphore(%run_scoped3A_189 : memref<!tpu.dma_semaphore, #tpu.memory_space<semaphore_mem>>) src(%dma_wait3A_213 : memref<16x20xi32, #tpu.memory_space<hbm>>) dst(%dma_wait3A_211 : memref<16x20xi32, #tpu.memory_space<vmem>>)
          tpu.yield
        }) : () -> ()
        %scan3A_183 = arith.constant 0 : i32
        %scan3A_184 = arith.constant 0 : i32
        %scan3A_185 = arith.constant 16 : i32
        %scan3A_186 = arith.addi %scan3A_184, %scan3A_185 : i32
        %scan3A_187 = arith.constant 1 : i32
        scf.for %scan3A_189 = %scan3A_184 to %scan3A_186 step %scan3A_187  : i32 {
          %get3A = arith.constant 0 : i32
          %get3A_190 = arith.index_cast %get3A : i32 to index
          %get3A_191 = arith.index_cast %scan3A_189 : i32 to index
          %get3A_192 = arith.constant 0 : index
          %get3A_193 = tpu.vector_load %arg5[%get3A_190, %get3A_191, %get3A_192] {strides = array<i32>} : memref<2x16x20xi32, #tpu.memory_space<vmem>>, vector<1x1x16xi32>,
          %get3A_194 = vector.shape_cast %get3A_193 : vector<1x1x16xi32> to vector<16xi32>
          %get3A_195 = arith.constant 0 : i32
          %get3A_196 = arith.index_cast %get3A_195 : i32 to index
          %get3A_197 = arith.index_cast %scan3A_189 : i32 to index
          %get3A_198 = arith.constant 4 : index
          %get3A_199 = tpu.vector_load %arg5[%get3A_196, %get3A_197, %get3A_198] {strides = array<i32>} : memref<2x16x20xi32, #tpu.memory_space<vmem>>, vector<1x1x16xi32>,
          %get3A_200 = vector.shape_cast %get3A_199 : vector<1x1x16xi32> to vector<16xi32>
          %slice3A = vector.extract_strided_slice %get3A_194 {offsets = [0], sizes = [1], strides = [1]} : vector<16xi32> to vector<1xi32>
          %squeeze3A = vector.extract %slice3A[0] : i32 from vector<1xi32>
          %mul3A_201 = arith.constant 20 : i32
          %mul3A_202 = arith.muli %scan3A_189, %mul3A_201 : i32
          %add3A_203 = arith.constant 0 : i32
          %add3A_204 = arith.addi %mul3A_202, %add3A_203 : i32
          %dma_start3A_205 = arith.constant 0 : i32
          %dma_start3A_206 = arith.constant 0 : i32
          %dma_start3A_207 = arith.constant 0 : i32
          %dma_start3A_208 = tpu.memref_slice %arg6[%dma_start3A_205, %add3A_204, %dma_start3A_207] : memref<2x320x32xf32, #tpu.memory_space<vmem>> -> memref<1x1x32xf32, #tpu.memory_space<vmem>>
          %dma_start3A_209 = tpu.memref_squeeze %dma_start3A_208 : memref<1x1x32xf32, #tpu.memory_space<vmem>> -> memref<1x32xf32, #tpu.memory_space<vmem>>
          %dma_start3A_210 = arith.constant 0 : i32
          %dma_start3A_211 = tpu.memref_slice %arg3[%squeeze3A, %dma_start3A_210] : memref<1000000x32xf32, #tpu.memory_space<hbm>> -> memref<1x32xf32, #tpu.memory_space<hbm>>
          %dma_start3A_212 = tpu.memref_slice %arg8[%dma_start3A_206] : memref<2x!tpu.dma_semaphore, #tpu.memory_space<semaphore_mem>> -> memref<1x!tpu.dma_semaphore, #tpu.memory_space<semaphore_mem>>
          %dma_start3A_213 = tpu.memref_squeeze %dma_start3A_212 : memref<1x!tpu.dma_semaphore, #tpu.memory_space<semaphore_mem>> -> memref<!tpu.dma_semaphore, #tpu.memory_space<semaphore_mem>>
          %dma_start3A_214 = arith.constant 0 : i32
          %dma_start3A_215 = tpu.memref_slice %arg6[%dma_start3A_205, %add3A_204, %dma_start3A_214] : memref<2x320x32xf32, #tpu.memory_space<vmem>> -> memref<1x1x32xf32, #tpu.memory_space<vmem>>
          %dma_start3A_216 = tpu.memref_squeeze %dma_start3A_215 : memref<1x1x32xf32, #tpu.memory_space<vmem>> -> memref<1x32xf32, #tpu.memory_space<vmem>>
          %dma_start3A_217 = arith.constant 0 : i32
          %dma_start3A_218 = tpu.memref_slice %arg3[%squeeze3A, %dma_start3A_217] : memref<1000000x32xf32, #tpu.memory_space<hbm>> -> memref<1x32xf32, #tpu.memory_space<hbm>>
          tpu.enqueue_dma source(%dma_start3A_218 : memref<1x32xf32, #tpu.memory_space<hbm>>) target(%dma_start3A_216 : memref<1x32xf32, #tpu.memory_space<vmem>>) target_semaphore(%dma_start3A_213 : memref<!tpu.dma_semaphore, #tpu.memory_space<semaphore_mem>>)
          %slice3A_219 = vector.extract_strided_slice %get3A_194 {offsets = [1], sizes = [1], strides = [1]} : vector<16xi32> to vector<1xi32>
          %squeeze3A_220 = vector.extract %slice3A_219[0] : i32 from vector<1xi32>
          %mul3A_221 = arith.constant 20 : i32
          %mul3A_222 = arith.muli %scan3A_189, %mul3A_221 : i32
          %add3A_223 = arith.constant 1 : i32
          %add3A_224 = arith.addi %mul3A_222, %add3A_223 : i32
          %dma_start3A_225 = arith.constant 0 : i32
          %dma_start3A_226 = arith.constant 0 : i32
          %dma_start3A_227 = arith.constant 0 : i32
          %dma_start3A_228 = tpu.memref_slice %arg6[%dma_start3A_225, %add3A_224, %dma_start3A_227] : memref<2x320x32xf32, #tpu.memory_space<vmem>> -> memref<1x1x32xf32, #tpu.memory_space<vmem>>
          %dma_start3A_229 = tpu.memref_squeeze %dma_start3A_228 : memref<1x1x32xf32, #tpu.memory_space<vmem>> -> memref<1x32xf32, #tpu.memory_space<vmem>>
          %dma_start3A_230 = arith.constant 0 : i32
          %dma_start3A_231 = tpu.memref_slice %arg3[%squeeze3A_220, %dma_start3A_230] : memref<1000000x32xf32, #tpu.memory_space<hbm>> -> memref<1x32xf32, #tpu.memory_space<hbm>>
          %dma_start3A_232 = tpu.memref_slice %arg8[%dma_start3A_226] : memref<2x!tpu.dma_semaphore, #tpu.memory_space<semaphore_mem>> -> memref<1x!tpu.dma_semaphore, #tpu.memory_space<semaphore_mem>>
          %dma_start3A_233 = tpu.memref_squeeze %dma_start3A_232 : memref<1x!tpu.dma_semaphore, #tpu.memory_space<semaphore_mem>> -> memref<!tpu.dma_semaphore, #tpu.memory_space<semaphore_mem>>
          %dma_start3A_234 = arith.constant 0 : i32
          %dma_start3A_235 = tpu.memref_slice %arg6[%dma_start3A_225, %add3A_224, %dma_start3A_234] : memref<2x320x32xf32, #tpu.memory_space<vmem>> -> memref<1x1x32xf32, #tpu.memory_space<vmem>>
          %dma_start3A_236 = tpu.memref_squeeze %dma_start3A_235 : memref<1x1x32xf32, #tpu.memory_space<vmem>> -> memref<1x32xf32, #tpu.memory_space<vmem>>
          %dma_start3A_237 = arith.constant 0 : i32
          %dma_start3A_238 = tpu.memref_slice %arg3[%squeeze3A_220, %dma_start3A_237] : memref<1000000x32xf32, #tpu.memory_space<hbm>> -> memref<1x32xf32, #tpu.memory_space<hbm>>
          tpu.enqueue_dma source(%dma_start3A_238 : memref<1x32xf32, #tpu.memory_space<hbm>>) target(%dma_start3A_236 : memref<1x32xf32, #tpu.memory_space<vmem>>) target_semaphore(%dma_start3A_233 : memref<!tpu.dma_semaphore, #tpu.memory_space<semaphore_mem>>)
          %slice3A_239 = vector.extract_strided_slice %get3A_194 {offsets = [2], sizes = [1], strides = [1]} : vector<16xi32> to vector<1xi32>
          %squeeze3A_240 = vector.extract %slice3A_239[0] : i32 from vector<1xi32>
          %mul3A_241 = arith.constant 20 : i32
          %mul3A_242 = arith.muli %scan3A_189, %mul3A_241 : i32
          %add3A_243 = arith.constant 2 : i32
          %add3A_244 = arith.addi %mul3A_242, %add3A_243 : i32
          %dma_start3A_245 = arith.constant 0 : i32
          %dma_start3A_246 = arith.constant 0 : i32
          %dma_start3A_247 = arith.constant 0 : i32
          %dma_start3A_248 = tpu.memref_slice %arg6[%dma_start3A_245, %add3A_244, %dma_start3A_247] : memref<2x320x32xf32, #tpu.memory_space<vmem>> -> memref<1x1x32xf32, #tpu.memory_space<vmem>>
          %dma_start3A_249 = tpu.memref_squeeze %dma_start3A_248 : memref<1x1x32xf32, #tpu.memory_space<vmem>> -> memref<1x32xf32, #tpu.memory_space<vmem>>
          %dma_start3A_250 = arith.constant 0 : i32
          %dma_start3A_251 = tpu.memref_slice %arg3[%squeeze3A_240, %dma_start3A_250] : memref<1000000x32xf32, #tpu.memory_space<hbm>> -> memref<1x32xf32, #tpu.memory_space<hbm>>
          %dma_start3A_252 = tpu.memref_slice %arg8[%dma_start3A_246] : memref<2x!tpu.dma_semaphore, #tpu.memory_space<semaphore_mem>> -> memref<1x!tpu.dma_semaphore, #tpu.memory_space<semaphore_mem>>
          %dma_start3A_253 = tpu.memref_squeeze %dma_start3A_252 : memref<1x!tpu.dma_semaphore, #tpu.memory_space<semaphore_mem>> -> memref<!tpu.dma_semaphore, #tpu.memory_space<semaphore_mem>>
          %dma_start3A_254 = arith.constant 0 : i32
          %dma_start3A_255 = tpu.memref_slice %arg6[%dma_start3A_245, %add3A_244, %dma_start3A_254] : memref<2x320x32xf32, #tpu.memory_space<vmem>> -> memref<1x1x32xf32, #tpu.memory_space<vmem>>
          %dma_start3A_256 = tpu.memref_squeeze %dma_start3A_255 : memref<1x1x32xf32, #tpu.memory_space<vmem>> -> memref<1x32xf32, #tpu.memory_space<vmem>>
          %dma_start3A_257 = arith.constant 0 : i32
          %dma_start3A_258 = tpu.memref_slice %arg3[%squeeze3A_240, %dma_start3A_257] : memref<1000000x32xf32, #tpu.memory_space<hbm>> -> memref<1x32xf32, #tpu.memory_space<hbm>>
          tpu.enqueue_dma source(%dma_start3A_258 : memref<1x32xf32, #tpu.memory_space<hbm>>) target(%dma_start3A_256 : memref<1x32xf32, #tpu.memory_space<vmem>>) target_semaphore(%dma_start3A_253 : memref<!tpu.dma_semaphore, #tpu.memory_space<semaphore_mem>>)
          %slice3A_259 = vector.extract_strided_slice %get3A_194 {offsets = [3], sizes = [1], strides = [1]} : vector<16xi32> to vector<1xi32>
          %squeeze3A_260 = vector.extract %slice3A_259[0] : i32 from vector<1xi32>
          %mul3A_261 = arith.constant 20 : i32
          %mul3A_262 = arith.muli %scan3A_189, %mul3A_261 : i32
          %add3A_263 = arith.constant 3 : i32
          %add3A_264 = arith.addi %mul3A_262, %add3A_263 : i32
          %dma_start3A_265 = arith.constant 0 : i32
          %dma_start3A_266 = arith.constant 0 : i32
          %dma_start3A_267 = arith.constant 0 : i32
          %dma_start3A_268 = tpu.memref_slice %arg6[%dma_start3A_265, %add3A_264, %dma_start3A_267] : memref<2x320x32xf32, #tpu.memory_space<vmem>> -> memref<1x1x32xf32, #tpu.memory_space<vmem>>
          %dma_start3A_269 = tpu.memref_squeeze %dma_start3A_268 : memref<1x1x32xf32, #tpu.memory_space<vmem>> -> memref<1x32xf32, #tpu.memory_space<vmem>>
          %dma_start3A_270 = arith.constant 0 : i32
          %dma_start3A_271 = tpu.memref_slice %arg3[%squeeze3A_260, %dma_start3A_270] : memref<1000000x32xf32, #tpu.memory_space<hbm>> -> memref<1x32xf32, #tpu.memory_space<hbm>>
          %dma_start3A_272 = tpu.memref_slice %arg8[%dma_start3A_266] : memref<2x!tpu.dma_semaphore, #tpu.memory_space<semaphore_mem>> -> memref<1x!tpu.dma_semaphore, #tpu.memory_space<semaphore_mem>>
          %dma_start3A_273 = tpu.memref_squeeze %dma_start3A_272 : memref<1x!tpu.dma_semaphore, #tpu.memory_space<semaphore_mem>> -> memref<!tpu.dma_semaphore, #tpu.memory_space<semaphore_mem>>
          %dma_start3A_274 = arith.constant 0 : i32
          %dma_start3A_275 = tpu.memref_slice %arg6[%dma_start3A_265, %add3A_264, %dma_start3A_274] : memref<2x320x32xf32, #tpu.memory_space<vmem>> -> memref<1x1x32xf32, #tpu.memory_space<vmem>>
          %dma_start3A_276 = tpu.memref_squeeze %dma_start3A_275 : memref<1x1x32xf32, #tpu.memory_space<vmem>> -> memref<1x32xf32, #tpu.memory_space<vmem>>
          %dma_start3A_277 = arith.constant 0 : i32
          %dma_start3A_278 = tpu.memref_slice %arg3[%squeeze3A_260, %dma_start3A_277] : memref<1000000x32xf32, #tpu.memory_space<hbm>> -> memref<1x32xf32, #tpu.memory_space<hbm>>
          tpu.enqueue_dma source(%dma_start3A_278 : memref<1x32xf32, #tpu.memory_space<hbm>>) target(%dma_start3A_276 : memref<1x32xf32, #tpu.memory_space<vmem>>) target_semaphore(%dma_start3A_273 : memref<!tpu.dma_semaphore, #tpu.memory_space<semaphore_mem>>)
          %slice3A_279 = vector.extract_strided_slice %get3A_194 {offsets = [4], sizes = [1], strides = [1]} : vector<16xi32> to vector<1xi32>
          %squeeze3A_280 = vector.extract %slice3A_279[0] : i32 from vector<1xi32>
          %mul3A_281 = arith.constant 20 : i32
          %mul3A_282 = arith.muli %scan3A_189, %mul3A_281 : i32
          %add3A_283 = arith.constant 4 : i32
          %add3A_284 = arith.addi %mul3A_282, %add3A_283 : i32
          %dma_start3A_285 = arith.constant 0 : i32
          %dma_start3A_286 = arith.constant 0 : i32
          %dma_start3A_287 = arith.constant 0 : i32
          %dma_start3A_288 = tpu.memref_slice %arg6[%dma_start3A_285, %add3A_284, %dma_start3A_287] : memref<2x320x32xf32, #tpu.memory_space<vmem>> -> memref<1x1x32xf32, #tpu.memory_space<vmem>>
          %dma_start3A_289 = tpu.memref_squeeze %dma_start3A_288 : memref<1x1x32xf32, #tpu.memory_space<vmem>> -> memref<1x32xf32, #tpu.memory_space<vmem>>
          %dma_start3A_290 = arith.constant 0 : i32
          %dma_start3A_291 = tpu.memref_slice %arg3[%squeeze3A_280, %dma_start3A_290] : memref<1000000x32xf32, #tpu.memory_space<hbm>> -> memref<1x32xf32, #tpu.memory_space<hbm>>
          %dma_start3A_292 = tpu.memref_slice %arg8[%dma_start3A_286] : memref<2x!tpu.dma_semaphore, #tpu.memory_space<semaphore_mem>> -> memref<1x!tpu.dma_semaphore, #tpu.memory_space<semaphore_mem>>
          %dma_start3A_293 = tpu.memref_squeeze %dma_start3A_292 : memref<1x!tpu.dma_semaphore, #tpu.memory_space<semaphore_mem>> -> memref<!tpu.dma_semaphore, #tpu.memory_space<semaphore_mem>>
          %dma_start3A_294 = arith.constant 0 : i32
          %dma_start3A_295 = tpu.memref_slice %arg6[%dma_start3A_285, %add3A_284, %dma_start3A_294] : memref<2x320x32xf32, #tpu.memory_space<vmem>> -> memref<1x1x32xf32, #tpu.memory_space<vmem>>
          %dma_start3A_296 = tpu.memref_squeeze %dma_start3A_295 : memref<1x1x32xf32, #tpu.memory_space<vmem>> -> memref<1x32xf32, #tpu.memory_space<vmem>>
          %dma_start3A_297 = arith.constant 0 : i32
          %dma_start3A_298 = tpu.memref_slice %arg3[%squeeze3A_280, %dma_start3A_297] : memref<1000000x32xf32, #tpu.memory_space<hbm>> -> memref<1x32xf32, #tpu.memory_space<hbm>>
          tpu.enqueue_dma source(%dma_start3A_298 : memref<1x32xf32, #tpu.memory_space<hbm>>) target(%dma_start3A_296 : memref<1x32xf32, #tpu.memory_space<vmem>>) target_semaphore(%dma_start3A_293 : memref<!tpu.dma_semaphore, #tpu.memory_space<semaphore_mem>>)
          %slice3A_299 = vector.extract_strided_slice %get3A_194 {offsets = [5], sizes = [1], strides = [1]} : vector<16xi32> to vector<1xi32>
          %squeeze3A_300 = vector.extract %slice3A_299[0] : i32 from vector<1xi32>
          %mul3A_301 = arith.constant 20 : i32
          %mul3A_302 = arith.muli %scan3A_189, %mul3A_301 : i32
          %add3A_303 = arith.constant 5 : i32
          %add3A_304 = arith.addi %mul3A_302, %add3A_303 : i32
          %dma_start3A_305 = arith.constant 0 : i32
          %dma_start3A_306 = arith.constant 0 : i32
          %dma_start3A_307 = arith.constant 0 : i32
          %dma_start3A_308 = tpu.memref_slice %arg6[%dma_start3A_305, %add3A_304, %dma_start3A_307] : memref<2x320x32xf32, #tpu.memory_space<vmem>> -> memref<1x1x32xf32, #tpu.memory_space<vmem>>
          %dma_start3A_309 = tpu.memref_squeeze %dma_start3A_308 : memref<1x1x32xf32, #tpu.memory_space<vmem>> -> memref<1x32xf32, #tpu.memory_space<vmem>>
          %dma_start3A_310 = arith.constant 0 : i32
          %dma_start3A_311 = tpu.memref_slice %arg3[%squeeze3A_300, %dma_start3A_310] : memref<1000000x32xf32, #tpu.memory_space<hbm>> -> memref<1x32xf32, #tpu.memory_space<hbm>>
          %dma_start3A_312 = tpu.memref_slice %arg8[%dma_start3A_306] : memref<2x!tpu.dma_semaphore, #tpu.memory_space<semaphore_mem>> -> memref<1x!tpu.dma_semaphore, #tpu.memory_space<semaphore_mem>>
          %dma_start3A_313 = tpu.memref_squeeze %dma_start3A_312 : memref<1x!tpu.dma_semaphore, #tpu.memory_space<semaphore_mem>> -> memref<!tpu.dma_semaphore, #tpu.memory_space<semaphore_mem>>
          %dma_start3A_314 = arith.constant 0 : i32
          %dma_start3A_315 = tpu.memref_slice %arg6[%dma_start3A_305, %add3A_304, %dma_start3A_314] : memref<2x320x32xf32, #tpu.memory_space<vmem>> -> memref<1x1x32xf32, #tpu.memory_space<vmem>>
          %dma_start3A_316 = tpu.memref_squeeze %dma_start3A_315 : memref<1x1x32xf32, #tpu.memory_space<vmem>> -> memref<1x32xf32, #tpu.memory_space<vmem>>
          %dma_start3A_317 = arith.constant 0 : i32
          %dma_start3A_318 = tpu.memref_slice %arg3[%squeeze3A_300, %dma_start3A_317] : memref<1000000x32xf32, #tpu.memory_space<hbm>> -> memref<1x32xf32, #tpu.memory_space<hbm>>
          tpu.enqueue_dma source(%dma_start3A_318 : memref<1x32xf32, #tpu.memory_space<hbm>>) target(%dma_start3A_316 : memref<1x32xf32, #tpu.memory_space<vmem>>) target_semaphore(%dma_start3A_313 : memref<!tpu.dma_semaphore, #tpu.memory_space<semaphore_mem>>)
          %slice3A_319 = vector.extract_strided_slice %get3A_194 {offsets = [6], sizes = [1], strides = [1]} : vector<16xi32> to vector<1xi32>
          %squeeze3A_320 = vector.extract %slice3A_319[0] : i32 from vector<1xi32>
          %mul3A_321 = arith.constant 20 : i32
          %mul3A_322 = arith.muli %scan3A_189, %mul3A_321 : i32
          %add3A_323 = arith.constant 6 : i32
          %add3A_324 = arith.addi %mul3A_322, %add3A_323 : i32
          %dma_start3A_325 = arith.constant 0 : i32
          %dma_start3A_326 = arith.constant 0 : i32
          %dma_start3A_327 = arith.constant 0 : i32
          %dma_start3A_328 = tpu.memref_slice %arg6[%dma_start3A_325, %add3A_324, %dma_start3A_327] : memref<2x320x32xf32, #tpu.memory_space<vmem>> -> memref<1x1x32xf32, #tpu.memory_space<vmem>>
          %dma_start3A_329 = tpu.memref_squeeze %dma_start3A_328 : memref<1x1x32xf32, #tpu.memory_space<vmem>> -> memref<1x32xf32, #tpu.memory_space<vmem>>
          %dma_start3A_330 = arith.constant 0 : i32
          %dma_start3A_331 = tpu.memref_slice %arg3[%squeeze3A_320, %dma_start3A_330] : memref<1000000x32xf32, #tpu.memory_space<hbm>> -> memref<1x32xf32, #tpu.memory_space<hbm>>
          %dma_start3A_332 = tpu.memref_slice %arg8[%dma_start3A_326] : memref<2x!tpu.dma_semaphore, #tpu.memory_space<semaphore_mem>> -> memref<1x!tpu.dma_semaphore, #tpu.memory_space<semaphore_mem>>
          %dma_start3A_333 = tpu.memref_squeeze %dma_start3A_332 : memref<1x!tpu.dma_semaphore, #tpu.memory_space<semaphore_mem>> -> memref<!tpu.dma_semaphore, #tpu.memory_space<semaphore_mem>>
          %dma_start3A_334 = arith.constant 0 : i32
          %dma_start3A_335 = tpu.memref_slice %arg6[%dma_start3A_325, %add3A_324, %dma_start3A_334] : memref<2x320x32xf32, #tpu.memory_space<vmem>> -> memref<1x1x32xf32, #tpu.memory_space<vmem>>
          %dma_start3A_336 = tpu.memref_squeeze %dma_start3A_335 : memref<1x1x32xf32, #tpu.memory_space<vmem>> -> memref<1x32xf32, #tpu.memory_space<vmem>>
          %dma_start3A_337 = arith.constant 0 : i32
          %dma_start3A_338 = tpu.memref_slice %arg3[%squeeze3A_320, %dma_start3A_337] : memref<1000000x32xf32, #tpu.memory_space<hbm>> -> memref<1x32xf32, #tpu.memory_space<hbm>>
          tpu.enqueue_dma source(%dma_start3A_338 : memref<1x32xf32, #tpu.memory_space<hbm>>) target(%dma_start3A_336 : memref<1x32xf32, #tpu.memory_space<vmem>>) target_semaphore(%dma_start3A_333 : memref<!tpu.dma_semaphore, #tpu.memory_space<semaphore_mem>>)
          %slice3A_339 = vector.extract_strided_slice %get3A_194 {offsets = [7], sizes = [1], strides = [1]} : vector<16xi32> to vector<1xi32>
          %squeeze3A_340 = vector.extract %slice3A_339[0] : i32 from vector<1xi32>
          %mul3A_341 = arith.constant 20 : i32
          %mul3A_342 = arith.muli %scan3A_189, %mul3A_341 : i32
          %add3A_343 = arith.constant 7 : i32
          %add3A_344 = arith.addi %mul3A_342, %add3A_343 : i32
          %dma_start3A_345 = arith.constant 0 : i32
          %dma_start3A_346 = arith.constant 0 : i32
          %dma_start3A_347 = arith.constant 0 : i32
          %dma_start3A_348 = tpu.memref_slice %arg6[%dma_start3A_345, %add3A_344, %dma_start3A_347] : memref<2x320x32xf32, #tpu.memory_space<vmem>> -> memref<1x1x32xf32, #tpu.memory_space<vmem>>
          %dma_start3A_349 = tpu.memref_squeeze %dma_start3A_348 : memref<1x1x32xf32, #tpu.memory_space<vmem>> -> memref<1x32xf32, #tpu.memory_space<vmem>>
          %dma_start3A_350 = arith.constant 0 : i32
          %dma_start3A_351 = tpu.memref_slice %arg3[%squeeze3A_340, %dma_start3A_350] : memref<1000000x32xf32, #tpu.memory_space<hbm>> -> memref<1x32xf32, #tpu.memory_space<hbm>>
          %dma_start3A_352 = tpu.memref_slice %arg8[%dma_start3A_346] : memref<2x!tpu.dma_semaphore, #tpu.memory_space<semaphore_mem>> -> memref<1x!tpu.dma_semaphore, #tpu.memory_space<semaphore_mem>>
          %dma_start3A_353 = tpu.memref_squeeze %dma_start3A_352 : memref<1x!tpu.dma_semaphore, #tpu.memory_space<semaphore_mem>> -> memref<!tpu.dma_semaphore, #tpu.memory_space<semaphore_mem>>
          %dma_start3A_354 = arith.constant 0 : i32
          %dma_start3A_355 = tpu.memref_slice %arg6[%dma_start3A_345, %add3A_344, %dma_start3A_354] : memref<2x320x32xf32, #tpu.memory_space<vmem>> -> memref<1x1x32xf32, #tpu.memory_space<vmem>>
          %dma_start3A_356 = tpu.memref_squeeze %dma_start3A_355 : memref<1x1x32xf32, #tpu.memory_space<vmem>> -> memref<1x32xf32, #tpu.memory_space<vmem>>
          %dma_start3A_357 = arith.constant 0 : i32
          %dma_start3A_358 = tpu.memref_slice %arg3[%squeeze3A_340, %dma_start3A_357] : memref<1000000x32xf32, #tpu.memory_space<hbm>> -> memref<1x32xf32, #tpu.memory_space<hbm>>
          tpu.enqueue_dma source(%dma_start3A_358 : memref<1x32xf32, #tpu.memory_space<hbm>>) target(%dma_start3A_356 : memref<1x32xf32, #tpu.memory_space<vmem>>) target_semaphore(%dma_start3A_353 : memref<!tpu.dma_semaphore, #tpu.memory_space<semaphore_mem>>)
          %slice3A_359 = vector.extract_strided_slice %get3A_194 {offsets = [8], sizes = [1], strides = [1]} : vector<16xi32> to vector<1xi32>
          %squeeze3A_360 = vector.extract %slice3A_359[0] : i32 from vector<1xi32>
          %mul3A_361 = arith.constant 20 : i32
          %mul3A_362 = arith.muli %scan3A_189, %mul3A_361 : i32
          %add3A_363 = arith.constant 8 : i32
          %add3A_364 = arith.addi %mul3A_362, %add3A_363 : i32
          %dma_start3A_365 = arith.constant 0 : i32
          %dma_start3A_366 = arith.constant 0 : i32
          %dma_start3A_367 = arith.constant 0 : i32
          %dma_start3A_368 = tpu.memref_slice %arg6[%dma_start3A_365, %add3A_364, %dma_start3A_367] : memref<2x320x32xf32, #tpu.memory_space<vmem>> -> memref<1x1x32xf32, #tpu.memory_space<vmem>>
          %dma_start3A_369 = tpu.memref_squeeze %dma_start3A_368 : memref<1x1x32xf32, #tpu.memory_space<vmem>> -> memref<1x32xf32, #tpu.memory_space<vmem>>
          %dma_start3A_370 = arith.constant 0 : i32
          %dma_start3A_371 = tpu.memref_slice %arg3[%squeeze3A_360, %dma_start3A_370] : memref<1000000x32xf32, #tpu.memory_space<hbm>> -> memref<1x32xf32, #tpu.memory_space<hbm>>
          %dma_start3A_372 = tpu.memref_slice %arg8[%dma_start3A_366] : memref<2x!tpu.dma_semaphore, #tpu.memory_space<semaphore_mem>> -> memref<1x!tpu.dma_semaphore, #tpu.memory_space<semaphore_mem>>
          %dma_start3A_373 = tpu.memref_squeeze %dma_start3A_372 : memref<1x!tpu.dma_semaphore, #tpu.memory_space<semaphore_mem>> -> memref<!tpu.dma_semaphore, #tpu.memory_space<semaphore_mem>>
          %dma_start3A_374 = arith.constant 0 : i32
          %dma_start3A_375 = tpu.memref_slice %arg6[%dma_start3A_365, %add3A_364, %dma_start3A_374] : memref<2x320x32xf32, #tpu.memory_space<vmem>> -> memref<1x1x32xf32, #tpu.memory_space<vmem>>
          %dma_start3A_376 = tpu.memref_squeeze %dma_start3A_375 : memref<1x1x32xf32, #tpu.memory_space<vmem>> -> memref<1x32xf32, #tpu.memory_space<vmem>>
          %dma_start3A_377 = arith.constant 0 : i32
          %dma_start3A_378 = tpu.memref_slice %arg3[%squeeze3A_360, %dma_start3A_377] : memref<1000000x32xf32, #tpu.memory_space<hbm>> -> memref<1x32xf32, #tpu.memory_space<hbm>>
          tpu.enqueue_dma source(%dma_start3A_378 : memref<1x32xf32, #tpu.memory_space<hbm>>) target(%dma_start3A_376 : memref<1x32xf32, #tpu.memory_space<vmem>>) target_semaphore(%dma_start3A_373 : memref<!tpu.dma_semaphore, #tpu.memory_space<semaphore_mem>>)
          %slice3A_379 = vector.extract_strided_slice %get3A_194 {offsets = [9], sizes = [1], strides = [1]} : vector<16xi32> to vector<1xi32>
          %squeeze3A_380 = vector.extract %slice3A_379[0] : i32 from vector<1xi32>
          %mul3A_381 = arith.constant 20 : i32
          %mul3A_382 = arith.muli %scan3A_189, %mul3A_381 : i32
          %add3A_383 = arith.constant 9 : i32
          %add3A_384 = arith.addi %mul3A_382, %add3A_383 : i32
          %dma_start3A_385 = arith.constant 0 : i32
          %dma_start3A_386 = arith.constant 0 : i32
          %dma_start3A_387 = arith.constant 0 : i32
          %dma_start3A_388 = tpu.memref_slice %arg6[%dma_start3A_385, %add3A_384, %dma_start3A_387] : memref<2x320x32xf32, #tpu.memory_space<vmem>> -> memref<1x1x32xf32, #tpu.memory_space<vmem>>
          %dma_start3A_389 = tpu.memref_squeeze %dma_start3A_388 : memref<1x1x32xf32, #tpu.memory_space<vmem>> -> memref<1x32xf32, #tpu.memory_space<vmem>>
          %dma_start3A_390 = arith.constant 0 : i32
          %dma_start3A_391 = tpu.memref_slice %arg3[%squeeze3A_380, %dma_start3A_390] : memref<1000000x32xf32, #tpu.memory_space<hbm>> -> memref<1x32xf32, #tpu.memory_space<hbm>>
          %dma_start3A_392 = tpu.memref_slice %arg8[%dma_start3A_386] : memref<2x!tpu.dma_semaphore, #tpu.memory_space<semaphore_mem>> -> memref<1x!tpu.dma_semaphore, #tpu.memory_space<semaphore_mem>>
          %dma_start3A_393 = tpu.memref_squeeze %dma_start3A_392 : memref<1x!tpu.dma_semaphore, #tpu.memory_space<semaphore_mem>> -> memref<!tpu.dma_semaphore, #tpu.memory_space<semaphore_mem>>
          %dma_start3A_394 = arith.constant 0 : i32
          %dma_start3A_395 = tpu.memref_slice %arg6[%dma_start3A_385, %add3A_384, %dma_start3A_394] : memref<2x320x32xf32, #tpu.memory_space<vmem>> -> memref<1x1x32xf32, #tpu.memory_space<vmem>>
          %dma_start3A_396 = tpu.memref_squeeze %dma_start3A_395 : memref<1x1x32xf32, #tpu.memory_space<vmem>> -> memref<1x32xf32, #tpu.memory_space<vmem>>
          %dma_start3A_397 = arith.constant 0 : i32
          %dma_start3A_398 = tpu.memref_slice %arg3[%squeeze3A_380, %dma_start3A_397] : memref<1000000x32xf32, #tpu.memory_space<hbm>> -> memref<1x32xf32, #tpu.memory_space<hbm>>
          tpu.enqueue_dma source(%dma_start3A_398 : memref<1x32xf32, #tpu.memory_space<hbm>>) target(%dma_start3A_396 : memref<1x32xf32, #tpu.memory_space<vmem>>) target_semaphore(%dma_start3A_393 : memref<!tpu.dma_semaphore, #tpu.memory_space<semaphore_mem>>)
          %slice3A_399 = vector.extract_strided_slice %get3A_194 {offsets = [10], sizes = [1], strides = [1]} : vector<16xi32> to vector<1xi32>
          %squeeze3A_400 = vector.extract %slice3A_399[0] : i32 from vector<1xi32>
          %mul3A_401 = arith.constant 20 : i32
          %mul3A_402 = arith.muli %scan3A_189, %mul3A_401 : i32
          %add3A_403 = arith.constant 10 : i32
          %add3A_404 = arith.addi %mul3A_402, %add3A_403 : i32
          %dma_start3A_405 = arith.constant 0 : i32
          %dma_start3A_406 = arith.constant 0 : i32
          %dma_start3A_407 = arith.constant 0 : i32
          %dma_start3A_408 = tpu.memref_slice %arg6[%dma_start3A_405, %add3A_404, %dma_start3A_407] : memref<2x320x32xf32, #tpu.memory_space<vmem>> -> memref<1x1x32xf32, #tpu.memory_space<vmem>>
          %dma_start3A_409 = tpu.memref_squeeze %dma_start3A_408 : memref<1x1x32xf32, #tpu.memory_space<vmem>> -> memref<1x32xf32, #tpu.memory_space<vmem>>
          %dma_start3A_410 = arith.constant 0 : i32
          %dma_start3A_411 = tpu.memref_slice %arg3[%squeeze3A_400, %dma_start3A_410] : memref<1000000x32xf32, #tpu.memory_space<hbm>> -> memref<1x32xf32, #tpu.memory_space<hbm>>
          %dma_start3A_412 = tpu.memref_slice %arg8[%dma_start3A_406] : memref<2x!tpu.dma_semaphore, #tpu.memory_space<semaphore_mem>> -> memref<1x!tpu.dma_semaphore, #tpu.memory_space<semaphore_mem>>
          %dma_start3A_413 = tpu.memref_squeeze %dma_start3A_412 : memref<1x!tpu.dma_semaphore, #tpu.memory_space<semaphore_mem>> -> memref<!tpu.dma_semaphore, #tpu.memory_space<semaphore_mem>>
          %dma_start3A_414 = arith.constant 0 : i32
          %dma_start3A_415 = tpu.memref_slice %arg6[%dma_start3A_405, %add3A_404, %dma_start3A_414] : memref<2x320x32xf32, #tpu.memory_space<vmem>> -> memref<1x1x32xf32, #tpu.memory_space<vmem>>
          %dma_start3A_416 = tpu.memref_squeeze %dma_start3A_415 : memref<1x1x32xf32, #tpu.memory_space<vmem>> -> memref<1x32xf32, #tpu.memory_space<vmem>>
          %dma_start3A_417 = arith.constant 0 : i32
          %dma_start3A_418 = tpu.memref_slice %arg3[%squeeze3A_400, %dma_start3A_417] : memref<1000000x32xf32, #tpu.memory_space<hbm>> -> memref<1x32xf32, #tpu.memory_space<hbm>>
          tpu.enqueue_dma source(%dma_start3A_418 : memref<1x32xf32, #tpu.memory_space<hbm>>) target(%dma_start3A_416 : memref<1x32xf32, #tpu.memory_space<vmem>>) target_semaphore(%dma_start3A_413 : memref<!tpu.dma_semaphore, #tpu.memory_space<semaphore_mem>>)
          %slice3A_419 = vector.extract_strided_slice %get3A_194 {offsets = [11], sizes = [1], strides = [1]} : vector<16xi32> to vector<1xi32>
          %squeeze3A_420 = vector.extract %slice3A_419[0] : i32 from vector<1xi32>
          %mul3A_421 = arith.constant 20 : i32
          %mul3A_422 = arith.muli %scan3A_189, %mul3A_421 : i32
          %add3A_423 = arith.constant 11 : i32
          %add3A_424 = arith.addi %mul3A_422, %add3A_423 : i32
          %dma_start3A_425 = arith.constant 0 : i32
          %dma_start3A_426 = arith.constant 0 : i32
          %dma_start3A_427 = arith.constant 0 : i32
          %dma_start3A_428 = tpu.memref_slice %arg6[%dma_start3A_425, %add3A_424, %dma_start3A_427] : memref<2x320x32xf32, #tpu.memory_space<vmem>> -> memref<1x1x32xf32, #tpu.memory_space<vmem>>
          %dma_start3A_429 = tpu.memref_squeeze %dma_start3A_428 : memref<1x1x32xf32, #tpu.memory_space<vmem>> -> memref<1x32xf32, #tpu.memory_space<vmem>>
          %dma_start3A_430 = arith.constant 0 : i32
          %dma_start3A_431 = tpu.memref_slice %arg3[%squeeze3A_420, %dma_start3A_430] : memref<1000000x32xf32, #tpu.memory_space<hbm>> -> memref<1x32xf32, #tpu.memory_space<hbm>>
          %dma_start3A_432 = tpu.memref_slice %arg8[%dma_start3A_426] : memref<2x!tpu.dma_semaphore, #tpu.memory_space<semaphore_mem>> -> memref<1x!tpu.dma_semaphore, #tpu.memory_space<semaphore_mem>>
          %dma_start3A_433 = tpu.memref_squeeze %dma_start3A_432 : memref<1x!tpu.dma_semaphore, #tpu.memory_space<semaphore_mem>> -> memref<!tpu.dma_semaphore, #tpu.memory_space<semaphore_mem>>
          %dma_start3A_434 = arith.constant 0 : i32
          %dma_start3A_435 = tpu.memref_slice %arg6[%dma_start3A_425, %add3A_424, %dma_start3A_434] : memref<2x320x32xf32, #tpu.memory_space<vmem>> -> memref<1x1x32xf32, #tpu.memory_space<vmem>>
          %dma_start3A_436 = tpu.memref_squeeze %dma_start3A_435 : memref<1x1x32xf32, #tpu.memory_space<vmem>> -> memref<1x32xf32, #tpu.memory_space<vmem>>
          %dma_start3A_437 = arith.constant 0 : i32
          %dma_start3A_438 = tpu.memref_slice %arg3[%squeeze3A_420, %dma_start3A_437] : memref<1000000x32xf32, #tpu.memory_space<hbm>> -> memref<1x32xf32, #tpu.memory_space<hbm>>
          tpu.enqueue_dma source(%dma_start3A_438 : memref<1x32xf32, #tpu.memory_space<hbm>>) target(%dma_start3A_436 : memref<1x32xf32, #tpu.memory_space<vmem>>) target_semaphore(%dma_start3A_433 : memref<!tpu.dma_semaphore, #tpu.memory_space<semaphore_mem>>)
          %slice3A_439 = vector.extract_strided_slice %get3A_194 {offsets = [12], sizes = [1], strides = [1]} : vector<16xi32> to vector<1xi32>
          %squeeze3A_440 = vector.extract %slice3A_439[0] : i32 from vector<1xi32>
          %mul3A_441 = arith.constant 20 : i32
          %mul3A_442 = arith.muli %scan3A_189, %mul3A_441 : i32
          %add3A_443 = arith.constant 12 : i32
          %add3A_444 = arith.addi %mul3A_442, %add3A_443 : i32
          %dma_start3A_445 = arith.constant 0 : i32
          %dma_start3A_446 = arith.constant 0 : i32
          %dma_start3A_447 = arith.constant 0 : i32
          %dma_start3A_448 = tpu.memref_slice %arg6[%dma_start3A_445, %add3A_444, %dma_start3A_447] : memref<2x320x32xf32, #tpu.memory_space<vmem>> -> memref<1x1x32xf32, #tpu.memory_space<vmem>>
          %dma_start3A_449 = tpu.memref_squeeze %dma_start3A_448 : memref<1x1x32xf32, #tpu.memory_space<vmem>> -> memref<1x32xf32, #tpu.memory_space<vmem>>
          %dma_start3A_450 = arith.constant 0 : i32
          %dma_start3A_451 = tpu.memref_slice %arg3[%squeeze3A_440, %dma_start3A_450] : memref<1000000x32xf32, #tpu.memory_space<hbm>> -> memref<1x32xf32, #tpu.memory_space<hbm>>
          %dma_start3A_452 = tpu.memref_slice %arg8[%dma_start3A_446] : memref<2x!tpu.dma_semaphore, #tpu.memory_space<semaphore_mem>> -> memref<1x!tpu.dma_semaphore, #tpu.memory_space<semaphore_mem>>
          %dma_start3A_453 = tpu.memref_squeeze %dma_start3A_452 : memref<1x!tpu.dma_semaphore, #tpu.memory_space<semaphore_mem>> -> memref<!tpu.dma_semaphore, #tpu.memory_space<semaphore_mem>>
          %dma_start3A_454 = arith.constant 0 : i32
          %dma_start3A_455 = tpu.memref_slice %arg6[%dma_start3A_445, %add3A_444, %dma_start3A_454] : memref<2x320x32xf32, #tpu.memory_space<vmem>> -> memref<1x1x32xf32, #tpu.memory_space<vmem>>
          %dma_start3A_456 = tpu.memref_squeeze %dma_start3A_455 : memref<1x1x32xf32, #tpu.memory_space<vmem>> -> memref<1x32xf32, #tpu.memory_space<vmem>>
          %dma_start3A_457 = arith.constant 0 : i32
          %dma_start3A_458 = tpu.memref_slice %arg3[%squeeze3A_440, %dma_start3A_457] : memref<1000000x32xf32, #tpu.memory_space<hbm>> -> memref<1x32xf32, #tpu.memory_space<hbm>>
          tpu.enqueue_dma source(%dma_start3A_458 : memref<1x32xf32, #tpu.memory_space<hbm>>) target(%dma_start3A_456 : memref<1x32xf32, #tpu.memory_space<vmem>>) target_semaphore(%dma_start3A_453 : memref<!tpu.dma_semaphore, #tpu.memory_space<semaphore_mem>>)
          %slice3A_459 = vector.extract_strided_slice %get3A_194 {offsets = [13], sizes = [1], strides = [1]} : vector<16xi32> to vector<1xi32>
          %squeeze3A_460 = vector.extract %slice3A_459[0] : i32 from vector<1xi32>
          %mul3A_461 = arith.constant 20 : i32
          %mul3A_462 = arith.muli %scan3A_189, %mul3A_461 : i32
          %add3A_463 = arith.constant 13 : i32
          %add3A_464 = arith.addi %mul3A_462, %add3A_463 : i32
          %dma_start3A_465 = arith.constant 0 : i32
          %dma_start3A_466 = arith.constant 0 : i32
          %dma_start3A_467 = arith.constant 0 : i32
          %dma_start3A_468 = tpu.memref_slice %arg6[%dma_start3A_465, %add3A_464, %dma_start3A_467] : memref<2x320x32xf32, #tpu.memory_space<vmem>> -> memref<1x1x32xf32, #tpu.memory_space<vmem>>
          %dma_start3A_469 = tpu.memref_squeeze %dma_start3A_468 : memref<1x1x32xf32, #tpu.memory_space<vmem>> -> memref<1x32xf32, #tpu.memory_space<vmem>>
          %dma_start3A_470 = arith.constant 0 : i32
          %dma_start3A_471 = tpu.memref_slice %arg3[%squeeze3A_460, %dma_start3A_470] : memref<1000000x32xf32, #tpu.memory_space<hbm>> -> memref<1x32xf32, #tpu.memory_space<hbm>>
          %dma_start3A_472 = tpu.memref_slice %arg8[%dma_start3A_466] : memref<2x!tpu.dma_semaphore, #tpu.memory_space<semaphore_mem>> -> memref<1x!tpu.dma_semaphore, #tpu.memory_space<semaphore_mem>>
          %dma_start3A_473 = tpu.memref_squeeze %dma_start3A_472 : memref<1x!tpu.dma_semaphore, #tpu.memory_space<semaphore_mem>> -> memref<!tpu.dma_semaphore, #tpu.memory_space<semaphore_mem>>
          %dma_start3A_474 = arith.constant 0 : i32
          %dma_start3A_475 = tpu.memref_slice %arg6[%dma_start3A_465, %add3A_464, %dma_start3A_474] : memref<2x320x32xf32, #tpu.memory_space<vmem>> -> memref<1x1x32xf32, #tpu.memory_space<vmem>>
          %dma_start3A_476 = tpu.memref_squeeze %dma_start3A_475 : memref<1x1x32xf32, #tpu.memory_space<vmem>> -> memref<1x32xf32, #tpu.memory_space<vmem>>
          %dma_start3A_477 = arith.constant 0 : i32
          %dma_start3A_478 = tpu.memref_slice %arg3[%squeeze3A_460, %dma_start3A_477] : memref<1000000x32xf32, #tpu.memory_space<hbm>> -> memref<1x32xf32, #tpu.memory_space<hbm>>
          tpu.enqueue_dma source(%dma_start3A_478 : memref<1x32xf32, #tpu.memory_space<hbm>>) target(%dma_start3A_476 : memref<1x32xf32, #tpu.memory_space<vmem>>) target_semaphore(%dma_start3A_473 : memref<!tpu.dma_semaphore, #tpu.memory_space<semaphore_mem>>)
          %slice3A_479 = vector.extract_strided_slice %get3A_194 {offsets = [14], sizes = [1], strides = [1]} : vector<16xi32> to vector<1xi32>
          %squeeze3A_480 = vector.extract %slice3A_479[0] : i32 from vector<1xi32>
          %mul3A_481 = arith.constant 20 : i32
          %mul3A_482 = arith.muli %scan3A_189, %mul3A_481 : i32
          %add3A_483 = arith.constant 14 : i32
          %add3A_484 = arith.addi %mul3A_482, %add3A_483 : i32
          %dma_start3A_485 = arith.constant 0 : i32
          %dma_start3A_486 = arith.constant 0 : i32
          %dma_start3A_487 = arith.constant 0 : i32
          %dma_start3A_488 = tpu.memref_slice %arg6[%dma_start3A_485, %add3A_484, %dma_start3A_487] : memref<2x320x32xf32, #tpu.memory_space<vmem>> -> memref<1x1x32xf32, #tpu.memory_space<vmem>>
          %dma_start3A_489 = tpu.memref_squeeze %dma_start3A_488 : memref<1x1x32xf32, #tpu.memory_space<vmem>> -> memref<1x32xf32, #tpu.memory_space<vmem>>
          %dma_start3A_490 = arith.constant 0 : i32
          %dma_start3A_491 = tpu.memref_slice %arg3[%squeeze3A_480, %dma_start3A_490] : memref<1000000x32xf32, #tpu.memory_space<hbm>> -> memref<1x32xf32, #tpu.memory_space<hbm>>
          %dma_start3A_492 = tpu.memref_slice %arg8[%dma_start3A_486] : memref<2x!tpu.dma_semaphore, #tpu.memory_space<semaphore_mem>> -> memref<1x!tpu.dma_semaphore, #tpu.memory_space<semaphore_mem>>
          %dma_start3A_493 = tpu.memref_squeeze %dma_start3A_492 : memref<1x!tpu.dma_semaphore, #tpu.memory_space<semaphore_mem>> -> memref<!tpu.dma_semaphore, #tpu.memory_space<semaphore_mem>>
          %dma_start3A_494 = arith.constant 0 : i32
          %dma_start3A_495 = tpu.memref_slice %arg6[%dma_start3A_485, %add3A_484, %dma_start3A_494] : memref<2x320x32xf32, #tpu.memory_space<vmem>> -> memref<1x1x32xf32, #tpu.memory_space<vmem>>
          %dma_start3A_496 = tpu.memref_squeeze %dma_start3A_495 : memref<1x1x32xf32, #tpu.memory_space<vmem>> -> memref<1x32xf32, #tpu.memory_space<vmem>>
          %dma_start3A_497 = arith.constant 0 : i32
          %dma_start3A_498 = tpu.memref_slice %arg3[%squeeze3A_480, %dma_start3A_497] : memref<1000000x32xf32, #tpu.memory_space<hbm>> -> memref<1x32xf32, #tpu.memory_space<hbm>>
          tpu.enqueue_dma source(%dma_start3A_498 : memref<1x32xf32, #tpu.memory_space<hbm>>) target(%dma_start3A_496 : memref<1x32xf32, #tpu.memory_space<vmem>>) target_semaphore(%dma_start3A_493 : memref<!tpu.dma_semaphore, #tpu.memory_space<semaphore_mem>>)
          %slice3A_499 = vector.extract_strided_slice %get3A_194 {offsets = [15], sizes = [1], strides = [1]} : vector<16xi32> to vector<1xi32>
          %squeeze3A_500 = vector.extract %slice3A_499[0] : i32 from vector<1xi32>
          %mul3A_501 = arith.constant 20 : i32
          %mul3A_502 = arith.muli %scan3A_189, %mul3A_501 : i32
          %add3A_503 = arith.constant 15 : i32
          %add3A_504 = arith.addi %mul3A_502, %add3A_503 : i32
          %dma_start3A_505 = arith.constant 0 : i32
          %dma_start3A_506 = arith.constant 0 : i32
          %dma_start3A_507 = arith.constant 0 : i32
          %dma_start3A_508 = tpu.memref_slice %arg6[%dma_start3A_505, %add3A_504, %dma_start3A_507] : memref<2x320x32xf32, #tpu.memory_space<vmem>> -> memref<1x1x32xf32, #tpu.memory_space<vmem>>
          %dma_start3A_509 = tpu.memref_squeeze %dma_start3A_508 : memref<1x1x32xf32, #tpu.memory_space<vmem>> -> memref<1x32xf32, #tpu.memory_space<vmem>>
          %dma_start3A_510 = arith.constant 0 : i32
          %dma_start3A_511 = tpu.memref_slice %arg3[%squeeze3A_500, %dma_start3A_510] : memref<1000000x32xf32, #tpu.memory_space<hbm>> -> memref<1x32xf32, #tpu.memory_space<hbm>>
          %dma_start3A_512 = tpu.memref_slice %arg8[%dma_start3A_506] : memref<2x!tpu.dma_semaphore, #tpu.memory_space<semaphore_mem>> -> memref<1x!tpu.dma_semaphore, #tpu.memory_space<semaphore_mem>>
          %dma_start3A_513 = tpu.memref_squeeze %dma_start3A_512 : memref<1x!tpu.dma_semaphore, #tpu.memory_space<semaphore_mem>> -> memref<!tpu.dma_semaphore, #tpu.memory_space<semaphore_mem>>
          %dma_start3A_514 = arith.constant 0 : i32
          %dma_start3A_515 = tpu.memref_slice %arg6[%dma_start3A_505, %add3A_504, %dma_start3A_514] : memref<2x320x32xf32, #tpu.memory_space<vmem>> -> memref<1x1x32xf32, #tpu.memory_space<vmem>>
          %dma_start3A_516 = tpu.memref_squeeze %dma_start3A_515 : memref<1x1x32xf32, #tpu.memory_space<vmem>> -> memref<1x32xf32, #tpu.memory_space<vmem>>
          %dma_start3A_517 = arith.constant 0 : i32
          %dma_start3A_518 = tpu.memref_slice %arg3[%squeeze3A_500, %dma_start3A_517] : memref<1000000x32xf32, #tpu.memory_space<hbm>> -> memref<1x32xf32, #tpu.memory_space<hbm>>
          tpu.enqueue_dma source(%dma_start3A_518 : memref<1x32xf32, #tpu.memory_space<hbm>>) target(%dma_start3A_516 : memref<1x32xf32, #tpu.memory_space<vmem>>) target_semaphore(%dma_start3A_513 : memref<!tpu.dma_semaphore, #tpu.memory_space<semaphore_mem>>)
          %slice3A_519 = vector.extract_strided_slice %get3A_200 {offsets = [12], sizes = [1], strides = [1]} : vector<16xi32> to vector<1xi32>
          %squeeze3A_520 = vector.extract %slice3A_519[0] : i32 from vector<1xi32>
          %mul3A_521 = arith.constant 20 : i32
          %mul3A_522 = arith.muli %scan3A_189, %mul3A_521 : i32
          %add3A_523 = arith.constant 16 : i32
          %add3A_524 = arith.addi %mul3A_522, %add3A_523 : i32
          %dma_start3A_525 = arith.constant 0 : i32
          %dma_start3A_526 = arith.constant 0 : i32
          %dma_start3A_527 = arith.constant 0 : i32
          %dma_start3A_528 = tpu.memref_slice %arg6[%dma_start3A_525, %add3A_524, %dma_start3A_527] : memref<2x320x32xf32, #tpu.memory_space<vmem>> -> memref<1x1x32xf32, #tpu.memory_space<vmem>>
          %dma_start3A_529 = tpu.memref_squeeze %dma_start3A_528 : memref<1x1x32xf32, #tpu.memory_space<vmem>> -> memref<1x32xf32, #tpu.memory_space<vmem>>
          %dma_start3A_530 = arith.constant 0 : i32
          %dma_start3A_531 = tpu.memref_slice %arg3[%squeeze3A_520, %dma_start3A_530] : memref<1000000x32xf32, #tpu.memory_space<hbm>> -> memref<1x32xf32, #tpu.memory_space<hbm>>
          %dma_start3A_532 = tpu.memref_slice %arg8[%dma_start3A_526] : memref<2x!tpu.dma_semaphore, #tpu.memory_space<semaphore_mem>> -> memref<1x!tpu.dma_semaphore, #tpu.memory_space<semaphore_mem>>
          %dma_start3A_533 = tpu.memref_squeeze %dma_start3A_532 : memref<1x!tpu.dma_semaphore, #tpu.memory_space<semaphore_mem>> -> memref<!tpu.dma_semaphore, #tpu.memory_space<semaphore_mem>>
          %dma_start3A_534 = arith.constant 0 : i32
          %dma_start3A_535 = tpu.memref_slice %arg6[%dma_start3A_525, %add3A_524, %dma_start3A_534] : memref<2x320x32xf32, #tpu.memory_space<vmem>> -> memref<1x1x32xf32, #tpu.memory_space<vmem>>
          %dma_start3A_536 = tpu.memref_squeeze %dma_start3A_535 : memref<1x1x32xf32, #tpu.memory_space<vmem>> -> memref<1x32xf32, #tpu.memory_space<vmem>>
          %dma_start3A_537 = arith.constant 0 : i32
          %dma_start3A_538 = tpu.memref_slice %arg3[%squeeze3A_520, %dma_start3A_537] : memref<1000000x32xf32, #tpu.memory_space<hbm>> -> memref<1x32xf32, #tpu.memory_space<hbm>>
          tpu.enqueue_dma source(%dma_start3A_538 : memref<1x32xf32, #tpu.memory_space<hbm>>) target(%dma_start3A_536 : memref<1x32xf32, #tpu.memory_space<vmem>>) target_semaphore(%dma_start3A_533 : memref<!tpu.dma_semaphore, #tpu.memory_space<semaphore_mem>>)
          %slice3A_539 = vector.extract_strided_slice %get3A_200 {offsets = [13], sizes = [1], strides = [1]} : vector<16xi32> to vector<1xi32>
          %squeeze3A_540 = vector.extract %slice3A_539[0] : i32 from vector<1xi32>
          %mul3A_541 = arith.constant 20 : i32
          %mul3A_542 = arith.muli %scan3A_189, %mul3A_541 : i32
          %add3A_543 = arith.constant 17 : i32
          %add3A_544 = arith.addi %mul3A_542, %add3A_543 : i32
          %dma_start3A_545 = arith.constant 0 : i32
          %dma_start3A_546 = arith.constant 0 : i32
          %dma_start3A_547 = arith.constant 0 : i32
          %dma_start3A_548 = tpu.memref_slice %arg6[%dma_start3A_545, %add3A_544, %dma_start3A_547] : memref<2x320x32xf32, #tpu.memory_space<vmem>> -> memref<1x1x32xf32, #tpu.memory_space<vmem>>
          %dma_start3A_549 = tpu.memref_squeeze %dma_start3A_548 : memref<1x1x32xf32, #tpu.memory_space<vmem>> -> memref<1x32xf32, #tpu.memory_space<vmem>>
          %dma_start3A_550 = arith.constant 0 : i32
          %dma_start3A_551 = tpu.memref_slice %arg3[%squeeze3A_540, %dma_start3A_550] : memref<1000000x32xf32, #tpu.memory_space<hbm>> -> memref<1x32xf32, #tpu.memory_space<hbm>>
          %dma_start3A_552 = tpu.memref_slice %arg8[%dma_start3A_546] : memref<2x!tpu.dma_semaphore, #tpu.memory_space<semaphore_mem>> -> memref<1x!tpu.dma_semaphore, #tpu.memory_space<semaphore_mem>>
          %dma_start3A_553 = tpu.memref_squeeze %dma_start3A_552 : memref<1x!tpu.dma_semaphore, #tpu.memory_space<semaphore_mem>> -> memref<!tpu.dma_semaphore, #tpu.memory_space<semaphore_mem>>
          %dma_start3A_554 = arith.constant 0 : i32
          %dma_start3A_555 = tpu.memref_slice %arg6[%dma_start3A_545, %add3A_544, %dma_start3A_554] : memref<2x320x32xf32, #tpu.memory_space<vmem>> -> memref<1x1x32xf32, #tpu.memory_space<vmem>>
          %dma_start3A_556 = tpu.memref_squeeze %dma_start3A_555 : memref<1x1x32xf32, #tpu.memory_space<vmem>> -> memref<1x32xf32, #tpu.memory_space<vmem>>
          %dma_start3A_557 = arith.constant 0 : i32
          %dma_start3A_558 = tpu.memref_slice %arg3[%squeeze3A_540, %dma_start3A_557] : memref<1000000x32xf32, #tpu.memory_space<hbm>> -> memref<1x32xf32, #tpu.memory_space<hbm>>
          tpu.enqueue_dma source(%dma_start3A_558 : memref<1x32xf32, #tpu.memory_space<hbm>>) target(%dma_start3A_556 : memref<1x32xf32, #tpu.memory_space<vmem>>) target_semaphore(%dma_start3A_553 : memref<!tpu.dma_semaphore, #tpu.memory_space<semaphore_mem>>)
          %slice3A_559 = vector.extract_strided_slice %get3A_200 {offsets = [14], sizes = [1], strides = [1]} : vector<16xi32> to vector<1xi32>
          %squeeze3A_560 = vector.extract %slice3A_559[0] : i32 from vector<1xi32>
          %mul3A_561 = arith.constant 20 : i32
          %mul3A_562 = arith.muli %scan3A_189, %mul3A_561 : i32
          %add3A_563 = arith.constant 18 : i32
          %add3A_564 = arith.addi %mul3A_562, %add3A_563 : i32
          %dma_start3A_565 = arith.constant 0 : i32
          %dma_start3A_566 = arith.constant 0 : i32
          %dma_start3A_567 = arith.constant 0 : i32
          %dma_start3A_568 = tpu.memref_slice %arg6[%dma_start3A_565, %add3A_564, %dma_start3A_567] : memref<2x320x32xf32, #tpu.memory_space<vmem>> -> memref<1x1x32xf32, #tpu.memory_space<vmem>>
          %dma_start3A_569 = tpu.memref_squeeze %dma_start3A_568 : memref<1x1x32xf32, #tpu.memory_space<vmem>> -> memref<1x32xf32, #tpu.memory_space<vmem>>
          %dma_start3A_570 = arith.constant 0 : i32
          %dma_start3A_571 = tpu.memref_slice %arg3[%squeeze3A_560, %dma_start3A_570] : memref<1000000x32xf32, #tpu.memory_space<hbm>> -> memref<1x32xf32, #tpu.memory_space<hbm>>
          %dma_start3A_572 = tpu.memref_slice %arg8[%dma_start3A_566] : memref<2x!tpu.dma_semaphore, #tpu.memory_space<semaphore_mem>> -> memref<1x!tpu.dma_semaphore, #tpu.memory_space<semaphore_mem>>
          %dma_start3A_573 = tpu.memref_squeeze %dma_start3A_572 : memref<1x!tpu.dma_semaphore, #tpu.memory_space<semaphore_mem>> -> memref<!tpu.dma_semaphore, #tpu.memory_space<semaphore_mem>>
          %dma_start3A_574 = arith.constant 0 : i32
          %dma_start3A_575 = tpu.memref_slice %arg6[%dma_start3A_565, %add3A_564, %dma_start3A_574] : memref<2x320x32xf32, #tpu.memory_space<vmem>> -> memref<1x1x32xf32, #tpu.memory_space<vmem>>
          %dma_start3A_576 = tpu.memref_squeeze %dma_start3A_575 : memref<1x1x32xf32, #tpu.memory_space<vmem>> -> memref<1x32xf32, #tpu.memory_space<vmem>>
          %dma_start3A_577 = arith.constant 0 : i32
          %dma_start3A_578 = tpu.memref_slice %arg3[%squeeze3A_560, %dma_start3A_577] : memref<1000000x32xf32, #tpu.memory_space<hbm>> -> memref<1x32xf32, #tpu.memory_space<hbm>>
          tpu.enqueue_dma source(%dma_start3A_578 : memref<1x32xf32, #tpu.memory_space<hbm>>) target(%dma_start3A_576 : memref<1x32xf32, #tpu.memory_space<vmem>>) target_semaphore(%dma_start3A_573 : memref<!tpu.dma_semaphore, #tpu.memory_space<semaphore_mem>>)
          %slice3A_579 = vector.extract_strided_slice %get3A_200 {offsets = [15], sizes = [1], strides = [1]} : vector<16xi32> to vector<1xi32>
          %squeeze3A_580 = vector.extract %slice3A_579[0] : i32 from vector<1xi32>
          %mul3A_581 = arith.constant 20 : i32
          %mul3A_582 = arith.muli %scan3A_189, %mul3A_581 : i32
          %add3A_583 = arith.constant 19 : i32
          %add3A_584 = arith.addi %mul3A_582, %add3A_583 : i32
          %dma_start3A_585 = arith.constant 0 : i32
          %dma_start3A_586 = arith.constant 0 : i32
          %dma_start3A_587 = arith.constant 0 : i32
          %dma_start3A_588 = tpu.memref_slice %arg6[%dma_start3A_585, %add3A_584, %dma_start3A_587] : memref<2x320x32xf32, #tpu.memory_space<vmem>> -> memref<1x1x32xf32, #tpu.memory_space<vmem>>
          %dma_start3A_589 = tpu.memref_squeeze %dma_start3A_588 : memref<1x1x32xf32, #tpu.memory_space<vmem>> -> memref<1x32xf32, #tpu.memory_space<vmem>>
          %dma_start3A_590 = arith.constant 0 : i32
          %dma_start3A_591 = tpu.memref_slice %arg3[%squeeze3A_580, %dma_start3A_590] : memref<1000000x32xf32, #tpu.memory_space<hbm>> -> memref<1x32xf32, #tpu.memory_space<hbm>>
          %dma_start3A_592 = tpu.memref_slice %arg8[%dma_start3A_586] : memref<2x!tpu.dma_semaphore, #tpu.memory_space<semaphore_mem>> -> memref<1x!tpu.dma_semaphore, #tpu.memory_space<semaphore_mem>>
          %dma_start3A_593 = tpu.memref_squeeze %dma_start3A_592 : memref<1x!tpu.dma_semaphore, #tpu.memory_space<semaphore_mem>> -> memref<!tpu.dma_semaphore, #tpu.memory_space<semaphore_mem>>
          %dma_start3A_594 = arith.constant 0 : i32
          %dma_start3A_595 = tpu.memref_slice %arg6[%dma_start3A_585, %add3A_584, %dma_start3A_594] : memref<2x320x32xf32, #tpu.memory_space<vmem>> -> memref<1x1x32xf32, #tpu.memory_space<vmem>>
          %dma_start3A_596 = tpu.memref_squeeze %dma_start3A_595 : memref<1x1x32xf32, #tpu.memory_space<vmem>> -> memref<1x32xf32, #tpu.memory_space<vmem>>
          %dma_start3A_597 = arith.constant 0 : i32
          %dma_start3A_598 = tpu.memref_slice %arg3[%squeeze3A_580, %dma_start3A_597] : memref<1000000x32xf32, #tpu.memory_space<hbm>> -> memref<1x32xf32, #tpu.memory_space<hbm>>
          tpu.enqueue_dma source(%dma_start3A_598 : memref<1x32xf32, #tpu.memory_space<hbm>>) target(%dma_start3A_596 : memref<1x32xf32, #tpu.memory_space<vmem>>) target_semaphore(%dma_start3A_593 : memref<!tpu.dma_semaphore, #tpu.memory_space<semaphore_mem>>)
        }
        %scan3A_188 = arith.constant 16 : i32
      } else {
      }
      %mul3A_118 = arith.constant 2 : i32
      %mul3A_119 = arith.muli %scan3A_63, %mul3A_118 : i32
      %add3A_120 = arith.constant 1 : i32
      %add3A_121 = arith.addi %mul3A_119, %add3A_120 : i32
      %dma_wait3A_122 = arith.constant 1 : i32
      %dma_wait3A_123 = arith.constant 1 : i32
      %dma_wait3A_124 = arith.constant 0 : i32
      %dma_wait3A_125 = arith.constant 0 : i32
      %dma_wait3A_126 = tpu.memref_slice %arg6[%dma_wait3A_122, %dma_wait3A_124, %dma_wait3A_125] : memref<2x320x32xf32, #tpu.memory_space<vmem>> -> memref<1x320x32xf32, #tpu.memory_space<vmem>>
      %dma_wait3A_127 = tpu.memref_squeeze %dma_wait3A_126 : memref<1x320x32xf32, #tpu.memory_space<vmem>> -> memref<320x32xf32, #tpu.memory_space<vmem>>
      %dma_wait3A_128 = arith.constant 0 : i32
      %dma_wait3A_129 = arith.constant 0 : i32
      %dma_wait3A_130 = tpu.memref_slice %arg3[%dma_wait3A_128, %dma_wait3A_129] : memref<1000000x32xf32, #tpu.memory_space<hbm>> -> memref<320x32xf32, #tpu.memory_space<hbm>>
      %dma_wait3A_131 = tpu.memref_slice %arg8[%dma_wait3A_123] : memref<2x!tpu.dma_semaphore, #tpu.memory_space<semaphore_mem>> -> memref<1x!tpu.dma_semaphore, #tpu.memory_space<semaphore_mem>>
      %dma_wait3A_132 = tpu.memref_squeeze %dma_wait3A_131 : memref<1x!tpu.dma_semaphore, #tpu.memory_space<semaphore_mem>> -> memref<!tpu.dma_semaphore, #tpu.memory_space<semaphore_mem>>
      %dma_wait3A_133 = arith.constant 0 : i32
      %dma_wait3A_134 = arith.constant 0 : i32
      %dma_wait3A_135 = tpu.memref_slice %arg6[%dma_wait3A_122, %dma_wait3A_133, %dma_wait3A_134] : memref<2x320x32xf32, #tpu.memory_space<vmem>> -> memref<1x320x32xf32, #tpu.memory_space<vmem>>
      %dma_wait3A_136 = tpu.memref_squeeze %dma_wait3A_135 : memref<1x320x32xf32, #tpu.memory_space<vmem>> -> memref<320x32xf32, #tpu.memory_space<vmem>>
      %dma_wait3A_137 = arith.constant 0 : i32
      %dma_wait3A_138 = arith.constant 0 : i32
      %dma_wait3A_139 = tpu.memref_slice %arg3[%dma_wait3A_137, %dma_wait3A_138] : memref<1000000x32xf32, #tpu.memory_space<hbm>> -> memref<320x32xf32, #tpu.memory_space<hbm>>
      tpu.wait_dma2 semaphore(%dma_wait3A_132 : memref<!tpu.dma_semaphore, #tpu.memory_space<semaphore_mem>>) src(%dma_wait3A_139 : memref<320x32xf32, #tpu.memory_space<hbm>>) dst(%dma_wait3A_136 : memref<320x32xf32, #tpu.memory_space<vmem>>)
      %ge3A_140 = arith.constant 2 : i32
      %ge3A_141 = arith.cmpi sge, %add3A_121, %ge3A_140 : i32
      %convert_element_type3A_142 = arith.extui %ge3A_141 : i1 to i32
      %cond3A_143 = arith.constant 0 : i32
      %cond3A_144 = arith.cmpi ne, %convert_element_type3A_142, %cond3A_143 : i32
      scf.if %cond3A_144 {
        %sub3A = arith.constant 2 : i32
        %sub3A_177 = arith.subi %add3A_121, %sub3A : i32
        %mul3A_178 = arith.constant 80 : i32
        %mul3A_179 = arith.muli %sub3A_177, %mul3A_178 : i32
        %add3A_180 = arith.addi %multiple_of3A_5, %mul3A_179 : i32
        %dma_wait3A_181 = arith.constant 1 : i32
        %dma_wait3A_182 = arith.constant 1 : i32
        %dma_wait3A_183 = arith.constant 0 : i32
        %dma_wait3A_184 = arith.constant 0 : i32
        %dma_wait3A_185 = tpu.memref_slice %arg7[%dma_wait3A_181, %dma_wait3A_183, %dma_wait3A_184] : memref<2x80x128xf32, #tpu.memory_space<vmem>> -> memref<1x80x128xf32, #tpu.memory_space<vmem>>
        %dma_wait3A_186 = tpu.memref_squeeze %dma_wait3A_185 : memref<1x80x128xf32, #tpu.memory_space<vmem>> -> memref<80x128xf32, #tpu.memory_space<vmem>>
        %dma_wait3A_187 = arith.constant 0 : i32
        %dma_wait3A_188 = tpu.memref_slice %arg4[%add3A_180, %dma_wait3A_187] : memref<81920x128xf32, #tpu.memory_space<hbm>> -> memref<80x128xf32, #tpu.memory_space<hbm>>
        %dma_wait3A_189 = tpu.memref_slice %arg9[%dma_wait3A_182] : memref<2x!tpu.dma_semaphore, #tpu.memory_space<semaphore_mem>> -> memref<1x!tpu.dma_semaphore, #tpu.memory_space<semaphore_mem>>
        %dma_wait3A_190 = tpu.memref_squeeze %dma_wait3A_189 : memref<1x!tpu.dma_semaphore, #tpu.memory_space<semaphore_mem>> -> memref<!tpu.dma_semaphore, #tpu.memory_space<semaphore_mem>>
        %dma_wait3A_191 = arith.constant 0 : i32
        %dma_wait3A_192 = tpu.memref_slice %arg4[%add3A_180, %dma_wait3A_191] : memref<81920x128xf32, #tpu.memory_space<hbm>> -> memref<80x128xf32, #tpu.memory_space<hbm>>
        %dma_wait3A_193 = arith.constant 0 : i32
        %dma_wait3A_194 = arith.constant 0 : i32
        %dma_wait3A_195 = tpu.memref_slice %arg7[%dma_wait3A_181, %dma_wait3A_193, %dma_wait3A_194] : memref<2x80x128xf32, #tpu.memory_space<vmem>> -> memref<1x80x128xf32, #tpu.memory_space<vmem>>
        %dma_wait3A_196 = tpu.memref_squeeze %dma_wait3A_195 : memref<1x80x128xf32, #tpu.memory_space<vmem>> -> memref<80x128xf32, #tpu.memory_space<vmem>>
        tpu.wait_dma2 semaphore(%dma_wait3A_190 : memref<!tpu.dma_semaphore, #tpu.memory_space<semaphore_mem>>) src(%dma_wait3A_196 : memref<80x128xf32, #tpu.memory_space<vmem>>) dst(%dma_wait3A_192 : memref<80x128xf32, #tpu.memory_space<hbm>>)
      } else {
      }
      %scan3A_145 = arith.constant 0 : i32
      %scan3A_146 = arith.constant 0 : i32
      %scan3A_147 = arith.constant 80 : i32
      %scan3A_148 = arith.addi %scan3A_146, %scan3A_147 : i32
      %scan3A_149 = arith.constant 1 : i32
      scf.for %scan3A_177 = %scan3A_146 to %scan3A_148 step %scan3A_149  : i32 {
        %mul3A_178 = arith.constant 4 : i32
        %mul3A_179 = arith.muli %scan3A_177, %mul3A_178 : i32
        %add3A_180 = arith.constant 0 : i32
        %add3A_181 = arith.addi %mul3A_179, %add3A_180 : i32
        %get3A = arith.constant 1 : i32
        %get3A_182 = arith.index_cast %get3A : i32 to index
        %get3A_183 = arith.index_cast %add3A_181 : i32 to index
        %get3A_184 = arith.constant 0 : index
        %get3A_185 = tpu.vector_load %arg6[%get3A_182, %get3A_183, %get3A_184] {strides = array<i32>} : memref<2x320x32xf32, #tpu.memory_space<vmem>>, vector<1x1x16xf32>,
        %get3A_186 = vector.shape_cast %get3A_185 : vector<1x1x16xf32> to vector<16xf32>
        %get3A_187 = arith.constant 1 : i32
        %get3A_188 = arith.index_cast %get3A_187 : i32 to index
        %get3A_189 = arith.index_cast %add3A_181 : i32 to index
        %get3A_190 = arith.constant 16 : index
        %get3A_191 = tpu.vector_load %arg6[%get3A_188, %get3A_189, %get3A_190] {strides = array<i32>} : memref<2x320x32xf32, #tpu.memory_space<vmem>>, vector<1x1x16xf32>,
        %get3A_192 = vector.shape_cast %get3A_191 : vector<1x1x16xf32> to vector<16xf32>
        %swap3A = arith.constant 1 : i32
        %swap3A_193 = arith.constant 0 : i32
        %swap3A_194 = arith.constant 0 : i32
        %swap3A_195 = tpu.memref_slice %arg7[%swap3A, %swap3A_193, %swap3A_194] : memref<2x80x128xf32, #tpu.memory_space<vmem>> -> memref<1x80x128xf32, #tpu.memory_space<vmem>>
        %swap3A_196 = tpu.memref_squeeze %swap3A_195 : memref<1x80x128xf32, #tpu.memory_space<vmem>> -> memref<80x128xf32, #tpu.memory_space<vmem>>
        %swap3A_197 = arith.index_cast %scan3A_177 : i32 to index
        %swap3A_198 = arith.constant 0 : index
        %swap3A_199 = tpu.vector_load %swap3A_196[%swap3A_197, %swap3A_198] {strides = array<i32>} : memref<80x128xf32, #tpu.memory_space<vmem>>, vector<1x16xf32>,
        %swap3A_200 = vector.shape_cast %swap3A_199 : vector<1x16xf32> to vector<16xf32>
        %swap3A_201 = vector.shape_cast %get3A_186 : vector<16xf32> to vector<1x16xf32>
        tpu.vector_store %swap3A_196[%swap3A_197, %swap3A_198], %swap3A_201 {strides = array<i32>} : memref<80x128xf32, #tpu.memory_space<vmem>>, vector<1x16xf32>,
        %swap3A_202 = arith.constant 1 : i32
        %swap3A_203 = arith.constant 0 : i32
        %swap3A_204 = arith.constant 0 : i32
        %swap3A_205 = tpu.memref_slice %arg7[%swap3A_202, %swap3A_203, %swap3A_204] : memref<2x80x128xf32, #tpu.memory_space<vmem>> -> memref<1x80x128xf32, #tpu.memory_space<vmem>>
        %swap3A_206 = tpu.memref_squeeze %swap3A_205 : memref<1x80x128xf32, #tpu.memory_space<vmem>> -> memref<80x128xf32, #tpu.memory_space<vmem>>
        %swap3A_207 = arith.index_cast %scan3A_177 : i32 to index
        %swap3A_208 = arith.constant 16 : index
        %swap3A_209 = tpu.vector_load %swap3A_206[%swap3A_207, %swap3A_208] {strides = array<i32>} : memref<80x128xf32, #tpu.memory_space<vmem>>, vector<1x16xf32>,
        %swap3A_210 = vector.shape_cast %swap3A_209 : vector<1x16xf32> to vector<16xf32>
        %swap3A_211 = vector.shape_cast %get3A_192 : vector<16xf32> to vector<1x16xf32>
        tpu.vector_store %swap3A_206[%swap3A_207, %swap3A_208], %swap3A_211 {strides = array<i32>} : memref<80x128xf32, #tpu.memory_space<vmem>>, vector<1x16xf32>,
        %mul3A_212 = arith.constant 4 : i32
        %mul3A_213 = arith.muli %scan3A_177, %mul3A_212 : i32
        %add3A_214 = arith.constant 1 : i32
        %add3A_215 = arith.addi %mul3A_213, %add3A_214 : i32
        %get3A_216 = arith.constant 1 : i32
        %get3A_217 = arith.index_cast %get3A_216 : i32 to index
        %get3A_218 = arith.index_cast %add3A_215 : i32 to index
        %get3A_219 = arith.constant 0 : index
        %get3A_220 = tpu.vector_load %arg6[%get3A_217, %get3A_218, %get3A_219] {strides = array<i32>} : memref<2x320x32xf32, #tpu.memory_space<vmem>>, vector<1x1x16xf32>,
        %get3A_221 = vector.shape_cast %get3A_220 : vector<1x1x16xf32> to vector<16xf32>
        %get3A_222 = arith.constant 1 : i32
        %get3A_223 = arith.index_cast %get3A_222 : i32 to index
        %get3A_224 = arith.index_cast %add3A_215 : i32 to index
        %get3A_225 = arith.constant 16 : index
        %get3A_226 = tpu.vector_load %arg6[%get3A_223, %get3A_224, %get3A_225] {strides = array<i32>} : memref<2x320x32xf32, #tpu.memory_space<vmem>>, vector<1x1x16xf32>,
        %get3A_227 = vector.shape_cast %get3A_226 : vector<1x1x16xf32> to vector<16xf32>
        %swap3A_228 = arith.constant 1 : i32
        %swap3A_229 = arith.constant 0 : i32
        %swap3A_230 = arith.constant 0 : i32
        %swap3A_231 = tpu.memref_slice %arg7[%swap3A_228, %swap3A_229, %swap3A_230] : memref<2x80x128xf32, #tpu.memory_space<vmem>> -> memref<1x80x128xf32, #tpu.memory_space<vmem>>
        %swap3A_232 = tpu.memref_squeeze %swap3A_231 : memref<1x80x128xf32, #tpu.memory_space<vmem>> -> memref<80x128xf32, #tpu.memory_space<vmem>>
        %swap3A_233 = arith.index_cast %scan3A_177 : i32 to index
        %swap3A_234 = arith.constant 32 : index
        %swap3A_235 = tpu.vector_load %swap3A_232[%swap3A_233, %swap3A_234] {strides = array<i32>} : memref<80x128xf32, #tpu.memory_space<vmem>>, vector<1x16xf32>,
        %swap3A_236 = vector.shape_cast %swap3A_235 : vector<1x16xf32> to vector<16xf32>
        %swap3A_237 = vector.shape_cast %get3A_221 : vector<16xf32> to vector<1x16xf32>
        tpu.vector_store %swap3A_232[%swap3A_233, %swap3A_234], %swap3A_237 {strides = array<i32>} : memref<80x128xf32, #tpu.memory_space<vmem>>, vector<1x16xf32>,
        %swap3A_238 = arith.constant 1 : i32
        %swap3A_239 = arith.constant 0 : i32
        %swap3A_240 = arith.constant 0 : i32
        %swap3A_241 = tpu.memref_slice %arg7[%swap3A_238, %swap3A_239, %swap3A_240] : memref<2x80x128xf32, #tpu.memory_space<vmem>> -> memref<1x80x128xf32, #tpu.memory_space<vmem>>
        %swap3A_242 = tpu.memref_squeeze %swap3A_241 : memref<1x80x128xf32, #tpu.memory_space<vmem>> -> memref<80x128xf32, #tpu.memory_space<vmem>>
        %swap3A_243 = arith.index_cast %scan3A_177 : i32 to index
        %swap3A_244 = arith.constant 48 : index
        %swap3A_245 = tpu.vector_load %swap3A_242[%swap3A_243, %swap3A_244] {strides = array<i32>} : memref<80x128xf32, #tpu.memory_space<vmem>>, vector<1x16xf32>,
        %swap3A_246 = vector.shape_cast %swap3A_245 : vector<1x16xf32> to vector<16xf32>
        %swap3A_247 = vector.shape_cast %get3A_227 : vector<16xf32> to vector<1x16xf32>
        tpu.vector_store %swap3A_242[%swap3A_243, %swap3A_244], %swap3A_247 {strides = array<i32>} : memref<80x128xf32, #tpu.memory_space<vmem>>, vector<1x16xf32>,
        %mul3A_248 = arith.constant 4 : i32
        %mul3A_249 = arith.muli %scan3A_177, %mul3A_248 : i32
        %add3A_250 = arith.constant 2 : i32
        %add3A_251 = arith.addi %mul3A_249, %add3A_250 : i32
        %get3A_252 = arith.constant 1 : i32
        %get3A_253 = arith.index_cast %get3A_252 : i32 to index
        %get3A_254 = arith.index_cast %add3A_251 : i32 to index
        %get3A_255 = arith.constant 0 : index
        %get3A_256 = tpu.vector_load %arg6[%get3A_253, %get3A_254, %get3A_255] {strides = array<i32>} : memref<2x320x32xf32, #tpu.memory_space<vmem>>, vector<1x1x16xf32>,
        %get3A_257 = vector.shape_cast %get3A_256 : vector<1x1x16xf32> to vector<16xf32>
        %get3A_258 = arith.constant 1 : i32
        %get3A_259 = arith.index_cast %get3A_258 : i32 to index
        %get3A_260 = arith.index_cast %add3A_251 : i32 to index
        %get3A_261 = arith.constant 16 : index
        %get3A_262 = tpu.vector_load %arg6[%get3A_259, %get3A_260, %get3A_261] {strides = array<i32>} : memref<2x320x32xf32, #tpu.memory_space<vmem>>, vector<1x1x16xf32>,
        %get3A_263 = vector.shape_cast %get3A_262 : vector<1x1x16xf32> to vector<16xf32>
        %swap3A_264 = arith.constant 1 : i32
        %swap3A_265 = arith.constant 0 : i32
        %swap3A_266 = arith.constant 0 : i32
        %swap3A_267 = tpu.memref_slice %arg7[%swap3A_264, %swap3A_265, %swap3A_266] : memref<2x80x128xf32, #tpu.memory_space<vmem>> -> memref<1x80x128xf32, #tpu.memory_space<vmem>>
        %swap3A_268 = tpu.memref_squeeze %swap3A_267 : memref<1x80x128xf32, #tpu.memory_space<vmem>> -> memref<80x128xf32, #tpu.memory_space<vmem>>
        %swap3A_269 = arith.index_cast %scan3A_177 : i32 to index
        %swap3A_270 = arith.constant 64 : index
        %swap3A_271 = tpu.vector_load %swap3A_268[%swap3A_269, %swap3A_270] {strides = array<i32>} : memref<80x128xf32, #tpu.memory_space<vmem>>, vector<1x16xf32>,
        %swap3A_272 = vector.shape_cast %swap3A_271 : vector<1x16xf32> to vector<16xf32>
        %swap3A_273 = vector.shape_cast %get3A_257 : vector<16xf32> to vector<1x16xf32>
        tpu.vector_store %swap3A_268[%swap3A_269, %swap3A_270], %swap3A_273 {strides = array<i32>} : memref<80x128xf32, #tpu.memory_space<vmem>>, vector<1x16xf32>,
        %swap3A_274 = arith.constant 1 : i32
        %swap3A_275 = arith.constant 0 : i32
        %swap3A_276 = arith.constant 0 : i32
        %swap3A_277 = tpu.memref_slice %arg7[%swap3A_274, %swap3A_275, %swap3A_276] : memref<2x80x128xf32, #tpu.memory_space<vmem>> -> memref<1x80x128xf32, #tpu.memory_space<vmem>>
        %swap3A_278 = tpu.memref_squeeze %swap3A_277 : memref<1x80x128xf32, #tpu.memory_space<vmem>> -> memref<80x128xf32, #tpu.memory_space<vmem>>
        %swap3A_279 = arith.index_cast %scan3A_177 : i32 to index
        %swap3A_280 = arith.constant 80 : index
        %swap3A_281 = tpu.vector_load %swap3A_278[%swap3A_279, %swap3A_280] {strides = array<i32>} : memref<80x128xf32, #tpu.memory_space<vmem>>, vector<1x16xf32>,
        %swap3A_282 = vector.shape_cast %swap3A_281 : vector<1x16xf32> to vector<16xf32>
        %swap3A_283 = vector.shape_cast %get3A_263 : vector<16xf32> to vector<1x16xf32>
        tpu.vector_store %swap3A_278[%swap3A_279, %swap3A_280], %swap3A_283 {strides = array<i32>} : memref<80x128xf32, #tpu.memory_space<vmem>>, vector<1x16xf32>,
        %mul3A_284 = arith.constant 4 : i32
        %mul3A_285 = arith.muli %scan3A_177, %mul3A_284 : i32
        %add3A_286 = arith.constant 3 : i32
        %add3A_287 = arith.addi %mul3A_285, %add3A_286 : i32
        %get3A_288 = arith.constant 1 : i32
        %get3A_289 = arith.index_cast %get3A_288 : i32 to index
        %get3A_290 = arith.index_cast %add3A_287 : i32 to index
        %get3A_291 = arith.constant 0 : index
        %get3A_292 = tpu.vector_load %arg6[%get3A_289, %get3A_290, %get3A_291] {strides = array<i32>} : memref<2x320x32xf32, #tpu.memory_space<vmem>>, vector<1x1x16xf32>,
        %get3A_293 = vector.shape_cast %get3A_292 : vector<1x1x16xf32> to vector<16xf32>
        %get3A_294 = arith.constant 1 : i32
        %get3A_295 = arith.index_cast %get3A_294 : i32 to index
        %get3A_296 = arith.index_cast %add3A_287 : i32 to index
        %get3A_297 = arith.constant 16 : index
        %get3A_298 = tpu.vector_load %arg6[%get3A_295, %get3A_296, %get3A_297] {strides = array<i32>} : memref<2x320x32xf32, #tpu.memory_space<vmem>>, vector<1x1x16xf32>,
        %get3A_299 = vector.shape_cast %get3A_298 : vector<1x1x16xf32> to vector<16xf32>
        %swap3A_300 = arith.constant 1 : i32
        %swap3A_301 = arith.constant 0 : i32
        %swap3A_302 = arith.constant 0 : i32
        %swap3A_303 = tpu.memref_slice %arg7[%swap3A_300, %swap3A_301, %swap3A_302] : memref<2x80x128xf32, #tpu.memory_space<vmem>> -> memref<1x80x128xf32, #tpu.memory_space<vmem>>
        %swap3A_304 = tpu.memref_squeeze %swap3A_303 : memref<1x80x128xf32, #tpu.memory_space<vmem>> -> memref<80x128xf32, #tpu.memory_space<vmem>>
        %swap3A_305 = arith.index_cast %scan3A_177 : i32 to index
        %swap3A_306 = arith.constant 96 : index
        %swap3A_307 = tpu.vector_load %swap3A_304[%swap3A_305, %swap3A_306] {strides = array<i32>} : memref<80x128xf32, #tpu.memory_space<vmem>>, vector<1x16xf32>,
        %swap3A_308 = vector.shape_cast %swap3A_307 : vector<1x16xf32> to vector<16xf32>
        %swap3A_309 = vector.shape_cast %get3A_293 : vector<16xf32> to vector<1x16xf32>
        tpu.vector_store %swap3A_304[%swap3A_305, %swap3A_306], %swap3A_309 {strides = array<i32>} : memref<80x128xf32, #tpu.memory_space<vmem>>, vector<1x16xf32>,
        %swap3A_310 = arith.constant 1 : i32
        %swap3A_311 = arith.constant 0 : i32
        %swap3A_312 = arith.constant 0 : i32
        %swap3A_313 = tpu.memref_slice %arg7[%swap3A_310, %swap3A_311, %swap3A_312] : memref<2x80x128xf32, #tpu.memory_space<vmem>> -> memref<1x80x128xf32, #tpu.memory_space<vmem>>
        %swap3A_314 = tpu.memref_squeeze %swap3A_313 : memref<1x80x128xf32, #tpu.memory_space<vmem>> -> memref<80x128xf32, #tpu.memory_space<vmem>>
        %swap3A_315 = arith.index_cast %scan3A_177 : i32 to index
        %swap3A_316 = arith.constant 112 : index
        %swap3A_317 = tpu.vector_load %swap3A_314[%swap3A_315, %swap3A_316] {strides = array<i32>} : memref<80x128xf32, #tpu.memory_space<vmem>>, vector<1x16xf32>,
        %swap3A_318 = vector.shape_cast %swap3A_317 : vector<1x16xf32> to vector<16xf32>
        %swap3A_319 = vector.shape_cast %get3A_299 : vector<16xf32> to vector<1x16xf32>
        tpu.vector_store %swap3A_314[%swap3A_315, %swap3A_316], %swap3A_319 {strides = array<i32>} : memref<80x128xf32, #tpu.memory_space<vmem>>, vector<1x16xf32>,
      }
      %scan3A_150 = arith.constant 80 : i32
      %mul3A_151 = arith.constant 80 : i32
      %mul3A_152 = arith.muli %add3A_121, %mul3A_151 : i32
      %add3A_153 = arith.addi %multiple_of3A_5, %mul3A_152 : i32
      %dma_start3A_154 = arith.constant 1 : i32
      %dma_start3A_155 = arith.constant 1 : i32
      %dma_start3A_156 = arith.constant 0 : i32
      %dma_start3A_157 = arith.constant 0 : i32
      %dma_start3A_158 = tpu.memref_slice %arg7[%dma_start3A_154, %dma_start3A_156, %dma_start3A_157] : memref<2x80x128xf32, #tpu.memory_space<vmem>> -> memref<1x80x128xf32, #tpu.memory_space<vmem>>
      %dma_start3A_159 = tpu.memref_squeeze %dma_start3A_158 : memref<1x80x128xf32, #tpu.memory_space<vmem>> -> memref<80x128xf32, #tpu.memory_space<vmem>>
      %dma_start3A_160 = arith.constant 0 : i32
      %dma_start3A_161 = tpu.memref_slice %arg4[%add3A_153, %dma_start3A_160] : memref<81920x128xf32, #tpu.memory_space<hbm>> -> memref<80x128xf32, #tpu.memory_space<hbm>>
      %dma_start3A_162 = tpu.memref_slice %arg9[%dma_start3A_155] : memref<2x!tpu.dma_semaphore, #tpu.memory_space<semaphore_mem>> -> memref<1x!tpu.dma_semaphore, #tpu.memory_space<semaphore_mem>>
      %dma_start3A_163 = tpu.memref_squeeze %dma_start3A_162 : memref<1x!tpu.dma_semaphore, #tpu.memory_space<semaphore_mem>> -> memref<!tpu.dma_semaphore, #tpu.memory_space<semaphore_mem>>
      %dma_start3A_164 = arith.constant 0 : i32
      %dma_start3A_165 = tpu.memref_slice %arg4[%add3A_153, %dma_start3A_164] : memref<81920x128xf32, #tpu.memory_space<hbm>> -> memref<80x128xf32, #tpu.memory_space<hbm>>
      %dma_start3A_166 = arith.constant 0 : i32
      %dma_start3A_167 = arith.constant 0 : i32
      %dma_start3A_168 = tpu.memref_slice %arg7[%dma_start3A_154, %dma_start3A_166, %dma_start3A_167] : memref<2x80x128xf32, #tpu.memory_space<vmem>> -> memref<1x80x128xf32, #tpu.memory_space<vmem>>
      %dma_start3A_169 = tpu.memref_squeeze %dma_start3A_168 : memref<1x80x128xf32, #tpu.memory_space<vmem>> -> memref<80x128xf32, #tpu.memory_space<vmem>>
      tpu.enqueue_dma source(%dma_start3A_169 : memref<80x128xf32, #tpu.memory_space<vmem>>) target(%dma_start3A_165 : memref<80x128xf32, #tpu.memory_space<hbm>>) target_semaphore(%dma_start3A_163 : memref<!tpu.dma_semaphore, #tpu.memory_space<semaphore_mem>>)
      %add3A_170 = arith.constant 2 : i32
      %add3A_171 = arith.addi %add3A_121, %add3A_170 : i32
      %lt3A_172 = arith.constant 32 : i32
      %lt3A_173 = arith.cmpi slt, %add3A_171, %lt3A_172 : i32
      %convert_element_type3A_174 = arith.extui %lt3A_173 : i1 to i32
      %cond3A_175 = arith.constant 0 : i32
      %cond3A_176 = arith.cmpi ne, %convert_element_type3A_174, %cond3A_175 : i32
      scf.if %cond3A_176 {
        %add3A_177 = arith.constant 2 : i32
        %add3A_178 = arith.addi %add3A_121, %add3A_177 : i32
        %mul3A_179 = arith.constant 16 : i32
        %mul3A_180 = arith.muli %add3A_178, %mul3A_179 : i32
        %add3A_181 = arith.addi %multiple_of3A, %mul3A_180 : i32
        %run_scoped3A_182 = arith.constant 1 : i32
        "tpu.region"() ({
          %run_scoped3A_189 = tpu.sem_alloc : memref<!tpu.dma_semaphore, #tpu.memory_space<semaphore_mem>>
          %dma_start3A_190 = arith.constant 0 : i32
          %dma_start3A_191 = arith.constant 0 : i32
          %dma_start3A_192 = tpu.memref_slice %arg5[%run_scoped3A_182, %dma_start3A_190, %dma_start3A_191] : memref<2x16x20xi32, #tpu.memory_space<vmem>> -> memref<1x16x20xi32, #tpu.memory_space<vmem>>
          %dma_start3A_193 = tpu.memref_squeeze %dma_start3A_192 : memref<1x16x20xi32, #tpu.memory_space<vmem>> -> memref<16x20xi32, #tpu.memory_space<vmem>>
          %dma_start3A_194 = arith.constant 0 : i32
          %dma_start3A_195 = tpu.memref_slice %arg2[%add3A_181, %dma_start3A_194] : memref<16384x20xi32, #tpu.memory_space<hbm>> -> memref<16x20xi32, #tpu.memory_space<hbm>>
          %dma_start3A_196 = arith.constant 0 : i32
          %dma_start3A_197 = arith.constant 0 : i32
          %dma_start3A_198 = tpu.memref_slice %arg5[%run_scoped3A_182, %dma_start3A_196, %dma_start3A_197] : memref<2x16x20xi32, #tpu.memory_space<vmem>> -> memref<1x16x20xi32, #tpu.memory_space<vmem>>
          %dma_start3A_199 = tpu.memref_squeeze %dma_start3A_198 : memref<1x16x20xi32, #tpu.memory_space<vmem>> -> memref<16x20xi32, #tpu.memory_space<vmem>>
          %dma_start3A_200 = arith.constant 0 : i32
          %dma_start3A_201 = tpu.memref_slice %arg2[%add3A_181, %dma_start3A_200] : memref<16384x20xi32, #tpu.memory_space<hbm>> -> memref<16x20xi32, #tpu.memory_space<hbm>>
          tpu.enqueue_dma source(%dma_start3A_201 : memref<16x20xi32, #tpu.memory_space<hbm>>) target(%dma_start3A_199 : memref<16x20xi32, #tpu.memory_space<vmem>>) target_semaphore(%run_scoped3A_189 : memref<!tpu.dma_semaphore, #tpu.memory_space<semaphore_mem>>)
          %dma_wait3A_202 = arith.constant 0 : i32
          %dma_wait3A_203 = arith.constant 0 : i32
          %dma_wait3A_204 = tpu.memref_slice %arg5[%run_scoped3A_182, %dma_wait3A_202, %dma_wait3A_203] : memref<2x16x20xi32, #tpu.memory_space<vmem>> -> memref<1x16x20xi32, #tpu.memory_space<vmem>>
          %dma_wait3A_205 = tpu.memref_squeeze %dma_wait3A_204 : memref<1x16x20xi32, #tpu.memory_space<vmem>> -> memref<16x20xi32, #tpu.memory_space<vmem>>
          %dma_wait3A_206 = arith.constant 0 : i32
          %dma_wait3A_207 = tpu.memref_slice %arg2[%add3A_181, %dma_wait3A_206] : memref<16384x20xi32, #tpu.memory_space<hbm>> -> memref<16x20xi32, #tpu.memory_space<hbm>>
          %dma_wait3A_208 = arith.constant 0 : i32
          %dma_wait3A_209 = arith.constant 0 : i32
          %dma_wait3A_210 = tpu.memref_slice %arg5[%run_scoped3A_182, %dma_wait3A_208, %dma_wait3A_209] : memref<2x16x20xi32, #tpu.memory_space<vmem>> -> memref<1x16x20xi32, #tpu.memory_space<vmem>>
          %dma_wait3A_211 = tpu.memref_squeeze %dma_wait3A_210 : memref<1x16x20xi32, #tpu.memory_space<vmem>> -> memref<16x20xi32, #tpu.memory_space<vmem>>
          %dma_wait3A_212 = arith.constant 0 : i32
          %dma_wait3A_213 = tpu.memref_slice %arg2[%add3A_181, %dma_wait3A_212] : memref<16384x20xi32, #tpu.memory_space<hbm>> -> memref<16x20xi32, #tpu.memory_space<hbm>>
          tpu.wait_dma2 semaphore(%run_scoped3A_189 : memref<!tpu.dma_semaphore, #tpu.memory_space<semaphore_mem>>) src(%dma_wait3A_213 : memref<16x20xi32, #tpu.memory_space<hbm>>) dst(%dma_wait3A_211 : memref<16x20xi32, #tpu.memory_space<vmem>>)
          tpu.yield
        }) : () -> ()
        %scan3A_183 = arith.constant 0 : i32
        %scan3A_184 = arith.constant 0 : i32
        %scan3A_185 = arith.constant 16 : i32
        %scan3A_186 = arith.addi %scan3A_184, %scan3A_185 : i32
        %scan3A_187 = arith.constant 1 : i32
        scf.for %scan3A_189 = %scan3A_184 to %scan3A_186 step %scan3A_187  : i32 {
          %get3A = arith.constant 1 : i32
          %get3A_190 = arith.index_cast %get3A : i32 to index
          %get3A_191 = arith.index_cast %scan3A_189 : i32 to index
          %get3A_192 = arith.constant 0 : index
          %get3A_193 = tpu.vector_load %arg5[%get3A_190, %get3A_191, %get3A_192] {strides = array<i32>} : memref<2x16x20xi32, #tpu.memory_space<vmem>>, vector<1x1x16xi32>,
          %get3A_194 = vector.shape_cast %get3A_193 : vector<1x1x16xi32> to vector<16xi32>
          %get3A_195 = arith.constant 1 : i32
          %get3A_196 = arith.index_cast %get3A_195 : i32 to index
          %get3A_197 = arith.index_cast %scan3A_189 : i32 to index
          %get3A_198 = arith.constant 4 : index
          %get3A_199 = tpu.vector_load %arg5[%get3A_196, %get3A_197, %get3A_198] {strides = array<i32>} : memref<2x16x20xi32, #tpu.memory_space<vmem>>, vector<1x1x16xi32>,
          %get3A_200 = vector.shape_cast %get3A_199 : vector<1x1x16xi32> to vector<16xi32>
          %slice3A = vector.extract_strided_slice %get3A_194 {offsets = [0], sizes = [1], strides = [1]} : vector<16xi32> to vector<1xi32>
          %squeeze3A = vector.extract %slice3A[0] : i32 from vector<1xi32>
          %mul3A_201 = arith.constant 20 : i32
          %mul3A_202 = arith.muli %scan3A_189, %mul3A_201 : i32
          %add3A_203 = arith.constant 0 : i32
          %add3A_204 = arith.addi %mul3A_202, %add3A_203 : i32
          %dma_start3A_205 = arith.constant 1 : i32
          %dma_start3A_206 = arith.constant 1 : i32
          %dma_start3A_207 = arith.constant 0 : i32
          %dma_start3A_208 = tpu.memref_slice %arg6[%dma_start3A_205, %add3A_204, %dma_start3A_207] : memref<2x320x32xf32, #tpu.memory_space<vmem>> -> memref<1x1x32xf32, #tpu.memory_space<vmem>>
          %dma_start3A_209 = tpu.memref_squeeze %dma_start3A_208 : memref<1x1x32xf32, #tpu.memory_space<vmem>> -> memref<1x32xf32, #tpu.memory_space<vmem>>
          %dma_start3A_210 = arith.constant 0 : i32
          %dma_start3A_211 = tpu.memref_slice %arg3[%squeeze3A, %dma_start3A_210] : memref<1000000x32xf32, #tpu.memory_space<hbm>> -> memref<1x32xf32, #tpu.memory_space<hbm>>
          %dma_start3A_212 = tpu.memref_slice %arg8[%dma_start3A_206] : memref<2x!tpu.dma_semaphore, #tpu.memory_space<semaphore_mem>> -> memref<1x!tpu.dma_semaphore, #tpu.memory_space<semaphore_mem>>
          %dma_start3A_213 = tpu.memref_squeeze %dma_start3A_212 : memref<1x!tpu.dma_semaphore, #tpu.memory_space<semaphore_mem>> -> memref<!tpu.dma_semaphore, #tpu.memory_space<semaphore_mem>>
          %dma_start3A_214 = arith.constant 0 : i32
          %dma_start3A_215 = tpu.memref_slice %arg6[%dma_start3A_205, %add3A_204, %dma_start3A_214] : memref<2x320x32xf32, #tpu.memory_space<vmem>> -> memref<1x1x32xf32, #tpu.memory_space<vmem>>
          %dma_start3A_216 = tpu.memref_squeeze %dma_start3A_215 : memref<1x1x32xf32, #tpu.memory_space<vmem>> -> memref<1x32xf32, #tpu.memory_space<vmem>>
          %dma_start3A_217 = arith.constant 0 : i32
          %dma_start3A_218 = tpu.memref_slice %arg3[%squeeze3A, %dma_start3A_217] : memref<1000000x32xf32, #tpu.memory_space<hbm>> -> memref<1x32xf32, #tpu.memory_space<hbm>>
          tpu.enqueue_dma source(%dma_start3A_218 : memref<1x32xf32, #tpu.memory_space<hbm>>) target(%dma_start3A_216 : memref<1x32xf32, #tpu.memory_space<vmem>>) target_semaphore(%dma_start3A_213 : memref<!tpu.dma_semaphore, #tpu.memory_space<semaphore_mem>>)
          %slice3A_219 = vector.extract_strided_slice %get3A_194 {offsets = [1], sizes = [1], strides = [1]} : vector<16xi32> to vector<1xi32>
          %squeeze3A_220 = vector.extract %slice3A_219[0] : i32 from vector<1xi32>
          %mul3A_221 = arith.constant 20 : i32
          %mul3A_222 = arith.muli %scan3A_189, %mul3A_221 : i32
          %add3A_223 = arith.constant 1 : i32
          %add3A_224 = arith.addi %mul3A_222, %add3A_223 : i32
          %dma_start3A_225 = arith.constant 1 : i32
          %dma_start3A_226 = arith.constant 1 : i32
          %dma_start3A_227 = arith.constant 0 : i32
          %dma_start3A_228 = tpu.memref_slice %arg6[%dma_start3A_225, %add3A_224, %dma_start3A_227] : memref<2x320x32xf32, #tpu.memory_space<vmem>> -> memref<1x1x32xf32, #tpu.memory_space<vmem>>
          %dma_start3A_229 = tpu.memref_squeeze %dma_start3A_228 : memref<1x1x32xf32, #tpu.memory_space<vmem>> -> memref<1x32xf32, #tpu.memory_space<vmem>>
          %dma_start3A_230 = arith.constant 0 : i32
          %dma_start3A_231 = tpu.memref_slice %arg3[%squeeze3A_220, %dma_start3A_230] : memref<1000000x32xf32, #tpu.memory_space<hbm>> -> memref<1x32xf32, #tpu.memory_space<hbm>>
          %dma_start3A_232 = tpu.memref_slice %arg8[%dma_start3A_226] : memref<2x!tpu.dma_semaphore, #tpu.memory_space<semaphore_mem>> -> memref<1x!tpu.dma_semaphore, #tpu.memory_space<semaphore_mem>>
          %dma_start3A_233 = tpu.memref_squeeze %dma_start3A_232 : memref<1x!tpu.dma_semaphore, #tpu.memory_space<semaphore_mem>> -> memref<!tpu.dma_semaphore, #tpu.memory_space<semaphore_mem>>
          %dma_start3A_234 = arith.constant 0 : i32
          %dma_start3A_235 = tpu.memref_slice %arg6[%dma_start3A_225, %add3A_224, %dma_start3A_234] : memref<2x320x32xf32, #tpu.memory_space<vmem>> -> memref<1x1x32xf32, #tpu.memory_space<vmem>>
          %dma_start3A_236 = tpu.memref_squeeze %dma_start3A_235 : memref<1x1x32xf32, #tpu.memory_space<vmem>> -> memref<1x32xf32, #tpu.memory_space<vmem>>
          %dma_start3A_237 = arith.constant 0 : i32
          %dma_start3A_238 = tpu.memref_slice %arg3[%squeeze3A_220, %dma_start3A_237] : memref<1000000x32xf32, #tpu.memory_space<hbm>> -> memref<1x32xf32, #tpu.memory_space<hbm>>
          tpu.enqueue_dma source(%dma_start3A_238 : memref<1x32xf32, #tpu.memory_space<hbm>>) target(%dma_start3A_236 : memref<1x32xf32, #tpu.memory_space<vmem>>) target_semaphore(%dma_start3A_233 : memref<!tpu.dma_semaphore, #tpu.memory_space<semaphore_mem>>)
          %slice3A_239 = vector.extract_strided_slice %get3A_194 {offsets = [2], sizes = [1], strides = [1]} : vector<16xi32> to vector<1xi32>
          %squeeze3A_240 = vector.extract %slice3A_239[0] : i32 from vector<1xi32>
          %mul3A_241 = arith.constant 20 : i32
          %mul3A_242 = arith.muli %scan3A_189, %mul3A_241 : i32
          %add3A_243 = arith.constant 2 : i32
          %add3A_244 = arith.addi %mul3A_242, %add3A_243 : i32
          %dma_start3A_245 = arith.constant 1 : i32
          %dma_start3A_246 = arith.constant 1 : i32
          %dma_start3A_247 = arith.constant 0 : i32
          %dma_start3A_248 = tpu.memref_slice %arg6[%dma_start3A_245, %add3A_244, %dma_start3A_247] : memref<2x320x32xf32, #tpu.memory_space<vmem>> -> memref<1x1x32xf32, #tpu.memory_space<vmem>>
          %dma_start3A_249 = tpu.memref_squeeze %dma_start3A_248 : memref<1x1x32xf32, #tpu.memory_space<vmem>> -> memref<1x32xf32, #tpu.memory_space<vmem>>
          %dma_start3A_250 = arith.constant 0 : i32
          %dma_start3A_251 = tpu.memref_slice %arg3[%squeeze3A_240, %dma_start3A_250] : memref<1000000x32xf32, #tpu.memory_space<hbm>> -> memref<1x32xf32, #tpu.memory_space<hbm>>
          %dma_start3A_252 = tpu.memref_slice %arg8[%dma_start3A_246] : memref<2x!tpu.dma_semaphore, #tpu.memory_space<semaphore_mem>> -> memref<1x!tpu.dma_semaphore, #tpu.memory_space<semaphore_mem>>
          %dma_start3A_253 = tpu.memref_squeeze %dma_start3A_252 : memref<1x!tpu.dma_semaphore, #tpu.memory_space<semaphore_mem>> -> memref<!tpu.dma_semaphore, #tpu.memory_space<semaphore_mem>>
          %dma_start3A_254 = arith.constant 0 : i32
          %dma_start3A_255 = tpu.memref_slice %arg6[%dma_start3A_245, %add3A_244, %dma_start3A_254] : memref<2x320x32xf32, #tpu.memory_space<vmem>> -> memref<1x1x32xf32, #tpu.memory_space<vmem>>
          %dma_start3A_256 = tpu.memref_squeeze %dma_start3A_255 : memref<1x1x32xf32, #tpu.memory_space<vmem>> -> memref<1x32xf32, #tpu.memory_space<vmem>>
          %dma_start3A_257 = arith.constant 0 : i32
          %dma_start3A_258 = tpu.memref_slice %arg3[%squeeze3A_240, %dma_start3A_257] : memref<1000000x32xf32, #tpu.memory_space<hbm>> -> memref<1x32xf32, #tpu.memory_space<hbm>>
          tpu.enqueue_dma source(%dma_start3A_258 : memref<1x32xf32, #tpu.memory_space<hbm>>) target(%dma_start3A_256 : memref<1x32xf32, #tpu.memory_space<vmem>>) target_semaphore(%dma_start3A_253 : memref<!tpu.dma_semaphore, #tpu.memory_space<semaphore_mem>>)
          %slice3A_259 = vector.extract_strided_slice %get3A_194 {offsets = [3], sizes = [1], strides = [1]} : vector<16xi32> to vector<1xi32>
          %squeeze3A_260 = vector.extract %slice3A_259[0] : i32 from vector<1xi32>
          %mul3A_261 = arith.constant 20 : i32
          %mul3A_262 = arith.muli %scan3A_189, %mul3A_261 : i32
          %add3A_263 = arith.constant 3 : i32
          %add3A_264 = arith.addi %mul3A_262, %add3A_263 : i32
          %dma_start3A_265 = arith.constant 1 : i32
          %dma_start3A_266 = arith.constant 1 : i32
          %dma_start3A_267 = arith.constant 0 : i32
          %dma_start3A_268 = tpu.memref_slice %arg6[%dma_start3A_265, %add3A_264, %dma_start3A_267] : memref<2x320x32xf32, #tpu.memory_space<vmem>> -> memref<1x1x32xf32, #tpu.memory_space<vmem>>
          %dma_start3A_269 = tpu.memref_squeeze %dma_start3A_268 : memref<1x1x32xf32, #tpu.memory_space<vmem>> -> memref<1x32xf32, #tpu.memory_space<vmem>>
          %dma_start3A_270 = arith.constant 0 : i32
          %dma_start3A_271 = tpu.memref_slice %arg3[%squeeze3A_260, %dma_start3A_270] : memref<1000000x32xf32, #tpu.memory_space<hbm>> -> memref<1x32xf32, #tpu.memory_space<hbm>>
          %dma_start3A_272 = tpu.memref_slice %arg8[%dma_start3A_266] : memref<2x!tpu.dma_semaphore, #tpu.memory_space<semaphore_mem>> -> memref<1x!tpu.dma_semaphore, #tpu.memory_space<semaphore_mem>>
          %dma_start3A_273 = tpu.memref_squeeze %dma_start3A_272 : memref<1x!tpu.dma_semaphore, #tpu.memory_space<semaphore_mem>> -> memref<!tpu.dma_semaphore, #tpu.memory_space<semaphore_mem>>
          %dma_start3A_274 = arith.constant 0 : i32
          %dma_start3A_275 = tpu.memref_slice %arg6[%dma_start3A_265, %add3A_264, %dma_start3A_274] : memref<2x320x32xf32, #tpu.memory_space<vmem>> -> memref<1x1x32xf32, #tpu.memory_space<vmem>>
          %dma_start3A_276 = tpu.memref_squeeze %dma_start3A_275 : memref<1x1x32xf32, #tpu.memory_space<vmem>> -> memref<1x32xf32, #tpu.memory_space<vmem>>
          %dma_start3A_277 = arith.constant 0 : i32
          %dma_start3A_278 = tpu.memref_slice %arg3[%squeeze3A_260, %dma_start3A_277] : memref<1000000x32xf32, #tpu.memory_space<hbm>> -> memref<1x32xf32, #tpu.memory_space<hbm>>
          tpu.enqueue_dma source(%dma_start3A_278 : memref<1x32xf32, #tpu.memory_space<hbm>>) target(%dma_start3A_276 : memref<1x32xf32, #tpu.memory_space<vmem>>) target_semaphore(%dma_start3A_273 : memref<!tpu.dma_semaphore, #tpu.memory_space<semaphore_mem>>)
          %slice3A_279 = vector.extract_strided_slice %get3A_194 {offsets = [4], sizes = [1], strides = [1]} : vector<16xi32> to vector<1xi32>
          %squeeze3A_280 = vector.extract %slice3A_279[0] : i32 from vector<1xi32>
          %mul3A_281 = arith.constant 20 : i32
          %mul3A_282 = arith.muli %scan3A_189, %mul3A_281 : i32
          %add3A_283 = arith.constant 4 : i32
          %add3A_284 = arith.addi %mul3A_282, %add3A_283 : i32
          %dma_start3A_285 = arith.constant 1 : i32
          %dma_start3A_286 = arith.constant 1 : i32
          %dma_start3A_287 = arith.constant 0 : i32
          %dma_start3A_288 = tpu.memref_slice %arg6[%dma_start3A_285, %add3A_284, %dma_start3A_287] : memref<2x320x32xf32, #tpu.memory_space<vmem>> -> memref<1x1x32xf32, #tpu.memory_space<vmem>>
          %dma_start3A_289 = tpu.memref_squeeze %dma_start3A_288 : memref<1x1x32xf32, #tpu.memory_space<vmem>> -> memref<1x32xf32, #tpu.memory_space<vmem>>
          %dma_start3A_290 = arith.constant 0 : i32
          %dma_start3A_291 = tpu.memref_slice %arg3[%squeeze3A_280, %dma_start3A_290] : memref<1000000x32xf32, #tpu.memory_space<hbm>> -> memref<1x32xf32, #tpu.memory_space<hbm>>
          %dma_start3A_292 = tpu.memref_slice %arg8[%dma_start3A_286] : memref<2x!tpu.dma_semaphore, #tpu.memory_space<semaphore_mem>> -> memref<1x!tpu.dma_semaphore, #tpu.memory_space<semaphore_mem>>
          %dma_start3A_293 = tpu.memref_squeeze %dma_start3A_292 : memref<1x!tpu.dma_semaphore, #tpu.memory_space<semaphore_mem>> -> memref<!tpu.dma_semaphore, #tpu.memory_space<semaphore_mem>>
          %dma_start3A_294 = arith.constant 0 : i32
          %dma_start3A_295 = tpu.memref_slice %arg6[%dma_start3A_285, %add3A_284, %dma_start3A_294] : memref<2x320x32xf32, #tpu.memory_space<vmem>> -> memref<1x1x32xf32, #tpu.memory_space<vmem>>
          %dma_start3A_296 = tpu.memref_squeeze %dma_start3A_295 : memref<1x1x32xf32, #tpu.memory_space<vmem>> -> memref<1x32xf32, #tpu.memory_space<vmem>>
          %dma_start3A_297 = arith.constant 0 : i32
          %dma_start3A_298 = tpu.memref_slice %arg3[%squeeze3A_280, %dma_start3A_297] : memref<1000000x32xf32, #tpu.memory_space<hbm>> -> memref<1x32xf32, #tpu.memory_space<hbm>>
          tpu.enqueue_dma source(%dma_start3A_298 : memref<1x32xf32, #tpu.memory_space<hbm>>) target(%dma_start3A_296 : memref<1x32xf32, #tpu.memory_space<vmem>>) target_semaphore(%dma_start3A_293 : memref<!tpu.dma_semaphore, #tpu.memory_space<semaphore_mem>>)
          %slice3A_299 = vector.extract_strided_slice %get3A_194 {offsets = [5], sizes = [1], strides = [1]} : vector<16xi32> to vector<1xi32>
          %squeeze3A_300 = vector.extract %slice3A_299[0] : i32 from vector<1xi32>
          %mul3A_301 = arith.constant 20 : i32
          %mul3A_302 = arith.muli %scan3A_189, %mul3A_301 : i32
          %add3A_303 = arith.constant 5 : i32
          %add3A_304 = arith.addi %mul3A_302, %add3A_303 : i32
          %dma_start3A_305 = arith.constant 1 : i32
          %dma_start3A_306 = arith.constant 1 : i32
          %dma_start3A_307 = arith.constant 0 : i32
          %dma_start3A_308 = tpu.memref_slice %arg6[%dma_start3A_305, %add3A_304, %dma_start3A_307] : memref<2x320x32xf32, #tpu.memory_space<vmem>> -> memref<1x1x32xf32, #tpu.memory_space<vmem>>
          %dma_start3A_309 = tpu.memref_squeeze %dma_start3A_308 : memref<1x1x32xf32, #tpu.memory_space<vmem>> -> memref<1x32xf32, #tpu.memory_space<vmem>>
          %dma_start3A_310 = arith.constant 0 : i32
          %dma_start3A_311 = tpu.memref_slice %arg3[%squeeze3A_300, %dma_start3A_310] : memref<1000000x32xf32, #tpu.memory_space<hbm>> -> memref<1x32xf32, #tpu.memory_space<hbm>>
          %dma_start3A_312 = tpu.memref_slice %arg8[%dma_start3A_306] : memref<2x!tpu.dma_semaphore, #tpu.memory_space<semaphore_mem>> -> memref<1x!tpu.dma_semaphore, #tpu.memory_space<semaphore_mem>>
          %dma_start3A_313 = tpu.memref_squeeze %dma_start3A_312 : memref<1x!tpu.dma_semaphore, #tpu.memory_space<semaphore_mem>> -> memref<!tpu.dma_semaphore, #tpu.memory_space<semaphore_mem>>
          %dma_start3A_314 = arith.constant 0 : i32
          %dma_start3A_315 = tpu.memref_slice %arg6[%dma_start3A_305, %add3A_304, %dma_start3A_314] : memref<2x320x32xf32, #tpu.memory_space<vmem>> -> memref<1x1x32xf32, #tpu.memory_space<vmem>>
          %dma_start3A_316 = tpu.memref_squeeze %dma_start3A_315 : memref<1x1x32xf32, #tpu.memory_space<vmem>> -> memref<1x32xf32, #tpu.memory_space<vmem>>
          %dma_start3A_317 = arith.constant 0 : i32
          %dma_start3A_318 = tpu.memref_slice %arg3[%squeeze3A_300, %dma_start3A_317] : memref<1000000x32xf32, #tpu.memory_space<hbm>> -> memref<1x32xf32, #tpu.memory_space<hbm>>
          tpu.enqueue_dma source(%dma_start3A_318 : memref<1x32xf32, #tpu.memory_space<hbm>>) target(%dma_start3A_316 : memref<1x32xf32, #tpu.memory_space<vmem>>) target_semaphore(%dma_start3A_313 : memref<!tpu.dma_semaphore, #tpu.memory_space<semaphore_mem>>)
          %slice3A_319 = vector.extract_strided_slice %get3A_194 {offsets = [6], sizes = [1], strides = [1]} : vector<16xi32> to vector<1xi32>
          %squeeze3A_320 = vector.extract %slice3A_319[0] : i32 from vector<1xi32>
          %mul3A_321 = arith.constant 20 : i32
          %mul3A_322 = arith.muli %scan3A_189, %mul3A_321 : i32
          %add3A_323 = arith.constant 6 : i32
          %add3A_324 = arith.addi %mul3A_322, %add3A_323 : i32
          %dma_start3A_325 = arith.constant 1 : i32
          %dma_start3A_326 = arith.constant 1 : i32
          %dma_start3A_327 = arith.constant 0 : i32
          %dma_start3A_328 = tpu.memref_slice %arg6[%dma_start3A_325, %add3A_324, %dma_start3A_327] : memref<2x320x32xf32, #tpu.memory_space<vmem>> -> memref<1x1x32xf32, #tpu.memory_space<vmem>>
          %dma_start3A_329 = tpu.memref_squeeze %dma_start3A_328 : memref<1x1x32xf32, #tpu.memory_space<vmem>> -> memref<1x32xf32, #tpu.memory_space<vmem>>
          %dma_start3A_330 = arith.constant 0 : i32
          %dma_start3A_331 = tpu.memref_slice %arg3[%squeeze3A_320, %dma_start3A_330] : memref<1000000x32xf32, #tpu.memory_space<hbm>> -> memref<1x32xf32, #tpu.memory_space<hbm>>
          %dma_start3A_332 = tpu.memref_slice %arg8[%dma_start3A_326] : memref<2x!tpu.dma_semaphore, #tpu.memory_space<semaphore_mem>> -> memref<1x!tpu.dma_semaphore, #tpu.memory_space<semaphore_mem>>
          %dma_start3A_333 = tpu.memref_squeeze %dma_start3A_332 : memref<1x!tpu.dma_semaphore, #tpu.memory_space<semaphore_mem>> -> memref<!tpu.dma_semaphore, #tpu.memory_space<semaphore_mem>>
          %dma_start3A_334 = arith.constant 0 : i32
          %dma_start3A_335 = tpu.memref_slice %arg6[%dma_start3A_325, %add3A_324, %dma_start3A_334] : memref<2x320x32xf32, #tpu.memory_space<vmem>> -> memref<1x1x32xf32, #tpu.memory_space<vmem>>
          %dma_start3A_336 = tpu.memref_squeeze %dma_start3A_335 : memref<1x1x32xf32, #tpu.memory_space<vmem>> -> memref<1x32xf32, #tpu.memory_space<vmem>>
          %dma_start3A_337 = arith.constant 0 : i32
          %dma_start3A_338 = tpu.memref_slice %arg3[%squeeze3A_320, %dma_start3A_337] : memref<1000000x32xf32, #tpu.memory_space<hbm>> -> memref<1x32xf32, #tpu.memory_space<hbm>>
          tpu.enqueue_dma source(%dma_start3A_338 : memref<1x32xf32, #tpu.memory_space<hbm>>) target(%dma_start3A_336 : memref<1x32xf32, #tpu.memory_space<vmem>>) target_semaphore(%dma_start3A_333 : memref<!tpu.dma_semaphore, #tpu.memory_space<semaphore_mem>>)
          %slice3A_339 = vector.extract_strided_slice %get3A_194 {offsets = [7], sizes = [1], strides = [1]} : vector<16xi32> to vector<1xi32>
          %squeeze3A_340 = vector.extract %slice3A_339[0] : i32 from vector<1xi32>
          %mul3A_341 = arith.constant 20 : i32
          %mul3A_342 = arith.muli %scan3A_189, %mul3A_341 : i32
          %add3A_343 = arith.constant 7 : i32
          %add3A_344 = arith.addi %mul3A_342, %add3A_343 : i32
          %dma_start3A_345 = arith.constant 1 : i32
          %dma_start3A_346 = arith.constant 1 : i32
          %dma_start3A_347 = arith.constant 0 : i32
          %dma_start3A_348 = tpu.memref_slice %arg6[%dma_start3A_345, %add3A_344, %dma_start3A_347] : memref<2x320x32xf32, #tpu.memory_space<vmem>> -> memref<1x1x32xf32, #tpu.memory_space<vmem>>
          %dma_start3A_349 = tpu.memref_squeeze %dma_start3A_348 : memref<1x1x32xf32, #tpu.memory_space<vmem>> -> memref<1x32xf32, #tpu.memory_space<vmem>>
          %dma_start3A_350 = arith.constant 0 : i32
          %dma_start3A_351 = tpu.memref_slice %arg3[%squeeze3A_340, %dma_start3A_350] : memref<1000000x32xf32, #tpu.memory_space<hbm>> -> memref<1x32xf32, #tpu.memory_space<hbm>>
          %dma_start3A_352 = tpu.memref_slice %arg8[%dma_start3A_346] : memref<2x!tpu.dma_semaphore, #tpu.memory_space<semaphore_mem>> -> memref<1x!tpu.dma_semaphore, #tpu.memory_space<semaphore_mem>>
          %dma_start3A_353 = tpu.memref_squeeze %dma_start3A_352 : memref<1x!tpu.dma_semaphore, #tpu.memory_space<semaphore_mem>> -> memref<!tpu.dma_semaphore, #tpu.memory_space<semaphore_mem>>
          %dma_start3A_354 = arith.constant 0 : i32
          %dma_start3A_355 = tpu.memref_slice %arg6[%dma_start3A_345, %add3A_344, %dma_start3A_354] : memref<2x320x32xf32, #tpu.memory_space<vmem>> -> memref<1x1x32xf32, #tpu.memory_space<vmem>>
          %dma_start3A_356 = tpu.memref_squeeze %dma_start3A_355 : memref<1x1x32xf32, #tpu.memory_space<vmem>> -> memref<1x32xf32, #tpu.memory_space<vmem>>
          %dma_start3A_357 = arith.constant 0 : i32
          %dma_start3A_358 = tpu.memref_slice %arg3[%squeeze3A_340, %dma_start3A_357] : memref<1000000x32xf32, #tpu.memory_space<hbm>> -> memref<1x32xf32, #tpu.memory_space<hbm>>
          tpu.enqueue_dma source(%dma_start3A_358 : memref<1x32xf32, #tpu.memory_space<hbm>>) target(%dma_start3A_356 : memref<1x32xf32, #tpu.memory_space<vmem>>) target_semaphore(%dma_start3A_353 : memref<!tpu.dma_semaphore, #tpu.memory_space<semaphore_mem>>)
          %slice3A_359 = vector.extract_strided_slice %get3A_194 {offsets = [8], sizes = [1], strides = [1]} : vector<16xi32> to vector<1xi32>
          %squeeze3A_360 = vector.extract %slice3A_359[0] : i32 from vector<1xi32>
          %mul3A_361 = arith.constant 20 : i32
          %mul3A_362 = arith.muli %scan3A_189, %mul3A_361 : i32
          %add3A_363 = arith.constant 8 : i32
          %add3A_364 = arith.addi %mul3A_362, %add3A_363 : i32
          %dma_start3A_365 = arith.constant 1 : i32
          %dma_start3A_366 = arith.constant 1 : i32
          %dma_start3A_367 = arith.constant 0 : i32
          %dma_start3A_368 = tpu.memref_slice %arg6[%dma_start3A_365, %add3A_364, %dma_start3A_367] : memref<2x320x32xf32, #tpu.memory_space<vmem>> -> memref<1x1x32xf32, #tpu.memory_space<vmem>>
          %dma_start3A_369 = tpu.memref_squeeze %dma_start3A_368 : memref<1x1x32xf32, #tpu.memory_space<vmem>> -> memref<1x32xf32, #tpu.memory_space<vmem>>
          %dma_start3A_370 = arith.constant 0 : i32
          %dma_start3A_371 = tpu.memref_slice %arg3[%squeeze3A_360, %dma_start3A_370] : memref<1000000x32xf32, #tpu.memory_space<hbm>> -> memref<1x32xf32, #tpu.memory_space<hbm>>
          %dma_start3A_372 = tpu.memref_slice %arg8[%dma_start3A_366] : memref<2x!tpu.dma_semaphore, #tpu.memory_space<semaphore_mem>> -> memref<1x!tpu.dma_semaphore, #tpu.memory_space<semaphore_mem>>
          %dma_start3A_373 = tpu.memref_squeeze %dma_start3A_372 : memref<1x!tpu.dma_semaphore, #tpu.memory_space<semaphore_mem>> -> memref<!tpu.dma_semaphore, #tpu.memory_space<semaphore_mem>>
          %dma_start3A_374 = arith.constant 0 : i32
          %dma_start3A_375 = tpu.memref_slice %arg6[%dma_start3A_365, %add3A_364, %dma_start3A_374] : memref<2x320x32xf32, #tpu.memory_space<vmem>> -> memref<1x1x32xf32, #tpu.memory_space<vmem>>
          %dma_start3A_376 = tpu.memref_squeeze %dma_start3A_375 : memref<1x1x32xf32, #tpu.memory_space<vmem>> -> memref<1x32xf32, #tpu.memory_space<vmem>>
          %dma_start3A_377 = arith.constant 0 : i32
          %dma_start3A_378 = tpu.memref_slice %arg3[%squeeze3A_360, %dma_start3A_377] : memref<1000000x32xf32, #tpu.memory_space<hbm>> -> memref<1x32xf32, #tpu.memory_space<hbm>>
          tpu.enqueue_dma source(%dma_start3A_378 : memref<1x32xf32, #tpu.memory_space<hbm>>) target(%dma_start3A_376 : memref<1x32xf32, #tpu.memory_space<vmem>>) target_semaphore(%dma_start3A_373 : memref<!tpu.dma_semaphore, #tpu.memory_space<semaphore_mem>>)
          %slice3A_379 = vector.extract_strided_slice %get3A_194 {offsets = [9], sizes = [1], strides = [1]} : vector<16xi32> to vector<1xi32>
          %squeeze3A_380 = vector.extract %slice3A_379[0] : i32 from vector<1xi32>
          %mul3A_381 = arith.constant 20 : i32
          %mul3A_382 = arith.muli %scan3A_189, %mul3A_381 : i32
          %add3A_383 = arith.constant 9 : i32
          %add3A_384 = arith.addi %mul3A_382, %add3A_383 : i32
          %dma_start3A_385 = arith.constant 1 : i32
          %dma_start3A_386 = arith.constant 1 : i32
          %dma_start3A_387 = arith.constant 0 : i32
          %dma_start3A_388 = tpu.memref_slice %arg6[%dma_start3A_385, %add3A_384, %dma_start3A_387] : memref<2x320x32xf32, #tpu.memory_space<vmem>> -> memref<1x1x32xf32, #tpu.memory_space<vmem>>
          %dma_start3A_389 = tpu.memref_squeeze %dma_start3A_388 : memref<1x1x32xf32, #tpu.memory_space<vmem>> -> memref<1x32xf32, #tpu.memory_space<vmem>>
          %dma_start3A_390 = arith.constant 0 : i32
          %dma_start3A_391 = tpu.memref_slice %arg3[%squeeze3A_380, %dma_start3A_390] : memref<1000000x32xf32, #tpu.memory_space<hbm>> -> memref<1x32xf32, #tpu.memory_space<hbm>>
          %dma_start3A_392 = tpu.memref_slice %arg8[%dma_start3A_386] : memref<2x!tpu.dma_semaphore, #tpu.memory_space<semaphore_mem>> -> memref<1x!tpu.dma_semaphore, #tpu.memory_space<semaphore_mem>>
          %dma_start3A_393 = tpu.memref_squeeze %dma_start3A_392 : memref<1x!tpu.dma_semaphore, #tpu.memory_space<semaphore_mem>> -> memref<!tpu.dma_semaphore, #tpu.memory_space<semaphore_mem>>
          %dma_start3A_394 = arith.constant 0 : i32
          %dma_start3A_395 = tpu.memref_slice %arg6[%dma_start3A_385, %add3A_384, %dma_start3A_394] : memref<2x320x32xf32, #tpu.memory_space<vmem>> -> memref<1x1x32xf32, #tpu.memory_space<vmem>>
          %dma_start3A_396 = tpu.memref_squeeze %dma_start3A_395 : memref<1x1x32xf32, #tpu.memory_space<vmem>> -> memref<1x32xf32, #tpu.memory_space<vmem>>
          %dma_start3A_397 = arith.constant 0 : i32
          %dma_start3A_398 = tpu.memref_slice %arg3[%squeeze3A_380, %dma_start3A_397] : memref<1000000x32xf32, #tpu.memory_space<hbm>> -> memref<1x32xf32, #tpu.memory_space<hbm>>
          tpu.enqueue_dma source(%dma_start3A_398 : memref<1x32xf32, #tpu.memory_space<hbm>>) target(%dma_start3A_396 : memref<1x32xf32, #tpu.memory_space<vmem>>) target_semaphore(%dma_start3A_393 : memref<!tpu.dma_semaphore, #tpu.memory_space<semaphore_mem>>)
          %slice3A_399 = vector.extract_strided_slice %get3A_194 {offsets = [10], sizes = [1], strides = [1]} : vector<16xi32> to vector<1xi32>
          %squeeze3A_400 = vector.extract %slice3A_399[0] : i32 from vector<1xi32>
          %mul3A_401 = arith.constant 20 : i32
          %mul3A_402 = arith.muli %scan3A_189, %mul3A_401 : i32
          %add3A_403 = arith.constant 10 : i32
          %add3A_404 = arith.addi %mul3A_402, %add3A_403 : i32
          %dma_start3A_405 = arith.constant 1 : i32
          %dma_start3A_406 = arith.constant 1 : i32
          %dma_start3A_407 = arith.constant 0 : i32
          %dma_start3A_408 = tpu.memref_slice %arg6[%dma_start3A_405, %add3A_404, %dma_start3A_407] : memref<2x320x32xf32, #tpu.memory_space<vmem>> -> memref<1x1x32xf32, #tpu.memory_space<vmem>>
          %dma_start3A_409 = tpu.memref_squeeze %dma_start3A_408 : memref<1x1x32xf32, #tpu.memory_space<vmem>> -> memref<1x32xf32, #tpu.memory_space<vmem>>
          %dma_start3A_410 = arith.constant 0 : i32
          %dma_start3A_411 = tpu.memref_slice %arg3[%squeeze3A_400, %dma_start3A_410] : memref<1000000x32xf32, #tpu.memory_space<hbm>> -> memref<1x32xf32, #tpu.memory_space<hbm>>
          %dma_start3A_412 = tpu.memref_slice %arg8[%dma_start3A_406] : memref<2x!tpu.dma_semaphore, #tpu.memory_space<semaphore_mem>> -> memref<1x!tpu.dma_semaphore, #tpu.memory_space<semaphore_mem>>
          %dma_start3A_413 = tpu.memref_squeeze %dma_start3A_412 : memref<1x!tpu.dma_semaphore, #tpu.memory_space<semaphore_mem>> -> memref<!tpu.dma_semaphore, #tpu.memory_space<semaphore_mem>>
          %dma_start3A_414 = arith.constant 0 : i32
          %dma_start3A_415 = tpu.memref_slice %arg6[%dma_start3A_405, %add3A_404, %dma_start3A_414] : memref<2x320x32xf32, #tpu.memory_space<vmem>> -> memref<1x1x32xf32, #tpu.memory_space<vmem>>
          %dma_start3A_416 = tpu.memref_squeeze %dma_start3A_415 : memref<1x1x32xf32, #tpu.memory_space<vmem>> -> memref<1x32xf32, #tpu.memory_space<vmem>>
          %dma_start3A_417 = arith.constant 0 : i32
          %dma_start3A_418 = tpu.memref_slice %arg3[%squeeze3A_400, %dma_start3A_417] : memref<1000000x32xf32, #tpu.memory_space<hbm>> -> memref<1x32xf32, #tpu.memory_space<hbm>>
          tpu.enqueue_dma source(%dma_start3A_418 : memref<1x32xf32, #tpu.memory_space<hbm>>) target(%dma_start3A_416 : memref<1x32xf32, #tpu.memory_space<vmem>>) target_semaphore(%dma_start3A_413 : memref<!tpu.dma_semaphore, #tpu.memory_space<semaphore_mem>>)
          %slice3A_419 = vector.extract_strided_slice %get3A_194 {offsets = [11], sizes = [1], strides = [1]} : vector<16xi32> to vector<1xi32>
          %squeeze3A_420 = vector.extract %slice3A_419[0] : i32 from vector<1xi32>
          %mul3A_421 = arith.constant 20 : i32
          %mul3A_422 = arith.muli %scan3A_189, %mul3A_421 : i32
          %add3A_423 = arith.constant 11 : i32
          %add3A_424 = arith.addi %mul3A_422, %add3A_423 : i32
          %dma_start3A_425 = arith.constant 1 : i32
          %dma_start3A_426 = arith.constant 1 : i32
          %dma_start3A_427 = arith.constant 0 : i32
          %dma_start3A_428 = tpu.memref_slice %arg6[%dma_start3A_425, %add3A_424, %dma_start3A_427] : memref<2x320x32xf32, #tpu.memory_space<vmem>> -> memref<1x1x32xf32, #tpu.memory_space<vmem>>
          %dma_start3A_429 = tpu.memref_squeeze %dma_start3A_428 : memref<1x1x32xf32, #tpu.memory_space<vmem>> -> memref<1x32xf32, #tpu.memory_space<vmem>>
          %dma_start3A_430 = arith.constant 0 : i32
          %dma_start3A_431 = tpu.memref_slice %arg3[%squeeze3A_420, %dma_start3A_430] : memref<1000000x32xf32, #tpu.memory_space<hbm>> -> memref<1x32xf32, #tpu.memory_space<hbm>>
          %dma_start3A_432 = tpu.memref_slice %arg8[%dma_start3A_426] : memref<2x!tpu.dma_semaphore, #tpu.memory_space<semaphore_mem>> -> memref<1x!tpu.dma_semaphore, #tpu.memory_space<semaphore_mem>>
          %dma_start3A_433 = tpu.memref_squeeze %dma_start3A_432 : memref<1x!tpu.dma_semaphore, #tpu.memory_space<semaphore_mem>> -> memref<!tpu.dma_semaphore, #tpu.memory_space<semaphore_mem>>
          %dma_start3A_434 = arith.constant 0 : i32
          %dma_start3A_435 = tpu.memref_slice %arg6[%dma_start3A_425, %add3A_424, %dma_start3A_434] : memref<2x320x32xf32, #tpu.memory_space<vmem>> -> memref<1x1x32xf32, #tpu.memory_space<vmem>>
          %dma_start3A_436 = tpu.memref_squeeze %dma_start3A_435 : memref<1x1x32xf32, #tpu.memory_space<vmem>> -> memref<1x32xf32, #tpu.memory_space<vmem>>
          %dma_start3A_437 = arith.constant 0 : i32
          %dma_start3A_438 = tpu.memref_slice %arg3[%squeeze3A_420, %dma_start3A_437] : memref<1000000x32xf32, #tpu.memory_space<hbm>> -> memref<1x32xf32, #tpu.memory_space<hbm>>
          tpu.enqueue_dma source(%dma_start3A_438 : memref<1x32xf32, #tpu.memory_space<hbm>>) target(%dma_start3A_436 : memref<1x32xf32, #tpu.memory_space<vmem>>) target_semaphore(%dma_start3A_433 : memref<!tpu.dma_semaphore, #tpu.memory_space<semaphore_mem>>)
          %slice3A_439 = vector.extract_strided_slice %get3A_194 {offsets = [12], sizes = [1], strides = [1]} : vector<16xi32> to vector<1xi32>
          %squeeze3A_440 = vector.extract %slice3A_439[0] : i32 from vector<1xi32>
          %mul3A_441 = arith.constant 20 : i32
          %mul3A_442 = arith.muli %scan3A_189, %mul3A_441 : i32
          %add3A_443 = arith.constant 12 : i32
          %add3A_444 = arith.addi %mul3A_442, %add3A_443 : i32
          %dma_start3A_445 = arith.constant 1 : i32
          %dma_start3A_446 = arith.constant 1 : i32
          %dma_start3A_447 = arith.constant 0 : i32
          %dma_start3A_448 = tpu.memref_slice %arg6[%dma_start3A_445, %add3A_444, %dma_start3A_447] : memref<2x320x32xf32, #tpu.memory_space<vmem>> -> memref<1x1x32xf32, #tpu.memory_space<vmem>>
          %dma_start3A_449 = tpu.memref_squeeze %dma_start3A_448 : memref<1x1x32xf32, #tpu.memory_space<vmem>> -> memref<1x32xf32, #tpu.memory_space<vmem>>
          %dma_start3A_450 = arith.constant 0 : i32
          %dma_start3A_451 = tpu.memref_slice %arg3[%squeeze3A_440, %dma_start3A_450] : memref<1000000x32xf32, #tpu.memory_space<hbm>> -> memref<1x32xf32, #tpu.memory_space<hbm>>
          %dma_start3A_452 = tpu.memref_slice %arg8[%dma_start3A_446] : memref<2x!tpu.dma_semaphore, #tpu.memory_space<semaphore_mem>> -> memref<1x!tpu.dma_semaphore, #tpu.memory_space<semaphore_mem>>
          %dma_start3A_453 = tpu.memref_squeeze %dma_start3A_452 : memref<1x!tpu.dma_semaphore, #tpu.memory_space<semaphore_mem>> -> memref<!tpu.dma_semaphore, #tpu.memory_space<semaphore_mem>>
          %dma_start3A_454 = arith.constant 0 : i32
          %dma_start3A_455 = tpu.memref_slice %arg6[%dma_start3A_445, %add3A_444, %dma_start3A_454] : memref<2x320x32xf32, #tpu.memory_space<vmem>> -> memref<1x1x32xf32, #tpu.memory_space<vmem>>
          %dma_start3A_456 = tpu.memref_squeeze %dma_start3A_455 : memref<1x1x32xf32, #tpu.memory_space<vmem>> -> memref<1x32xf32, #tpu.memory_space<vmem>>
          %dma_start3A_457 = arith.constant 0 : i32
          %dma_start3A_458 = tpu.memref_slice %arg3[%squeeze3A_440, %dma_start3A_457] : memref<1000000x32xf32, #tpu.memory_space<hbm>> -> memref<1x32xf32, #tpu.memory_space<hbm>>
          tpu.enqueue_dma source(%dma_start3A_458 : memref<1x32xf32, #tpu.memory_space<hbm>>) target(%dma_start3A_456 : memref<1x32xf32, #tpu.memory_space<vmem>>) target_semaphore(%dma_start3A_453 : memref<!tpu.dma_semaphore, #tpu.memory_space<semaphore_mem>>)
          %slice3A_459 = vector.extract_strided_slice %get3A_194 {offsets = [13], sizes = [1], strides = [1]} : vector<16xi32> to vector<1xi32>
          %squeeze3A_460 = vector.extract %slice3A_459[0] : i32 from vector<1xi32>
          %mul3A_461 = arith.constant 20 : i32
          %mul3A_462 = arith.muli %scan3A_189, %mul3A_461 : i32
          %add3A_463 = arith.constant 13 : i32
          %add3A_464 = arith.addi %mul3A_462, %add3A_463 : i32
          %dma_start3A_465 = arith.constant 1 : i32
          %dma_start3A_466 = arith.constant 1 : i32
          %dma_start3A_467 = arith.constant 0 : i32
          %dma_start3A_468 = tpu.memref_slice %arg6[%dma_start3A_465, %add3A_464, %dma_start3A_467] : memref<2x320x32xf32, #tpu.memory_space<vmem>> -> memref<1x1x32xf32, #tpu.memory_space<vmem>>
          %dma_start3A_469 = tpu.memref_squeeze %dma_start3A_468 : memref<1x1x32xf32, #tpu.memory_space<vmem>> -> memref<1x32xf32, #tpu.memory_space<vmem>>
          %dma_start3A_470 = arith.constant 0 : i32
          %dma_start3A_471 = tpu.memref_slice %arg3[%squeeze3A_460, %dma_start3A_470] : memref<1000000x32xf32, #tpu.memory_space<hbm>> -> memref<1x32xf32, #tpu.memory_space<hbm>>
          %dma_start3A_472 = tpu.memref_slice %arg8[%dma_start3A_466] : memref<2x!tpu.dma_semaphore, #tpu.memory_space<semaphore_mem>> -> memref<1x!tpu.dma_semaphore, #tpu.memory_space<semaphore_mem>>
          %dma_start3A_473 = tpu.memref_squeeze %dma_start3A_472 : memref<1x!tpu.dma_semaphore, #tpu.memory_space<semaphore_mem>> -> memref<!tpu.dma_semaphore, #tpu.memory_space<semaphore_mem>>
          %dma_start3A_474 = arith.constant 0 : i32
          %dma_start3A_475 = tpu.memref_slice %arg6[%dma_start3A_465, %add3A_464, %dma_start3A_474] : memref<2x320x32xf32, #tpu.memory_space<vmem>> -> memref<1x1x32xf32, #tpu.memory_space<vmem>>
          %dma_start3A_476 = tpu.memref_squeeze %dma_start3A_475 : memref<1x1x32xf32, #tpu.memory_space<vmem>> -> memref<1x32xf32, #tpu.memory_space<vmem>>
          %dma_start3A_477 = arith.constant 0 : i32
          %dma_start3A_478 = tpu.memref_slice %arg3[%squeeze3A_460, %dma_start3A_477] : memref<1000000x32xf32, #tpu.memory_space<hbm>> -> memref<1x32xf32, #tpu.memory_space<hbm>>
          tpu.enqueue_dma source(%dma_start3A_478 : memref<1x32xf32, #tpu.memory_space<hbm>>) target(%dma_start3A_476 : memref<1x32xf32, #tpu.memory_space<vmem>>) target_semaphore(%dma_start3A_473 : memref<!tpu.dma_semaphore, #tpu.memory_space<semaphore_mem>>)
          %slice3A_479 = vector.extract_strided_slice %get3A_194 {offsets = [14], sizes = [1], strides = [1]} : vector<16xi32> to vector<1xi32>
          %squeeze3A_480 = vector.extract %slice3A_479[0] : i32 from vector<1xi32>
          %mul3A_481 = arith.constant 20 : i32
          %mul3A_482 = arith.muli %scan3A_189, %mul3A_481 : i32
          %add3A_483 = arith.constant 14 : i32
          %add3A_484 = arith.addi %mul3A_482, %add3A_483 : i32
          %dma_start3A_485 = arith.constant 1 : i32
          %dma_start3A_486 = arith.constant 1 : i32
          %dma_start3A_487 = arith.constant 0 : i32
          %dma_start3A_488 = tpu.memref_slice %arg6[%dma_start3A_485, %add3A_484, %dma_start3A_487] : memref<2x320x32xf32, #tpu.memory_space<vmem>> -> memref<1x1x32xf32, #tpu.memory_space<vmem>>
          %dma_start3A_489 = tpu.memref_squeeze %dma_start3A_488 : memref<1x1x32xf32, #tpu.memory_space<vmem>> -> memref<1x32xf32, #tpu.memory_space<vmem>>
          %dma_start3A_490 = arith.constant 0 : i32
          %dma_start3A_491 = tpu.memref_slice %arg3[%squeeze3A_480, %dma_start3A_490] : memref<1000000x32xf32, #tpu.memory_space<hbm>> -> memref<1x32xf32, #tpu.memory_space<hbm>>
          %dma_start3A_492 = tpu.memref_slice %arg8[%dma_start3A_486] : memref<2x!tpu.dma_semaphore, #tpu.memory_space<semaphore_mem>> -> memref<1x!tpu.dma_semaphore, #tpu.memory_space<semaphore_mem>>
          %dma_start3A_493 = tpu.memref_squeeze %dma_start3A_492 : memref<1x!tpu.dma_semaphore, #tpu.memory_space<semaphore_mem>> -> memref<!tpu.dma_semaphore, #tpu.memory_space<semaphore_mem>>
          %dma_start3A_494 = arith.constant 0 : i32
          %dma_start3A_495 = tpu.memref_slice %arg6[%dma_start3A_485, %add3A_484, %dma_start3A_494] : memref<2x320x32xf32, #tpu.memory_space<vmem>> -> memref<1x1x32xf32, #tpu.memory_space<vmem>>
          %dma_start3A_496 = tpu.memref_squeeze %dma_start3A_495 : memref<1x1x32xf32, #tpu.memory_space<vmem>> -> memref<1x32xf32, #tpu.memory_space<vmem>>
          %dma_start3A_497 = arith.constant 0 : i32
          %dma_start3A_498 = tpu.memref_slice %arg3[%squeeze3A_480, %dma_start3A_497] : memref<1000000x32xf32, #tpu.memory_space<hbm>> -> memref<1x32xf32, #tpu.memory_space<hbm>>
          tpu.enqueue_dma source(%dma_start3A_498 : memref<1x32xf32, #tpu.memory_space<hbm>>) target(%dma_start3A_496 : memref<1x32xf32, #tpu.memory_space<vmem>>) target_semaphore(%dma_start3A_493 : memref<!tpu.dma_semaphore, #tpu.memory_space<semaphore_mem>>)
          %slice3A_499 = vector.extract_strided_slice %get3A_194 {offsets = [15], sizes = [1], strides = [1]} : vector<16xi32> to vector<1xi32>
          %squeeze3A_500 = vector.extract %slice3A_499[0] : i32 from vector<1xi32>
          %mul3A_501 = arith.constant 20 : i32
          %mul3A_502 = arith.muli %scan3A_189, %mul3A_501 : i32
          %add3A_503 = arith.constant 15 : i32
          %add3A_504 = arith.addi %mul3A_502, %add3A_503 : i32
          %dma_start3A_505 = arith.constant 1 : i32
          %dma_start3A_506 = arith.constant 1 : i32
          %dma_start3A_507 = arith.constant 0 : i32
          %dma_start3A_508 = tpu.memref_slice %arg6[%dma_start3A_505, %add3A_504, %dma_start3A_507] : memref<2x320x32xf32, #tpu.memory_space<vmem>> -> memref<1x1x32xf32, #tpu.memory_space<vmem>>
          %dma_start3A_509 = tpu.memref_squeeze %dma_start3A_508 : memref<1x1x32xf32, #tpu.memory_space<vmem>> -> memref<1x32xf32, #tpu.memory_space<vmem>>
          %dma_start3A_510 = arith.constant 0 : i32
          %dma_start3A_511 = tpu.memref_slice %arg3[%squeeze3A_500, %dma_start3A_510] : memref<1000000x32xf32, #tpu.memory_space<hbm>> -> memref<1x32xf32, #tpu.memory_space<hbm>>
          %dma_start3A_512 = tpu.memref_slice %arg8[%dma_start3A_506] : memref<2x!tpu.dma_semaphore, #tpu.memory_space<semaphore_mem>> -> memref<1x!tpu.dma_semaphore, #tpu.memory_space<semaphore_mem>>
          %dma_start3A_513 = tpu.memref_squeeze %dma_start3A_512 : memref<1x!tpu.dma_semaphore, #tpu.memory_space<semaphore_mem>> -> memref<!tpu.dma_semaphore, #tpu.memory_space<semaphore_mem>>
          %dma_start3A_514 = arith.constant 0 : i32
          %dma_start3A_515 = tpu.memref_slice %arg6[%dma_start3A_505, %add3A_504, %dma_start3A_514] : memref<2x320x32xf32, #tpu.memory_space<vmem>> -> memref<1x1x32xf32, #tpu.memory_space<vmem>>
          %dma_start3A_516 = tpu.memref_squeeze %dma_start3A_515 : memref<1x1x32xf32, #tpu.memory_space<vmem>> -> memref<1x32xf32, #tpu.memory_space<vmem>>
          %dma_start3A_517 = arith.constant 0 : i32
          %dma_start3A_518 = tpu.memref_slice %arg3[%squeeze3A_500, %dma_start3A_517] : memref<1000000x32xf32, #tpu.memory_space<hbm>> -> memref<1x32xf32, #tpu.memory_space<hbm>>
          tpu.enqueue_dma source(%dma_start3A_518 : memref<1x32xf32, #tpu.memory_space<hbm>>) target(%dma_start3A_516 : memref<1x32xf32, #tpu.memory_space<vmem>>) target_semaphore(%dma_start3A_513 : memref<!tpu.dma_semaphore, #tpu.memory_space<semaphore_mem>>)
          %slice3A_519 = vector.extract_strided_slice %get3A_200 {offsets = [12], sizes = [1], strides = [1]} : vector<16xi32> to vector<1xi32>
          %squeeze3A_520 = vector.extract %slice3A_519[0] : i32 from vector<1xi32>
          %mul3A_521 = arith.constant 20 : i32
          %mul3A_522 = arith.muli %scan3A_189, %mul3A_521 : i32
          %add3A_523 = arith.constant 16 : i32
          %add3A_524 = arith.addi %mul3A_522, %add3A_523 : i32
          %dma_start3A_525 = arith.constant 1 : i32
          %dma_start3A_526 = arith.constant 1 : i32
          %dma_start3A_527 = arith.constant 0 : i32
          %dma_start3A_528 = tpu.memref_slice %arg6[%dma_start3A_525, %add3A_524, %dma_start3A_527] : memref<2x320x32xf32, #tpu.memory_space<vmem>> -> memref<1x1x32xf32, #tpu.memory_space<vmem>>
          %dma_start3A_529 = tpu.memref_squeeze %dma_start3A_528 : memref<1x1x32xf32, #tpu.memory_space<vmem>> -> memref<1x32xf32, #tpu.memory_space<vmem>>
          %dma_start3A_530 = arith.constant 0 : i32
          %dma_start3A_531 = tpu.memref_slice %arg3[%squeeze3A_520, %dma_start3A_530] : memref<1000000x32xf32, #tpu.memory_space<hbm>> -> memref<1x32xf32, #tpu.memory_space<hbm>>
          %dma_start3A_532 = tpu.memref_slice %arg8[%dma_start3A_526] : memref<2x!tpu.dma_semaphore, #tpu.memory_space<semaphore_mem>> -> memref<1x!tpu.dma_semaphore, #tpu.memory_space<semaphore_mem>>
          %dma_start3A_533 = tpu.memref_squeeze %dma_start3A_532 : memref<1x!tpu.dma_semaphore, #tpu.memory_space<semaphore_mem>> -> memref<!tpu.dma_semaphore, #tpu.memory_space<semaphore_mem>>
          %dma_start3A_534 = arith.constant 0 : i32
          %dma_start3A_535 = tpu.memref_slice %arg6[%dma_start3A_525, %add3A_524, %dma_start3A_534] : memref<2x320x32xf32, #tpu.memory_space<vmem>> -> memref<1x1x32xf32, #tpu.memory_space<vmem>>
          %dma_start3A_536 = tpu.memref_squeeze %dma_start3A_535 : memref<1x1x32xf32, #tpu.memory_space<vmem>> -> memref<1x32xf32, #tpu.memory_space<vmem>>
          %dma_start3A_537 = arith.constant 0 : i32
          %dma_start3A_538 = tpu.memref_slice %arg3[%squeeze3A_520, %dma_start3A_537] : memref<1000000x32xf32, #tpu.memory_space<hbm>> -> memref<1x32xf32, #tpu.memory_space<hbm>>
          tpu.enqueue_dma source(%dma_start3A_538 : memref<1x32xf32, #tpu.memory_space<hbm>>) target(%dma_start3A_536 : memref<1x32xf32, #tpu.memory_space<vmem>>) target_semaphore(%dma_start3A_533 : memref<!tpu.dma_semaphore, #tpu.memory_space<semaphore_mem>>)
          %slice3A_539 = vector.extract_strided_slice %get3A_200 {offsets = [13], sizes = [1], strides = [1]} : vector<16xi32> to vector<1xi32>
          %squeeze3A_540 = vector.extract %slice3A_539[0] : i32 from vector<1xi32>
          %mul3A_541 = arith.constant 20 : i32
          %mul3A_542 = arith.muli %scan3A_189, %mul3A_541 : i32
          %add3A_543 = arith.constant 17 : i32
          %add3A_544 = arith.addi %mul3A_542, %add3A_543 : i32
          %dma_start3A_545 = arith.constant 1 : i32
          %dma_start3A_546 = arith.constant 1 : i32
          %dma_start3A_547 = arith.constant 0 : i32
          %dma_start3A_548 = tpu.memref_slice %arg6[%dma_start3A_545, %add3A_544, %dma_start3A_547] : memref<2x320x32xf32, #tpu.memory_space<vmem>> -> memref<1x1x32xf32, #tpu.memory_space<vmem>>
          %dma_start3A_549 = tpu.memref_squeeze %dma_start3A_548 : memref<1x1x32xf32, #tpu.memory_space<vmem>> -> memref<1x32xf32, #tpu.memory_space<vmem>>
          %dma_start3A_550 = arith.constant 0 : i32
          %dma_start3A_551 = tpu.memref_slice %arg3[%squeeze3A_540, %dma_start3A_550] : memref<1000000x32xf32, #tpu.memory_space<hbm>> -> memref<1x32xf32, #tpu.memory_space<hbm>>
          %dma_start3A_552 = tpu.memref_slice %arg8[%dma_start3A_546] : memref<2x!tpu.dma_semaphore, #tpu.memory_space<semaphore_mem>> -> memref<1x!tpu.dma_semaphore, #tpu.memory_space<semaphore_mem>>
          %dma_start3A_553 = tpu.memref_squeeze %dma_start3A_552 : memref<1x!tpu.dma_semaphore, #tpu.memory_space<semaphore_mem>> -> memref<!tpu.dma_semaphore, #tpu.memory_space<semaphore_mem>>
          %dma_start3A_554 = arith.constant 0 : i32
          %dma_start3A_555 = tpu.memref_slice %arg6[%dma_start3A_545, %add3A_544, %dma_start3A_554] : memref<2x320x32xf32, #tpu.memory_space<vmem>> -> memref<1x1x32xf32, #tpu.memory_space<vmem>>
          %dma_start3A_556 = tpu.memref_squeeze %dma_start3A_555 : memref<1x1x32xf32, #tpu.memory_space<vmem>> -> memref<1x32xf32, #tpu.memory_space<vmem>>
          %dma_start3A_557 = arith.constant 0 : i32
          %dma_start3A_558 = tpu.memref_slice %arg3[%squeeze3A_540, %dma_start3A_557] : memref<1000000x32xf32, #tpu.memory_space<hbm>> -> memref<1x32xf32, #tpu.memory_space<hbm>>
          tpu.enqueue_dma source(%dma_start3A_558 : memref<1x32xf32, #tpu.memory_space<hbm>>) target(%dma_start3A_556 : memref<1x32xf32, #tpu.memory_space<vmem>>) target_semaphore(%dma_start3A_553 : memref<!tpu.dma_semaphore, #tpu.memory_space<semaphore_mem>>)
          %slice3A_559 = vector.extract_strided_slice %get3A_200 {offsets = [14], sizes = [1], strides = [1]} : vector<16xi32> to vector<1xi32>
          %squeeze3A_560 = vector.extract %slice3A_559[0] : i32 from vector<1xi32>
          %mul3A_561 = arith.constant 20 : i32
          %mul3A_562 = arith.muli %scan3A_189, %mul3A_561 : i32
          %add3A_563 = arith.constant 18 : i32
          %add3A_564 = arith.addi %mul3A_562, %add3A_563 : i32
          %dma_start3A_565 = arith.constant 1 : i32
          %dma_start3A_566 = arith.constant 1 : i32
          %dma_start3A_567 = arith.constant 0 : i32
          %dma_start3A_568 = tpu.memref_slice %arg6[%dma_start3A_565, %add3A_564, %dma_start3A_567] : memref<2x320x32xf32, #tpu.memory_space<vmem>> -> memref<1x1x32xf32, #tpu.memory_space<vmem>>
          %dma_start3A_569 = tpu.memref_squeeze %dma_start3A_568 : memref<1x1x32xf32, #tpu.memory_space<vmem>> -> memref<1x32xf32, #tpu.memory_space<vmem>>
          %dma_start3A_570 = arith.constant 0 : i32
          %dma_start3A_571 = tpu.memref_slice %arg3[%squeeze3A_560, %dma_start3A_570] : memref<1000000x32xf32, #tpu.memory_space<hbm>> -> memref<1x32xf32, #tpu.memory_space<hbm>>
          %dma_start3A_572 = tpu.memref_slice %arg8[%dma_start3A_566] : memref<2x!tpu.dma_semaphore, #tpu.memory_space<semaphore_mem>> -> memref<1x!tpu.dma_semaphore, #tpu.memory_space<semaphore_mem>>
          %dma_start3A_573 = tpu.memref_squeeze %dma_start3A_572 : memref<1x!tpu.dma_semaphore, #tpu.memory_space<semaphore_mem>> -> memref<!tpu.dma_semaphore, #tpu.memory_space<semaphore_mem>>
          %dma_start3A_574 = arith.constant 0 : i32
          %dma_start3A_575 = tpu.memref_slice %arg6[%dma_start3A_565, %add3A_564, %dma_start3A_574] : memref<2x320x32xf32, #tpu.memory_space<vmem>> -> memref<1x1x32xf32, #tpu.memory_space<vmem>>
          %dma_start3A_576 = tpu.memref_squeeze %dma_start3A_575 : memref<1x1x32xf32, #tpu.memory_space<vmem>> -> memref<1x32xf32, #tpu.memory_space<vmem>>
          %dma_start3A_577 = arith.constant 0 : i32
          %dma_start3A_578 = tpu.memref_slice %arg3[%squeeze3A_560, %dma_start3A_577] : memref<1000000x32xf32, #tpu.memory_space<hbm>> -> memref<1x32xf32, #tpu.memory_space<hbm>>
          tpu.enqueue_dma source(%dma_start3A_578 : memref<1x32xf32, #tpu.memory_space<hbm>>) target(%dma_start3A_576 : memref<1x32xf32, #tpu.memory_space<vmem>>) target_semaphore(%dma_start3A_573 : memref<!tpu.dma_semaphore, #tpu.memory_space<semaphore_mem>>)
          %slice3A_579 = vector.extract_strided_slice %get3A_200 {offsets = [15], sizes = [1], strides = [1]} : vector<16xi32> to vector<1xi32>
          %squeeze3A_580 = vector.extract %slice3A_579[0] : i32 from vector<1xi32>
          %mul3A_581 = arith.constant 20 : i32
          %mul3A_582 = arith.muli %scan3A_189, %mul3A_581 : i32
          %add3A_583 = arith.constant 19 : i32
          %add3A_584 = arith.addi %mul3A_582, %add3A_583 : i32
          %dma_start3A_585 = arith.constant 1 : i32
          %dma_start3A_586 = arith.constant 1 : i32
          %dma_start3A_587 = arith.constant 0 : i32
          %dma_start3A_588 = tpu.memref_slice %arg6[%dma_start3A_585, %add3A_584, %dma_start3A_587] : memref<2x320x32xf32, #tpu.memory_space<vmem>> -> memref<1x1x32xf32, #tpu.memory_space<vmem>>
          %dma_start3A_589 = tpu.memref_squeeze %dma_start3A_588 : memref<1x1x32xf32, #tpu.memory_space<vmem>> -> memref<1x32xf32, #tpu.memory_space<vmem>>
          %dma_start3A_590 = arith.constant 0 : i32
          %dma_start3A_591 = tpu.memref_slice %arg3[%squeeze3A_580, %dma_start3A_590] : memref<1000000x32xf32, #tpu.memory_space<hbm>> -> memref<1x32xf32, #tpu.memory_space<hbm>>
          %dma_start3A_592 = tpu.memref_slice %arg8[%dma_start3A_586] : memref<2x!tpu.dma_semaphore, #tpu.memory_space<semaphore_mem>> -> memref<1x!tpu.dma_semaphore, #tpu.memory_space<semaphore_mem>>
          %dma_start3A_593 = tpu.memref_squeeze %dma_start3A_592 : memref<1x!tpu.dma_semaphore, #tpu.memory_space<semaphore_mem>> -> memref<!tpu.dma_semaphore, #tpu.memory_space<semaphore_mem>>
          %dma_start3A_594 = arith.constant 0 : i32
          %dma_start3A_595 = tpu.memref_slice %arg6[%dma_start3A_585, %add3A_584, %dma_start3A_594] : memref<2x320x32xf32, #tpu.memory_space<vmem>> -> memref<1x1x32xf32, #tpu.memory_space<vmem>>
          %dma_start3A_596 = tpu.memref_squeeze %dma_start3A_595 : memref<1x1x32xf32, #tpu.memory_space<vmem>> -> memref<1x32xf32, #tpu.memory_space<vmem>>
          %dma_start3A_597 = arith.constant 0 : i32
          %dma_start3A_598 = tpu.memref_slice %arg3[%squeeze3A_580, %dma_start3A_597] : memref<1000000x32xf32, #tpu.memory_space<hbm>> -> memref<1x32xf32, #tpu.memory_space<hbm>>
          tpu.enqueue_dma source(%dma_start3A_598 : memref<1x32xf32, #tpu.memory_space<hbm>>) target(%dma_start3A_596 : memref<1x32xf32, #tpu.memory_space<vmem>>) target_semaphore(%dma_start3A_593 : memref<!tpu.dma_semaphore, #tpu.memory_space<semaphore_mem>>)
        }
        %scan3A_188 = arith.constant 16 : i32
      } else {
      }
    }
    %scan3A_27 = arith.constant 16 : i32
    %add3A_28 = arith.constant 2400 : i32
    %add3A_29 = arith.addi %multiple_of3A_5, %add3A_28 : i32
    %dma_wait3A = arith.constant 0 : i32
    %dma_wait3A_30 = arith.constant 0 : i32
    %dma_wait3A_31 = arith.constant 0 : i32
    %dma_wait3A_32 = arith.constant 0 : i32
    %dma_wait3A_33 = tpu.memref_slice %arg7[%dma_wait3A, %dma_wait3A_31, %dma_wait3A_32] : memref<2x80x128xf32, #tpu.memory_space<vmem>> -> memref<1x80x128xf32, #tpu.memory_space<vmem>>
    %dma_wait3A_34 = tpu.memref_squeeze %dma_wait3A_33 : memref<1x80x128xf32, #tpu.memory_space<vmem>> -> memref<80x128xf32, #tpu.memory_space<vmem>>
    %dma_wait3A_35 = arith.constant 0 : i32
    %dma_wait3A_36 = tpu.memref_slice %arg4[%add3A_29, %dma_wait3A_35] : memref<81920x128xf32, #tpu.memory_space<hbm>> -> memref<80x128xf32, #tpu.memory_space<hbm>>
    %dma_wait3A_37 = tpu.memref_slice %arg9[%dma_wait3A_30] : memref<2x!tpu.dma_semaphore, #tpu.memory_space<semaphore_mem>> -> memref<1x!tpu.dma_semaphore, #tpu.memory_space<semaphore_mem>>
    %dma_wait3A_38 = tpu.memref_squeeze %dma_wait3A_37 : memref<1x!tpu.dma_semaphore, #tpu.memory_space<semaphore_mem>> -> memref<!tpu.dma_semaphore, #tpu.memory_space<semaphore_mem>>
    %dma_wait3A_39 = arith.constant 0 : i32
    %dma_wait3A_40 = tpu.memref_slice %arg4[%add3A_29, %dma_wait3A_39] : memref<81920x128xf32, #tpu.memory_space<hbm>> -> memref<80x128xf32, #tpu.memory_space<hbm>>
    %dma_wait3A_41 = arith.constant 0 : i32
    %dma_wait3A_42 = arith.constant 0 : i32
    %dma_wait3A_43 = tpu.memref_slice %arg7[%dma_wait3A, %dma_wait3A_41, %dma_wait3A_42] : memref<2x80x128xf32, #tpu.memory_space<vmem>> -> memref<1x80x128xf32, #tpu.memory_space<vmem>>
    %dma_wait3A_44 = tpu.memref_squeeze %dma_wait3A_43 : memref<1x80x128xf32, #tpu.memory_space<vmem>> -> memref<80x128xf32, #tpu.memory_space<vmem>>
    tpu.wait_dma2 semaphore(%dma_wait3A_38 : memref<!tpu.dma_semaphore, #tpu.memory_space<semaphore_mem>>) src(%dma_wait3A_44 : memref<80x128xf32, #tpu.memory_space<vmem>>) dst(%dma_wait3A_40 : memref<80x128xf32, #tpu.memory_space<hbm>>)
    %add3A_45 = arith.constant 2480 : i32
    %add3A_46 = arith.addi %multiple_of3A_5, %add3A_45 : i32
    %dma_wait3A_47 = arith.constant 1 : i32
    %dma_wait3A_48 = arith.constant 1 : i32
    %dma_wait3A_49 = arith.constant 0 : i32
    %dma_wait3A_50 = arith.constant 0 : i32
    %dma_wait3A_51 = tpu.memref_slice %arg7[%dma_wait3A_47, %dma_wait3A_49, %dma_wait3A_50] : memref<2x80x128xf32, #tpu.memory_space<vmem>> -> memref<1x80x128xf32, #tpu.memory_space<vmem>>
    %dma_wait3A_52 = tpu.memref_squeeze %dma_wait3A_51 : memref<1x80x128xf32, #tpu.memory_space<vmem>> -> memref<80x128xf32, #tpu.memory_space<vmem>>
    %dma_wait3A_53 = arith.constant 0 : i32
    %dma_wait3A_54 = tpu.memref_slice %arg4[%add3A_46, %dma_wait3A_53] : memref<81920x128xf32, #tpu.memory_space<hbm>> -> memref<80x128xf32, #tpu.memory_space<hbm>>
    %dma_wait3A_55 = tpu.memref_slice %arg9[%dma_wait3A_48] : memref<2x!tpu.dma_semaphore, #tpu.memory_space<semaphore_mem>> -> memref<1x!tpu.dma_semaphore, #tpu.memory_space<semaphore_mem>>
    %dma_wait3A_56 = tpu.memref_squeeze %dma_wait3A_55 : memref<1x!tpu.dma_semaphore, #tpu.memory_space<semaphore_mem>> -> memref<!tpu.dma_semaphore, #tpu.memory_space<semaphore_mem>>
    %dma_wait3A_57 = arith.constant 0 : i32
    %dma_wait3A_58 = tpu.memref_slice %arg4[%add3A_46, %dma_wait3A_57] : memref<81920x128xf32, #tpu.memory_space<hbm>> -> memref<80x128xf32, #tpu.memory_space<hbm>>
    %dma_wait3A_59 = arith.constant 0 : i32
    %dma_wait3A_60 = arith.constant 0 : i32
    %dma_wait3A_61 = tpu.memref_slice %arg7[%dma_wait3A_47, %dma_wait3A_59, %dma_wait3A_60] : memref<2x80x128xf32, #tpu.memory_space<vmem>> -> memref<1x80x128xf32, #tpu.memory_space<vmem>>
    %dma_wait3A_62 = tpu.memref_squeeze %dma_wait3A_61 : memref<1x80x128xf32, #tpu.memory_space<vmem>> -> memref<80x128xf32, #tpu.memory_space<vmem>>
    tpu.wait_dma2 semaphore(%dma_wait3A_56 : memref<!tpu.dma_semaphore, #tpu.memory_space<semaphore_mem>>) src(%dma_wait3A_62 : memref<80x128xf32, #tpu.memory_space<vmem>>) dst(%dma_wait3A_58 : memref<80x128xf32, #tpu.memory_space<hbm>>)
    return
  }
}

</mosaic_0001>

<sc_bundles>
// kernel: kernel.3.cloned.1.call-start
scs
__scs_entry_jumppad:
0x0: {  	(pc) =	sbr.rel $0x88, $3  }
0x1: {  	(tag) =	ssettag $0x0;
	lr =	simm.s32 $0x1  }
0x2: {  	[smem:$0x3F9F] =	sst lr;
	_ =	strace $0xD0000000  }
0x3: {  	_ = 	snop  }
0x4: {  	_ = 	snop  }
0x5: {  	_ = 	snop  }
0x6: {  	_ = 	snop  }
0x7: {  	_ = 	snop  }
__scs_overlays_trampoline_lowered:
0x8: {  	[smem:$0x3FAE] =	sst s0  }
0x9: {  	[smem:$0x3FAF] =	sst s1  }
0xa: {  	[smem:$0x3FB0] =	sst s2  }
0xb: {  	[smem:$0x3FB1] =	sst s3  }
0xc: {  	[smem:$0x3FB2] =	sst s4  }
0xd: {  	[smem:$0x3FB3] =	sst s5  }
0xe: {  	[smem:$0x3FB4] =	sst s6  }
0xf: {  	[smem:$0x3FB5] =	sst s7  }
0x10: {  	[smem:$0x3FB6] =	sst s8  }
0x11: {  	[smem:$0x3FB7] =	sst s9;
	s0 =	simm.s32 @!p0 $0x0  }
0x12: {  	s1 =	sld [smem:$0x3F9D];
	s0 =	simm.s32 @p0 $0x1  }
0x13: {  	[smem:$0x3FB8] =	sst s0;
	s0 =	simm.s32 @!p1 $0x0  }
0x14: {  	s2 =	sld [smem:$0x3F9C];
	s0 =	simm.s32 @p1 $0x1  }
0x15: {  	[smem:$0x3FB9] =	sst s0;
	s0 =	simm.s32 @!p2 $0x0  }
0x16: {  	s3 =	sld [smem:$0x3FDB];
	s0 =	simm.s32 @p2 $0x1  }
0x17: {  	s4 =	simm.s32 $0x1BF5;
	[smem:$0x3FBB] =	sst s0  }
0x18: {  	s0 =	sld [smem:$0x3F9E];
	_ =	swait.ge [sflag:s4], $0x0  }
0x19: {  	s7 =	sld [smem:$0x3F9F]  }
0x1a: {  	s8 =	sadd.s32 $0xFFFFE003, lr  }
0x1b: {  	s9 =	sadd.s32 $0xFFFFFEF7, lr;
	s5 =	simm.s32 $0xFFFFFFFF;
	p2 =	slt.u32 s8, $0xFFFFF086  }
0x1c: {  	p1 =	slt.u32 s9, $0xF7A;
	s5 =	simm.s32 @!p2 $0x0  }
0x1d: {  	s5 =	simm.s32 @p1 $0x1;
	p0 =	seq.s32 s7, s2  }
0x1e: {  	s7 =	smul.u32 @!p0 $0xF7A, s2;
	p2 =	seq.s32 @!p0 s5, $0x0  }
0x1f: {  	s9 =	smul.u32 $0xF7A, s1;
	s8 =	simm.s32 @!p0 $0x1BF5;
	p2 =	por !p2, p0  }
0x20: {  	[sflag:s8] =	ssyncset.s32 @!p0 $0xFFFFF086;
	s6 =	sadd.s32 @!p0 s3, s7;
	s7 =	simm.s32 @!p0 $0x108  }
0x21: {  	s3 =	sadd.s32 s3, s9;
	s6 =	sadd.s32 @!p0 $0x88, s6;
	s7 =	simm.s32 @p2 $0x1082  }
0x22: {  	[simem:s7], [sflag:s8] =	dma.local @!p0 [hbm:s6], $0xF7A  }
0x23: {  	s9 =	sor.u32 $0xD0000000, s2;
	s6 =	simm.s32 $0x108;
	_ =	swait.ge @!p0 [sflag:s8], $0x0  }
0x24: {  	s3 =	sadd.s32 $0x88, s3;
	s6 =	simm.s32 @!p1 $0x1082;
	[sflag:s4] =	ssyncset.s32 $0xFFFFF086  }
0x25: {  	[simem:s6], [sflag:s4] =	dma.local [hbm:s3], $0xF7A  }
0x26: {  	[smem:$0x3F9F] =	sst s1;
	(tag) =	ssettag s2;
	_ =	strace s9  }
0x27: {  	s1 =	sld [smem:$0x3FAF]  }
0x28: {  	s2 =	sld [smem:$0x3FB0]  }
0x29: {  	s4 =	sld [smem:$0x3FB2]  }
0x2a: {  	p0 =	seq.s32 s5, $0x0;
	s5 =	sld [smem:$0x3FB3]  }
0x2b: {  	s6 =	sld [smem:$0x3FB4]  }
0x2c: {  	s7 =	sld [smem:$0x3FB5]  }
0x2d: {  	s3 =	simm.s32 $0x108;
	s8 =	sld [smem:$0x3FB6]  }
0x2e: {  	s3 =	simm.s32 @!p0 $0x1082;
	s9 =	sld [smem:$0x3FB7]  }
0x2f: {  	lr =	sadd.s32 s0, s3;
	s0 =	sld [smem:$0x3FAE]  }
0x30: {  	s3 =	sld [smem:$0x3FB1]  }
0x31: {  	[smem:$0x3FBA] =	sst s10  }
0x32: {  	s10 =	sld [smem:$0x3FB8];
	_ =	sdelay $0x3  }
0x33: {  	p0 =	seq.s32 s10, $0x1;
	s10 =	sld [smem:$0x3FBA];
	_ =	sdelay $0x3  }
0x34: {  	[smem:$0x3FBA] =	sst s10  }
0x35: {  	s10 =	sld [smem:$0x3FB9];
	_ =	sdelay $0x3  }
0x36: {  	p1 =	seq.s32 s10, $0x1;
	s10 =	sld [smem:$0x3FBA];
	_ =	sdelay $0x3  }
0x37: {  	[smem:$0x3FBA] =	sst s10  }
0x38: {  	s10 =	sld [smem:$0x3FBB]  }
0x39: {  	_ = 	snop;
	(pc) =	sbr.ind lr, $3  }
0x3a: {  	_ = 	snop  }
0x3b: {  	_ = 	snop  }
0x3c: {  	p2 =	seq.s32 s10, $0x1;
	s10 =	sld [smem:$0x3FBA]  }
0x3d: {  	_ =	shalt  }
0x3e: {  	_ =	shalt  }
0x3f: {  	_ =	shalt  }
0x40: {  	_ =	shalt  }
0x41: {  	_ =	shalt  }
0x42: {  	_ =	shalt  }
0x43: {  	_ =	shalt  }
0x44: {  	_ =	shalt  }
0x45: {  	_ =	shalt  }
0x46: {  	_ =	shalt  }
0x47: {  	_ =	shalt  }
0x48: {  	_ =	shalt  }
0x49: {  	_ =	shalt  }
0x4a: {  	_ =	shalt  }
0x4b: {  	_ =	shalt  }
0x4c: {  	_ =	shalt  }
0x4d: {  	_ =	shalt  }
0x4e: {  	_ =	shalt  }
0x4f: {  	_ =	shalt  }
0x50: {  	_ =	shalt  }
0x51: {  	_ =	shalt  }
0x52: {  	_ =	shalt  }
0x53: {  	_ =	shalt  }
0x54: {  	_ =	shalt  }
0x55: {  	_ =	shalt  }
0x56: {  	_ =	shalt  }
0x57: {  	_ =	shalt  }
0x58: {  	_ =	shalt  }
0x59: {  	_ =	shalt  }
0x5a: {  	_ =	shalt  }
0x5b: {  	_ =	shalt  }
0x5c: {  	_ =	shalt  }
0x5d: {  	_ =	shalt  }
0x5e: {  	_ =	shalt  }
0x5f: {  	_ =	shalt  }
0x60: {  	_ =	shalt  }
0x61: {  	_ =	shalt  }
0x62: {  	_ =	shalt  }
0x63: {  	_ =	shalt  }
0x64: {  	_ =	shalt  }
0x65: {  	_ =	shalt  }
0x66: {  	_ =	shalt  }
0x67: {  	_ =	shalt  }
0x68: {  	_ =	shalt  }
0x69: {  	_ =	shalt  }
0x6a: {  	_ =	shalt  }
0x6b: {  	_ =	shalt  }
0x6c: {  	_ =	shalt  }
0x6d: {  	_ =	shalt  }
0x6e: {  	_ =	shalt  }
0x6f: {  	_ =	shalt  }
0x70: {  	_ =	shalt  }
0x71: {  	_ =	shalt  }
0x72: {  	_ =	shalt  }
0x73: {  	_ =	shalt  }
0x74: {  	_ =	shalt  }
0x75: {  	_ =	shalt  }
0x76: {  	_ =	shalt  }
0x77: {  	_ =	shalt  }
0x78: {  	_ =	shalt  }
0x79: {  	_ =	shalt  }
0x7a: {  	_ =	shalt  }
0x7b: {  	_ =	shalt  }
0x7c: {  	_ =	shalt  }
0x7d: {  	_ =	shalt  }
0x7e: {  	_ =	shalt  }
0x7f: {  	_ =	shalt  }
0x80: {  	_ =	shalt  }
0x81: {  	_ =	shalt  }
0x82: {  	_ =	shalt  }
0x83: {  	_ =	shalt  }
0x84: {  	_ =	shalt  }
0x85: {  	_ =	shalt  }
0x86: {  	_ =	shalt  }
0x87: {  	_ =	shalt  }
.Lfunc_end0:
.L_simem_size_0:
called_computation.1_lowered:
.L_overlay_start_0:
0x88: {  	s2 =	sld [smem:$0x3FD9]  }
0x89: {  	s3 =	sld [smem:$0x3FFE];
	_ =	sdelay $0x1  }
0x8a: {  	s1 =	srdreg.scid  }
0x8b: {  	s0 =	sand.u32 $0x1, s1  }
0x8c: {  	s17 =	sshll.u32 s0, $0xA;
	s2 =	sadd.s32 s3, s2  }
0x8d: {  	s2 =	sadd.s32 s2, s17  }
0x8e: {  	[smem:$0x3FC6] =	sst s2  }
0x8f: {  	_ = 	snop  }
0x90: {  	s2 =	sld [smem:$0x3FD0];
	(tm) =	ssettm $0x1  }
0x91: {  	s18 =	sld [smem:$0x3FFB];
	_ =	sdelay $0x3  }
0x92: {  	_ =	strace s18  }
0x93: {  	s3 =	sld [smem:$0x3FFC];
	_ =	sdelay $0x3  }
0x94: {  	_ =	strace s3  }
0x95: {  	s3 =	sld [smem:$0x3FFD];
	_ =	sdelay $0x3  }
0x96: {  	_ =	strace s3  }
0x97: {  	_ =	strace $0x8FFFFFFF  }
0x98: {  	s19 =	sld [smem:$0x3FDB];
	_ =	sdelay $0x1  }
0x99: {  	s4 =	simm.s32 $_scs_section_size  }
0x9a: {  	s5 =	simm.s32 $_size__tile_overlayer_lowered;
	s6 =	simm.s32 $_tile_overlayer_lowered  }
0x9b: {  	s22 =	simm.s32 $0x1BFF;
	s21 =	sshll.u32 s6, $0x1;
	s3 =	sadd.s32 s4, s19  }
0x9c: {  	s7 =	simm.s32 $0x0;
	s20 =	sshll.u32 s5, $0x1;
	s5 =	sadd.s32 s21, s3  }
0x9d: {  	[timem:s7], [sflag:s22] =	dma.local [hbm:s5], s20  }
0x9e: {  	_ =	swait.ge [sflag:s22], s20  }
0x9f: {  	s4 =	ssub.s32 $0x0, s20;
	[sflag:s22] =	ssyncset.done $0x0  }
0xa0: {  	[sflag:s22] =	ssyncadd.s32 s4;
	_ =	sdelay $0x1  }
0xa1: {  	s23 =	simm.s32 $0x1B8B  }
0xa2: {  	_ =	swait.ge [sflag:s23], $0x1  }
0xa3: {  	[sflag:s23] =	ssyncset.done $0x0  }
0xa4: {  	s25 =	simm.s32 $0x1B8E;
	s24 =	sld [smem:$0x3FFE];
	[sflag:s23] =	ssyncadd.s32 $0xFFFFFFFF  }
0xa5: {  	s26 =	simm.s32 $execute0_lowered;
	[smem:$0x3FD2] =	sst s25  }
0xa6: {  	s5 =	sshll.u32 s26, $0x1;
	_ =	strace $0x80000046;
	[dreg:$0x1] =	wrdreg $0xFFFFFFFF  }
0xa7: {  	s28 =	simm.s32 $_size_execute0_lowered;
	s3 =	sadd.s32 s3, s5;
	[dreg:$0x0] =	wrdreg $0x0  }
0xa8: {  	s5 =	sshll.u32 s28, $0x1;
	[dreg:$0x2] =	wrdreg s3  }
0xa9: {  	[dreg:$0x3] =	wrdreg s5  }
0xaa: {  	[dreg:$0x4] =	wrdreg $0xC0  }
0xab: {  	_ =	task [dreg:s7], $0x5FFFF  }
0xac: {  	[dreg:$0x1] =	wrdreg $0xFFFFFFFF  }
0xad: {  	[dreg:$0x0] =	wrdreg $0x60  }
0xae: {  	[dreg:$0x2] =	wrdreg s24  }
0xaf: {  	[dreg:$0x3] =	wrdreg s2  }
0xb0: {  	[dreg:$0x4] =	wrdreg $0x9  }
0xb1: {  	_ =	task.clear_ibuf [dreg:s7], $0x5FFFF;
	_ =	strace $0x90000046  }
0xb2: {  	s29 =	simm.s32 $0x9;
	_ =	strace $0x80000048  }
0xb3: {  	_ =	swait.ge [sflag:s29], $0x1  }
0xb4: {  	[sflag:s29] =	ssyncadd.s32 $0xFFFFFFFF  }
0xb5: {  	_ =	strace $0x90000048  }
0xb6: {  	_ =	sfence  }
0xb7: {  	s30 =	sld [smem:$0x0];
	_ =	sdelay $0x2  }
0xb8: {  	s31 =	sshll.u32 s1, $0xD;
	s1 =	sshrl.u32 s1, $0x2  }
0xb9: {  	s3 =	sand.u32 $0x4000, s31;
	s1 =	sadd.s32 s1, s30  }
0xba: {  	s0 =	sor.u32 s3, s0;
	s1 =	sshll.u32 s1, $0x11  }
0xbb: {  	s0 =	sor.u32 s1, s0  }
0xbc: {  	s0 =	sadd.s32 $0x8F2B, s0  }
0xbd: {  	[sflag:s0] =	ssyncadd.remote.s32 $0x1  }
0xbe: {  	_ =	sfence.sel $0xFFFF  }
0xbf: {  	[dreg:$0x0] =	wrdreg $0xFFFFFFFF;
	(pc) =	sbr.abs _section_cstart, $3  }
0xc0: {  	[dreg:$0x1] =	wrdreg $0xFFFFFFFF  }
0xc1: {  	_ =	task.clear_ibuf [dreg:s7], $0x2FFFF;
	_ =	strace $0x9FFFFFFF  }
0xc2: {  	(tm) =	ssettm $0x7FFFFFFF  }
0xc3: {  	_ =	shalt  }
tec
execute0_lowered:
.L_overlay_start_1:
0x0: {  	(tag) =	ssettag $0x1  }
0x1: {  	s0 =	rddreg [dreg:$0x0]  }
0x2: {  	s1 =	srdreg.scid;
	s2 =	stileid.u32  }
0x3: {  	s3 =	simm.s32 $0x0;
	s1 =	sand.u32 $0x1, s1;
	s4 =	sshll.u32 s2, $0x1  }
0x4: {  	s12 =	simm.s32 $0x5;
	s14 =	simm.s32 $0x1;
	s5 =	sor.u32 s1, s4  }
0x5: {  	s16 =	simm.s32 $0x2;
	s17 =	simm.s32 $0x4;
	s4 =	sshll.u32 s5, $0xD  }
0x6: {  	[smem:$0x7FF] =	sst s3;
	s1 =	ssub.s32 $0x2, s1;
	s6 =	sadd.s32 s4, s0  }
0x7: {  	_ =	strace $0x80000047;
	s7 =	sshrl.u32 s1, $0x1;
	s28 =	sadd.s32 $0x800, s6  }
.Ltmp0:
0x8: {  	s29 =	sadd.s32 $0x900, s6;
	[dreg:$0x3] =	wrdreg s28;
	(pc) =	sbr.rel .LBB2_1-.Ltmp0, $4  }
0x9: {  	s5 =	smul.u32 $0xA00, s5;
	s30 =	sadd.s32 $0xA00, s6;
	[dreg:$0x4] =	wrdreg s29  }
0xa: {  	s26 =	ssub.s32 s1, s7;
	s31 =	sadd.s32 $0xB00, s6;
	[dreg:$0x5] =	wrdreg s30  }
0xb: {  	s4 =	sadd.s32 $0x40800, s0;
	s0 =	smax.u32 s26, $0x1;
	[dreg:$0x6] =	wrdreg s31  }
0xc: {  	s1 =	simm.s32 $0x0;
	s9 =	sor.u32 $0x50, s5;
	[dreg:$0x7] =	wrdreg s0  }
.LBB2_20:
0xd: {  	s0 =	simm.s32 $0x3  }
0xe: {  	_ =	swait.ge [sflag:s0], $0x2800  }
0xf: {  	[sflag:s0] =	ssyncset.done $0x0  }
0x10: {  	[sflag:s0] =	ssyncadd.s32 $0xFFFFD800  }
0x11: {  	_ =	swait.ge [sflag:s17], $0x2800  }
0x12: {  	s1 =	rddreg [dreg:$0x8]  }
0x13: {  	s31 =	rddreg [dreg:$0x7];
	s1 =	sadd.s32 $0x1, s1  }
0x14: {  	p0 =	sne.s32 s1, s31  }
.Ltmp1:
0x15: {  	_ = 	snop;
	(pc) =	sbr.rel @!p0 .LBB2_21-.Ltmp1, $3  }
0x16: {  	_ =	sdelay $0x1  }
0x17: {  	[sflag:s17] =	ssyncset.done $0x0  }
0x18: {  	[sflag:s17] =	ssyncadd.s32 $0xFFFFD800  }
.LBB2_1:
0x19: {  	[dreg:$0x8] =	wrdreg s1  }
0x1a: {  	s0 =	rddreg [dreg:$0x3]  }
0x1b: {  	[tilespmem:s3], [sflag:$0x5] =	stream.linear.gather [hbm4b:s0+s3], $0x800, $0x38;
	[tilespmem:$0x1A000] =	vst v63  }
0x1c: {  	_ =	swait.ge [sflag:s12], $0x800  }
0x1d: {  	[sflag:s12] =	ssyncset.done $0x0  }
0x1e: {  	[sflag:s12] =	ssyncadd.s32 $0xFFFFF800  }
0x1f: {  	v0 =	vld [tilespmem:s17+$0xFFFFFFFC];
	_ =	sdelay $0x4  }
0x20: {  	v1 =	vshll.u32 v0, $0x4  }
0x21: {  	(v2sf) =	vpush v1, $0x2  }
0x22: {  	(v2sf) =	vpush v1, $0x0  }
0x23: {  	(v2sf) =	vpush v1, $0x1;
	_ =	sdelay $0x2  }
0x24: {  	(v2sf) =	vpush v1, $0x3;
	_ =	sdelay $0x1  }
0x25: {  	(v2sf) =	vpush v1, $0x4;
	_ =	sdelay $0x1  }
0x26: {  	(v2sf) =	vpush v1, $0x5  }
0x27: {  	(v2sf) =	vpush v1, $0x6;
	_ =	sdelay $0x4  }
0x28: {  	s26 =	spop (v2sf)  }
0x29: {  	s22 =	simm.s32 $0x2800;
	(v2sf) =	vpush v1, $0x7;
	s30 =	spop (v2sf)  }
0x2a: {  	s10 =	simm.s32 $0x1000;
	s30 =	sand.u32 $0x1FFFFFF0, s30;
	s31 =	spop (v2sf)  }
0x2b: {  	s13 =	simm.s32 $0x1080;
	(v2sf) =	vpush v1, $0x8;
	s15 =	sadd.s32 s4, s30;
	s18 =	sand.u32 $0x1FFFFFF0, s31  }
0x2c: {  	v0 =	vld [tilespmem:s17+$0x0];
	[tilespmem:s10], [sflag:$0x1] =	stream.linear.gather [hbm4b:s15+s3], $0x80, $0x38  }
0x2d: {  	(v2sf) =	vpush v1, $0x9;
	s8 =	sand.u32 $0x1FFFFFF0, s26;
	s31 =	spop (v2sf);
	s30 =	sadd.s32 s4, s18  }
0x2e: {  	[tilespmem:s13], [sflag:$0x1] =	stream.linear.gather [hbm4b:s30+s3], $0x80, $0x38;
	[tilespmem:$0x1A000] =	vst v63  }
0x2f: {  	s6 =	simm.s32 $0x1100;
	s8 =	sadd.s32 s4, s8;
	s2 =	spop (v2sf)  }
0x30: {  	[tilespmem:s6], [sflag:$0x1] =	stream.linear.gather [hbm4b:s8+s3], $0x80, $0x38;
	[tilespmem:$0x1A000] =	vst v63  }
0x31: {  	s21 =	simm.s32 $0x0;
	s7 =	simm.s32 $0x1380;
	(v2sf) =	vpush v1, $0xA;
	s8 =	spop (v2sf)  }
0x32: {  	s11 =	simm.s32 $0x1300;
	s19 =	simm.s32 $0x1280;
	s13 =	spop (v2sf);
	(v2sf) =	vpush v1, $0xB  }
0x33: {  	s28 =	simm.s32 $0x1400;
	s20 =	simm.s32 $0x1200;
	s29 =	simm.s32 $0x1180  }
0x34: {  	s23 =	simm.s32 $0x84;
	s25 =	simm.s32 $0x1800;
	s24 =	simm.s32 $0x1880  }
0x35: {  	s26 =	simm.s32 $0x1780;
	s0 =	sand.u32 $0x1FFFFFF0, s31;
	s1 =	sand.u32 $0x1FFFFFF0, s2  }
0x36: {  	s0 =	sadd.s32 s4, s0;
	s1 =	sadd.s32 s4, s1;
	s10 =	sand.u32 $0x1FFFFFF0, s8;
	(v2sf) =	vpush v1, $0xC  }
0x37: {  	[tilespmem:s29], [sflag:$0x1] =	stream.linear.gather [hbm4b:s0+s3], $0x80, $0x38;
	[tilespmem:$0x1A000] =	vst v63  }
0x38: {  	s15 =	sand.u32 $0x1FFFFFF0, s13;
	s18 =	spop (v2sf);
	s0 =	sadd.s32 s4, s10;
	(v2sf) =	vpush v1, $0xD  }
0x39: {  	[tilespmem:s20], [sflag:$0x1] =	stream.linear.gather [hbm4b:s1+s3], $0x80, $0x38;
	[tilespmem:$0x1A000] =	vst v63  }
0x3a: {  	s29 =	simm.s32 $0x1700;
	s20 =	spop (v2sf);
	s1 =	sadd.s32 s4, s15;
	(v2sf) =	vpush v1, $0xE  }
0x3b: {  	[tilespmem:s19], [sflag:$0x1] =	stream.linear.gather [hbm4b:s0+s3], $0x80, $0x38;
	[tilespmem:$0x1A000] =	vst v63  }
0x3c: {  	s30 =	sand.u32 $0x1FFFFFF0, s20;
	s31 =	spop (v2sf);
	(v2sf) =	vpush v1, $0xF;
	s19 =	sand.u32 $0x1FFFFFF0, s18  }
0x3d: {  	v0 =	vshll.u32 v0, $0x4;
	[tilespmem:s11], [sflag:$0x1] =	stream.linear.gather [hbm4b:s1+s3], $0x80, $0x38;
	[tilespmem:$0x1A000] =	vst v63  }
0x3e: {  	s6 =	sand.u32 $0x1FFFFFF0, s31;
	(v2sf) =	vpush v0, $0xC;
	s0 =	sadd.s32 s4, s19;
	s1 =	simm.s32 $0x1600  }
0x3f: {  	[tilespmem:s7], [sflag:$0x1] =	stream.linear.gather [hbm4b:s0+s3], $0x80, $0x38;
	[tilespmem:$0x1A000] =	vst v63  }
0x40: {  	(v2sf) =	vpush v0, $0xD;
	s11 =	spop (v2sf);
	s7 =	sadd.s32 s4, s30;
	s0 =	simm.s32 $0x1680  }
.LBB2_2:
0x41: {  	s8 =	sadd.s32 $0x1480, s21;
	s19 =	sadd.s32 $0x1580, s21;
	s20 =	spop (v2sf)  }
0x42: {  	[tilespmem:s28], [sflag:$0x1] =	stream.linear.gather [hbm4b:s7+s3], $0x80, $0x38;
	(v2sf) =	vpush v0, $0xE;
	[tilespmem:$0x1A000] =	vst v63  }
0x43: {  	s6 =	sadd.s32 s4, s6;
	s7 =	sand.u32 $0x1FFFFFF0, s11;
	s11 =	sand.u32 $0x1FFFFFF0, s20  }
0x44: {  	[tilespmem:s8], [sflag:$0x1] =	stream.linear.gather [hbm4b:s6+s3], $0x80, $0x38;
	(v2sf) =	vpush v0, $0xF;
	[tilespmem:$0x1A000] =	vst v63  }
0x45: {  	s7 =	sadd.s32 s4, s7;
	s6 =	sadd.s32 $0x1500, s21;
	s8 =	spop (v2sf)  }
0x46: {  	[tilespmem:s6], [sflag:$0x1] =	stream.linear.gather [hbm4b:s7+s3], $0x80, $0x38;
	[tilespmem:$0x1A000] =	vst v63  }
0x47: {  	s6 =	sadd.s32 s4, s11;
	s7 =	sand.u32 $0x1FFFFFF0, s8;
	s8 =	spop (v2sf)  }
0x48: {  	[tilespmem:s19], [sflag:$0x1] =	stream.linear.gather [hbm4b:s6+s3], $0x80, $0x38;
	[tilespmem:$0x1A000] =	vst v63  }
0x49: {  	s6 =	sadd.s32 s4, s7;
	s7 =	sand.u32 $0x1FFFFFF0, s8;
	s8 =	spop (v2sf)  }
0x4a: {  	[tilespmem:s1], [sflag:$0x1] =	stream.linear.gather [hbm4b:s6+s3], $0x80, $0x38;
	[tilespmem:$0x1A000] =	vst v63  }
0x4b: {  	s1 =	sadd.s32 s4, s7;
	s6 =	sand.u32 $0x1FFFFFF0, s8;
	s7 =	spop (v2sf)  }
0x4c: {  	[tilespmem:s0], [sflag:$0x1] =	stream.linear.gather [hbm4b:s1+s3], $0x80, $0x38;
	[tilespmem:$0x1A000] =	vst v63  }
0x4d: {  	s0 =	sadd.s32 s4, s6;
	s1 =	sand.u32 $0x1FFFFFF0, s7;
	s6 =	spop (v2sf)  }
0x4e: {  	[tilespmem:s29], [sflag:$0x1] =	stream.linear.gather [hbm4b:s0+s3], $0x80, $0x38;
	[tilespmem:$0x1A000] =	vst v63  }
0x4f: {  	s0 =	sadd.s32 s4, s1;
	s1 =	sand.u32 $0x1FFFFFF0, s6;
	s6 =	spop (v2sf)  }
0x50: {  	[tilespmem:s26], [sflag:$0x1] =	stream.linear.gather [hbm4b:s0+s3], $0x80, $0x38;
	[tilespmem:$0x1A000] =	vst v63  }
0x51: {  	s0 =	sadd.s32 s4, s1;
	s1 =	sand.u32 $0x1FFFFFF0, s6;
	s6 =	spop (v2sf)  }
0x52: {  	[tilespmem:s25], [sflag:$0x1] =	stream.linear.gather [hbm4b:s0+s3], $0x80, $0x38;
	[tilespmem:$0x1A000] =	vst v63  }
0x53: {  	s0 =	sadd.s32 s4, s1;
	s1 =	sand.u32 $0x1FFFFFF0, s6;
	s6 =	spop (v2sf)  }
0x54: {  	[tilespmem:s24], [sflag:$0x1] =	stream.linear.gather [hbm4b:s0+s3], $0x80, $0x38;
	[tilespmem:$0x1A000] =	vst v63  }
0x55: {  	s1 =	sadd.s32 s4, s1;
	s0 =	sadd.s32 $0x1900, s21;
	s6 =	sand.u32 $0x1FFFFFF0, s6  }
0x56: {  	[tilespmem:s0], [sflag:$0x1] =	stream.linear.gather [hbm4b:s1+s3], $0x80, $0x38;
	[tilespmem:$0x1A000] =	vst v63  }
0x57: {  	p0 =	sne.s32 s22, $0x25800;
	s0 =	sadd.s32 $0x1980, s21;
	s1 =	sadd.s32 s4, s6  }
0x58: {  	[tilespmem:s0], [sflag:$0x1] =	stream.linear.gather [hbm4b:s1+s3], $0x80, $0x38;
	[tilespmem:$0x1A000] =	vst v63  }
0x59: {  	s0 =	smov.u32 s22;
	s22 =	sadd.s32 $0x2800, s22;
	v0 =	vld [tilespmem:s23+$0xFFFFFFFC]  }
0x5a: {  	s21 =	sshra.s32 s0, $0x2  }
0x5b: {  	v1 =	vld [tilespmem:s23+$0x0]  }
0x5c: {  	s8 =	sadd.s32 $0x1000, s21;
	s19 =	sadd.s32 $0x1080, s21;
	_ =	sdelay $0x1  }
0x5d: {  	s7 =	sadd.s32 $0x1100, s21;
	v2 =	vshll.u32 v0, $0x4  }
0x5e: {  	s1 =	sadd.s32 $0x1380, s21;
	(v2sf) =	vpush v2, $0x2  }
0x5f: {  	v0 =	vshll.u32 v1, $0x4;
	(v2sf) =	vpush v2, $0x0  }
0x60: {  	s0 =	sadd.s32 $0x1300, s21;
	(v2sf) =	vpush v2, $0x1  }
0x61: {  	s6 =	sadd.s32 $0x1280, s21;
	s28 =	sadd.s32 $0x1400, s21;
	(v2sf) =	vpush v2, $0x3  }
0x62: {  	s11 =	sadd.s32 $0x1200, s21  }
0x63: {  	s20 =	sadd.s32 $0x1180, s21;
	(v2sf) =	vpush v2, $0x4;
	_ =	sdelay $0x1  }
0x64: {  	(v2sf) =	vpush v2, $0x5;
	_ =	sdelay $0x1  }
0x65: {  	(v2sf) =	vpush v2, $0x6;
	_ =	sdelay $0x1  }
0x66: {  	(v2sf) =	vpush v2, $0x7;
	_ =	sdelay $0x1  }
0x67: {  	(v2sf) =	vpush v2, $0x8  }
0x68: {  	s23 =	sadd.s32 $0x80, s23  }
0x69: {  	s25 =	sadd.s32 $0x1800, s21;
	s24 =	sadd.s32 $0x1880, s21;
	s26 =	spop (v2sf);
	(v2sf) =	vpush v2, $0x9  }
0x6a: {  	s30 =	sand.u32 $0x1FFFFFF0, s26;
	s26 =	sadd.s32 $0x1780, s21;
	s29 =	spop (v2sf)  }
0x6b: {  	s31 =	sand.u32 $0x1FFFFFF0, s29;
	s29 =	sadd.s32 $0x1700, s21;
	s13 =	spop (v2sf)  }
0x6c: {  	s31 =	sadd.s32 s4, s31;
	s13 =	sand.u32 $0x1FFFFFF0, s13;
	s15 =	spop (v2sf)  }
0x6d: {  	[tilespmem:s8], [sflag:$0x1] =	stream.linear.gather [hbm4b:s31+s3], $0x80, $0x38;
	(v2sf) =	vpush v2, $0xA;
	[tilespmem:$0x1A000] =	vst v63  }
0x6e: {  	s8 =	sadd.s32 s4, s13;
	s13 =	sand.u32 $0x1FFFFFF0, s15;
	s15 =	spop (v2sf);
	(v2sf) =	vpush v2, $0xB  }
0x6f: {  	[tilespmem:s19], [sflag:$0x1] =	stream.linear.gather [hbm4b:s8+s3], $0x80, $0x38;
	[tilespmem:$0x1A000] =	vst v63  }
0x70: {  	s8 =	sadd.s32 s4, s30;
	s15 =	sand.u32 $0x1FFFFFF0, s15;
	s19 =	spop (v2sf)  }
0x71: {  	[tilespmem:s7], [sflag:$0x1] =	stream.linear.gather [hbm4b:s8+s3], $0x80, $0x38;
	[tilespmem:$0x1A000] =	vst v63  }
0x72: {  	s7 =	sadd.s32 s4, s13;
	s8 =	sand.u32 $0x1FFFFFF0, s19;
	s13 =	spop (v2sf);
	(v2sf) =	vpush v2, $0xC  }
0x73: {  	[tilespmem:s20], [sflag:$0x1] =	stream.linear.gather [hbm4b:s7+s3], $0x80, $0x38;
	[tilespmem:$0x1A000] =	vst v63  }
0x74: {  	s7 =	sadd.s32 s4, s15;
	s13 =	sand.u32 $0x1FFFFFF0, s13;
	s15 =	spop (v2sf);
	(v2sf) =	vpush v2, $0xD  }
0x75: {  	[tilespmem:s11], [sflag:$0x1] =	stream.linear.gather [hbm4b:s7+s3], $0x80, $0x38;
	[tilespmem:$0x1A000] =	vst v63  }
0x76: {  	s7 =	sadd.s32 s4, s8;
	s8 =	sand.u32 $0x1FFFFFF0, s15;
	s11 =	spop (v2sf);
	(v2sf) =	vpush v2, $0xE  }
0x77: {  	[tilespmem:s6], [sflag:$0x1] =	stream.linear.gather [hbm4b:s7+s3], $0x80, $0x38;
	[tilespmem:$0x1A000] =	vst v63  }
0x78: {  	s6 =	sadd.s32 s4, s13  }
.Ltmp2:
0x79: {  	s7 =	sand.u32 $0x1FFFFFF0, s11;
	s11 =	spop (v2sf);
	(v2sf) =	vpush v2, $0xF;
	(pc) =	sbr.rel @p0 .LBB2_2-.Ltmp2, $4  }
0x7a: {  	[tilespmem:s0], [sflag:$0x1] =	stream.linear.gather [hbm4b:s6+s3], $0x80, $0x38;
	[tilespmem:$0x1A000] =	vst v63  }
0x7b: {  	s7 =	sadd.s32 s4, s7;
	s0 =	sadd.s32 s4, s8;
	s6 =	sand.u32 $0x1FFFFFF0, s11;
	(v2sf) =	vpush v0, $0xC  }
0x7c: {  	[tilespmem:s1], [sflag:$0x1] =	stream.linear.gather [hbm4b:s0+s3], $0x80, $0x38;
	[tilespmem:$0x1A000] =	vst v63  }
0x7d: {  	s1 =	sadd.s32 $0x1600, s21;
	s0 =	sadd.s32 $0x1680, s21;
	s11 =	spop (v2sf);
	(v2sf) =	vpush v0, $0xD  }
0x7e: {  	s8 =	sadd.s32 $0x1480, s21;
	s13 =	sadd.s32 $0x1580, s21;
	s15 =	spop (v2sf)  }
0x7f: {  	[tilespmem:s28], [sflag:$0x1] =	stream.linear.gather [hbm4b:s7+s3], $0x80, $0x38;
	(v2sf) =	vpush v0, $0xE;
	[tilespmem:$0x1A000] =	vst v63  }
0x80: {  	s6 =	sadd.s32 s4, s6;
	s31 =	sand.u32 $0x1FFFFFF0, s11;
	s2 =	sand.u32 $0x1FFFFFF0, s15  }
0x81: {  	(v2sf) =	vpush v0, $0xF;
	[tilespmem:s8], [sflag:$0x1] =	stream.linear.gather [hbm4b:s6+s3], $0x80, $0x38;
	[tilespmem:$0x1A000] =	vst v63  }
0x82: {  	s7 =	sadd.s32 s4, s31;
	s8 =	sadd.s32 $0x1500, s21;
	s10 =	spop (v2sf)  }
0x83: {  	[tilespmem:s8], [sflag:$0x1] =	stream.linear.gather [hbm4b:s7+s3], $0x80, $0x38;
	[tilespmem:$0x1A000] =	vst v63  }
0x84: {  	s11 =	sadd.s32 s4, s2;
	s15 =	sand.u32 $0x1FFFFFF0, s10;
	s18 =	spop (v2sf)  }
0x85: {  	[tilespmem:s13], [sflag:$0x1] =	stream.linear.gather [hbm4b:s11+s3], $0x80, $0x38;
	[tilespmem:$0x1A000] =	vst v63  }
0x86: {  	s19 =	sadd.s32 s4, s15;
	s20 =	sand.u32 $0x1FFFFFF0, s18;
	s22 =	spop (v2sf)  }
0x87: {  	[tilespmem:s1], [sflag:$0x1] =	stream.linear.gather [hbm4b:s19+s3], $0x80, $0x38;
	[tilespmem:$0x1A000] =	vst v63  }
0x88: {  	s23 =	sadd.s32 s4, s20;
	s31 =	sand.u32 $0x1FFFFFF0, s22;
	s2 =	spop (v2sf)  }
0x89: {  	[tilespmem:s0], [sflag:$0x1] =	stream.linear.gather [hbm4b:s23+s3], $0x80, $0x38;
	[tilespmem:$0x1A000] =	vst v63  }
0x8a: {  	s6 =	sadd.s32 s4, s31;
	s7 =	sand.u32 $0x1FFFFFF0, s2;
	s8 =	spop (v2sf)  }
0x8b: {  	[tilespmem:s29], [sflag:$0x1] =	stream.linear.gather [hbm4b:s6+s3], $0x80, $0x38;
	[tilespmem:$0x1A000] =	vst v63  }
0x8c: {  	s10 =	sadd.s32 s4, s7;
	s11 =	sand.u32 $0x1FFFFFF0, s8;
	s13 =	spop (v2sf)  }
0x8d: {  	[tilespmem:s26], [sflag:$0x1] =	stream.linear.gather [hbm4b:s10+s3], $0x80, $0x38;
	[tilespmem:$0x1A000] =	vst v63  }
0x8e: {  	s15 =	sadd.s32 s4, s11;
	s18 =	sand.u32 $0x1FFFFFF0, s13;
	s19 =	spop (v2sf)  }
0x8f: {  	[tilespmem:s25], [sflag:$0x1] =	stream.linear.gather [hbm4b:s15+s3], $0x80, $0x38;
	[tilespmem:$0x1A000] =	vst v63  }
0x90: {  	s20 =	sadd.s32 s4, s18;
	s22 =	sand.u32 $0x1FFFFFF0, s19;
	s23 =	spop (v2sf)  }
0x91: {  	[tilespmem:s24], [sflag:$0x1] =	stream.linear.gather [hbm4b:s20+s3], $0x80, $0x38;
	[tilespmem:$0x1A000] =	vst v63  }
0x92: {  	s25 =	sadd.s32 $0x1900, s21;
	s1 =	sadd.s32 s4, s22;
	s6 =	sand.u32 $0x1FFFFFF0, s23  }
0x93: {  	[tilespmem:s25], [sflag:$0x1] =	stream.linear.gather [hbm4b:s1+s3], $0x80, $0x38;
	[tilespmem:$0x1A000] =	vst v63  }
0x94: {  	s26 =	sadd.s32 $0x1980, s21;
	s31 =	sadd.s32 s4, s6  }
0x95: {  	[tilespmem:s26], [sflag:$0x1] =	stream.linear.gather [hbm4b:s31+s3], $0x80, $0x38;
	[tilespmem:$0x1A000] =	vst v63  }
0x96: {  	s2 =	simm.s32 $0x800;
	s21 =	simm.s32 $0x0;
	s1 =	rddreg [dreg:$0x4]  }
0x97: {  	[tilespmem:s2], [sflag:$0x5] =	stream.linear.gather [hbm4b:s1+s21], $0x800, $0x38;
	[tilespmem:$0x1A000] =	vst v63  }
0x98: {  	_ =	swait.ge [sflag:s12], $0x800  }
0x99: {  	[sflag:s12] =	ssyncset.done $0x0  }
0x9a: {  	s6 =	simm.s32 $0x804;
	[sflag:s12] =	ssyncadd.s32 $0xFFFFF800  }
0x9b: {  	v0 =	vld [tilespmem:s6+$0xFFFFFFFC];
	_ =	sdelay $0x4  }
0x9c: {  	v1 =	vshll.u32 v0, $0x4  }
0x9d: {  	(v2sf) =	vpush v1, $0x2  }
0x9e: {  	(v2sf) =	vpush v1, $0x0  }
0x9f: {  	(v2sf) =	vpush v1, $0x1;
	_ =	sdelay $0x2  }
0xa0: {  	(v2sf) =	vpush v1, $0x3;
	_ =	sdelay $0x1  }
0xa1: {  	(v2sf) =	vpush v1, $0x4  }
0xa2: {  	(v2sf) =	vpush v1, $0x5;
	_ =	sdelay $0x1  }
0xa3: {  	(v2sf) =	vpush v1, $0x6;
	_ =	sdelay $0x4  }
0xa4: {  	s20 =	spop (v2sf)  }
0xa5: {  	s7 =	simm.s32 $0xB100;
	s28 =	spop (v2sf)  }
0xa6: {  	s29 =	simm.s32 $0xB400;
	(v2sf) =	vpush v1, $0x7;
	s28 =	sand.u32 $0x1FFFFFF0, s28;
	s30 =	spop (v2sf)  }
0xa7: {  	s10 =	simm.s32 $0xB000;
	(v2sf) =	vpush v1, $0x8;
	s31 =	sadd.s32 s4, s28;
	s30 =	sand.u32 $0x1FFFFFF0, s30  }
0xa8: {  	v0 =	vld [tilespmem:s6+$0x0];
	[tilespmem:s10], [sflag:$0x2] =	stream.linear.gather [hbm4b:s31+s21], $0x80, $0x38  }
0xa9: {  	s18 =	simm.s32 $0xB080;
	(v2sf) =	vpush v1, $0x9;
	s2 =	spop (v2sf);
	s10 =	sadd.s32 s4, s30  }
0xaa: {  	[tilespmem:s18], [sflag:$0x2] =	stream.linear.gather [hbm4b:s10+s21], $0x80, $0x38;
	[tilespmem:$0x1A000] =	vst v63  }
0xab: {  	s8 =	simm.s32 $0xB380;
	s0 =	sand.u32 $0x1FFFFFF0, s20;
	s18 =	spop (v2sf)  }
0xac: {  	s11 =	simm.s32 $0xB300;
	s0 =	sadd.s32 s4, s0;
	s31 =	spop (v2sf)  }
0xad: {  	(v2sf) =	vpush v1, $0xA;
	[tilespmem:s7], [sflag:$0x2] =	stream.linear.gather [hbm4b:s0+s21], $0x80, $0x38;
	[tilespmem:$0x1A000] =	vst v63  }
0xae: {  	s13 =	simm.s32 $0xB280;
	s15 =	simm.s32 $0xB200;
	s7 =	spop (v2sf);
	(v2sf) =	vpush v1, $0xB  }
0xaf: {  	s19 =	simm.s32 $0xB180;
	s23 =	simm.s32 $0x2800;
	s22 =	simm.s32 $0x0  }
0xb0: {  	s24 =	simm.s32 $0x884;
	s25 =	simm.s32 $0xB880;
	s1 =	sand.u32 $0x1FFFFFF0, s2  }
0xb1: {  	s26 =	simm.s32 $0xB800;
	s1 =	sadd.s32 s4, s1;
	s20 =	sand.u32 $0x1FFFFFF0, s18  }
0xb2: {  	(v2sf) =	vpush v1, $0xC;
	[tilespmem:s19], [sflag:$0x2] =	stream.linear.gather [hbm4b:s1+s21], $0x80, $0x38;
	[tilespmem:$0x1A000] =	vst v63  }
0xb3: {  	s28 =	simm.s32 $0xB780;
	s30 =	simm.s32 $0xB700;
	s0 =	sadd.s32 s4, s20  }
0xb4: {  	(v2sf) =	vpush v1, $0xD;
	[tilespmem:s15], [sflag:$0x2] =	stream.linear.gather [hbm4b:s0+s21], $0x80, $0x38;
	[tilespmem:$0x1A000] =	vst v63  }
0xb5: {  	s2 =	sand.u32 $0x1FFFFFF0, s31;
	s10 =	sand.u32 $0x1FFFFFF0, s7;
	s15 =	spop (v2sf)  }
0xb6: {  	s1 =	sadd.s32 s4, s2;
	(v2sf) =	vpush v1, $0xE;
	s0 =	sadd.s32 s4, s10;
	s19 =	spop (v2sf)  }
0xb7: {  	[tilespmem:s13], [sflag:$0x2] =	stream.linear.gather [hbm4b:s1+s21], $0x80, $0x38;
	[tilespmem:$0x1A000] =	vst v63  }
0xb8: {  	(v2sf) =	vpush v1, $0xF;
	s18 =	sand.u32 $0x1FFFFFF0, s15;
	s20 =	sand.u32 $0x1FFFFFF0, s19;
	s31 =	spop (v2sf)  }
0xb9: {  	v0 =	vshll.u32 v0, $0x4;
	[tilespmem:s11], [sflag:$0x2] =	stream.linear.gather [hbm4b:s0+s21], $0x80, $0x38;
	[tilespmem:$0x1A000] =	vst v63  }
0xba: {  	(v2sf) =	vpush v0, $0xC;
	s1 =	sadd.s32 s4, s18;
	s7 =	sadd.s32 s4, s20;
	s6 =	sand.u32 $0x1FFFFFF0, s31  }
0xbb: {  	[tilespmem:s8], [sflag:$0x2] =	stream.linear.gather [hbm4b:s1+s21], $0x80, $0x38;
	[tilespmem:$0x1A000] =	vst v63  }
0xbc: {  	(v2sf) =	vpush v0, $0xD;
	s0 =	simm.s32 $0xB680;
	s1 =	simm.s32 $0xB600;
	s11 =	spop (v2sf)  }
.LBB2_4:
0xbd: {  	s8 =	sadd.s32 $0xB480, s22;
	s13 =	sadd.s32 $0xB580, s22;
	s15 =	spop (v2sf)  }
0xbe: {  	[tilespmem:s29], [sflag:$0x2] =	stream.linear.gather [hbm4b:s7+s21], $0x80, $0x38;
	(v2sf) =	vpush v0, $0xE;
	[tilespmem:$0x1A000] =	vst v63  }
0xbf: {  	s6 =	sadd.s32 s4, s6;
	s7 =	sand.u32 $0x1FFFFFF0, s11;
	s11 =	sand.u32 $0x1FFFFFF0, s15  }
0xc0: {  	[tilespmem:s8], [sflag:$0x2] =	stream.linear.gather [hbm4b:s6+s21], $0x80, $0x38;
	(v2sf) =	vpush v0, $0xF;
	[tilespmem:$0x1A000] =	vst v63  }
0xc1: {  	s7 =	sadd.s32 s4, s7;
	s6 =	sadd.s32 $0xB500, s22;
	s8 =	spop (v2sf)  }
0xc2: {  	[tilespmem:s6], [sflag:$0x2] =	stream.linear.gather [hbm4b:s7+s21], $0x80, $0x38;
	[tilespmem:$0x1A000] =	vst v63  }
0xc3: {  	s6 =	sadd.s32 s4, s11;
	s7 =	sand.u32 $0x1FFFFFF0, s8;
	s8 =	spop (v2sf)  }
0xc4: {  	[tilespmem:s13], [sflag:$0x2] =	stream.linear.gather [hbm4b:s6+s21], $0x80, $0x38;
	[tilespmem:$0x1A000] =	vst v63  }
0xc5: {  	s6 =	sadd.s32 s4, s7;
	s7 =	sand.u32 $0x1FFFFFF0, s8;
	s8 =	spop (v2sf)  }
0xc6: {  	[tilespmem:s1], [sflag:$0x2] =	stream.linear.gather [hbm4b:s6+s21], $0x80, $0x38;
	[tilespmem:$0x1A000] =	vst v63  }
0xc7: {  	s1 =	sadd.s32 s4, s7;
	s6 =	sand.u32 $0x1FFFFFF0, s8;
	s7 =	spop (v2sf)  }
0xc8: {  	[tilespmem:s0], [sflag:$0x2] =	stream.linear.gather [hbm4b:s1+s21], $0x80, $0x38;
	[tilespmem:$0x1A000] =	vst v63  }
0xc9: {  	s0 =	sadd.s32 s4, s6;
	s1 =	sand.u32 $0x1FFFFFF0, s7;
	s6 =	spop (v2sf)  }
0xca: {  	[tilespmem:s30], [sflag:$0x2] =	stream.linear.gather [hbm4b:s0+s21], $0x80, $0x38;
	[tilespmem:$0x1A000] =	vst v63  }
0xcb: {  	s0 =	sadd.s32 s4, s1;
	s1 =	sand.u32 $0x1FFFFFF0, s6;
	s6 =	spop (v2sf)  }
0xcc: {  	[tilespmem:s28], [sflag:$0x2] =	stream.linear.gather [hbm4b:s0+s21], $0x80, $0x38;
	[tilespmem:$0x1A000] =	vst v63  }
0xcd: {  	s0 =	sadd.s32 s4, s1;
	s1 =	sand.u32 $0x1FFFFFF0, s6;
	s6 =	spop (v2sf)  }
0xce: {  	[tilespmem:s26], [sflag:$0x2] =	stream.linear.gather [hbm4b:s0+s21], $0x80, $0x38;
	[tilespmem:$0x1A000] =	vst v63  }
0xcf: {  	s0 =	sadd.s32 s4, s1;
	s1 =	sand.u32 $0x1FFFFFF0, s6;
	s6 =	spop (v2sf)  }
0xd0: {  	[tilespmem:s25], [sflag:$0x2] =	stream.linear.gather [hbm4b:s0+s21], $0x80, $0x38;
	[tilespmem:$0x1A000] =	vst v63  }
0xd1: {  	s1 =	sadd.s32 s4, s1;
	s0 =	sadd.s32 $0xB900, s22;
	s6 =	sand.u32 $0x1FFFFFF0, s6  }
0xd2: {  	[tilespmem:s0], [sflag:$0x2] =	stream.linear.gather [hbm4b:s1+s21], $0x80, $0x38;
	[tilespmem:$0x1A000] =	vst v63  }
0xd3: {  	p0 =	sne.s32 s23, $0x25800;
	s0 =	sadd.s32 $0xB980, s22;
	s1 =	sadd.s32 s4, s6  }
0xd4: {  	[tilespmem:s0], [sflag:$0x2] =	stream.linear.gather [hbm4b:s1+s21], $0x80, $0x38;
	[tilespmem:$0x1A000] =	vst v63  }
0xd5: {  	s0 =	smov.u32 s23;
	s23 =	sadd.s32 $0x2800, s23;
	v0 =	vld [tilespmem:s24+$0xFFFFFFFC]  }
0xd6: {  	s22 =	sshra.s32 s0, $0x2  }
0xd7: {  	v1 =	vld [tilespmem:s24+$0x0]  }
0xd8: {  	s8 =	sadd.s32 $0xB000, s22;
	s19 =	sadd.s32 $0xB080, s22;
	_ =	sdelay $0x1  }
0xd9: {  	s7 =	sadd.s32 $0xB100, s22;
	v2 =	vshll.u32 v0, $0x4  }
0xda: {  	s1 =	sadd.s32 $0xB380, s22;
	(v2sf) =	vpush v2, $0x2  }
0xdb: {  	v0 =	vshll.u32 v1, $0x4;
	(v2sf) =	vpush v2, $0x0  }
0xdc: {  	s0 =	sadd.s32 $0xB300, s22;
	(v2sf) =	vpush v2, $0x1  }
0xdd: {  	s6 =	sadd.s32 $0xB280, s22;
	s29 =	sadd.s32 $0xB400, s22;
	(v2sf) =	vpush v2, $0x3  }
0xde: {  	s11 =	sadd.s32 $0xB200, s22  }
0xdf: {  	s13 =	sadd.s32 $0xB180, s22;
	(v2sf) =	vpush v2, $0x4;
	_ =	sdelay $0x1  }
0xe0: {  	(v2sf) =	vpush v2, $0x5;
	_ =	sdelay $0x1  }
0xe1: {  	(v2sf) =	vpush v2, $0x6;
	_ =	sdelay $0x1  }
0xe2: {  	(v2sf) =	vpush v2, $0x7;
	_ =	sdelay $0x1  }
0xe3: {  	(v2sf) =	vpush v2, $0x8  }
0xe4: {  	s24 =	sadd.s32 $0x80, s24  }
0xe5: {  	s26 =	sadd.s32 $0xB800, s22;
	s25 =	sadd.s32 $0xB880, s22;
	s15 =	spop (v2sf);
	(v2sf) =	vpush v2, $0x9  }
0xe6: {  	s28 =	sadd.s32 $0xB780, s22;
	s15 =	sand.u32 $0x1FFFFFF0, s15;
	s20 =	spop (v2sf)  }
0xe7: {  	s30 =	sadd.s32 $0xB700, s22;
	s20 =	sand.u32 $0x1FFFFFF0, s20;
	s31 =	spop (v2sf)  }
0xe8: {  	s20 =	sadd.s32 s4, s20;
	s31 =	sand.u32 $0x1FFFFFF0, s31;
	s18 =	spop (v2sf)  }
0xe9: {  	[tilespmem:s8], [sflag:$0x2] =	stream.linear.gather [hbm4b:s20+s21], $0x80, $0x38;
	(v2sf) =	vpush v2, $0xA;
	[tilespmem:$0x1A000] =	vst v63  }
0xea: {  	s8 =	sadd.s32 s4, s31;
	s18 =	sand.u32 $0x1FFFFFF0, s18;
	s20 =	spop (v2sf);
	(v2sf) =	vpush v2, $0xB  }
0xeb: {  	[tilespmem:s19], [sflag:$0x2] =	stream.linear.gather [hbm4b:s8+s21], $0x80, $0x38;
	[tilespmem:$0x1A000] =	vst v63  }
0xec: {  	s8 =	sadd.s32 s4, s15;
	s15 =	sand.u32 $0x1FFFFFF0, s20;
	s19 =	spop (v2sf)  }
0xed: {  	[tilespmem:s7], [sflag:$0x2] =	stream.linear.gather [hbm4b:s8+s21], $0x80, $0x38;
	[tilespmem:$0x1A000] =	vst v63  }
0xee: {  	s7 =	sadd.s32 s4, s18;
	s8 =	sand.u32 $0x1FFFFFF0, s19;
	s18 =	spop (v2sf);
	(v2sf) =	vpush v2, $0xC  }
0xef: {  	[tilespmem:s13], [sflag:$0x2] =	stream.linear.gather [hbm4b:s7+s21], $0x80, $0x38;
	[tilespmem:$0x1A000] =	vst v63  }
0xf0: {  	s7 =	sadd.s32 s4, s15;
	s13 =	sand.u32 $0x1FFFFFF0, s18;
	s15 =	spop (v2sf);
	(v2sf) =	vpush v2, $0xD  }
0xf1: {  	[tilespmem:s11], [sflag:$0x2] =	stream.linear.gather [hbm4b:s7+s21], $0x80, $0x38;
	[tilespmem:$0x1A000] =	vst v63  }
0xf2: {  	s7 =	sadd.s32 s4, s8;
	s8 =	sand.u32 $0x1FFFFFF0, s15;
	s11 =	spop (v2sf);
	(v2sf) =	vpush v2, $0xE  }
0xf3: {  	[tilespmem:s6], [sflag:$0x2] =	stream.linear.gather [hbm4b:s7+s21], $0x80, $0x38;
	[tilespmem:$0x1A000] =	vst v63  }
0xf4: {  	s6 =	sadd.s32 s4, s13  }
.Ltmp3:
0xf5: {  	s7 =	sand.u32 $0x1FFFFFF0, s11;
	s11 =	spop (v2sf);
	(v2sf) =	vpush v2, $0xF;
	(pc) =	sbr.rel @p0 .LBB2_4-.Ltmp3, $4  }
0xf6: {  	[tilespmem:s0], [sflag:$0x2] =	stream.linear.gather [hbm4b:s6+s21], $0x80, $0x38;
	[tilespmem:$0x1A000] =	vst v63  }
0xf7: {  	s7 =	sadd.s32 s4, s7;
	s0 =	sadd.s32 s4, s8;
	s6 =	sand.u32 $0x1FFFFFF0, s11;
	(v2sf) =	vpush v0, $0xC  }
0xf8: {  	[tilespmem:s1], [sflag:$0x2] =	stream.linear.gather [hbm4b:s0+s21], $0x80, $0x38;
	[tilespmem:$0x1A000] =	vst v63  }
0xf9: {  	s1 =	sadd.s32 $0xB600, s22;
	s0 =	sadd.s32 $0xB680, s22;
	s11 =	spop (v2sf);
	(v2sf) =	vpush v0, $0xD  }
0xfa: {  	s8 =	sadd.s32 $0xB480, s22;
	s13 =	sadd.s32 $0xB580, s22;
	s15 =	spop (v2sf)  }
0xfb: {  	[tilespmem:s29], [sflag:$0x2] =	stream.linear.gather [hbm4b:s7+s21], $0x80, $0x38;
	(v2sf) =	vpush v0, $0xE;
	[tilespmem:$0x1A000] =	vst v63  }
0xfc: {  	s6 =	sadd.s32 s4, s6;
	s31 =	sand.u32 $0x1FFFFFF0, s11;
	s2 =	sand.u32 $0x1FFFFFF0, s15  }
0xfd: {  	(v2sf) =	vpush v0, $0xF;
	[tilespmem:s8], [sflag:$0x2] =	stream.linear.gather [hbm4b:s6+s21], $0x80, $0x38;
	[tilespmem:$0x1A000] =	vst v63  }
0xfe: {  	s7 =	sadd.s32 s4, s31;
	s8 =	sadd.s32 $0xB500, s22;
	s10 =	spop (v2sf)  }
0xff: {  	[tilespmem:s8], [sflag:$0x2] =	stream.linear.gather [hbm4b:s7+s21], $0x80, $0x38;
	[tilespmem:$0x1A000] =	vst v63  }
0x100: {  	s15 =	sadd.s32 s4, s2;
	s18 =	sand.u32 $0x1FFFFFF0, s10;
	s19 =	spop (v2sf)  }
0x101: {  	[tilespmem:s13], [sflag:$0x2] =	stream.linear.gather [hbm4b:s15+s21], $0x80, $0x38;
	[tilespmem:$0x1A000] =	vst v63  }
0x102: {  	s20 =	sadd.s32 s4, s18;
	s23 =	sand.u32 $0x1FFFFFF0, s19;
	s24 =	spop (v2sf)  }
0x103: {  	[tilespmem:s1], [sflag:$0x2] =	stream.linear.gather [hbm4b:s20+s21], $0x80, $0x38;
	[tilespmem:$0x1A000] =	vst v63  }
0x104: {  	s29 =	sadd.s32 s4, s23;
	s31 =	sand.u32 $0x1FFFFFF0, s24;
	s2 =	spop (v2sf)  }
0x105: {  	[tilespmem:s0], [sflag:$0x2] =	stream.linear.gather [hbm4b:s29+s21], $0x80, $0x38;
	[tilespmem:$0x1A000] =	vst v63  }
0x106: {  	s6 =	sadd.s32 s4, s31;
	s8 =	sand.u32 $0x1FFFFFF0, s2;
	s10 =	spop (v2sf)  }
0x107: {  	[tilespmem:s30], [sflag:$0x2] =	stream.linear.gather [hbm4b:s6+s21], $0x80, $0x38;
	[tilespmem:$0x1A000] =	vst v63  }
0x108: {  	s11 =	sadd.s32 s4, s8;
	s13 =	sand.u32 $0x1FFFFFF0, s10;
	s15 =	spop (v2sf)  }
0x109: {  	[tilespmem:s28], [sflag:$0x2] =	stream.linear.gather [hbm4b:s11+s21], $0x80, $0x38;
	[tilespmem:$0x1A000] =	vst v63  }
0x10a: {  	s18 =	sadd.s32 s4, s13;
	s19 =	sand.u32 $0x1FFFFFF0, s15;
	s20 =	spop (v2sf)  }
0x10b: {  	[tilespmem:s26], [sflag:$0x2] =	stream.linear.gather [hbm4b:s18+s21], $0x80, $0x38;
	[tilespmem:$0x1A000] =	vst v63  }
0x10c: {  	s23 =	sadd.s32 s4, s19;
	s24 =	sand.u32 $0x1FFFFFF0, s20;
	s26 =	spop (v2sf)  }
0x10d: {  	[tilespmem:s25], [sflag:$0x2] =	stream.linear.gather [hbm4b:s23+s21], $0x80, $0x38;
	[tilespmem:$0x1A000] =	vst v63  }
0x10e: {  	s28 =	sadd.s32 $0xB900, s22;
	s1 =	sadd.s32 s4, s24;
	s6 =	sand.u32 $0x1FFFFFF0, s26  }
0x10f: {  	[tilespmem:s28], [sflag:$0x2] =	stream.linear.gather [hbm4b:s1+s21], $0x80, $0x38;
	[tilespmem:$0x1A000] =	vst v63  }
0x110: {  	s29 =	sadd.s32 $0xB980, s22;
	s30 =	rddreg [dreg:$0x1];
	s31 =	sadd.s32 s4, s6  }
0x111: {  	[tilespmem:s29], [sflag:$0x2] =	stream.linear.gather [hbm4b:s31+s21], $0x80, $0x38;
	[tilespmem:$0x1A000] =	vst v63  }
.LBB2_6:
0x112: {  	_ =	swait.ge [sflag:s14], $0xA000  }
0x113: {  	p0 =	seq.s32 s21, $0x0;
	[sflag:s14] =	ssyncset.done $0x0  }
0x114: {  	s0 =	simm.s32 @!p0 $0x3;
	[sflag:s14] =	ssyncadd.s32 $0xFFFF6000  }
0x115: {  	_ =	swait.ge @!p0 [sflag:s0], $0x2800  }
0x116: {  	[sflag:s0] =	ssyncset.done @!p0 $0x0  }
0x117: {  	s1 =	simm.s32 $0x0;
	[sflag:s0] =	ssyncadd.s32 @!p0 $0xFFFFD800  }
0x118: {  	v0 =	vld [tilespmem:s1+$0x1000]  }
0x119: {  	v1 =	vld [tilespmem:s1+$0x1010];
	_ =	sdelay $0x2  }
0x11a: {  	s0 =	simm.s32 $0x15040  }
0x11b: {  	[tilespmem:s0+$0xFFFFFFC0] =	vst v0  }
0x11c: {  	[tilespmem:s0+$0xFFFFFFD0] =	vst v1  }
0x11d: {  	v0 =	vld [tilespmem:s1+$0x1080]  }
0x11e: {  	v1 =	vld [tilespmem:s1+$0x1090];
	_ =	sdelay $0x3  }
0x11f: {  	[tilespmem:s0+$0xFFFFFFE0] =	vst v0  }
0x120: {  	[tilespmem:s0+$0xFFFFFFF0] =	vst v1  }
0x121: {  	v0 =	vld [tilespmem:s1+$0x1100]  }
0x122: {  	v1 =	vld [tilespmem:s1+$0x1110];
	_ =	sdelay $0x3  }
0x123: {  	[tilespmem:s0+$0x0] =	vst v0  }
0x124: {  	[tilespmem:s0+$0x10] =	vst v1  }
0x125: {  	v0 =	vld [tilespmem:s1+$0x1180]  }
0x126: {  	s22 =	sshll.u32 s21, $0x9;
	s6 =	simm.s32 $0x800;
	v1 =	vld [tilespmem:s1+$0x1190];
	s1 =	simm.s32 $0x15040  }
.LBB2_7:
0x127: {  	p1 =	sne.s32 s6, $0x27800  }
0x128: {  	s0 =	sadd.s32 $0x80, s0;
	s7 =	smov.u32 s6;
	s6 =	sadd.s32 $0x800, s6  }
0x129: {  	_ =	sdelay $0x1  }
0x12a: {  	[tilespmem:s1+$0x20] =	vst v0  }
0x12b: {  	s7 =	sshra.s32 s7, $0x2;
	[tilespmem:s1+$0x30] =	vst v1;
	s1 =	smov.u32 s0  }
0x12c: {  	v0 =	vld [tilespmem:s7+$0x1000]  }
0x12d: {  	v1 =	vld [tilespmem:s7+$0x1010];
	_ =	sdelay $0x3  }
0x12e: {  	[tilespmem:s0+$0xFFFFFFC0] =	vst v0  }
0x12f: {  	[tilespmem:s0+$0xFFFFFFD0] =	vst v1  }
0x130: {  	v0 =	vld [tilespmem:s7+$0x1080]  }
0x131: {  	v1 =	vld [tilespmem:s7+$0x1090];
	_ =	sdelay $0x3  }
0x132: {  	[tilespmem:s0+$0xFFFFFFE0] =	vst v0  }
0x133: {  	[tilespmem:s0+$0xFFFFFFF0] =	vst v1  }
0x134: {  	v0 =	vld [tilespmem:s7+$0x1100]  }
0x135: {  	v1 =	vld [tilespmem:s7+$0x1110];
	_ =	sdelay $0x2  }
.Ltmp4:
0x136: {  	(pc) =	sbr.rel @p1 .LBB2_7-.Ltmp4, $4  }
0x137: {  	[tilespmem:s0+$0x0] =	vst v0  }
0x138: {  	[tilespmem:s0+$0x10] =	vst v1  }
0x139: {  	v0 =	vld [tilespmem:s7+$0x1180]  }
0x13a: {  	v1 =	vld [tilespmem:s7+$0x1190]  }
0x13b: {  	s23 =	smul.u32 $0xA0, s21;
	p1 =	sne.s32 s21, $0xF  }
.Ltmp5:
0x13c: {  	_ = 	snop;
	(pc) =	sbr.rel @p1 .LBB2_10-.Ltmp5, $4  }
0x13d: {  	s0 =	sadd.s32 s5, s23  }
0x13e: {  	[tilespmem:s1+$0x20] =	vst v0;
	s0 =	sshll.u32 s0, $0x4  }
0x13f: {  	s31 =	simm.s32 $0x15000;
	[tilespmem:s1+$0x30] =	vst v1;
	s0 =	sadd.s32 s30, s0  }
0x140: {  	[hbm4b:s0+s3] =	stream.linear.scatter [tilespmem:s31], [sflag:$0x3], $0x2800, $0x38;
	[tilespmem:$0x1A000] =	vst v63  }
.Ltmp6:
0x141: {  	(pc) =	sbr.rel .LBB2_13-.Ltmp6, $4  }
0x142: {  	_ = 	snop  }
0x143: {  	_ =	swait.ge [sflag:s16], $0xA000  }
0x144: {  	[sflag:s16] =	ssyncset.done $0x0  }
0x145: {  	[sflag:s16] =	ssyncadd.s32 $0xFFFF6000  }
.LBB2_10:
0x146: {  	s0 =	rddreg [dreg:$0x5]  }
0x147: {  	s1 =	simm.s32 $0x0;
	s0 =	sadd.s32 s22, s0  }
0x148: {  	[tilespmem:s1], [sflag:$0x5] =	stream.linear.gather [hbm4b:s0+s1], $0x800, $0x38;
	[tilespmem:$0x1A000] =	vst v63  }
0x149: {  	_ =	swait.ge [sflag:s12], $0x800  }
0x14a: {  	[sflag:s12] =	ssyncset.done $0x0  }
0x14b: {  	s2 =	simm.s32 $0x4;
	[sflag:s12] =	ssyncadd.s32 $0xFFFFF800  }
0x14c: {  	v0 =	vld [tilespmem:s2+$0xFFFFFFFC];
	_ =	sdelay $0x4  }
0x14d: {  	v1 =	vshll.u32 v0, $0x4  }
0x14e: {  	(v2sf) =	vpush v1, $0x2  }
0x14f: {  	(v2sf) =	vpush v1, $0x0;
	_ =	sdelay $0x1  }
0x150: {  	(v2sf) =	vpush v1, $0x1;
	_ =	sdelay $0x1  }
0x151: {  	(v2sf) =	vpush v1, $0x3  }
0x152: {  	(v2sf) =	vpush v1, $0x4  }
0x153: {  	(v2sf) =	vpush v1, $0x5  }
0x154: {  	(v2sf) =	vpush v1, $0x6;
	_ =	sdelay $0x3  }
0x155: {  	(v2sf) =	vpush v1, $0x7;
	_ =	sdelay $0x1  }
0x156: {  	s25 =	simm.s32 $0x2800;
	s24 =	simm.s32 $0x0;
	s10 =	simm.s32 $0x1000;
	(v2sf) =	vpush v1, $0x8  }
0x157: {  	s6 =	simm.s32 $0x1080;
	s7 =	simm.s32 $0x1100;
	s19 =	spop (v2sf)  }
0x158: {  	s8 =	simm.s32 $0x1380;
	s11 =	simm.s32 $0x1300;
	s20 =	spop (v2sf)  }
0x159: {  	s13 =	simm.s32 $0x1280;
	s31 =	simm.s32 $0x1400;
	s20 =	sand.u32 $0x1FFFFFF0, s20  }
0x15a: {  	s15 =	simm.s32 $0x1200;
	(v2sf) =	vpush v1, $0x9;
	s30 =	spop (v2sf);
	s20 =	sadd.s32 s4, s20  }
0x15b: {  	v0 =	vld [tilespmem:s2+$0x0];
	[tilespmem:s10], [sflag:$0x1] =	stream.linear.gather [hbm4b:s20+s3], $0x80, $0x38  }
0x15c: {  	s18 =	simm.s32 $0x1180;
	s2 =	sand.u32 $0x1FFFFFF0, s30;
	s10 =	spop (v2sf)  }
0x15d: {  	s26 =	simm.s32 $0x84;
	s20 =	sadd.s32 s4, s2;
	s2 =	spop (v2sf)  }
0x15e: {  	s29 =	simm.s32 $0x1800;
	(v2sf) =	vpush v1, $0xA;
	s0 =	sand.u32 $0x1FFFFFF0, s19;
	s19 =	spop (v2sf)  }
0x15f: {  	s1 =	sand.u32 $0x1FFFFFF0, s10;
	s10 =	sand.u32 $0x1FFFFFF0, s2;
	s2 =	spop (v2sf);
	(v2sf) =	vpush v1, $0xB  }
0x160: {  	[tilespmem:s6], [sflag:$0x1] =	stream.linear.gather [hbm4b:s20+s3], $0x80, $0x38;
	[tilespmem:$0x1A000] =	vst v63  }
0x161: {  	s28 =	simm.s32 $0x1880;
	s0 =	sadd.s32 s4, s0;
	s30 =	simm.s32 $0x1780  }
0x162: {  	[tilespmem:s7], [sflag:$0x1] =	stream.linear.gather [hbm4b:s0+s3], $0x80, $0x38;
	[tilespmem:$0x1A000] =	vst v63  }
0x163: {  	s1 =	sadd.s32 s4, s1;
	s0 =	sadd.s32 s4, s10;
	s10 =	spop (v2sf);
	(v2sf) =	vpush v1, $0xC  }
0x164: {  	[tilespmem:s18], [sflag:$0x1] =	stream.linear.gather [hbm4b:s1+s3], $0x80, $0x38;
	[tilespmem:$0x1A000] =	vst v63  }
0x165: {  	s6 =	simm.s32 $0x1600;
	s20 =	sand.u32 $0x1FFFFFF0, s19;
	(v2sf) =	vpush v1, $0xD;
	s18 =	spop (v2sf)  }
0x166: {  	[tilespmem:s15], [sflag:$0x1] =	stream.linear.gather [hbm4b:s0+s3], $0x80, $0x38;
	[tilespmem:$0x1A000] =	vst v63  }
0x167: {  	s7 =	sand.u32 $0x1FFFFFF0, s2;
	s1 =	sadd.s32 s4, s20;
	(v2sf) =	vpush v1, $0xE;
	s19 =	sand.u32 $0x1FFFFFF0, s18  }
0x168: {  	[tilespmem:s13], [sflag:$0x1] =	stream.linear.gather [hbm4b:s1+s3], $0x80, $0x38;
	[tilespmem:$0x1A000] =	vst v63  }
0x169: {  	s20 =	spop (v2sf);
	(v2sf) =	vpush v1, $0xF;
	s15 =	sand.u32 $0x1FFFFFF0, s10;
	s0 =	sadd.s32 s4, s7  }
0x16a: {  	v0 =	vshll.u32 v0, $0x4;
	[tilespmem:s11], [sflag:$0x1] =	stream.linear.gather [hbm4b:s0+s3], $0x80, $0x38;
	[tilespmem:$0x1A000] =	vst v63  }
0x16b: {  	s7 =	sand.u32 $0x1FFFFFF0, s20;
	(v2sf) =	vpush v0, $0xC;
	s1 =	sadd.s32 s4, s15;
	s11 =	sadd.s32 s4, s19  }
0x16c: {  	[tilespmem:s8], [sflag:$0x1] =	stream.linear.gather [hbm4b:s1+s3], $0x80, $0x38;
	[tilespmem:$0x1A000] =	vst v63  }
0x16d: {  	(v2sf) =	vpush v0, $0xD;
	s0 =	simm.s32 $0x1680;
	s19 =	spop (v2sf);
	s1 =	simm.s32 $0x1700  }
.LBB2_11:
0x16e: {  	s8 =	sadd.s32 $0x1480, s24;
	s13 =	sadd.s32 $0x1580, s24;
	s15 =	spop (v2sf)  }
0x16f: {  	[tilespmem:s31], [sflag:$0x1] =	stream.linear.gather [hbm4b:s11+s3], $0x80, $0x38;
	(v2sf) =	vpush v0, $0xE;
	[tilespmem:$0x1A000] =	vst v63  }
0x170: {  	s7 =	sadd.s32 s4, s7;
	s11 =	sand.u32 $0x1FFFFFF0, s19;
	s15 =	sand.u32 $0x1FFFFFF0, s15  }
0x171: {  	[tilespmem:s8], [sflag:$0x1] =	stream.linear.gather [hbm4b:s7+s3], $0x80, $0x38;
	(v2sf) =	vpush v0, $0xF;
	[tilespmem:$0x1A000] =	vst v63  }
0x172: {  	s7 =	sadd.s32 $0x1500, s24;
	s8 =	sadd.s32 s4, s11;
	s11 =	spop (v2sf)  }
0x173: {  	[tilespmem:s7], [sflag:$0x1] =	stream.linear.gather [hbm4b:s8+s3], $0x80, $0x38;
	[tilespmem:$0x1A000] =	vst v63  }
0x174: {  	s7 =	sadd.s32 s4, s15;
	s8 =	sand.u32 $0x1FFFFFF0, s11;
	s11 =	spop (v2sf)  }
0x175: {  	[tilespmem:s13], [sflag:$0x1] =	stream.linear.gather [hbm4b:s7+s3], $0x80, $0x38;
	[tilespmem:$0x1A000] =	vst v63  }
0x176: {  	s7 =	sadd.s32 s4, s8;
	s8 =	sand.u32 $0x1FFFFFF0, s11;
	s11 =	spop (v2sf)  }
0x177: {  	[tilespmem:s6], [sflag:$0x1] =	stream.linear.gather [hbm4b:s7+s3], $0x80, $0x38;
	[tilespmem:$0x1A000] =	vst v63  }
0x178: {  	s6 =	sadd.s32 s4, s8;
	s7 =	sand.u32 $0x1FFFFFF0, s11;
	s8 =	spop (v2sf)  }
0x179: {  	[tilespmem:s0], [sflag:$0x1] =	stream.linear.gather [hbm4b:s6+s3], $0x80, $0x38;
	[tilespmem:$0x1A000] =	vst v63  }
0x17a: {  	s0 =	sadd.s32 s4, s7;
	s6 =	sand.u32 $0x1FFFFFF0, s8;
	s7 =	spop (v2sf)  }
0x17b: {  	[tilespmem:s1], [sflag:$0x1] =	stream.linear.gather [hbm4b:s0+s3], $0x80, $0x38;
	[tilespmem:$0x1A000] =	vst v63  }
0x17c: {  	s0 =	sadd.s32 s4, s6;
	s1 =	sand.u32 $0x1FFFFFF0, s7;
	s6 =	spop (v2sf)  }
0x17d: {  	[tilespmem:s30], [sflag:$0x1] =	stream.linear.gather [hbm4b:s0+s3], $0x80, $0x38;
	[tilespmem:$0x1A000] =	vst v63  }
0x17e: {  	s0 =	sadd.s32 s4, s1;
	s1 =	sand.u32 $0x1FFFFFF0, s6;
	s6 =	spop (v2sf)  }
0x17f: {  	[tilespmem:s29], [sflag:$0x1] =	stream.linear.gather [hbm4b:s0+s3], $0x80, $0x38;
	[tilespmem:$0x1A000] =	vst v63  }
0x180: {  	s0 =	sadd.s32 s4, s1;
	s1 =	sand.u32 $0x1FFFFFF0, s6;
	s6 =	spop (v2sf)  }
0x181: {  	[tilespmem:s28], [sflag:$0x1] =	stream.linear.gather [hbm4b:s0+s3], $0x80, $0x38;
	[tilespmem:$0x1A000] =	vst v63  }
0x182: {  	s1 =	sadd.s32 s4, s1;
	s0 =	sadd.s32 $0x1900, s24;
	s6 =	sand.u32 $0x1FFFFFF0, s6  }
0x183: {  	[tilespmem:s0], [sflag:$0x1] =	stream.linear.gather [hbm4b:s1+s3], $0x80, $0x38;
	[tilespmem:$0x1A000] =	vst v63  }
0x184: {  	p1 =	sne.s32 s25, $0x25800;
	s0 =	sadd.s32 $0x1980, s24;
	s1 =	sadd.s32 s4, s6  }
0x185: {  	[tilespmem:s0], [sflag:$0x1] =	stream.linear.gather [hbm4b:s1+s3], $0x80, $0x38;
	[tilespmem:$0x1A000] =	vst v63  }
0x186: {  	s0 =	smov.u32 s25;
	s25 =	sadd.s32 $0x2800, s25;
	v0 =	vld [tilespmem:s26+$0xFFFFFFFC]  }
0x187: {  	s24 =	sshra.s32 s0, $0x2  }
0x188: {  	v1 =	vld [tilespmem:s26+$0x0]  }
0x189: {  	s8 =	sadd.s32 $0x1000, s24;
	s20 =	sadd.s32 $0x1080, s24;
	_ =	sdelay $0x1  }
0x18a: {  	s11 =	sadd.s32 $0x1100, s24;
	v2 =	vshll.u32 v0, $0x4  }
0x18b: {  	s0 =	sadd.s32 $0x1380, s24;
	(v2sf) =	vpush v2, $0x2  }
0x18c: {  	v0 =	vshll.u32 v1, $0x4;
	(v2sf) =	vpush v2, $0x0  }
0x18d: {  	s6 =	sadd.s32 $0x1300, s24;
	(v2sf) =	vpush v2, $0x1  }
0x18e: {  	s7 =	sadd.s32 $0x1280, s24;
	s31 =	sadd.s32 $0x1400, s24;
	(v2sf) =	vpush v2, $0x3  }
0x18f: {  	s19 =	sadd.s32 $0x1200, s24  }
0x190: {  	s13 =	sadd.s32 $0x1180, s24;
	(v2sf) =	vpush v2, $0x4;
	_ =	sdelay $0x1  }
0x191: {  	(v2sf) =	vpush v2, $0x5;
	_ =	sdelay $0x1  }
0x192: {  	(v2sf) =	vpush v2, $0x6;
	_ =	sdelay $0x1  }
0x193: {  	(v2sf) =	vpush v2, $0x7;
	_ =	sdelay $0x1  }
0x194: {  	(v2sf) =	vpush v2, $0x8  }
0x195: {  	s26 =	sadd.s32 $0x80, s26  }
0x196: {  	s29 =	sadd.s32 $0x1800, s24;
	s28 =	sadd.s32 $0x1880, s24;
	s1 =	spop (v2sf);
	(v2sf) =	vpush v2, $0x9  }
0x197: {  	s30 =	sadd.s32 $0x1780, s24;
	s15 =	sand.u32 $0x1FFFFFF0, s1;
	s1 =	spop (v2sf)  }
0x198: {  	s18 =	sand.u32 $0x1FFFFFF0, s1;
	s1 =	sadd.s32 $0x1700, s24;
	s10 =	spop (v2sf)  }
0x199: {  	s18 =	sadd.s32 s4, s18;
	s10 =	sand.u32 $0x1FFFFFF0, s10;
	s2 =	spop (v2sf)  }
0x19a: {  	[tilespmem:s8], [sflag:$0x1] =	stream.linear.gather [hbm4b:s18+s3], $0x80, $0x38;
	(v2sf) =	vpush v2, $0xA;
	[tilespmem:$0x1A000] =	vst v63  }
0x19b: {  	s8 =	sadd.s32 s4, s10;
	s2 =	sand.u32 $0x1FFFFFF0, s2;
	s10 =	spop (v2sf);
	(v2sf) =	vpush v2, $0xB  }
0x19c: {  	[tilespmem:s20], [sflag:$0x1] =	stream.linear.gather [hbm4b:s8+s3], $0x80, $0x38;
	[tilespmem:$0x1A000] =	vst v63  }
0x19d: {  	s8 =	sadd.s32 s4, s15;
	s10 =	sand.u32 $0x1FFFFFF0, s10;
	s15 =	spop (v2sf)  }
0x19e: {  	[tilespmem:s11], [sflag:$0x1] =	stream.linear.gather [hbm4b:s8+s3], $0x80, $0x38;
	[tilespmem:$0x1A000] =	vst v63  }
0x19f: {  	s2 =	sadd.s32 s4, s2;
	s8 =	sand.u32 $0x1FFFFFF0, s15;
	s11 =	spop (v2sf);
	(v2sf) =	vpush v2, $0xC  }
0x1a0: {  	[tilespmem:s13], [sflag:$0x1] =	stream.linear.gather [hbm4b:s2+s3], $0x80, $0x38;
	[tilespmem:$0x1A000] =	vst v63  }
0x1a1: {  	s2 =	sadd.s32 s4, s10;
	s10 =	sand.u32 $0x1FFFFFF0, s11;
	s11 =	spop (v2sf);
	(v2sf) =	vpush v2, $0xD  }
0x1a2: {  	[tilespmem:s19], [sflag:$0x1] =	stream.linear.gather [hbm4b:s2+s3], $0x80, $0x38;
	[tilespmem:$0x1A000] =	vst v63  }
0x1a3: {  	s2 =	sadd.s32 s4, s8;
	s8 =	sand.u32 $0x1FFFFFF0, s11;
	s11 =	spop (v2sf);
	(v2sf) =	vpush v2, $0xE  }
0x1a4: {  	[tilespmem:s7], [sflag:$0x1] =	stream.linear.gather [hbm4b:s2+s3], $0x80, $0x38;
	[tilespmem:$0x1A000] =	vst v63  }
0x1a5: {  	s2 =	sadd.s32 s4, s10  }
.Ltmp7:
0x1a6: {  	s7 =	sand.u32 $0x1FFFFFF0, s11;
	s10 =	spop (v2sf);
	(v2sf) =	vpush v2, $0xF;
	(pc) =	sbr.rel @p1 .LBB2_11-.Ltmp7, $4  }
0x1a7: {  	[tilespmem:s6], [sflag:$0x1] =	stream.linear.gather [hbm4b:s2+s3], $0x80, $0x38;
	[tilespmem:$0x1A000] =	vst v63  }
0x1a8: {  	s11 =	sadd.s32 s4, s7;
	s2 =	sadd.s32 s4, s8;
	s7 =	sand.u32 $0x1FFFFFF0, s10;
	(v2sf) =	vpush v0, $0xC  }
0x1a9: {  	[tilespmem:s0], [sflag:$0x1] =	stream.linear.gather [hbm4b:s2+s3], $0x80, $0x38;
	[tilespmem:$0x1A000] =	vst v63  }
0x1aa: {  	s6 =	sadd.s32 $0x1600, s24;
	s0 =	sadd.s32 $0x1680, s24;
	s19 =	spop (v2sf);
	(v2sf) =	vpush v0, $0xD  }
0x1ab: {  	s2 =	sadd.s32 $0x1480, s24;
	s8 =	sadd.s32 $0x1580, s24;
	s10 =	spop (v2sf)  }
0x1ac: {  	[tilespmem:s31], [sflag:$0x1] =	stream.linear.gather [hbm4b:s11+s3], $0x80, $0x38;
	(v2sf) =	vpush v0, $0xE;
	[tilespmem:$0x1A000] =	vst v63  }
0x1ad: {  	s7 =	sadd.s32 s4, s7;
	s20 =	sand.u32 $0x1FFFFFF0, s19;
	s25 =	sadd.s32 $0x1500, s24  }
0x1ae: {  	(v2sf) =	vpush v0, $0xF;
	[tilespmem:s2], [sflag:$0x1] =	stream.linear.gather [hbm4b:s7+s3], $0x80, $0x38;
	[tilespmem:$0x1A000] =	vst v63  }
0x1af: {  	s10 =	sand.u32 $0x1FFFFFF0, s10;
	s26 =	sadd.s32 s4, s20;
	s31 =	spop (v2sf)  }
0x1b0: {  	[tilespmem:s25], [sflag:$0x1] =	stream.linear.gather [hbm4b:s26+s3], $0x80, $0x38;
	[tilespmem:$0x1A000] =	vst v63  }
0x1b1: {  	s10 =	sadd.s32 s4, s10;
	s13 =	sand.u32 $0x1FFFFFF0, s31;
	s15 =	spop (v2sf)  }
0x1b2: {  	[tilespmem:s8], [sflag:$0x1] =	stream.linear.gather [hbm4b:s10+s3], $0x80, $0x38;
	[tilespmem:$0x1A000] =	vst v63  }
0x1b3: {  	s18 =	sadd.s32 s4, s13;
	s19 =	sand.u32 $0x1FFFFFF0, s15;
	s20 =	spop (v2sf)  }
0x1b4: {  	[tilespmem:s6], [sflag:$0x1] =	stream.linear.gather [hbm4b:s18+s3], $0x80, $0x38;
	[tilespmem:$0x1A000] =	vst v63  }
0x1b5: {  	s25 =	sadd.s32 s4, s19;
	s26 =	sand.u32 $0x1FFFFFF0, s20;
	s31 =	spop (v2sf)  }
0x1b6: {  	[tilespmem:s0], [sflag:$0x1] =	stream.linear.gather [hbm4b:s25+s3], $0x80, $0x38;
	[tilespmem:$0x1A000] =	vst v63  }
0x1b7: {  	s6 =	sadd.s32 s4, s26;
	s7 =	sand.u32 $0x1FFFFFF0, s31;
	s8 =	spop (v2sf)  }
0x1b8: {  	[tilespmem:s1], [sflag:$0x1] =	stream.linear.gather [hbm4b:s6+s3], $0x80, $0x38;
	[tilespmem:$0x1A000] =	vst v63  }
0x1b9: {  	s10 =	sadd.s32 s4, s7;
	s11 =	sand.u32 $0x1FFFFFF0, s8;
	s13 =	spop (v2sf)  }
0x1ba: {  	[tilespmem:s30], [sflag:$0x1] =	stream.linear.gather [hbm4b:s10+s3], $0x80, $0x38;
	[tilespmem:$0x1A000] =	vst v63  }
0x1bb: {  	s15 =	sadd.s32 s4, s11;
	s18 =	sand.u32 $0x1FFFFFF0, s13;
	s19 =	spop (v2sf)  }
0x1bc: {  	[tilespmem:s29], [sflag:$0x1] =	stream.linear.gather [hbm4b:s15+s3], $0x80, $0x38;
	[tilespmem:$0x1A000] =	vst v63  }
0x1bd: {  	s20 =	sadd.s32 s4, s18;
	s25 =	sand.u32 $0x1FFFFFF0, s19;
	s26 =	spop (v2sf)  }
0x1be: {  	[tilespmem:s28], [sflag:$0x1] =	stream.linear.gather [hbm4b:s20+s3], $0x80, $0x38;
	[tilespmem:$0x1A000] =	vst v63  }
0x1bf: {  	s1 =	sadd.s32 s4, s25;
	s2 =	sand.u32 $0x1FFFFFF0, s26;
	s28 =	sadd.s32 $0x1900, s24  }
0x1c0: {  	[tilespmem:s28], [sflag:$0x1] =	stream.linear.gather [hbm4b:s1+s3], $0x80, $0x38;
	[tilespmem:$0x1A000] =	vst v63  }
0x1c1: {  	s29 =	sadd.s32 $0x1980, s24;
	s31 =	sadd.s32 s4, s2  }
0x1c2: {  	[tilespmem:s29], [sflag:$0x1] =	stream.linear.gather [hbm4b:s31+s3], $0x80, $0x38;
	[tilespmem:$0x1A000] =	vst v63  }
.Ltmp8:
0x1c3: {  	_ = 	snop;
	(pc) =	sbr.rel @p0 .LBB2_14-.Ltmp8, $4  }
0x1c4: {  	_ =	swait.ge [sflag:s16], $0xA000  }
0x1c5: {  	[sflag:s16] =	ssyncset.done $0x0  }
0x1c6: {  	[sflag:s16] =	ssyncadd.s32 $0xFFFF6000  }
0x1c7: {  	s30 =	rddreg [dreg:$0x1]  }
.LBB2_13:
0x1c8: {  	_ =	swait.ge [sflag:s17], $0x2800  }
0x1c9: {  	[sflag:s17] =	ssyncset.done $0x0  }
0x1ca: {  	[sflag:s17] =	ssyncadd.s32 $0xFFFFD800  }
.LBB2_14:
0x1cb: {  	s1 =	simm.s32 $0x0  }
0x1cc: {  	v0 =	vld [tilespmem:s1+$0xB000]  }
0x1cd: {  	v1 =	vld [tilespmem:s1+$0xB010];
	_ =	sdelay $0x2  }
0x1ce: {  	s0 =	simm.s32 $0x17870  }
0x1cf: {  	[tilespmem:s0+$0xFFFFFF90] =	vst v0  }
0x1d0: {  	[tilespmem:s0+$0xFFFFFFA0] =	vst v1  }
0x1d1: {  	v0 =	vld [tilespmem:s1+$0xB080]  }
0x1d2: {  	v1 =	vld [tilespmem:s1+$0xB090];
	_ =	sdelay $0x3  }
0x1d3: {  	[tilespmem:s0+$0xFFFFFFB0] =	vst v0  }
0x1d4: {  	[tilespmem:s0+$0xFFFFFFC0] =	vst v1  }
0x1d5: {  	v0 =	vld [tilespmem:s1+$0xB100]  }
0x1d6: {  	v1 =	vld [tilespmem:s1+$0xB110];
	_ =	sdelay $0x3  }
0x1d7: {  	[tilespmem:s0+$0xFFFFFFD0] =	vst v0  }
0x1d8: {  	[tilespmem:s0+$0xFFFFFFE0] =	vst v1  }
0x1d9: {  	v1 =	vld [tilespmem:s1+$0xB180]  }
0x1da: {  	s6 =	simm.s32 $0x800;
	v0 =	vld [tilespmem:s1+$0xB190];
	s1 =	simm.s32 $0x17870  }
.LBB2_15:
0x1db: {  	p0 =	sne.s32 s6, $0x27800  }
0x1dc: {  	s0 =	sadd.s32 $0x80, s0;
	s2 =	smov.u32 s6;
	s6 =	sadd.s32 $0x800, s6  }
0x1dd: {  	_ =	sdelay $0x1  }
0x1de: {  	[tilespmem:s1+$0xFFFFFFF0] =	vst v1  }
0x1df: {  	s2 =	sshra.s32 s2, $0x2;
	[tilespmem:s1+$0x0] =	vst v0;
	s1 =	smov.u32 s0  }
0x1e0: {  	v0 =	vld [tilespmem:s2+$0xB000]  }
0x1e1: {  	v1 =	vld [tilespmem:s2+$0xB010];
	_ =	sdelay $0x3  }
0x1e2: {  	[tilespmem:s0+$0xFFFFFF90] =	vst v0  }
0x1e3: {  	[tilespmem:s0+$0xFFFFFFA0] =	vst v1  }
0x1e4: {  	v0 =	vld [tilespmem:s2+$0xB080]  }
0x1e5: {  	v1 =	vld [tilespmem:s2+$0xB090];
	_ =	sdelay $0x3  }
0x1e6: {  	[tilespmem:s0+$0xFFFFFFB0] =	vst v0  }
0x1e7: {  	[tilespmem:s0+$0xFFFFFFC0] =	vst v1  }
0x1e8: {  	v0 =	vld [tilespmem:s2+$0xB100]  }
0x1e9: {  	v1 =	vld [tilespmem:s2+$0xB110];
	_ =	sdelay $0x2  }
.Ltmp9:
0x1ea: {  	(pc) =	sbr.rel @p0 .LBB2_15-.Ltmp9, $4  }
0x1eb: {  	[tilespmem:s0+$0xFFFFFFD0] =	vst v0  }
0x1ec: {  	[tilespmem:s0+$0xFFFFFFE0] =	vst v1  }
0x1ed: {  	v1 =	vld [tilespmem:s2+$0xB180]  }
0x1ee: {  	v0 =	vld [tilespmem:s2+$0xB190]  }
0x1ef: {  	p0 =	seq.s32 s21, $0xF  }
.Ltmp10:
0x1f0: {  	_ = 	snop;
	(pc) =	sbr.rel @p0 .LBB2_20-.Ltmp10, $4  }
0x1f1: {  	s0 =	sadd.s32 s23, s9  }
0x1f2: {  	s0 =	sshll.u32 s0, $0x4;
	[tilespmem:s1+$0xFFFFFFF0] =	vst v1  }
0x1f3: {  	s31 =	simm.s32 $0x17800;
	s0 =	sadd.s32 s30, s0;
	[tilespmem:s1+$0x0] =	vst v0  }
0x1f4: {  	[hbm4b:s0+s3] =	stream.linear.scatter [tilespmem:s31], [sflag:$0x4], $0x2800, $0x38;
	[tilespmem:$0x1A000] =	vst v63  }
0x1f5: {  	s0 =	rddreg [dreg:$0x6]  }
0x1f6: {  	s1 =	simm.s32 $0x0;
	s2 =	simm.s32 $0x800;
	s0 =	sadd.s32 s22, s0  }
0x1f7: {  	[tilespmem:s2], [sflag:$0x5] =	stream.linear.gather [hbm4b:s0+s1], $0x800, $0x38;
	[tilespmem:$0x1A000] =	vst v63  }
0x1f8: {  	_ =	swait.ge [sflag:s12], $0x800  }
0x1f9: {  	[sflag:s12] =	ssyncset.done $0x0  }
0x1fa: {  	s20 =	simm.s32 $0x804;
	[sflag:s12] =	ssyncadd.s32 $0xFFFFF800  }
0x1fb: {  	v0 =	vld [tilespmem:s20+$0xFFFFFFFC];
	_ =	sdelay $0x4  }
0x1fc: {  	v1 =	vshll.u32 v0, $0x4  }
0x1fd: {  	(v2sf) =	vpush v1, $0x2  }
0x1fe: {  	(v2sf) =	vpush v1, $0x0  }
0x1ff: {  	(v2sf) =	vpush v1, $0x1  }
0x200: {  	(v2sf) =	vpush v1, $0x3;
	_ =	sdelay $0x1  }
0x201: {  	(v2sf) =	vpush v1, $0x4;
	_ =	sdelay $0x1  }
0x202: {  	(v2sf) =	vpush v1, $0x5;
	_ =	sdelay $0x1  }
0x203: {  	(v2sf) =	vpush v1, $0x6;
	_ =	sdelay $0x5  }
0x204: {  	s23 =	simm.s32 $0x2800;
	s31 =	simm.s32 $0xB000;
	(v2sf) =	vpush v1, $0x7;
	s15 =	spop (v2sf)  }
0x205: {  	s6 =	simm.s32 $0xB100;
	s7 =	simm.s32 $0xB380;
	s18 =	spop (v2sf)  }
0x206: {  	s2 =	simm.s32 $0xB080;
	(v2sf) =	vpush v1, $0x8;
	s18 =	sand.u32 $0x1FFFFFF0, s18;
	s19 =	spop (v2sf)  }
0x207: {  	v0 =	vld [tilespmem:s20+$0x0];
	s18 =	sadd.s32 s4, s18;
	s19 =	sand.u32 $0x1FFFFFF0, s19;
	s20 =	spop (v2sf)  }
0x208: {  	(v2sf) =	vpush v1, $0x9;
	[tilespmem:s31], [sflag:$0x2] =	stream.linear.gather [hbm4b:s18+s3], $0x80, $0x38;
	[tilespmem:$0x1A000] =	vst v63  }
0x209: {  	s0 =	sand.u32 $0x1FFFFFF0, s15;
	s31 =	sadd.s32 s4, s19;
	s18 =	spop (v2sf)  }
0x20a: {  	(v2sf) =	vpush v1, $0xA;
	[tilespmem:s2], [sflag:$0x2] =	stream.linear.gather [hbm4b:s31+s3], $0x80, $0x38;
	[tilespmem:$0x1A000] =	vst v63  }
0x20b: {  	s0 =	sadd.s32 s4, s0;
	s1 =	sand.u32 $0x1FFFFFF0, s20;
	s20 =	spop (v2sf)  }
0x20c: {  	[tilespmem:s6], [sflag:$0x2] =	stream.linear.gather [hbm4b:s0+s3], $0x80, $0x38;
	[tilespmem:$0x1A000] =	vst v63  }
0x20d: {  	s8 =	simm.s32 $0xB300;
	s10 =	simm.s32 $0xB280;
	s6 =	spop (v2sf);
	(v2sf) =	vpush v1, $0xB  }
0x20e: {  	s29 =	simm.s32 $0xB400;
	s11 =	simm.s32 $0xB200;
	s13 =	simm.s32 $0xB180  }
0x20f: {  	s24 =	simm.s32 $0x884;
	s26 =	simm.s32 $0xB800;
	s25 =	simm.s32 $0xB880  }
0x210: {  	s28 =	simm.s32 $0xB780;
	s22 =	simm.s32 $0x0;
	s19 =	sand.u32 $0x1FFFFFF0, s18  }
0x211: {  	s1 =	sadd.s32 s4, s1;
	s31 =	sand.u32 $0x1FFFFFF0, s20;
	s0 =	sadd.s32 s4, s19;
	(v2sf) =	vpush v1, $0xC  }
0x212: {  	[tilespmem:s13], [sflag:$0x2] =	stream.linear.gather [hbm4b:s1+s3], $0x80, $0x38;
	[tilespmem:$0x1A000] =	vst v63  }
0x213: {  	s15 =	spop (v2sf);
	s13 =	sand.u32 $0x1FFFFFF0, s6;
	s1 =	sadd.s32 s4, s31;
	(v2sf) =	vpush v1, $0xD  }
0x214: {  	[tilespmem:s11], [sflag:$0x2] =	stream.linear.gather [hbm4b:s0+s3], $0x80, $0x38;
	[tilespmem:$0x1A000] =	vst v63  }
0x215: {  	s18 =	sand.u32 $0x1FFFFFF0, s15;
	s19 =	spop (v2sf);
	s6 =	simm.s32 $0xB600;
	(v2sf) =	vpush v1, $0xE  }
0x216: {  	[tilespmem:s10], [sflag:$0x2] =	stream.linear.gather [hbm4b:s1+s3], $0x80, $0x38;
	[tilespmem:$0x1A000] =	vst v63  }
0x217: {  	s20 =	sand.u32 $0x1FFFFFF0, s19;
	s31 =	spop (v2sf);
	s0 =	sadd.s32 s4, s13;
	(v2sf) =	vpush v1, $0xF  }
0x218: {  	v0 =	vshll.u32 v0, $0x4;
	[tilespmem:s8], [sflag:$0x2] =	stream.linear.gather [hbm4b:s0+s3], $0x80, $0x38;
	[tilespmem:$0x1A000] =	vst v63  }
0x219: {  	s11 =	sadd.s32 s4, s20;
	s19 =	spop (v2sf);
	(v2sf) =	vpush v0, $0xC;
	s1 =	sadd.s32 s4, s18  }
0x21a: {  	[tilespmem:s7], [sflag:$0x2] =	stream.linear.gather [hbm4b:s1+s3], $0x80, $0x38;
	[tilespmem:$0x1A000] =	vst v63  }
0x21b: {  	(v2sf) =	vpush v0, $0xD;
	s0 =	simm.s32 $0xB680;
	s1 =	simm.s32 $0xB700;
	s7 =	sand.u32 $0x1FFFFFF0, s31  }
.LBB2_18:
0x21c: {  	s2 =	sadd.s32 $0xB480, s22;
	s8 =	sadd.s32 $0xB580, s22;
	s10 =	spop (v2sf)  }
0x21d: {  	[tilespmem:s29], [sflag:$0x2] =	stream.linear.gather [hbm4b:s11+s3], $0x80, $0x38;
	(v2sf) =	vpush v0, $0xE;
	[tilespmem:$0x1A000] =	vst v63  }
0x21e: {  	s7 =	sadd.s32 s4, s7;
	s11 =	sand.u32 $0x1FFFFFF0, s19;
	s10 =	sand.u32 $0x1FFFFFF0, s10  }
0x21f: {  	[tilespmem:s2], [sflag:$0x2] =	stream.linear.gather [hbm4b:s7+s3], $0x80, $0x38;
	(v2sf) =	vpush v0, $0xF;
	[tilespmem:$0x1A000] =	vst v63  }
0x220: {  	s2 =	sadd.s32 $0xB500, s22;
	s7 =	sadd.s32 s4, s11;
	s11 =	spop (v2sf)  }
0x221: {  	[tilespmem:s2], [sflag:$0x2] =	stream.linear.gather [hbm4b:s7+s3], $0x80, $0x38;
	[tilespmem:$0x1A000] =	vst v63  }
0x222: {  	s2 =	sadd.s32 s4, s10;
	s7 =	sand.u32 $0x1FFFFFF0, s11;
	s10 =	spop (v2sf)  }
0x223: {  	[tilespmem:s8], [sflag:$0x2] =	stream.linear.gather [hbm4b:s2+s3], $0x80, $0x38;
	[tilespmem:$0x1A000] =	vst v63  }
0x224: {  	s2 =	sadd.s32 s4, s7;
	s7 =	sand.u32 $0x1FFFFFF0, s10;
	s8 =	spop (v2sf)  }
0x225: {  	[tilespmem:s6], [sflag:$0x2] =	stream.linear.gather [hbm4b:s2+s3], $0x80, $0x38;
	[tilespmem:$0x1A000] =	vst v63  }
0x226: {  	s2 =	sadd.s32 s4, s7;
	s6 =	sand.u32 $0x1FFFFFF0, s8;
	s7 =	spop (v2sf)  }
0x227: {  	[tilespmem:s0], [sflag:$0x2] =	stream.linear.gather [hbm4b:s2+s3], $0x80, $0x38;
	[tilespmem:$0x1A000] =	vst v63  }
0x228: {  	s0 =	sadd.s32 s4, s6;
	s2 =	sand.u32 $0x1FFFFFF0, s7;
	s6 =	spop (v2sf)  }
0x229: {  	[tilespmem:s1], [sflag:$0x2] =	stream.linear.gather [hbm4b:s0+s3], $0x80, $0x38;
	[tilespmem:$0x1A000] =	vst v63  }
0x22a: {  	s0 =	sadd.s32 s4, s2;
	s1 =	sand.u32 $0x1FFFFFF0, s6;
	s2 =	spop (v2sf)  }
0x22b: {  	[tilespmem:s28], [sflag:$0x2] =	stream.linear.gather [hbm4b:s0+s3], $0x80, $0x38;
	[tilespmem:$0x1A000] =	vst v63  }
0x22c: {  	s0 =	sadd.s32 s4, s1;
	s1 =	sand.u32 $0x1FFFFFF0, s2;
	s2 =	spop (v2sf)  }
0x22d: {  	[tilespmem:s26], [sflag:$0x2] =	stream.linear.gather [hbm4b:s0+s3], $0x80, $0x38;
	[tilespmem:$0x1A000] =	vst v63  }
0x22e: {  	s0 =	sadd.s32 s4, s1;
	s1 =	sand.u32 $0x1FFFFFF0, s2;
	s2 =	spop (v2sf)  }
0x22f: {  	[tilespmem:s25], [sflag:$0x2] =	stream.linear.gather [hbm4b:s0+s3], $0x80, $0x38;
	[tilespmem:$0x1A000] =	vst v63  }
0x230: {  	s1 =	sadd.s32 s4, s1;
	s0 =	sadd.s32 $0xB900, s22;
	s2 =	sand.u32 $0x1FFFFFF0, s2  }
0x231: {  	[tilespmem:s0], [sflag:$0x2] =	stream.linear.gather [hbm4b:s1+s3], $0x80, $0x38;
	[tilespmem:$0x1A000] =	vst v63  }
0x232: {  	p0 =	sne.s32 s23, $0x25800;
	s0 =	sadd.s32 $0xB980, s22;
	s1 =	sadd.s32 s4, s2  }
0x233: {  	[tilespmem:s0], [sflag:$0x2] =	stream.linear.gather [hbm4b:s1+s3], $0x80, $0x38;
	[tilespmem:$0x1A000] =	vst v63  }
0x234: {  	s0 =	smov.u32 s23;
	s23 =	sadd.s32 $0x2800, s23;
	v0 =	vld [tilespmem:s24+$0xFFFFFFFC]  }
0x235: {  	s22 =	sshra.s32 s0, $0x2  }
0x236: {  	v1 =	vld [tilespmem:s24+$0x0]  }
0x237: {  	s2 =	sadd.s32 $0xB000, s22;
	s20 =	sadd.s32 $0xB080, s22;
	_ =	sdelay $0x1  }
0x238: {  	s11 =	sadd.s32 $0xB100, s22;
	v2 =	vshll.u32 v0, $0x4  }
0x239: {  	s0 =	sadd.s32 $0xB380, s22;
	(v2sf) =	vpush v2, $0x2  }
0x23a: {  	v0 =	vshll.u32 v1, $0x4;
	(v2sf) =	vpush v2, $0x0  }
0x23b: {  	s6 =	sadd.s32 $0xB300, s22;
	(v2sf) =	vpush v2, $0x1  }
0x23c: {  	s7 =	sadd.s32 $0xB280, s22;
	s29 =	sadd.s32 $0xB400, s22;
	(v2sf) =	vpush v2, $0x3  }
0x23d: {  	s19 =	sadd.s32 $0xB200, s22  }
0x23e: {  	s8 =	sadd.s32 $0xB180, s22;
	(v2sf) =	vpush v2, $0x4;
	_ =	sdelay $0x1  }
0x23f: {  	(v2sf) =	vpush v2, $0x5;
	_ =	sdelay $0x1  }
0x240: {  	(v2sf) =	vpush v2, $0x6;
	_ =	sdelay $0x1  }
0x241: {  	(v2sf) =	vpush v2, $0x7;
	_ =	sdelay $0x1  }
0x242: {  	(v2sf) =	vpush v2, $0x8  }
0x243: {  	s24 =	sadd.s32 $0x80, s24  }
0x244: {  	s26 =	sadd.s32 $0xB800, s22;
	s25 =	sadd.s32 $0xB880, s22;
	s1 =	spop (v2sf);
	(v2sf) =	vpush v2, $0x9  }
0x245: {  	s28 =	sadd.s32 $0xB780, s22;
	s10 =	sand.u32 $0x1FFFFFF0, s1;
	s1 =	spop (v2sf)  }
0x246: {  	s13 =	sand.u32 $0x1FFFFFF0, s1;
	s1 =	sadd.s32 $0xB700, s22;
	s15 =	spop (v2sf)  }
0x247: {  	s13 =	sadd.s32 s4, s13;
	s15 =	sand.u32 $0x1FFFFFF0, s15;
	s18 =	spop (v2sf)  }
0x248: {  	[tilespmem:s2], [sflag:$0x2] =	stream.linear.gather [hbm4b:s13+s3], $0x80, $0x38;
	(v2sf) =	vpush v2, $0xA;
	[tilespmem:$0x1A000] =	vst v63  }
0x249: {  	s2 =	sadd.s32 s4, s15;
	s13 =	sand.u32 $0x1FFFFFF0, s18;
	s15 =	spop (v2sf);
	(v2sf) =	vpush v2, $0xB  }
0x24a: {  	[tilespmem:s20], [sflag:$0x2] =	stream.linear.gather [hbm4b:s2+s3], $0x80, $0x38;
	[tilespmem:$0x1A000] =	vst v63  }
0x24b: {  	s2 =	sadd.s32 s4, s10;
	s10 =	sand.u32 $0x1FFFFFF0, s15;
	s15 =	spop (v2sf)  }
0x24c: {  	[tilespmem:s11], [sflag:$0x2] =	stream.linear.gather [hbm4b:s2+s3], $0x80, $0x38;
	[tilespmem:$0x1A000] =	vst v63  }
0x24d: {  	s2 =	sadd.s32 s4, s13;
	s11 =	sand.u32 $0x1FFFFFF0, s15;
	s13 =	spop (v2sf);
	(v2sf) =	vpush v2, $0xC  }
0x24e: {  	[tilespmem:s8], [sflag:$0x2] =	stream.linear.gather [hbm4b:s2+s3], $0x80, $0x38;
	[tilespmem:$0x1A000] =	vst v63  }
0x24f: {  	s2 =	sadd.s32 s4, s10;
	s8 =	sand.u32 $0x1FFFFFF0, s13;
	s10 =	spop (v2sf);
	(v2sf) =	vpush v2, $0xD  }
0x250: {  	[tilespmem:s19], [sflag:$0x2] =	stream.linear.gather [hbm4b:s2+s3], $0x80, $0x38;
	[tilespmem:$0x1A000] =	vst v63  }
0x251: {  	s2 =	sadd.s32 s4, s11;
	s10 =	sand.u32 $0x1FFFFFF0, s10;
	s11 =	spop (v2sf);
	(v2sf) =	vpush v2, $0xE  }
0x252: {  	[tilespmem:s7], [sflag:$0x2] =	stream.linear.gather [hbm4b:s2+s3], $0x80, $0x38;
	[tilespmem:$0x1A000] =	vst v63  }
0x253: {  	s2 =	sadd.s32 s4, s8  }
.Ltmp11:
0x254: {  	s7 =	sand.u32 $0x1FFFFFF0, s11;
	s8 =	spop (v2sf);
	(v2sf) =	vpush v2, $0xF;
	(pc) =	sbr.rel @p0 .LBB2_18-.Ltmp11, $4  }
0x255: {  	[tilespmem:s6], [sflag:$0x2] =	stream.linear.gather [hbm4b:s2+s3], $0x80, $0x38;
	[tilespmem:$0x1A000] =	vst v63  }
0x256: {  	s11 =	sadd.s32 s4, s7;
	s2 =	sadd.s32 s4, s10;
	s7 =	sand.u32 $0x1FFFFFF0, s8;
	(v2sf) =	vpush v0, $0xC  }
0x257: {  	[tilespmem:s0], [sflag:$0x2] =	stream.linear.gather [hbm4b:s2+s3], $0x80, $0x38;
	[tilespmem:$0x1A000] =	vst v63  }
0x258: {  	s6 =	sadd.s32 $0xB600, s22;
	s0 =	sadd.s32 $0xB680, s22;
	s19 =	spop (v2sf);
	(v2sf) =	vpush v0, $0xD  }
0x259: {  	s2 =	sadd.s32 $0xB480, s22;
	s8 =	sadd.s32 $0xB580, s22;
	s10 =	spop (v2sf)  }
0x25a: {  	[tilespmem:s29], [sflag:$0x2] =	stream.linear.gather [hbm4b:s11+s3], $0x80, $0x38;
	[tilespmem:$0x1A000] =	vst v63  }
0x25b: {  	s7 =	sadd.s32 s4, s7;
	s23 =	sand.u32 $0x1FFFFFF0, s19;
	s24 =	sadd.s32 $0xB500, s22  }
0x25c: {  	(v2sf) =	vpush v0, $0xE;
	[tilespmem:s2], [sflag:$0x2] =	stream.linear.gather [hbm4b:s7+s3], $0x80, $0x38;
	[tilespmem:$0x1A000] =	vst v63  }
0x25d: {  	s10 =	sand.u32 $0x1FFFFFF0, s10;
	s29 =	sadd.s32 s4, s23;
	s31 =	spop (v2sf)  }
0x25e: {  	(v2sf) =	vpush v0, $0xF;
	[tilespmem:s24], [sflag:$0x2] =	stream.linear.gather [hbm4b:s29+s3], $0x80, $0x38;
	[tilespmem:$0x1A000] =	vst v63  }
0x25f: {  	s13 =	sadd.s32 s4, s10;
	s15 =	sand.u32 $0x1FFFFFF0, s31;
	s18 =	spop (v2sf)  }
0x260: {  	[tilespmem:s8], [sflag:$0x2] =	stream.linear.gather [hbm4b:s13+s3], $0x80, $0x38;
	[tilespmem:$0x1A000] =	vst v63  }
0x261: {  	s19 =	sadd.s32 s4, s15;
	s20 =	sand.u32 $0x1FFFFFF0, s18;
	s23 =	spop (v2sf)  }
0x262: {  	[tilespmem:s6], [sflag:$0x2] =	stream.linear.gather [hbm4b:s19+s3], $0x80, $0x38;
	[tilespmem:$0x1A000] =	vst v63  }
0x263: {  	s24 =	sadd.s32 s4, s20;
	s29 =	sand.u32 $0x1FFFFFF0, s23;
	s31 =	spop (v2sf)  }
0x264: {  	[tilespmem:s0], [sflag:$0x2] =	stream.linear.gather [hbm4b:s24+s3], $0x80, $0x38;
	[tilespmem:$0x1A000] =	vst v63  }
0x265: {  	s6 =	sadd.s32 s4, s29;
	s8 =	sand.u32 $0x1FFFFFF0, s31;
	s10 =	spop (v2sf)  }
0x266: {  	[tilespmem:s1], [sflag:$0x2] =	stream.linear.gather [hbm4b:s6+s3], $0x80, $0x38;
	[tilespmem:$0x1A000] =	vst v63  }
0x267: {  	s11 =	sadd.s32 s4, s8;
	s13 =	sand.u32 $0x1FFFFFF0, s10;
	s15 =	spop (v2sf)  }
0x268: {  	[tilespmem:s28], [sflag:$0x2] =	stream.linear.gather [hbm4b:s11+s3], $0x80, $0x38;
	[tilespmem:$0x1A000] =	vst v63  }
0x269: {  	s18 =	sadd.s32 s4, s13;
	s19 =	sand.u32 $0x1FFFFFF0, s15  }
0x26a: {  	[tilespmem:s26], [sflag:$0x2] =	stream.linear.gather [hbm4b:s18+s3], $0x80, $0x38;
	[tilespmem:$0x1A000] =	vst v63  }
0x26b: {  	s20 =	spop (v2sf);
	s23 =	sadd.s32 s4, s19  }
0x26c: {  	[tilespmem:s25], [sflag:$0x2] =	stream.linear.gather [hbm4b:s23+s3], $0x80, $0x38;
	[tilespmem:$0x1A000] =	vst v63  }
.Ltmp12:
0x26d: {  	s24 =	sand.u32 $0x1FFFFFF0, s20;
	s26 =	spop (v2sf);
	(pc) =	sbr.rel .LBB2_6-.Ltmp12, $4  }
0x26e: {  	s28 =	sadd.s32 $0xB900, s22;
	s1 =	sadd.s32 s4, s24;
	s2 =	sand.u32 $0x1FFFFFF0, s26  }
0x26f: {  	[tilespmem:s28], [sflag:$0x2] =	stream.linear.gather [hbm4b:s1+s3], $0x80, $0x38;
	[tilespmem:$0x1A000] =	vst v63  }
0x270: {  	s21 =	sadd.s32 $0x1, s21;
	s29 =	sadd.s32 $0xB980, s22;
	s31 =	sadd.s32 s4, s2  }
0x271: {  	[tilespmem:s29], [sflag:$0x2] =	stream.linear.gather [hbm4b:s31+s3], $0x80, $0x38;
	[tilespmem:$0x1A000] =	vst v63  }
.LBB2_21:
0x272: {  	_ =	sfence.sel $0x180000  }
0x273: {  	[bflag:$0x0] =	sbarrier.arrive $0xFFFF  }
0x274: {  	_ =	strace $0x90000047  }
0x275: {  	s0 =	stileid.u32;
	[bflag:$0x2] =	sbarrier.arrive $0xFFFF  }
0x276: {  	p0 =	sne.s32 s0, $0x0;
	s0 =	rddreg [dreg:$0x2]  }
0x277: {  	s0 =	sadd.s32 @!p0 $0x100000, s0  }
0x278: {  	[sflag:s0] =	ssyncadd.tile.s32 @!p0 $0x1;
	_ =	shalt  }
.Lfunc_end2:
_tile_overlayer_lowered:
.L_overlay_start_2:
0x279: {  	(tag) =	ssettag $0x2  }
0x27a: {  	s0 =	rddreg [dreg:$0x0];
	s2 =	stileid.u32  }
0x27b: {  	s1 =	rddreg [dreg:$0x1];
	p0 =	sne.s32 s2, $0x0  }
0x27c: {  	s3 =	rddreg [dreg:$0x2];
	[bflag:$0x3] =	sbarrier.arrive $0xFFFF;
	s2 =	simm.s32 @!p0 $0x1C05  }
0x27d: {  	[timem:s3], [sflag:s2] =	dma.local @!p0 [hbm:s0], s1  }
0x27e: {  	s0 =	simm.s32 @!p0 $0x5  }
0x27f: {  	_ =	swait.ge @!p0 [sflag:s0], s1  }
0x280: {  	s1 =	ssub.s32 @!p0 $0x0, s1;
	[sflag:s0] =	ssyncset.done @!p0 $0x0  }
0x281: {  	[sflag:s0] =	ssyncadd.s32 @!p0 s1  }
0x282: {  	[bflag:$0x3] =	sbarrier.arrive $0xFFFF  }
0x283: {  	_ =	shalt  }

// kernel: sparse-core-data-format-call.cloned.1.call-start
scs
called_computation_lowered:
.L_overlay_start_0:
0x0: {  	s2 =	sld [smem:$0x3FD9]  }
0x1: {  	s3 =	sld [smem:$0x3FFE];
	_ =	sdelay $0x1  }
0x2: {  	s1 =	srdreg.scid  }
0x3: {  	s0 =	sand.u32 $0x1, s1  }
0x4: {  	s18 =	sshll.u32 s0, $0xA;
	s2 =	sadd.s32 s3, s2  }
0x5: {  	s2 =	sadd.s32 s2, s18  }
0x6: {  	[smem:$0x3FC6] =	sst s2  }
0x7: {  	_ = 	snop  }
0x8: {  	s2 =	sld [smem:$0x3FD0];
	(tm) =	ssettm $0x1  }
0x9: {  	s19 =	sld [smem:$0x3FFB];
	_ =	sdelay $0x3  }
0xa: {  	_ =	strace s19  }
0xb: {  	s3 =	sld [smem:$0x3FFC];
	_ =	sdelay $0x3  }
0xc: {  	_ =	strace s3  }
0xd: {  	s3 =	sld [smem:$0x3FFD];
	_ =	sdelay $0x3  }
0xe: {  	_ =	strace s3  }
0xf: {  	_ =	strace $0x8FFFFFFF  }
0x10: {  	s20 =	sld [smem:$0x3FDB];
	_ =	sdelay $0x1  }
0x11: {  	s4 =	simm.s32 $_scs_section_size  }
0x12: {  	s5 =	simm.s32 $_size__tile_overlayer_lowered;
	s6 =	simm.s32 $_tile_overlayer_lowered  }
0x13: {  	s23 =	simm.s32 $0x1BFF;
	s22 =	sshll.u32 s6, $0x1;
	s3 =	sadd.s32 s4, s20  }
0x14: {  	s7 =	simm.s32 $0x0;
	s21 =	sshll.u32 s5, $0x1;
	s5 =	sadd.s32 s22, s3  }
0x15: {  	[timem:s7], [sflag:s23] =	dma.local [hbm:s5], s21  }
0x16: {  	_ =	swait.ge [sflag:s23], s21  }
0x17: {  	s4 =	ssub.s32 $0x0, s21;
	[sflag:s23] =	ssyncset.done $0x0  }
0x18: {  	[sflag:s23] =	ssyncadd.s32 s4;
	_ =	sdelay $0x1  }
0x19: {  	s24 =	simm.s32 $0x1B8B  }
0x1a: {  	_ =	swait.ge [sflag:s24], $0x1  }
0x1b: {  	[sflag:s24] =	ssyncset.done $0x0  }
0x1c: {  	s26 =	simm.s32 $0x1B8E;
	s25 =	sld [smem:$0x3FFE];
	[sflag:s24] =	ssyncadd.s32 $0xFFFFFFFF  }
0x1d: {  	s27 =	simm.s32 $execute0_lowered;
	[smem:$0x3FD2] =	sst s26  }
0x1e: {  	s5 =	sshll.u32 s27, $0x1;
	_ =	strace $0x80000049;
	[dreg:$0x1] =	wrdreg $0xFFFFFFFF  }
0x1f: {  	s28 =	simm.s32 $_size_execute0_lowered;
	s3 =	sadd.s32 s3, s5;
	[dreg:$0x0] =	wrdreg $0x0  }
0x20: {  	s5 =	sshll.u32 s28, $0x1;
	[dreg:$0x2] =	wrdreg s3  }
0x21: {  	[dreg:$0x3] =	wrdreg s5  }
0x22: {  	[dreg:$0x4] =	wrdreg $0xC0  }
0x23: {  	_ =	task [dreg:s7], $0x5FFFF  }
0x24: {  	[dreg:$0x1] =	wrdreg $0xFFFFFFFF  }
0x25: {  	[dreg:$0x0] =	wrdreg $0x60  }
0x26: {  	[dreg:$0x2] =	wrdreg s25  }
0x27: {  	[dreg:$0x3] =	wrdreg s2  }
0x28: {  	[dreg:$0x4] =	wrdreg $0x9  }
0x29: {  	_ =	task.clear_ibuf [dreg:s7], $0x5FFFF;
	_ =	strace $0x90000049  }
0x2a: {  	s29 =	simm.s32 $0x9;
	_ =	strace $0x8000004B  }
0x2b: {  	_ =	swait.ge [sflag:s29], $0x1  }
0x2c: {  	[sflag:s29] =	ssyncadd.s32 $0xFFFFFFFF  }
0x2d: {  	_ =	strace $0x9000004B  }
0x2e: {  	_ =	sfence  }
0x2f: {  	s30 =	sld [smem:$0x0];
	_ =	sdelay $0x2  }
0x30: {  	s31 =	sshll.u32 s1, $0xD;
	s1 =	sshrl.u32 s1, $0x2  }
0x31: {  	s3 =	sand.u32 $0x4000, s31;
	s1 =	sadd.s32 s1, s30  }
0x32: {  	s0 =	sor.u32 s3, s0;
	s1 =	sshll.u32 s1, $0x11  }
0x33: {  	s0 =	sor.u32 s1, s0  }
0x34: {  	s0 =	sadd.s32 $0x8F2B, s0  }
0x35: {  	[sflag:s0] =	ssyncadd.remote.s32 $0x1  }
0x36: {  	_ =	sfence.sel $0xFFFF  }
0x37: {  	[dreg:$0x0] =	wrdreg $0xFFFFFFFF;
	(pc) =	sbr.abs _section_cstart, $3  }
0x38: {  	[dreg:$0x1] =	wrdreg $0xFFFFFFFF  }
0x39: {  	_ =	task.clear_ibuf [dreg:s7], $0x2FFFF;
	_ =	strace $0x9FFFFFFF  }
0x3a: {  	(tm) =	ssettm $0x7FFFFFFF  }
0x3b: {  	_ =	shalt  }
tec
execute0_lowered:
.L_overlay_start_1:
0x0: {  	(tag) =	ssettag $0x1  }
0x1: {  	s0 =	srdreg.scid  }
0x2: {  	s1 =	sshll.u32 s0, $0x4  }
0x3: {  	s0 =	stileid.u32;
	s1 =	sand.u32 $0x10, s1  }
0x4: {  	s1 =	sor.u32 s0, s1  }
0x5: {  	s6 =	rddreg [dreg:$0x0];
	s4 =	simm.s32 $0x1;
	s2 =	sshll.u32 s1, $0x7  }
0x6: {  	s7 =	simm.s32 $0x2;
	s12 =	simm.s32 $0x0;
	s1 =	ssub.s32 $0x4000, s2  }
0x7: {  	s8 =	simm.s32 $0x20000;
	s13 =	simm.s32 $0x0;
	s3 =	sand.u32 $0xF80, s1  }
0x8: {  	s9 =	simm.s32 $0x0;
	s5 =	sshrl.u32 s1, $0xC;
	p0 =	sne.s32 s3, $0x0  }
.Ltmp0:
0x9: {  	s1 =	rddreg [dreg:$0x2];
	s4 =	simm.s32 @!p0 $0x0;
	(pc) =	sbr.rel .LBB1_1-.Ltmp0, $4  }
0xa: {  	s11 =	simm.s32 $0x0;
	s3 =	rddreg [dreg:$0x1];
	s5 =	sadd.s32 s4, s5  }
0xb: {  	_ =	strace $0x8000004A;
	s4 =	simm.s32 $0x1;
	s5 =	smul.u32 $0x14, s5  }
0xc: {  	s6 =	sadd.s32 $0x800, s6;
	s10 =	smov.u32 s2;
	[sflag:s4] =	ssyncpa.u1 $0x0  }
0xd: {  	p0 =	por $0x0, $0x0;
	[sflag:s7] =	ssyncpa.u1 $0x0;
	s7 =	sor.u32 $0x1, s5  }
.LBB1_4:
0xe: {  	s16 =	sshll.u32 s13, $0x3;
	s17 =	sand.u32 $0x78, s13  }
0xf: {  	s30 =	sand.u32 $0xF800, s13;
	s12 =	sshll.u32 s12, $0x10;
	s16 =	sand.u32 $0x3C00, s16  }
0x10: {  	s31 =	sand.u32 $0x7, s13;
	s16 =	sor.u32 s17, s16;
	s17 =	sadd.s32 s3, s30  }
0x11: {  	s13 =	sshll.u32 s31, $0x12;
	s16 =	sshrl.u32 s16, $0x3;
	s12 =	sadd.s32 s12, s17  }
0x12: {  	[tilespmem:s15+$0x0 ss:$0x81] =	vst.msk $0xffff, v0;
	s13 =	sor.u32 $0x400, s13;
	s12 =	sadd.s32 s16, s12  }
0x13: {  	[hbm4b:s12+s13] =	stream.strided.scatter [tilespmem:s14], [sflag:$0x2], $0x1000, s8, s13, $0x20;
	[tilespmem:$0x4040] =	vst v63  }
.LBB1_5:
0x14: {  	s14 =	sadd.s32 $0x1, s9  }
0x15: {  	s12 =	sadd.s32 $0x1000, s10;
	s16 =	smov.u32 s10;
	p2 =	sgt.s32 s14, $0x13  }
0x16: {  	s16 =	smov.u32 @p2 s12  }
0x17: {  	s14 =	simm.s32 @p2 $0x0;
	p2 =	sgt.s32 s16, $0x3FFF  }
0x18: {  	s16 =	smov.u32 @p2 s2;
	p2 =	sne.s32 s11, s7  }
.Ltmp1:
0x19: {  	p1 =	slt.u32 s11, $0x2;
	(pc) =	sbr.rel @!p2 .LBB1_6-.Ltmp1, $4  }
0x1a: {  	s15 =	simm.s32 @!p1 $0x2  }
0x1b: {  	s13 =	smov.u32 s10;
	p0 =	por !p0, !p0;
	_ =	swait.ge @!p1 [sflag:s15], $0x1000  }
0x1c: {  	s12 =	smov.u32 s9;
	[sflag:s15] =	ssyncset.done @!p1 $0x0;
	s9 =	smov.u32 s14  }
0x1d: {  	s11 =	sadd.s32 $0x1, s11;
	[sflag:s15] =	ssyncadd.s32 @!p1 $0xFFFFF000;
	s10 =	smov.u32 s16  }
.LBB1_1:
0x1e: {  	p1 =	sge.u32 s11, s5  }
0x1f: {  	s14 =	sand.u32 @!p1 $0x1FFFFFF, s9  }
0x20: {  	s15 =	smulhi.u32 @!p1 $0xAAAAAAB, s14;
	_ =	sdelay $0x1  }
0x21: {  	s15 =	smul.u32 @!p1 $0x18, s15  }
0x22: {  	s16 =	sxor.u32 @!p1 $0xFFFFFFFF, s11;
	s17 =	smul.u32 @!p1 $0x180, s10  }
0x23: {  	s31 =	sadd.s32 $0xFFFFFFFF, s11;
	s16 =	sshll.u32 @!p1 s16, $0xC;
	s14 =	ssub.s32 @!p1 s14, s15  }
0x24: {  	s15 =	sand.u32 @!p1 $0x1000, s16;
	s16 =	sadd.s32 @!p1 s6, s17;
	s14 =	sshll.u32 @!p1 s14, $0x4  }
0x25: {  	s17 =	simm.s32 @!p1 $0xC00;
	s14 =	sadd.s32 @!p1 s14, s16;
	s16 =	simm.s32 @!p1 $0x20  }
0x26: {  	[tilespmem:s15], [sflag:$0x1] =	stream.strided.gather @!p1 [hbm4b:s14+s16], $0x1000, s17, s16, $0x38;
	[tilespmem:$0x4040] =	vst v63  }
0x27: {  	p1 =	sge.u32 s31, s5  }
.Ltmp2:
0x28: {  	_ = 	snop;
	(pc) =	sbr.rel @p1 .LBB1_5-.Ltmp2, $1  }
0x29: {  	_ =	sdelay $0x3  }
0x2a: {  	s14 =	simm.s32 $0x1  }
0x2b: {  	_ =	swait.ge [sflag:s4], $0x1000;
	s14 =	simm.s32 @!p0 $0x0  }
0x2c: {  	[sflag:s4] =	ssyncset.done $0x0;
	s15 =	sshll.u32 s14, $0xC  }
0x2d: {  	[sflag:s4] =	ssyncadd.s32 $0xFFFFF000;
	s18 =	sor.u32 $0x10, s15  }
0x2e: {  	s14 =	smul.u32 $0x4080, s14;
	v1 =	vld [tilespmem:s18+$0x0]  }
0x2f: {  	s30 =	sand.u32 $0x1, s11;
	v0 =	vld [tilespmem:s18+$0xFFFFFFF0]  }
0x30: {  	s15 =	smul.u32 $0x4080, s30;
	s14 =	sshrl.u32 s14, $0x2  }
0x31: {  	s16 =	sor.u32 $0x2000, s14  }
0x32: {  	s31 =	sshrl.u32 s15, $0x2;
	s15 =	sadd.s32 $0x0, s16  }
0x33: {  	s17 =	simm.s32 $0x4;
	s18 =	sadd.s32 $0x20, s18;
	s14 =	sor.u32 $0x2000, s31;
	[tilespmem:s15+$0x810 ss:$0x81] =	vst.msk $0xffff, v1  }
.LBB1_3:
0x34: {  	v1 =	vld [tilespmem:s18+$0x0];
	p1 =	sne.s32 s17, $0x1FC;
	[tilespmem:s15+$0x0 ss:$0x81] =	vst.msk $0xffff, v0;
	s15 =	smov.u32 s17;
	s17 =	sadd.s32 $0x4, s17  }
.Ltmp3:
0x35: {  	v0 =	vld [tilespmem:s18+$0xFFFFFFF0];
	(pc) =	sbr.rel @p1 .LBB1_3-.Ltmp3, $4  }
0x36: {  	_ = 	snop  }
0x37: {  	s15 =	sshra.s32 s15, $0x2  }
0x38: {  	s15 =	sadd.s32 s15, s16  }
0x39: {  	s18 =	sadd.s32 $0x20, s18;
	[tilespmem:s15+$0x810 ss:$0x81] =	vst.msk $0xffff, v1  }
.Ltmp4:
0x3a: {  	_ = 	snop;
	(pc) =	sbr.rel .LBB1_4-.Ltmp4, $1  }
0x3b: {  	_ =	sdelay $0x3  }
.LBB1_6:
0x3c: {  	_ =	sfence.sel $0x180000  }
0x3d: {  	s2 =	simm.s32 $0x1;
	[bflag:$0x0] =	sbarrier.arrive $0xFFFF  }
0x3e: {  	s31 =	simm.s32 $0x2;
	[sflag:s2] =	ssyncpa.u1 $0x1  }
0x3f: {  	[sflag:s31] =	ssyncpa.u1 $0x1  }
0x40: {  	p0 =	sne.s32 s0, $0x0;
	_ =	strace $0x9000004A  }
0x41: {  	s0 =	sadd.s32 @!p0 $0x100000, s1;
	[bflag:$0x2] =	sbarrier.arrive $0xFFFF  }
0x42: {  	[sflag:s0] =	ssyncadd.tile.s32 @!p0 $0x1;
	_ =	shalt  }
.Lfunc_end1:
_tile_overlayer_lowered:
.L_overlay_start_2:
0x43: {  	(tag) =	ssettag $0x2  }
0x44: {  	s0 =	rddreg [dreg:$0x0];
	s2 =	stileid.u32  }
0x45: {  	s1 =	rddreg [dreg:$0x1];
	p0 =	sne.s32 s2, $0x0  }
0x46: {  	s3 =	rddreg [dreg:$0x2];
	[bflag:$0x3] =	sbarrier.arrive $0xFFFF;
	s2 =	simm.s32 @!p0 $0x1C01  }
0x47: {  	[timem:s3], [sflag:s2] =	dma.local @!p0 [hbm:s0], s1  }
0x48: {  	s0 =	simm.s32 @!p0 $0x1  }
0x49: {  	_ =	swait.ge @!p0 [sflag:s0], s1  }
0x4a: {  	s1 =	ssub.s32 @!p0 $0x0, s1;
	[sflag:s0] =	ssyncset.done @!p0 $0x0  }
0x4b: {  	[sflag:s0] =	ssyncadd.s32 @!p0 s1  }
0x4c: {  	[bflag:$0x3] =	sbarrier.arrive $0xFFFF  }
0x4d: {  	_ =	shalt  }

</sc_bundles>
